<compile_context>
chip_gen: v7x
topology: tpu7x:2x2x1
jax: 0.10.2.dev20260603
libtpu: 0.0.44.dev20260713+nightly
codegen_flags: <defaults>
</compile_context>

<pallas_src>
import functools

import jax
import jax.numpy as jnp
from jax import lax
from jax.experimental import pallas as pl
from jax.experimental.pallas import tpu as pltpu
from jax.experimental.pallas import tpu_sc as plsc

_TOP_K = 2
_CAP_FACTOR = 1.0

_info = plsc.get_sparse_core_info()
_NC = _info.num_cores
_NS = _info.num_subcores
_NW = _NC * _NS


def _tc_router(xt, wr):
    T, D = xt.shape
    E = wr.shape[1]
    BT = 512
    wrp = jnp.pad(wr, ((0, 0), (0, 128 - E)))

    def body(x_ref, wr_ref, oi_ref, ow_ref):
        l = jnp.dot(x_ref[...], wr_ref[...], preferred_element_type=jnp.float32)
        lane = lax.broadcasted_iota(jnp.int32, l.shape, 1)
        ninf = jnp.float32(-1e30)
        lm = jnp.where(lane < E, l, ninf)
        m1 = jnp.max(lm, axis=1, keepdims=True)
        i1 = jnp.min(jnp.where(lm == m1, lane, 128), axis=1, keepdims=True)
        lm2 = jnp.where(lane == i1, ninf, lm)
        m2 = jnp.max(lm2, axis=1, keepdims=True)
        i2 = jnp.min(jnp.where(lm2 == m2, lane, 128), axis=1, keepdims=True)
        z = jnp.sum(jnp.exp(lm - m1), axis=1, keepdims=True)
        w1v = 1.0 / z
        w2v = jnp.exp(m2 - m1) / z
        oi_ref[...] = jnp.where(lane == 0, i1, jnp.where(lane == 1, i2, 0))
        ow_ref[...] = jnp.where(lane == 0, w1v, jnp.where(lane == 1, w2v, 0.0))

    oi, ow = pl.pallas_call(
        body,
        grid=(T // BT,),
        in_specs=[
            pl.BlockSpec((BT, D), lambda i: (i, 0)),
            pl.BlockSpec((D, 128), lambda i: (0, 0)),
        ],
        out_specs=[
            pl.BlockSpec((BT, 128), lambda i: (i, 0)),
            pl.BlockSpec((BT, 128), lambda i: (i, 0)),
        ],
        out_shape=[
            jax.ShapeDtypeStruct((T, 128), jnp.int32),
            jax.ShapeDtypeStruct((T, 128), jnp.float32),
        ],
    )(xt, wrp)
    return oi[:, :_TOP_K].reshape(-1), ow[:, :_TOP_K].reshape(-1)


def _prefix16(m):
    iota = lax.iota(jnp.int32, 16)
    c = jnp.where(m, 1, 0)
    for k in (1, 2, 4, 8):
        idx = jnp.maximum(iota - k, 0)
        g = lax.gather(
            c, idx[:, None],
            lax.GatherDimensionNumbers(offset_dims=(), collapsed_slice_dims=(0,),
                                       start_index_map=(0,)),
            slice_sizes=(1,), mode=lax.GatherScatterMode.PROMISE_IN_BOUNDS)
        c = c + jnp.where(iota >= k, g, 0)
    return c


def _sc_keys(s_e, E, cap):
    S = s_e.shape[0]
    NV = S // 16
    R = E * cap
    NT = 16
    nvt = NV // NT
    mesh = plsc.VectorSubcoreMesh(core_axis_name="c", subcore_axis_name="s")

    @functools.partial(
        pl.kernel, mesh=mesh,
        out_type=jax.ShapeDtypeStruct((S,), jnp.int32),
        scratch_types=[
            pltpu.VMEM((S,), jnp.int32),
            pltpu.VMEM((S // NT,), jnp.int32),
        ],
    )
    def keys_k(se_hbm, key_hbm, se_v, key_v):
        role = lax.axis_index("s") * _NC + lax.axis_index("c")

        @pl.when(role < NT)
        def _():
            v0 = role * nvt
            pltpu.sync_copy(se_hbm, se_v)

            def pcnt(v, cnts):
                se = se_v[pl.ds(v * 16, 16)]
                return tuple(
                    cnts[e] + _prefix16(se == e)[15] for e in range(E))

            cnts0 = lax.fori_loop(0, v0, pcnt, (jnp.int32(0),) * E,
                                  unroll=False)

            def body(v, cnts):
                se = se_v[pl.ds(v * 16, 16)]
                keyv = jnp.full((16,), R, jnp.int32)
                new = []
                for e in range(E):
                    m = se == e
                    c = _prefix16(m)
                    pos = cnts[e] + c - 1
                    val = m & (pos < cap)
                    keyv = jnp.where(val, e * cap + pos, keyv)
                    new.append(cnts[e] + c[15])
                key_v[pl.ds((v - v0) * 16, 16)] = keyv
                return tuple(new)

            lax.fori_loop(v0, v0 + nvt, body, cnts0, unroll=False)
            pltpu.sync_copy(key_v, key_hbm.at[pl.ds(v0 * 16, nvt * 16)])

    return keys_k(s_e)


def _sc_dispatch_xg(xt, k0_2d, k1_2d, E, cap):
    T, D = xt.shape
    t_per_w = T // _NW
    TB = 32
    nch = t_per_w // TB
    mesh = plsc.VectorSubcoreMesh(core_axis_name="c", subcore_axis_name="s")

    @functools.partial(
        pl.kernel, mesh=mesh,
        out_type=jax.ShapeDtypeStruct(((E + 1) * cap, D), jnp.float32),
        scratch_types=[
            pltpu.VMEM((nch, TB), jnp.int32),
            pltpu.VMEM((nch, TB), jnp.int32),
            pltpu.VMEM((TB, D), jnp.float32),
            pltpu.SemaphoreType.DMA,
            pltpu.SemaphoreType.DMA,
        ],
    )
    def disp_k(xt_hbm, k0_hbm, k1_hbm, xg_hbm, idx_a, idx_b, buf, sem_a, sem_b):
        wid = lax.axis_index("s") * _NC + lax.axis_index("c")
        base = wid * t_per_w
        pltpu.sync_copy(k0_hbm.at[pl.ds(wid * nch, nch)], idx_a)
        pltpu.sync_copy(k1_hbm.at[pl.ds(wid * nch, nch)], idx_b)

        def chunk(i, carry):
            pltpu.sync_copy(xt_hbm.at[pl.ds(base + i * TB, TB)], buf)
            cp_a = pltpu.async_copy(buf, xg_hbm.at[idx_a.at[i]], sem_a)
            cp_b = pltpu.async_copy(buf, xg_hbm.at[idx_b.at[i]], sem_b)
            cp_a.wait()
            cp_b.wait()
            return carry

        lax.fori_loop(0, nch, chunk, 0, unroll=False)

    return disp_k(xt, k0_2d, k1_2d)


def _ffn(xg, w1, w2, cap):
    D = xg.shape[1]
    E, _, F = w1.shape
    BF = 512
    nf = F // BF

    def body(xg_ref, w1_ref, w2_ref, o_ref):
        e = pl.program_id(0)
        f = pl.program_id(1)

        @pl.when(f == 0)
        def _():
            o_ref[...] = jnp.zeros_like(o_ref)

        @pl.when(e < E)
        def _():
            h = jnp.dot(xg_ref[...], w1_ref[0], preferred_element_type=jnp.float32)
            h = h * 0.5 * (1.0 + lax.erf(h * 0.7071067811865476))
            o_ref[...] += jnp.dot(h, w2_ref[0], preferred_element_type=jnp.float32)

    clamp = lambda e: jnp.minimum(e, E - 1)
    return pl.pallas_call(
        body,
        grid=(E + 1, nf),
        in_specs=[
            pl.BlockSpec((cap, D), lambda e, f: (clamp(e), 0)),
            pl.BlockSpec((1, D, BF), lambda e, f: (clamp(e), 0, jnp.where(e < E, f, 0))),
            pl.BlockSpec((1, BF, D), lambda e, f: (clamp(e), jnp.where(e < E, f, 0), 0)),
        ],
        out_specs=pl.BlockSpec((cap, D), lambda e, f: (e, 0)),
        out_shape=jax.ShapeDtypeStruct(((E + 1) * cap, D), jnp.float32),
    )(xg, w1, w2)


def _sc_combine(o, k0, k1, w0, w1):
    T = k0.shape[0]
    D = o.shape[1]
    t_per_w = T // _NW
    TB = 32
    mesh = plsc.VectorSubcoreMesh(core_axis_name="c", subcore_axis_name="s")

    @functools.partial(
        pl.kernel, mesh=mesh,
        out_type=jax.ShapeDtypeStruct((T, D), jnp.float32),
        scratch_types=[
            pltpu.VMEM((t_per_w,), jnp.int32),
            pltpu.VMEM((t_per_w,), jnp.int32),
            pltpu.VMEM((t_per_w,), jnp.float32),
            pltpu.VMEM((t_per_w,), jnp.float32),
            pltpu.VMEM((TB, D), jnp.float32),
            pltpu.VMEM((TB, D), jnp.float32),
            pltpu.VMEM((TB, D), jnp.float32),
            pltpu.SemaphoreType.DMA,
            pltpu.SemaphoreType.DMA,
        ],
    )
    def combine_k(o_hbm, k0_hbm, k1_hbm, w0_hbm, w1_hbm, out_hbm,
                  k0_v, k1_v, w0_v, w1_v, buf_a, buf_b, y_v, sem_a, sem_b):
        wid = lax.axis_index("s") * _NC + lax.axis_index("c")
        base = wid * t_per_w
        pltpu.sync_copy(k0_hbm.at[pl.ds(base, t_per_w)], k0_v)
        pltpu.sync_copy(k1_hbm.at[pl.ds(base, t_per_w)], k1_v)
        pltpu.sync_copy(w0_hbm.at[pl.ds(base, t_per_w)], w0_v)
        pltpu.sync_copy(w1_hbm.at[pl.ds(base, t_per_w)], w1_v)
        dn = lax.GatherDimensionNumbers(offset_dims=(), collapsed_slice_dims=(0,),
                                        start_index_map=(0,))

        def bcast(wv, lane):
            idx = jnp.zeros((16,), jnp.int32) + lane
            return lax.gather(wv, idx[:, None], dn, slice_sizes=(1,),
                              mode=lax.GatherScatterMode.PROMISE_IN_BOUNDS)

        def chunk(i, carry):
            cp_a = pltpu.async_copy(o_hbm.at[k0_v.at[pl.ds(i * TB, TB)]], buf_a, sem_a)
            cp_b = pltpu.async_copy(o_hbm.at[k1_v.at[pl.ds(i * TB, TB)]], buf_b, sem_b)
            cp_a.wait()
            cp_b.wait()

            def per_token(j, c2):
                g16 = (j // 16) * 16
                wva = w0_v[pl.ds(i * TB + g16, 16)]
                wvb = w1_v[pl.ds(i * TB + g16, 16)]
                lane = j - g16
                wa = bcast(wva, lane)
                wb = bcast(wvb, lane)

                def per_lane(g, c3):
                    sl = pl.ds(g * 16, 16)
                    y_v[j, sl] = buf_a[j, sl] * wa + buf_b[j, sl] * wb
                    return c3

                return lax.fori_loop(0, D // 16, per_lane, c2, unroll=16)

            lax.fori_loop(0, TB, per_token, 0, unroll=2)
            pltpu.sync_copy(y_v, out_hbm.at[pl.ds(base + i * TB, TB)])
            return carry

        lax.fori_loop(0, t_per_w // TB, chunk, 0, unroll=False)

    return combine_k(o, k0, k1, w0, w1)


def kernel(x, wr, w1, w2):
    Bq, Sq, D = x.shape
    E = w1.shape[0]
    T = Bq * Sq
    cap = int(_CAP_FACTOR * _TOP_K * T / E)
    xt = jnp.transpose(x, (1, 0, 2)).reshape(T, D)
    s_e, s_w = _tc_router(xt, wr)
    key = _sc_keys(s_e, E, cap)
    k0 = key[0::2]
    k1 = key[1::2]
    w0 = s_w[0::2]
    w1s = s_w[1::2]
    TB = 32
    xg = _sc_dispatch_xg(xt, k0.reshape(T // TB, TB), k1.reshape(T // TB, TB),
                         E, cap)
    o = _ffn(xg, w1, w2, cap)
    y = _sc_combine(o, k0, k1, w0, w1s)
    return jnp.transpose(y.reshape(Sq, Bq, D), (1, 0, 2))

# --- scband reference (transcript-rebuilt; emitter-appended) ---
"""Pipeline reference for scband-megablock-mo-e-15925738733962 (READ-ONLY COPY).

The authoritative reference and input builder live on the scoring server;
editing this copy changes nothing except your own understanding.
"""

import jax, jax.numpy as jnp
import numpy as np

NUM_EXPERTS = 8
TOP_K = 2
DIM = 1024
D_FF = 4096
CAP_FACTOR = 1.0
B = 2
S = 2048


def setup_inputs(seed: int = 0) -> dict:
    key = jax.random.key(seed)
    k1, k2, k3, k4 = jax.random.split(key, 4)
    x = jax.random.normal(k1, (B, S, DIM), dtype=jnp.float32)
    wr = jax.random.normal(k2, (DIM, NUM_EXPERTS), dtype=jnp.float32) * 0.02
    w1 = jax.random.normal(k3, (NUM_EXPERTS, DIM, D_FF), dtype=jnp.float32) * 0.02
    w2 = jax.random.normal(k4, (NUM_EXPERTS, D_FF, DIM), dtype=jnp.float32) * 0.02
    return {"x": x, "wr": wr, "w1": w1, "w2": w2}


def _moe(x, wr, w1, w2):
    Bq, Sq, D = x.shape
    # module does x.transpose(0,1) -> (sl, bs, hs) layout, then flattens tokens
    xt = jnp.transpose(x, (1, 0, 2)).reshape(-1, D)
    T = xt.shape[0]
    E = w1.shape[0]
    capacity = int(CAP_FACTOR * TOP_K * T / E)
    # learned router (linear, no bias) + softmax + top-k (no renormalization,
    # matching megablocks default moe_normalize_expert_weights=None)
    logits = xt @ wr
    probs = jax.nn.softmax(logits, axis=-1)
    topw, topi = jax.lax.top_k(probs, TOP_K)
    flat_e = topi.reshape(-1)          # [T*k] expert assignment per slot
    flat_w = topw.reshape(-1)          # [T*k] combine weights
    # stable sort token-expert assignments by expert id (megablocks binning)
    order = jnp.argsort(flat_e)
    sorted_e = flat_e[order]
    counts = jnp.bincount(flat_e, length=E)
    starts = jnp.cumsum(counts) - counts
    pos = jnp.arange(T * TOP_K) - starts[sorted_e]
    valid = pos < capacity             # drop tokens past expert capacity
    token_ids = order // TOP_K
    slot = jnp.where(valid, sorted_e * capacity + pos, E * capacity)
    disp_tok = jnp.zeros(E * capacity + 1, dtype=jnp.int32).at[slot].set(token_ids.astype(jnp.int32))
    disp_w = jnp.zeros(E * capacity + 1, dtype=x.dtype).at[slot].set(flat_w[order])
    disp_valid = jnp.zeros(E * capacity + 1, dtype=x.dtype).at[slot].set(valid.astype(x.dtype))
    disp_tok = disp_tok[:-1].reshape(E, capacity)
    disp_w = (disp_w[:-1] * disp_valid[:-1]).reshape(E, capacity)
    # gather tokens per expert, run expert MLP (gelu, no bias), scatter back
    xg = xt[disp_tok]                                   # [E, cap, D]
    h = jax.nn.gelu(jnp.einsum('ecd,edf->ecf', xg, w1), approximate=False)
    o = jnp.einsum('ecf,efd->ecd', h, w2)               # [E, cap, D]
    y = jnp.zeros_like(xt).at[disp_tok.reshape(-1)].add((o * disp_w[..., None]).reshape(-1, D))
    # undo the (sl, bs) transpose
    return jnp.transpose(y.reshape(Sq, Bq, D), (1, 0, 2))


def reference(x, wr, w1, w2):
    return _moe(x, wr, w1, w2)

if __name__ == "__main__":
    import jax
    _d = setup_inputs()
    print(jax.jit(kernel)(*tuple(_d.values())))

</pallas_src>

<mosaic_0001>
#map = affine_map<(d0, d1) -> (0, 0)>
module attributes {stable_mosaic.version = 14 : i64} {
  func.func @disp_k(%arg0: i32, %arg1: i32, %arg2: memref<4096x1024xf32, #tpu.memory_space<hbm>>, %arg3: memref<128x32xi32, #tpu.memory_space<hbm>>, %arg4: memref<128x32xi32, #tpu.memory_space<hbm>>, %arg5: memref<9216x1024xf32, #tpu.memory_space<hbm>>, %arg6: memref<4x32xi32, #tpu.memory_space<vmem>>, %arg7: memref<4x32xi32, #tpu.memory_space<vmem>>, %arg8: memref<32x1024xf32, #tpu.memory_space<vmem>>, %arg9: memref<!tpu.dma_semaphore, #tpu.memory_space<semaphore_mem>>, %arg10: memref<!tpu.dma_semaphore, #tpu.memory_space<semaphore_mem>>) attributes {dimension_semantics = [#tpu.dimension_semantics<core_parallel>, #tpu.dimension_semantics<subcore_parallel>], iteration_bounds = array<i64: 2, 16>, scalar_prefetch = 0 : i64, scratch_operands = 5 : i64, tpu.core_type = #tpu.core_type<sc_vector_subcore>, window_params = [{transform_indices = #map}, {transform_indices = #map}, {transform_indices = #map}, {transform_indices = #map}]} {
    %mul3A = arith.constant 2 : i32
    %mul3A_0 = arith.muli %arg1, %mul3A : i32
    %add3A = arith.addi %mul3A_0, %arg0 : i32
    %mul3A_1 = arith.constant 128 : i32
    %mul3A_2 = arith.muli %add3A, %mul3A_1 : i32
    %mul3A_3 = arith.constant 4 : i32
    %mul3A_4 = arith.muli %add3A, %mul3A_3 : i32
    "tpu.region"() ({
      %run_scoped3A = tpu.sem_alloc : memref<!tpu.dma_semaphore, #tpu.memory_space<semaphore_mem>>
      %dma_start3A = arith.constant 0 : i32
      %dma_start3A_12 = tpu.memref_slice %arg3[%mul3A_4, %dma_start3A] : memref<128x32xi32, #tpu.memory_space<hbm>> -> memref<4x32xi32, #tpu.memory_space<hbm>>
      %dma_start3A_13 = arith.constant 0 : i32
      %dma_start3A_14 = tpu.memref_slice %arg3[%mul3A_4, %dma_start3A_13] : memref<128x32xi32, #tpu.memory_space<hbm>> -> memref<4x32xi32, #tpu.memory_space<hbm>>
      tpu.enqueue_dma source(%dma_start3A_14 : memref<4x32xi32, #tpu.memory_space<hbm>>) target(%arg6 : memref<4x32xi32, #tpu.memory_space<vmem>>) target_semaphore(%run_scoped3A : memref<!tpu.dma_semaphore, #tpu.memory_space<semaphore_mem>>)
      %dma_wait3A = arith.constant 0 : i32
      %dma_wait3A_15 = tpu.memref_slice %arg3[%mul3A_4, %dma_wait3A] : memref<128x32xi32, #tpu.memory_space<hbm>> -> memref<4x32xi32, #tpu.memory_space<hbm>>
      %dma_wait3A_16 = arith.constant 0 : i32
      %dma_wait3A_17 = tpu.memref_slice %arg3[%mul3A_4, %dma_wait3A_16] : memref<128x32xi32, #tpu.memory_space<hbm>> -> memref<4x32xi32, #tpu.memory_space<hbm>>
      tpu.wait_dma2 semaphore(%run_scoped3A : memref<!tpu.dma_semaphore, #tpu.memory_space<semaphore_mem>>) src(%dma_wait3A_17 : memref<4x32xi32, #tpu.memory_space<hbm>>) dst(%arg6 : memref<4x32xi32, #tpu.memory_space<vmem>>)
      tpu.yield
    }) : () -> ()
    %mul3A_5 = arith.constant 4 : i32
    %mul3A_6 = arith.muli %add3A, %mul3A_5 : i32
    "tpu.region"() ({
      %run_scoped3A = tpu.sem_alloc : memref<!tpu.dma_semaphore, #tpu.memory_space<semaphore_mem>>
      %dma_start3A = arith.constant 0 : i32
      %dma_start3A_12 = tpu.memref_slice %arg4[%mul3A_6, %dma_start3A] : memref<128x32xi32, #tpu.memory_space<hbm>> -> memref<4x32xi32, #tpu.memory_space<hbm>>
      %dma_start3A_13 = arith.constant 0 : i32
      %dma_start3A_14 = tpu.memref_slice %arg4[%mul3A_6, %dma_start3A_13] : memref<128x32xi32, #tpu.memory_space<hbm>> -> memref<4x32xi32, #tpu.memory_space<hbm>>
      tpu.enqueue_dma source(%dma_start3A_14 : memref<4x32xi32, #tpu.memory_space<hbm>>) target(%arg7 : memref<4x32xi32, #tpu.memory_space<vmem>>) target_semaphore(%run_scoped3A : memref<!tpu.dma_semaphore, #tpu.memory_space<semaphore_mem>>)
      %dma_wait3A = arith.constant 0 : i32
      %dma_wait3A_15 = tpu.memref_slice %arg4[%mul3A_6, %dma_wait3A] : memref<128x32xi32, #tpu.memory_space<hbm>> -> memref<4x32xi32, #tpu.memory_space<hbm>>
      %dma_wait3A_16 = arith.constant 0 : i32
      %dma_wait3A_17 = tpu.memref_slice %arg4[%mul3A_6, %dma_wait3A_16] : memref<128x32xi32, #tpu.memory_space<hbm>> -> memref<4x32xi32, #tpu.memory_space<hbm>>
      tpu.wait_dma2 semaphore(%run_scoped3A : memref<!tpu.dma_semaphore, #tpu.memory_space<semaphore_mem>>) src(%dma_wait3A_17 : memref<4x32xi32, #tpu.memory_space<hbm>>) dst(%arg7 : memref<4x32xi32, #tpu.memory_space<vmem>>)
      tpu.yield
    }) : () -> ()
    %scan3A = arith.constant 0 : i32
    %scan3A_7 = arith.constant 0 : i32
    %scan3A_8 = arith.constant 4 : i32
    %scan3A_9 = arith.addi %scan3A_7, %scan3A_8 : i32
    %scan3A_10 = arith.constant 1 : i32
    scf.for %scan3A_12 = %scan3A_7 to %scan3A_9 step %scan3A_10  : i32 {
      %mul3A_13 = arith.constant 32 : i32
      %mul3A_14 = arith.muli %scan3A_12, %mul3A_13 : i32
      %add3A_15 = arith.addi %mul3A_2, %mul3A_14 : i32
      "tpu.region"() ({
        %run_scoped3A = tpu.sem_alloc : memref<!tpu.dma_semaphore, #tpu.memory_space<semaphore_mem>>
        %dma_start3A_38 = arith.constant 0 : i32
        %dma_start3A_39 = tpu.memref_slice %arg2[%add3A_15, %dma_start3A_38] : memref<4096x1024xf32, #tpu.memory_space<hbm>> -> memref<32x1024xf32, #tpu.memory_space<hbm>>
        %dma_start3A_40 = arith.constant 0 : i32
        %dma_start3A_41 = tpu.memref_slice %arg2[%add3A_15, %dma_start3A_40] : memref<4096x1024xf32, #tpu.memory_space<hbm>> -> memref<32x1024xf32, #tpu.memory_space<hbm>>
        tpu.enqueue_dma source(%dma_start3A_41 : memref<32x1024xf32, #tpu.memory_space<hbm>>) target(%arg8 : memref<32x1024xf32, #tpu.memory_space<vmem>>) target_semaphore(%run_scoped3A : memref<!tpu.dma_semaphore, #tpu.memory_space<semaphore_mem>>)
        %dma_wait3A_42 = arith.constant 0 : i32
        %dma_wait3A_43 = tpu.memref_slice %arg2[%add3A_15, %dma_wait3A_42] : memref<4096x1024xf32, #tpu.memory_space<hbm>> -> memref<32x1024xf32, #tpu.memory_space<hbm>>
        %dma_wait3A_44 = arith.constant 0 : i32
        %dma_wait3A_45 = tpu.memref_slice %arg2[%add3A_15, %dma_wait3A_44] : memref<4096x1024xf32, #tpu.memory_space<hbm>> -> memref<32x1024xf32, #tpu.memory_space<hbm>>
        tpu.wait_dma2 semaphore(%run_scoped3A : memref<!tpu.dma_semaphore, #tpu.memory_space<semaphore_mem>>) src(%dma_wait3A_45 : memref<32x1024xf32, #tpu.memory_space<hbm>>) dst(%arg8 : memref<32x1024xf32, #tpu.memory_space<vmem>>)
        tpu.yield
      }) : () -> ()
      %dma_start3A = arith.constant 0 : i32
      %dma_start3A_16 = tpu.memref_slice %arg6[%scan3A_12, %dma_start3A] : memref<4x32xi32, #tpu.memory_space<vmem>> -> memref<1x32xi32, #tpu.memory_space<vmem>>
      %dma_start3A_17 = tpu.memref_squeeze %dma_start3A_16 : memref<1x32xi32, #tpu.memory_space<vmem>> -> memref<32xi32, #tpu.memory_space<vmem>>
      %dma_start3A_18 = arith.constant 0 : i32
      %dma_start3A_19 = arith.constant 0 : i32
      %dma_start3A_20 = tpu.memref_slice %arg5[%dma_start3A_18, %dma_start3A_19] : memref<9216x1024xf32, #tpu.memory_space<hbm>> -> memref<9216x1024xf32, #tpu.memory_space<hbm>>
      tpu.enqueue_indirect_dma source(%arg8 : memref<32x1024xf32, #tpu.memory_space<vmem>>) target(%dma_start3A_20 : memref<9216x1024xf32, #tpu.memory_space<hbm>>) offsets(%dma_start3A_17 : memref<32xi32, #tpu.memory_space<vmem>>) semaphore(%arg9 : memref<!tpu.dma_semaphore, #tpu.memory_space<semaphore_mem>>)
      %dma_start3A_21 = arith.constant 0 : i32
      %dma_start3A_22 = tpu.memref_slice %arg7[%scan3A_12, %dma_start3A_21] : memref<4x32xi32, #tpu.memory_space<vmem>> -> memref<1x32xi32, #tpu.memory_space<vmem>>
      %dma_start3A_23 = tpu.memref_squeeze %dma_start3A_22 : memref<1x32xi32, #tpu.memory_space<vmem>> -> memref<32xi32, #tpu.memory_space<vmem>>
      %dma_start3A_24 = arith.constant 0 : i32
      %dma_start3A_25 = arith.constant 0 : i32
      %dma_start3A_26 = tpu.memref_slice %arg5[%dma_start3A_24, %dma_start3A_25] : memref<9216x1024xf32, #tpu.memory_space<hbm>> -> memref<9216x1024xf32, #tpu.memory_space<hbm>>
      tpu.enqueue_indirect_dma source(%arg8 : memref<32x1024xf32, #tpu.memory_space<vmem>>) target(%dma_start3A_26 : memref<9216x1024xf32, #tpu.memory_space<hbm>>) offsets(%dma_start3A_23 : memref<32xi32, #tpu.memory_space<vmem>>) semaphore(%arg10 : memref<!tpu.dma_semaphore, #tpu.memory_space<semaphore_mem>>)
      %dma_wait3A = arith.constant 0 : i32
      %dma_wait3A_27 = tpu.memref_slice %arg6[%scan3A_12, %dma_wait3A] : memref<4x32xi32, #tpu.memory_space<vmem>> -> memref<1x32xi32, #tpu.memory_space<vmem>>
      %dma_wait3A_28 = tpu.memref_squeeze %dma_wait3A_27 : memref<1x32xi32, #tpu.memory_space<vmem>> -> memref<32xi32, #tpu.memory_space<vmem>>
      %dma_wait3A_29 = arith.constant 0 : i32
      %dma_wait3A_30 = arith.constant 0 : i32
      %dma_wait3A_31 = tpu.memref_slice %arg5[%dma_wait3A_29, %dma_wait3A_30] : memref<9216x1024xf32, #tpu.memory_space<hbm>> -> memref<9216x1024xf32, #tpu.memory_space<hbm>>
      tpu.wait_indirect_dma semaphore(%arg9 : memref<!tpu.dma_semaphore, #tpu.memory_space<semaphore_mem>>) src(%arg8 : memref<32x1024xf32, #tpu.memory_space<vmem>>) dst(%dma_wait3A_31 : memref<9216x1024xf32, #tpu.memory_space<hbm>>)
      %dma_wait3A_32 = arith.constant 0 : i32
      %dma_wait3A_33 = tpu.memref_slice %arg7[%scan3A_12, %dma_wait3A_32] : memref<4x32xi32, #tpu.memory_space<vmem>> -> memref<1x32xi32, #tpu.memory_space<vmem>>
      %dma_wait3A_34 = tpu.memref_squeeze %dma_wait3A_33 : memref<1x32xi32, #tpu.memory_space<vmem>> -> memref<32xi32, #tpu.memory_space<vmem>>
      %dma_wait3A_35 = arith.constant 0 : i32
      %dma_wait3A_36 = arith.constant 0 : i32
      %dma_wait3A_37 = tpu.memref_slice %arg5[%dma_wait3A_35, %dma_wait3A_36] : memref<9216x1024xf32, #tpu.memory_space<hbm>> -> memref<9216x1024xf32, #tpu.memory_space<hbm>>
      tpu.wait_indirect_dma semaphore(%arg10 : memref<!tpu.dma_semaphore, #tpu.memory_space<semaphore_mem>>) src(%arg8 : memref<32x1024xf32, #tpu.memory_space<vmem>>) dst(%dma_wait3A_37 : memref<9216x1024xf32, #tpu.memory_space<hbm>>)
    }
    %scan3A_11 = arith.constant 4 : i32
    return
  }
}

#map = affine_map<(d0, d1) -> (0)>
module attributes {stable_mosaic.version = 14 : i64} {
  func.func @keys_k(%arg0: i32, %arg1: i32, %arg2: memref<8192xi32, #tpu.memory_space<hbm>>, %arg3: memref<8192xi32, #tpu.memory_space<hbm>>, %arg4: memref<8192xi32, #tpu.memory_space<vmem>>, %arg5: memref<512xi32, #tpu.memory_space<vmem>>) attributes {dimension_semantics = [#tpu.dimension_semantics<core_parallel>, #tpu.dimension_semantics<subcore_parallel>], iteration_bounds = array<i64: 2, 16>, scalar_prefetch = 0 : i64, scratch_operands = 2 : i64, tpu.core_type = #tpu.core_type<sc_vector_subcore>, window_params = [{transform_indices = #map}, {transform_indices = #map}]} {
    %mul3A = arith.constant 2 : i32
    %mul3A_0 = arith.muli %arg1, %mul3A : i32
    %add3A = arith.addi %mul3A_0, %arg0 : i32
    %lt3A = arith.constant 16 : i32
    %lt3A_1 = arith.cmpi slt, %add3A, %lt3A : i32
    %convert_element_type3A = arith.extui %lt3A_1 : i1 to i32
    %cond3A = arith.constant 0 : i32
    %cond3A_2 = arith.cmpi ne, %convert_element_type3A, %cond3A : i32
    scf.if %cond3A_2 {
      %mul3A_3 = arith.constant 32 : i32
      %mul3A_4 = arith.muli %add3A, %mul3A_3 : i32
      "tpu.region"() ({
        %run_scoped3A = tpu.sem_alloc : memref<!tpu.dma_semaphore, #tpu.memory_space<semaphore_mem>>
        tpu.enqueue_dma source(%arg2 : memref<8192xi32, #tpu.memory_space<hbm>>) target(%arg4 : memref<8192xi32, #tpu.memory_space<vmem>>) target_semaphore(%run_scoped3A : memref<!tpu.dma_semaphore, #tpu.memory_space<semaphore_mem>>)
        tpu.wait_dma2 semaphore(%run_scoped3A : memref<!tpu.dma_semaphore, #tpu.memory_space<semaphore_mem>>) src(%arg2 : memref<8192xi32, #tpu.memory_space<hbm>>) dst(%arg4 : memref<8192xi32, #tpu.memory_space<vmem>>)
        tpu.yield
      }) : () -> ()
      %while3A = arith.constant 0 : i32
      %while3A_5 = arith.constant 0 : i32
      %while3A_6 = arith.constant 0 : i32
      %while3A_7 = arith.constant 0 : i32
      %while3A_8 = arith.constant 0 : i32
      %while3A_9 = arith.constant 0 : i32
      %while3A_10 = arith.constant 0 : i32
      %while3A_11 = arith.constant 0 : i32
      %while3A_12 = arith.constant 0 : i32
      %while3A_13 = arith.subi %mul3A_4, %while3A : i32
      %while3A_14 = arith.addi %while3A, %while3A_13 : i32
      %while3A_15 = arith.constant 1 : i32
      %while3A_16 = arith.divsi %while3A_13, %while3A_15 : i32
      %while3A_17 = arith.muli %while3A_16, %while3A_15 : i32
      %while3A_18 = arith.addi %while3A, %while3A_17 : i32
      %while3A_19 = arith.constant 1 : i32
      %while3A_20:8 = scf.for %while3A_37 = %while3A to %while3A_18 step %while3A_19 iter_args(%while3A_38 = %while3A_5, %while3A_39 = %while3A_6, %while3A_40 = %while3A_7, %while3A_41 = %while3A_8, %while3A_42 = %while3A_9, %while3A_43 = %while3A_10, %while3A_44 = %while3A_11, %while3A_45 = %while3A_12) -> (i32, i32, i32, i32, i32, i32, i32, i32)  : i32 {
        %mul3A_46 = arith.constant 16 : i32
        %mul3A_47 = arith.muli %while3A_37, %mul3A_46 : i32
        %get3A = arith.index_cast %mul3A_47 : i32 to index
        %get3A_48 = tpu.vector_load %arg4[%get3A] {strides = array<i32>} : memref<8192xi32, #tpu.memory_space<vmem>>, vector<16xi32>,
        %get3A_49 = vector.shape_cast %get3A_48 : vector<16xi32> to vector<16xi32>
        %eq3A = arith.constant 0 : i32
        %eq3A_50 = vector.broadcast %eq3A : i32 to vector<16xi32>
        %eq3A_51 = arith.cmpi eq, %get3A_49, %eq3A_50 : vector<16xi32>
        %iota3A = tpu.iota {dimensions = array<i32: 0>} : vector<16xi32>
        %jit3A = arith.constant 1 : i32
        %jit3A_52 = arith.constant 0 : i32
        %broadcast_in_dim3A = vector.broadcast %jit3A : i32 to vector<16xi32>
        %broadcast_in_dim3A_53 = vector.broadcast %jit3A_52 : i32 to vector<16xi32>
        %select_n3A = arith.select %eq3A_51, %broadcast_in_dim3A, %broadcast_in_dim3A_53 : vector<16xi1>, vector<16xi32>
        %sub3A = arith.constant 1 : i32
        %sub3A_54 = vector.broadcast %sub3A : i32 to vector<16xi32>
        %sub3A_55 = arith.subi %iota3A, %sub3A_54 : vector<16xi32>
        %max3A = arith.constant 0 : i32
        %max3A_56 = vector.broadcast %max3A : i32 to vector<16xi32>
        %max3A_57 = arith.maxsi %sub3A_55, %max3A_56 : vector<16xi32>
        %broadcast_in_dim3A_58 = vector.shape_cast %max3A_57 : vector<16xi32> to vector<16x1xi32>
        %gather3A = vector.shape_cast %broadcast_in_dim3A_58 : vector<16x1xi32> to vector<16xi32>
        %gather3A_59 = tpu.dynamic_gather %select_n3A[%gather3A] in [0] : vector<16xi32>, vector<16xi32> -> vector<16xi32>
        %ge3A = arith.constant 1 : i32
        %ge3A_60 = vector.broadcast %ge3A : i32 to vector<16xi32>
        %ge3A_61 = arith.cmpi sge, %iota3A, %ge3A_60 : vector<16xi32>
        %jit3A_62 = arith.constant 0 : i32
        %broadcast_in_dim3A_63 = vector.broadcast %jit3A_62 : i32 to vector<16xi32>
        %select_n3A_64 = arith.select %ge3A_61, %gather3A_59, %broadcast_in_dim3A_63 : vector<16xi1>, vector<16xi32>
        %add3A_65 = arith.addi %select_n3A, %select_n3A_64 : vector<16xi32>
        %sub3A_66 = arith.constant 2 : i32
        %sub3A_67 = vector.broadcast %sub3A_66 : i32 to vector<16xi32>
        %sub3A_68 = arith.subi %iota3A, %sub3A_67 : vector<16xi32>
        %max3A_69 = arith.constant 0 : i32
        %max3A_70 = vector.broadcast %max3A_69 : i32 to vector<16xi32>
        %max3A_71 = arith.maxsi %sub3A_68, %max3A_70 : vector<16xi32>
        %broadcast_in_dim3A_72 = vector.shape_cast %max3A_71 : vector<16xi32> to vector<16x1xi32>
        %gather3A_73 = vector.shape_cast %broadcast_in_dim3A_72 : vector<16x1xi32> to vector<16xi32>
        %gather3A_74 = tpu.dynamic_gather %add3A_65[%gather3A_73] in [0] : vector<16xi32>, vector<16xi32> -> vector<16xi32>
        %ge3A_75 = arith.constant 2 : i32
        %ge3A_76 = vector.broadcast %ge3A_75 : i32 to vector<16xi32>
        %ge3A_77 = arith.cmpi sge, %iota3A, %ge3A_76 : vector<16xi32>
        %jit3A_78 = arith.constant 0 : i32
        %broadcast_in_dim3A_79 = vector.broadcast %jit3A_78 : i32 to vector<16xi32>
        %select_n3A_80 = arith.select %ge3A_77, %gather3A_74, %broadcast_in_dim3A_79 : vector<16xi1>, vector<16xi32>
        %add3A_81 = arith.addi %add3A_65, %select_n3A_80 : vector<16xi32>
        %sub3A_82 = arith.constant 4 : i32
        %sub3A_83 = vector.broadcast %sub3A_82 : i32 to vector<16xi32>
        %sub3A_84 = arith.subi %iota3A, %sub3A_83 : vector<16xi32>
        %max3A_85 = arith.constant 0 : i32
        %max3A_86 = vector.broadcast %max3A_85 : i32 to vector<16xi32>
        %max3A_87 = arith.maxsi %sub3A_84, %max3A_86 : vector<16xi32>
        %broadcast_in_dim3A_88 = vector.shape_cast %max3A_87 : vector<16xi32> to vector<16x1xi32>
        %gather3A_89 = vector.shape_cast %broadcast_in_dim3A_88 : vector<16x1xi32> to vector<16xi32>
        %gather3A_90 = tpu.dynamic_gather %add3A_81[%gather3A_89] in [0] : vector<16xi32>, vector<16xi32> -> vector<16xi32>
        %ge3A_91 = arith.constant 4 : i32
        %ge3A_92 = vector.broadcast %ge3A_91 : i32 to vector<16xi32>
        %ge3A_93 = arith.cmpi sge, %iota3A, %ge3A_92 : vector<16xi32>
        %jit3A_94 = arith.constant 0 : i32
        %broadcast_in_dim3A_95 = vector.broadcast %jit3A_94 : i32 to vector<16xi32>
        %select_n3A_96 = arith.select %ge3A_93, %gather3A_90, %broadcast_in_dim3A_95 : vector<16xi1>, vector<16xi32>
        %add3A_97 = arith.addi %add3A_81, %select_n3A_96 : vector<16xi32>
        %sub3A_98 = arith.constant 8 : i32
        %sub3A_99 = vector.broadcast %sub3A_98 : i32 to vector<16xi32>
        %sub3A_100 = arith.subi %iota3A, %sub3A_99 : vector<16xi32>
        %max3A_101 = arith.constant 0 : i32
        %max3A_102 = vector.broadcast %max3A_101 : i32 to vector<16xi32>
        %max3A_103 = arith.maxsi %sub3A_100, %max3A_102 : vector<16xi32>
        %broadcast_in_dim3A_104 = vector.shape_cast %max3A_103 : vector<16xi32> to vector<16x1xi32>
        %gather3A_105 = vector.shape_cast %broadcast_in_dim3A_104 : vector<16x1xi32> to vector<16xi32>
        %gather3A_106 = tpu.dynamic_gather %add3A_97[%gather3A_105] in [0] : vector<16xi32>, vector<16xi32> -> vector<16xi32>
        %ge3A_107 = arith.constant 8 : i32
        %ge3A_108 = vector.broadcast %ge3A_107 : i32 to vector<16xi32>
        %ge3A_109 = arith.cmpi sge, %iota3A, %ge3A_108 : vector<16xi32>
        %jit3A_110 = arith.constant 0 : i32
        %broadcast_in_dim3A_111 = vector.broadcast %jit3A_110 : i32 to vector<16xi32>
        %select_n3A_112 = arith.select %ge3A_109, %gather3A_106, %broadcast_in_dim3A_111 : vector<16xi1>, vector<16xi32>
        %add3A_113 = arith.addi %add3A_97, %select_n3A_112 : vector<16xi32>
        %slice3A = vector.extract_strided_slice %add3A_113 {offsets = [15], sizes = [1], strides = [1]} : vector<16xi32> to vector<1xi32>
        %squeeze3A = vector.extract %slice3A[0] : i32 from vector<1xi32>
        %add3A_114 = arith.addi %while3A_38, %squeeze3A : i32
        %eq3A_115 = arith.constant 1 : i32
        %eq3A_116 = vector.broadcast %eq3A_115 : i32 to vector<16xi32>
        %eq3A_117 = arith.cmpi eq, %get3A_49, %eq3A_116 : vector<16xi32>
        %iota3A_118 = tpu.iota {dimensions = array<i32: 0>} : vector<16xi32>
        %jit3A_119 = arith.constant 1 : i32
        %jit3A_120 = arith.constant 0 : i32
        %broadcast_in_dim3A_121 = vector.broadcast %jit3A_119 : i32 to vector<16xi32>
        %broadcast_in_dim3A_122 = vector.broadcast %jit3A_120 : i32 to vector<16xi32>
        %select_n3A_123 = arith.select %eq3A_117, %broadcast_in_dim3A_121, %broadcast_in_dim3A_122 : vector<16xi1>, vector<16xi32>
        %sub3A_124 = arith.constant 1 : i32
        %sub3A_125 = vector.broadcast %sub3A_124 : i32 to vector<16xi32>
        %sub3A_126 = arith.subi %iota3A_118, %sub3A_125 : vector<16xi32>
        %max3A_127 = arith.constant 0 : i32
        %max3A_128 = vector.broadcast %max3A_127 : i32 to vector<16xi32>
        %max3A_129 = arith.maxsi %sub3A_126, %max3A_128 : vector<16xi32>
        %broadcast_in_dim3A_130 = vector.shape_cast %max3A_129 : vector<16xi32> to vector<16x1xi32>
        %gather3A_131 = vector.shape_cast %broadcast_in_dim3A_130 : vector<16x1xi32> to vector<16xi32>
        %gather3A_132 = tpu.dynamic_gather %select_n3A_123[%gather3A_131] in [0] : vector<16xi32>, vector<16xi32> -> vector<16xi32>
        %ge3A_133 = arith.constant 1 : i32
        %ge3A_134 = vector.broadcast %ge3A_133 : i32 to vector<16xi32>
        %ge3A_135 = arith.cmpi sge, %iota3A_118, %ge3A_134 : vector<16xi32>
        %jit3A_136 = arith.constant 0 : i32
        %broadcast_in_dim3A_137 = vector.broadcast %jit3A_136 : i32 to vector<16xi32>
        %select_n3A_138 = arith.select %ge3A_135, %gather3A_132, %broadcast_in_dim3A_137 : vector<16xi1>, vector<16xi32>
        %add3A_139 = arith.addi %select_n3A_123, %select_n3A_138 : vector<16xi32>
        %sub3A_140 = arith.constant 2 : i32
        %sub3A_141 = vector.broadcast %sub3A_140 : i32 to vector<16xi32>
        %sub3A_142 = arith.subi %iota3A_118, %sub3A_141 : vector<16xi32>
        %max3A_143 = arith.constant 0 : i32
        %max3A_144 = vector.broadcast %max3A_143 : i32 to vector<16xi32>
        %max3A_145 = arith.maxsi %sub3A_142, %max3A_144 : vector<16xi32>
        %broadcast_in_dim3A_146 = vector.shape_cast %max3A_145 : vector<16xi32> to vector<16x1xi32>
        %gather3A_147 = vector.shape_cast %broadcast_in_dim3A_146 : vector<16x1xi32> to vector<16xi32>
        %gather3A_148 = tpu.dynamic_gather %add3A_139[%gather3A_147] in [0] : vector<16xi32>, vector<16xi32> -> vector<16xi32>
        %ge3A_149 = arith.constant 2 : i32
        %ge3A_150 = vector.broadcast %ge3A_149 : i32 to vector<16xi32>
        %ge3A_151 = arith.cmpi sge, %iota3A_118, %ge3A_150 : vector<16xi32>
        %jit3A_152 = arith.constant 0 : i32
        %broadcast_in_dim3A_153 = vector.broadcast %jit3A_152 : i32 to vector<16xi32>
        %select_n3A_154 = arith.select %ge3A_151, %gather3A_148, %broadcast_in_dim3A_153 : vector<16xi1>, vector<16xi32>
        %add3A_155 = arith.addi %add3A_139, %select_n3A_154 : vector<16xi32>
        %sub3A_156 = arith.constant 4 : i32
        %sub3A_157 = vector.broadcast %sub3A_156 : i32 to vector<16xi32>
        %sub3A_158 = arith.subi %iota3A_118, %sub3A_157 : vector<16xi32>
        %max3A_159 = arith.constant 0 : i32
        %max3A_160 = vector.broadcast %max3A_159 : i32 to vector<16xi32>
        %max3A_161 = arith.maxsi %sub3A_158, %max3A_160 : vector<16xi32>
        %broadcast_in_dim3A_162 = vector.shape_cast %max3A_161 : vector<16xi32> to vector<16x1xi32>
        %gather3A_163 = vector.shape_cast %broadcast_in_dim3A_162 : vector<16x1xi32> to vector<16xi32>
        %gather3A_164 = tpu.dynamic_gather %add3A_155[%gather3A_163] in [0] : vector<16xi32>, vector<16xi32> -> vector<16xi32>
        %ge3A_165 = arith.constant 4 : i32
        %ge3A_166 = vector.broadcast %ge3A_165 : i32 to vector<16xi32>
        %ge3A_167 = arith.cmpi sge, %iota3A_118, %ge3A_166 : vector<16xi32>
        %jit3A_168 = arith.constant 0 : i32
        %broadcast_in_dim3A_169 = vector.broadcast %jit3A_168 : i32 to vector<16xi32>
        %select_n3A_170 = arith.select %ge3A_167, %gather3A_164, %broadcast_in_dim3A_169 : vector<16xi1>, vector<16xi32>
        %add3A_171 = arith.addi %add3A_155, %select_n3A_170 : vector<16xi32>
        %sub3A_172 = arith.constant 8 : i32
        %sub3A_173 = vector.broadcast %sub3A_172 : i32 to vector<16xi32>
        %sub3A_174 = arith.subi %iota3A_118, %sub3A_173 : vector<16xi32>
        %max3A_175 = arith.constant 0 : i32
        %max3A_176 = vector.broadcast %max3A_175 : i32 to vector<16xi32>
        %max3A_177 = arith.maxsi %sub3A_174, %max3A_176 : vector<16xi32>
        %broadcast_in_dim3A_178 = vector.shape_cast %max3A_177 : vector<16xi32> to vector<16x1xi32>
        %gather3A_179 = vector.shape_cast %broadcast_in_dim3A_178 : vector<16x1xi32> to vector<16xi32>
        %gather3A_180 = tpu.dynamic_gather %add3A_171[%gather3A_179] in [0] : vector<16xi32>, vector<16xi32> -> vector<16xi32>
        %ge3A_181 = arith.constant 8 : i32
        %ge3A_182 = vector.broadcast %ge3A_181 : i32 to vector<16xi32>
        %ge3A_183 = arith.cmpi sge, %iota3A_118, %ge3A_182 : vector<16xi32>
        %jit3A_184 = arith.constant 0 : i32
        %broadcast_in_dim3A_185 = vector.broadcast %jit3A_184 : i32 to vector<16xi32>
        %select_n3A_186 = arith.select %ge3A_183, %gather3A_180, %broadcast_in_dim3A_185 : vector<16xi1>, vector<16xi32>
        %add3A_187 = arith.addi %add3A_171, %select_n3A_186 : vector<16xi32>
        %slice3A_188 = vector.extract_strided_slice %add3A_187 {offsets = [15], sizes = [1], strides = [1]} : vector<16xi32> to vector<1xi32>
        %squeeze3A_189 = vector.extract %slice3A_188[0] : i32 from vector<1xi32>
        %add3A_190 = arith.addi %while3A_39, %squeeze3A_189 : i32
        %eq3A_191 = arith.constant 2 : i32
        %eq3A_192 = vector.broadcast %eq3A_191 : i32 to vector<16xi32>
        %eq3A_193 = arith.cmpi eq, %get3A_49, %eq3A_192 : vector<16xi32>
        %iota3A_194 = tpu.iota {dimensions = array<i32: 0>} : vector<16xi32>
        %jit3A_195 = arith.constant 1 : i32
        %jit3A_196 = arith.constant 0 : i32
        %broadcast_in_dim3A_197 = vector.broadcast %jit3A_195 : i32 to vector<16xi32>
        %broadcast_in_dim3A_198 = vector.broadcast %jit3A_196 : i32 to vector<16xi32>
        %select_n3A_199 = arith.select %eq3A_193, %broadcast_in_dim3A_197, %broadcast_in_dim3A_198 : vector<16xi1>, vector<16xi32>
        %sub3A_200 = arith.constant 1 : i32
        %sub3A_201 = vector.broadcast %sub3A_200 : i32 to vector<16xi32>
        %sub3A_202 = arith.subi %iota3A_194, %sub3A_201 : vector<16xi32>
        %max3A_203 = arith.constant 0 : i32
        %max3A_204 = vector.broadcast %max3A_203 : i32 to vector<16xi32>
        %max3A_205 = arith.maxsi %sub3A_202, %max3A_204 : vector<16xi32>
        %broadcast_in_dim3A_206 = vector.shape_cast %max3A_205 : vector<16xi32> to vector<16x1xi32>
        %gather3A_207 = vector.shape_cast %broadcast_in_dim3A_206 : vector<16x1xi32> to vector<16xi32>
        %gather3A_208 = tpu.dynamic_gather %select_n3A_199[%gather3A_207] in [0] : vector<16xi32>, vector<16xi32> -> vector<16xi32>
        %ge3A_209 = arith.constant 1 : i32
        %ge3A_210 = vector.broadcast %ge3A_209 : i32 to vector<16xi32>
        %ge3A_211 = arith.cmpi sge, %iota3A_194, %ge3A_210 : vector<16xi32>
        %jit3A_212 = arith.constant 0 : i32
        %broadcast_in_dim3A_213 = vector.broadcast %jit3A_212 : i32 to vector<16xi32>
        %select_n3A_214 = arith.select %ge3A_211, %gather3A_208, %broadcast_in_dim3A_213 : vector<16xi1>, vector<16xi32>
        %add3A_215 = arith.addi %select_n3A_199, %select_n3A_214 : vector<16xi32>
        %sub3A_216 = arith.constant 2 : i32
        %sub3A_217 = vector.broadcast %sub3A_216 : i32 to vector<16xi32>
        %sub3A_218 = arith.subi %iota3A_194, %sub3A_217 : vector<16xi32>
        %max3A_219 = arith.constant 0 : i32
        %max3A_220 = vector.broadcast %max3A_219 : i32 to vector<16xi32>
        %max3A_221 = arith.maxsi %sub3A_218, %max3A_220 : vector<16xi32>
        %broadcast_in_dim3A_222 = vector.shape_cast %max3A_221 : vector<16xi32> to vector<16x1xi32>
        %gather3A_223 = vector.shape_cast %broadcast_in_dim3A_222 : vector<16x1xi32> to vector<16xi32>
        %gather3A_224 = tpu.dynamic_gather %add3A_215[%gather3A_223] in [0] : vector<16xi32>, vector<16xi32> -> vector<16xi32>
        %ge3A_225 = arith.constant 2 : i32
        %ge3A_226 = vector.broadcast %ge3A_225 : i32 to vector<16xi32>
        %ge3A_227 = arith.cmpi sge, %iota3A_194, %ge3A_226 : vector<16xi32>
        %jit3A_228 = arith.constant 0 : i32
        %broadcast_in_dim3A_229 = vector.broadcast %jit3A_228 : i32 to vector<16xi32>
        %select_n3A_230 = arith.select %ge3A_227, %gather3A_224, %broadcast_in_dim3A_229 : vector<16xi1>, vector<16xi32>
        %add3A_231 = arith.addi %add3A_215, %select_n3A_230 : vector<16xi32>
        %sub3A_232 = arith.constant 4 : i32
        %sub3A_233 = vector.broadcast %sub3A_232 : i32 to vector<16xi32>
        %sub3A_234 = arith.subi %iota3A_194, %sub3A_233 : vector<16xi32>
        %max3A_235 = arith.constant 0 : i32
        %max3A_236 = vector.broadcast %max3A_235 : i32 to vector<16xi32>
        %max3A_237 = arith.maxsi %sub3A_234, %max3A_236 : vector<16xi32>
        %broadcast_in_dim3A_238 = vector.shape_cast %max3A_237 : vector<16xi32> to vector<16x1xi32>
        %gather3A_239 = vector.shape_cast %broadcast_in_dim3A_238 : vector<16x1xi32> to vector<16xi32>
        %gather3A_240 = tpu.dynamic_gather %add3A_231[%gather3A_239] in [0] : vector<16xi32>, vector<16xi32> -> vector<16xi32>
        %ge3A_241 = arith.constant 4 : i32
        %ge3A_242 = vector.broadcast %ge3A_241 : i32 to vector<16xi32>
        %ge3A_243 = arith.cmpi sge, %iota3A_194, %ge3A_242 : vector<16xi32>
        %jit3A_244 = arith.constant 0 : i32
        %broadcast_in_dim3A_245 = vector.broadcast %jit3A_244 : i32 to vector<16xi32>
        %select_n3A_246 = arith.select %ge3A_243, %gather3A_240, %broadcast_in_dim3A_245 : vector<16xi1>, vector<16xi32>
        %add3A_247 = arith.addi %add3A_231, %select_n3A_246 : vector<16xi32>
        %sub3A_248 = arith.constant 8 : i32
        %sub3A_249 = vector.broadcast %sub3A_248 : i32 to vector<16xi32>
        %sub3A_250 = arith.subi %iota3A_194, %sub3A_249 : vector<16xi32>
        %max3A_251 = arith.constant 0 : i32
        %max3A_252 = vector.broadcast %max3A_251 : i32 to vector<16xi32>
        %max3A_253 = arith.maxsi %sub3A_250, %max3A_252 : vector<16xi32>
        %broadcast_in_dim3A_254 = vector.shape_cast %max3A_253 : vector<16xi32> to vector<16x1xi32>
        %gather3A_255 = vector.shape_cast %broadcast_in_dim3A_254 : vector<16x1xi32> to vector<16xi32>
        %gather3A_256 = tpu.dynamic_gather %add3A_247[%gather3A_255] in [0] : vector<16xi32>, vector<16xi32> -> vector<16xi32>
        %ge3A_257 = arith.constant 8 : i32
        %ge3A_258 = vector.broadcast %ge3A_257 : i32 to vector<16xi32>
        %ge3A_259 = arith.cmpi sge, %iota3A_194, %ge3A_258 : vector<16xi32>
        %jit3A_260 = arith.constant 0 : i32
        %broadcast_in_dim3A_261 = vector.broadcast %jit3A_260 : i32 to vector<16xi32>
        %select_n3A_262 = arith.select %ge3A_259, %gather3A_256, %broadcast_in_dim3A_261 : vector<16xi1>, vector<16xi32>
        %add3A_263 = arith.addi %add3A_247, %select_n3A_262 : vector<16xi32>
        %slice3A_264 = vector.extract_strided_slice %add3A_263 {offsets = [15], sizes = [1], strides = [1]} : vector<16xi32> to vector<1xi32>
        %squeeze3A_265 = vector.extract %slice3A_264[0] : i32 from vector<1xi32>
        %add3A_266 = arith.addi %while3A_40, %squeeze3A_265 : i32
        %eq3A_267 = arith.constant 3 : i32
        %eq3A_268 = vector.broadcast %eq3A_267 : i32 to vector<16xi32>
        %eq3A_269 = arith.cmpi eq, %get3A_49, %eq3A_268 : vector<16xi32>
        %iota3A_270 = tpu.iota {dimensions = array<i32: 0>} : vector<16xi32>
        %jit3A_271 = arith.constant 1 : i32
        %jit3A_272 = arith.constant 0 : i32
        %broadcast_in_dim3A_273 = vector.broadcast %jit3A_271 : i32 to vector<16xi32>
        %broadcast_in_dim3A_274 = vector.broadcast %jit3A_272 : i32 to vector<16xi32>
        %select_n3A_275 = arith.select %eq3A_269, %broadcast_in_dim3A_273, %broadcast_in_dim3A_274 : vector<16xi1>, vector<16xi32>
        %sub3A_276 = arith.constant 1 : i32
        %sub3A_277 = vector.broadcast %sub3A_276 : i32 to vector<16xi32>
        %sub3A_278 = arith.subi %iota3A_270, %sub3A_277 : vector<16xi32>
        %max3A_279 = arith.constant 0 : i32
        %max3A_280 = vector.broadcast %max3A_279 : i32 to vector<16xi32>
        %max3A_281 = arith.maxsi %sub3A_278, %max3A_280 : vector<16xi32>
        %broadcast_in_dim3A_282 = vector.shape_cast %max3A_281 : vector<16xi32> to vector<16x1xi32>
        %gather3A_283 = vector.shape_cast %broadcast_in_dim3A_282 : vector<16x1xi32> to vector<16xi32>
        %gather3A_284 = tpu.dynamic_gather %select_n3A_275[%gather3A_283] in [0] : vector<16xi32>, vector<16xi32> -> vector<16xi32>
        %ge3A_285 = arith.constant 1 : i32
        %ge3A_286 = vector.broadcast %ge3A_285 : i32 to vector<16xi32>
        %ge3A_287 = arith.cmpi sge, %iota3A_270, %ge3A_286 : vector<16xi32>
        %jit3A_288 = arith.constant 0 : i32
        %broadcast_in_dim3A_289 = vector.broadcast %jit3A_288 : i32 to vector<16xi32>
        %select_n3A_290 = arith.select %ge3A_287, %gather3A_284, %broadcast_in_dim3A_289 : vector<16xi1>, vector<16xi32>
        %add3A_291 = arith.addi %select_n3A_275, %select_n3A_290 : vector<16xi32>
        %sub3A_292 = arith.constant 2 : i32
        %sub3A_293 = vector.broadcast %sub3A_292 : i32 to vector<16xi32>
        %sub3A_294 = arith.subi %iota3A_270, %sub3A_293 : vector<16xi32>
        %max3A_295 = arith.constant 0 : i32
        %max3A_296 = vector.broadcast %max3A_295 : i32 to vector<16xi32>
        %max3A_297 = arith.maxsi %sub3A_294, %max3A_296 : vector<16xi32>
        %broadcast_in_dim3A_298 = vector.shape_cast %max3A_297 : vector<16xi32> to vector<16x1xi32>
        %gather3A_299 = vector.shape_cast %broadcast_in_dim3A_298 : vector<16x1xi32> to vector<16xi32>
        %gather3A_300 = tpu.dynamic_gather %add3A_291[%gather3A_299] in [0] : vector<16xi32>, vector<16xi32> -> vector<16xi32>
        %ge3A_301 = arith.constant 2 : i32
        %ge3A_302 = vector.broadcast %ge3A_301 : i32 to vector<16xi32>
        %ge3A_303 = arith.cmpi sge, %iota3A_270, %ge3A_302 : vector<16xi32>
        %jit3A_304 = arith.constant 0 : i32
        %broadcast_in_dim3A_305 = vector.broadcast %jit3A_304 : i32 to vector<16xi32>
        %select_n3A_306 = arith.select %ge3A_303, %gather3A_300, %broadcast_in_dim3A_305 : vector<16xi1>, vector<16xi32>
        %add3A_307 = arith.addi %add3A_291, %select_n3A_306 : vector<16xi32>
        %sub3A_308 = arith.constant 4 : i32
        %sub3A_309 = vector.broadcast %sub3A_308 : i32 to vector<16xi32>
        %sub3A_310 = arith.subi %iota3A_270, %sub3A_309 : vector<16xi32>
        %max3A_311 = arith.constant 0 : i32
        %max3A_312 = vector.broadcast %max3A_311 : i32 to vector<16xi32>
        %max3A_313 = arith.maxsi %sub3A_310, %max3A_312 : vector<16xi32>
        %broadcast_in_dim3A_314 = vector.shape_cast %max3A_313 : vector<16xi32> to vector<16x1xi32>
        %gather3A_315 = vector.shape_cast %broadcast_in_dim3A_314 : vector<16x1xi32> to vector<16xi32>
        %gather3A_316 = tpu.dynamic_gather %add3A_307[%gather3A_315] in [0] : vector<16xi32>, vector<16xi32> -> vector<16xi32>
        %ge3A_317 = arith.constant 4 : i32
        %ge3A_318 = vector.broadcast %ge3A_317 : i32 to vector<16xi32>
        %ge3A_319 = arith.cmpi sge, %iota3A_270, %ge3A_318 : vector<16xi32>
        %jit3A_320 = arith.constant 0 : i32
        %broadcast_in_dim3A_321 = vector.broadcast %jit3A_320 : i32 to vector<16xi32>
        %select_n3A_322 = arith.select %ge3A_319, %gather3A_316, %broadcast_in_dim3A_321 : vector<16xi1>, vector<16xi32>
        %add3A_323 = arith.addi %add3A_307, %select_n3A_322 : vector<16xi32>
        %sub3A_324 = arith.constant 8 : i32
        %sub3A_325 = vector.broadcast %sub3A_324 : i32 to vector<16xi32>
        %sub3A_326 = arith.subi %iota3A_270, %sub3A_325 : vector<16xi32>
        %max3A_327 = arith.constant 0 : i32
        %max3A_328 = vector.broadcast %max3A_327 : i32 to vector<16xi32>
        %max3A_329 = arith.maxsi %sub3A_326, %max3A_328 : vector<16xi32>
        %broadcast_in_dim3A_330 = vector.shape_cast %max3A_329 : vector<16xi32> to vector<16x1xi32>
        %gather3A_331 = vector.shape_cast %broadcast_in_dim3A_330 : vector<16x1xi32> to vector<16xi32>
        %gather3A_332 = tpu.dynamic_gather %add3A_323[%gather3A_331] in [0] : vector<16xi32>, vector<16xi32> -> vector<16xi32>
        %ge3A_333 = arith.constant 8 : i32
        %ge3A_334 = vector.broadcast %ge3A_333 : i32 to vector<16xi32>
        %ge3A_335 = arith.cmpi sge, %iota3A_270, %ge3A_334 : vector<16xi32>
        %jit3A_336 = arith.constant 0 : i32
        %broadcast_in_dim3A_337 = vector.broadcast %jit3A_336 : i32 to vector<16xi32>
        %select_n3A_338 = arith.select %ge3A_335, %gather3A_332, %broadcast_in_dim3A_337 : vector<16xi1>, vector<16xi32>
        %add3A_339 = arith.addi %add3A_323, %select_n3A_338 : vector<16xi32>
        %slice3A_340 = vector.extract_strided_slice %add3A_339 {offsets = [15], sizes = [1], strides = [1]} : vector<16xi32> to vector<1xi32>
        %squeeze3A_341 = vector.extract %slice3A_340[0] : i32 from vector<1xi32>
        %add3A_342 = arith.addi %while3A_41, %squeeze3A_341 : i32
        %eq3A_343 = arith.constant 4 : i32
        %eq3A_344 = vector.broadcast %eq3A_343 : i32 to vector<16xi32>
        %eq3A_345 = arith.cmpi eq, %get3A_49, %eq3A_344 : vector<16xi32>
        %iota3A_346 = tpu.iota {dimensions = array<i32: 0>} : vector<16xi32>
        %jit3A_347 = arith.constant 1 : i32
        %jit3A_348 = arith.constant 0 : i32
        %broadcast_in_dim3A_349 = vector.broadcast %jit3A_347 : i32 to vector<16xi32>
        %broadcast_in_dim3A_350 = vector.broadcast %jit3A_348 : i32 to vector<16xi32>
        %select_n3A_351 = arith.select %eq3A_345, %broadcast_in_dim3A_349, %broadcast_in_dim3A_350 : vector<16xi1>, vector<16xi32>
        %sub3A_352 = arith.constant 1 : i32
        %sub3A_353 = vector.broadcast %sub3A_352 : i32 to vector<16xi32>
        %sub3A_354 = arith.subi %iota3A_346, %sub3A_353 : vector<16xi32>
        %max3A_355 = arith.constant 0 : i32
        %max3A_356 = vector.broadcast %max3A_355 : i32 to vector<16xi32>
        %max3A_357 = arith.maxsi %sub3A_354, %max3A_356 : vector<16xi32>
        %broadcast_in_dim3A_358 = vector.shape_cast %max3A_357 : vector<16xi32> to vector<16x1xi32>
        %gather3A_359 = vector.shape_cast %broadcast_in_dim3A_358 : vector<16x1xi32> to vector<16xi32>
        %gather3A_360 = tpu.dynamic_gather %select_n3A_351[%gather3A_359] in [0] : vector<16xi32>, vector<16xi32> -> vector<16xi32>
        %ge3A_361 = arith.constant 1 : i32
        %ge3A_362 = vector.broadcast %ge3A_361 : i32 to vector<16xi32>
        %ge3A_363 = arith.cmpi sge, %iota3A_346, %ge3A_362 : vector<16xi32>
        %jit3A_364 = arith.constant 0 : i32
        %broadcast_in_dim3A_365 = vector.broadcast %jit3A_364 : i32 to vector<16xi32>
        %select_n3A_366 = arith.select %ge3A_363, %gather3A_360, %broadcast_in_dim3A_365 : vector<16xi1>, vector<16xi32>
        %add3A_367 = arith.addi %select_n3A_351, %select_n3A_366 : vector<16xi32>
        %sub3A_368 = arith.constant 2 : i32
        %sub3A_369 = vector.broadcast %sub3A_368 : i32 to vector<16xi32>
        %sub3A_370 = arith.subi %iota3A_346, %sub3A_369 : vector<16xi32>
        %max3A_371 = arith.constant 0 : i32
        %max3A_372 = vector.broadcast %max3A_371 : i32 to vector<16xi32>
        %max3A_373 = arith.maxsi %sub3A_370, %max3A_372 : vector<16xi32>
        %broadcast_in_dim3A_374 = vector.shape_cast %max3A_373 : vector<16xi32> to vector<16x1xi32>
        %gather3A_375 = vector.shape_cast %broadcast_in_dim3A_374 : vector<16x1xi32> to vector<16xi32>
        %gather3A_376 = tpu.dynamic_gather %add3A_367[%gather3A_375] in [0] : vector<16xi32>, vector<16xi32> -> vector<16xi32>
        %ge3A_377 = arith.constant 2 : i32
        %ge3A_378 = vector.broadcast %ge3A_377 : i32 to vector<16xi32>
        %ge3A_379 = arith.cmpi sge, %iota3A_346, %ge3A_378 : vector<16xi32>
        %jit3A_380 = arith.constant 0 : i32
        %broadcast_in_dim3A_381 = vector.broadcast %jit3A_380 : i32 to vector<16xi32>
        %select_n3A_382 = arith.select %ge3A_379, %gather3A_376, %broadcast_in_dim3A_381 : vector<16xi1>, vector<16xi32>
        %add3A_383 = arith.addi %add3A_367, %select_n3A_382 : vector<16xi32>
        %sub3A_384 = arith.constant 4 : i32
        %sub3A_385 = vector.broadcast %sub3A_384 : i32 to vector<16xi32>
        %sub3A_386 = arith.subi %iota3A_346, %sub3A_385 : vector<16xi32>
        %max3A_387 = arith.constant 0 : i32
        %max3A_388 = vector.broadcast %max3A_387 : i32 to vector<16xi32>
        %max3A_389 = arith.maxsi %sub3A_386, %max3A_388 : vector<16xi32>
        %broadcast_in_dim3A_390 = vector.shape_cast %max3A_389 : vector<16xi32> to vector<16x1xi32>
        %gather3A_391 = vector.shape_cast %broadcast_in_dim3A_390 : vector<16x1xi32> to vector<16xi32>
        %gather3A_392 = tpu.dynamic_gather %add3A_383[%gather3A_391] in [0] : vector<16xi32>, vector<16xi32> -> vector<16xi32>
        %ge3A_393 = arith.constant 4 : i32
        %ge3A_394 = vector.broadcast %ge3A_393 : i32 to vector<16xi32>
        %ge3A_395 = arith.cmpi sge, %iota3A_346, %ge3A_394 : vector<16xi32>
        %jit3A_396 = arith.constant 0 : i32
        %broadcast_in_dim3A_397 = vector.broadcast %jit3A_396 : i32 to vector<16xi32>
        %select_n3A_398 = arith.select %ge3A_395, %gather3A_392, %broadcast_in_dim3A_397 : vector<16xi1>, vector<16xi32>
        %add3A_399 = arith.addi %add3A_383, %select_n3A_398 : vector<16xi32>
        %sub3A_400 = arith.constant 8 : i32
        %sub3A_401 = vector.broadcast %sub3A_400 : i32 to vector<16xi32>
        %sub3A_402 = arith.subi %iota3A_346, %sub3A_401 : vector<16xi32>
        %max3A_403 = arith.constant 0 : i32
        %max3A_404 = vector.broadcast %max3A_403 : i32 to vector<16xi32>
        %max3A_405 = arith.maxsi %sub3A_402, %max3A_404 : vector<16xi32>
        %broadcast_in_dim3A_406 = vector.shape_cast %max3A_405 : vector<16xi32> to vector<16x1xi32>
        %gather3A_407 = vector.shape_cast %broadcast_in_dim3A_406 : vector<16x1xi32> to vector<16xi32>
        %gather3A_408 = tpu.dynamic_gather %add3A_399[%gather3A_407] in [0] : vector<16xi32>, vector<16xi32> -> vector<16xi32>
        %ge3A_409 = arith.constant 8 : i32
        %ge3A_410 = vector.broadcast %ge3A_409 : i32 to vector<16xi32>
        %ge3A_411 = arith.cmpi sge, %iota3A_346, %ge3A_410 : vector<16xi32>
        %jit3A_412 = arith.constant 0 : i32
        %broadcast_in_dim3A_413 = vector.broadcast %jit3A_412 : i32 to vector<16xi32>
        %select_n3A_414 = arith.select %ge3A_411, %gather3A_408, %broadcast_in_dim3A_413 : vector<16xi1>, vector<16xi32>
        %add3A_415 = arith.addi %add3A_399, %select_n3A_414 : vector<16xi32>
        %slice3A_416 = vector.extract_strided_slice %add3A_415 {offsets = [15], sizes = [1], strides = [1]} : vector<16xi32> to vector<1xi32>
        %squeeze3A_417 = vector.extract %slice3A_416[0] : i32 from vector<1xi32>
        %add3A_418 = arith.addi %while3A_42, %squeeze3A_417 : i32
        %eq3A_419 = arith.constant 5 : i32
        %eq3A_420 = vector.broadcast %eq3A_419 : i32 to vector<16xi32>
        %eq3A_421 = arith.cmpi eq, %get3A_49, %eq3A_420 : vector<16xi32>
        %iota3A_422 = tpu.iota {dimensions = array<i32: 0>} : vector<16xi32>
        %jit3A_423 = arith.constant 1 : i32
        %jit3A_424 = arith.constant 0 : i32
        %broadcast_in_dim3A_425 = vector.broadcast %jit3A_423 : i32 to vector<16xi32>
        %broadcast_in_dim3A_426 = vector.broadcast %jit3A_424 : i32 to vector<16xi32>
        %select_n3A_427 = arith.select %eq3A_421, %broadcast_in_dim3A_425, %broadcast_in_dim3A_426 : vector<16xi1>, vector<16xi32>
        %sub3A_428 = arith.constant 1 : i32
        %sub3A_429 = vector.broadcast %sub3A_428 : i32 to vector<16xi32>
        %sub3A_430 = arith.subi %iota3A_422, %sub3A_429 : vector<16xi32>
        %max3A_431 = arith.constant 0 : i32
        %max3A_432 = vector.broadcast %max3A_431 : i32 to vector<16xi32>
        %max3A_433 = arith.maxsi %sub3A_430, %max3A_432 : vector<16xi32>
        %broadcast_in_dim3A_434 = vector.shape_cast %max3A_433 : vector<16xi32> to vector<16x1xi32>
        %gather3A_435 = vector.shape_cast %broadcast_in_dim3A_434 : vector<16x1xi32> to vector<16xi32>
        %gather3A_436 = tpu.dynamic_gather %select_n3A_427[%gather3A_435] in [0] : vector<16xi32>, vector<16xi32> -> vector<16xi32>
        %ge3A_437 = arith.constant 1 : i32
        %ge3A_438 = vector.broadcast %ge3A_437 : i32 to vector<16xi32>
        %ge3A_439 = arith.cmpi sge, %iota3A_422, %ge3A_438 : vector<16xi32>
        %jit3A_440 = arith.constant 0 : i32
        %broadcast_in_dim3A_441 = vector.broadcast %jit3A_440 : i32 to vector<16xi32>
        %select_n3A_442 = arith.select %ge3A_439, %gather3A_436, %broadcast_in_dim3A_441 : vector<16xi1>, vector<16xi32>
        %add3A_443 = arith.addi %select_n3A_427, %select_n3A_442 : vector<16xi32>
        %sub3A_444 = arith.constant 2 : i32
        %sub3A_445 = vector.broadcast %sub3A_444 : i32 to vector<16xi32>
        %sub3A_446 = arith.subi %iota3A_422, %sub3A_445 : vector<16xi32>
        %max3A_447 = arith.constant 0 : i32
        %max3A_448 = vector.broadcast %max3A_447 : i32 to vector<16xi32>
        %max3A_449 = arith.maxsi %sub3A_446, %max3A_448 : vector<16xi32>
        %broadcast_in_dim3A_450 = vector.shape_cast %max3A_449 : vector<16xi32> to vector<16x1xi32>
        %gather3A_451 = vector.shape_cast %broadcast_in_dim3A_450 : vector<16x1xi32> to vector<16xi32>
        %gather3A_452 = tpu.dynamic_gather %add3A_443[%gather3A_451] in [0] : vector<16xi32>, vector<16xi32> -> vector<16xi32>
        %ge3A_453 = arith.constant 2 : i32
        %ge3A_454 = vector.broadcast %ge3A_453 : i32 to vector<16xi32>
        %ge3A_455 = arith.cmpi sge, %iota3A_422, %ge3A_454 : vector<16xi32>
        %jit3A_456 = arith.constant 0 : i32
        %broadcast_in_dim3A_457 = vector.broadcast %jit3A_456 : i32 to vector<16xi32>
        %select_n3A_458 = arith.select %ge3A_455, %gather3A_452, %broadcast_in_dim3A_457 : vector<16xi1>, vector<16xi32>
        %add3A_459 = arith.addi %add3A_443, %select_n3A_458 : vector<16xi32>
        %sub3A_460 = arith.constant 4 : i32
        %sub3A_461 = vector.broadcast %sub3A_460 : i32 to vector<16xi32>
        %sub3A_462 = arith.subi %iota3A_422, %sub3A_461 : vector<16xi32>
        %max3A_463 = arith.constant 0 : i32
        %max3A_464 = vector.broadcast %max3A_463 : i32 to vector<16xi32>
        %max3A_465 = arith.maxsi %sub3A_462, %max3A_464 : vector<16xi32>
        %broadcast_in_dim3A_466 = vector.shape_cast %max3A_465 : vector<16xi32> to vector<16x1xi32>
        %gather3A_467 = vector.shape_cast %broadcast_in_dim3A_466 : vector<16x1xi32> to vector<16xi32>
        %gather3A_468 = tpu.dynamic_gather %add3A_459[%gather3A_467] in [0] : vector<16xi32>, vector<16xi32> -> vector<16xi32>
        %ge3A_469 = arith.constant 4 : i32
        %ge3A_470 = vector.broadcast %ge3A_469 : i32 to vector<16xi32>
        %ge3A_471 = arith.cmpi sge, %iota3A_422, %ge3A_470 : vector<16xi32>
        %jit3A_472 = arith.constant 0 : i32
        %broadcast_in_dim3A_473 = vector.broadcast %jit3A_472 : i32 to vector<16xi32>
        %select_n3A_474 = arith.select %ge3A_471, %gather3A_468, %broadcast_in_dim3A_473 : vector<16xi1>, vector<16xi32>
        %add3A_475 = arith.addi %add3A_459, %select_n3A_474 : vector<16xi32>
        %sub3A_476 = arith.constant 8 : i32
        %sub3A_477 = vector.broadcast %sub3A_476 : i32 to vector<16xi32>
        %sub3A_478 = arith.subi %iota3A_422, %sub3A_477 : vector<16xi32>
        %max3A_479 = arith.constant 0 : i32
        %max3A_480 = vector.broadcast %max3A_479 : i32 to vector<16xi32>
        %max3A_481 = arith.maxsi %sub3A_478, %max3A_480 : vector<16xi32>
        %broadcast_in_dim3A_482 = vector.shape_cast %max3A_481 : vector<16xi32> to vector<16x1xi32>
        %gather3A_483 = vector.shape_cast %broadcast_in_dim3A_482 : vector<16x1xi32> to vector<16xi32>
        %gather3A_484 = tpu.dynamic_gather %add3A_475[%gather3A_483] in [0] : vector<16xi32>, vector<16xi32> -> vector<16xi32>
        %ge3A_485 = arith.constant 8 : i32
        %ge3A_486 = vector.broadcast %ge3A_485 : i32 to vector<16xi32>
        %ge3A_487 = arith.cmpi sge, %iota3A_422, %ge3A_486 : vector<16xi32>
        %jit3A_488 = arith.constant 0 : i32
        %broadcast_in_dim3A_489 = vector.broadcast %jit3A_488 : i32 to vector<16xi32>
        %select_n3A_490 = arith.select %ge3A_487, %gather3A_484, %broadcast_in_dim3A_489 : vector<16xi1>, vector<16xi32>
        %add3A_491 = arith.addi %add3A_475, %select_n3A_490 : vector<16xi32>
        %slice3A_492 = vector.extract_strided_slice %add3A_491 {offsets = [15], sizes = [1], strides = [1]} : vector<16xi32> to vector<1xi32>
        %squeeze3A_493 = vector.extract %slice3A_492[0] : i32 from vector<1xi32>
        %add3A_494 = arith.addi %while3A_43, %squeeze3A_493 : i32
        %eq3A_495 = arith.constant 6 : i32
        %eq3A_496 = vector.broadcast %eq3A_495 : i32 to vector<16xi32>
        %eq3A_497 = arith.cmpi eq, %get3A_49, %eq3A_496 : vector<16xi32>
        %iota3A_498 = tpu.iota {dimensions = array<i32: 0>} : vector<16xi32>
        %jit3A_499 = arith.constant 1 : i32
        %jit3A_500 = arith.constant 0 : i32
        %broadcast_in_dim3A_501 = vector.broadcast %jit3A_499 : i32 to vector<16xi32>
        %broadcast_in_dim3A_502 = vector.broadcast %jit3A_500 : i32 to vector<16xi32>
        %select_n3A_503 = arith.select %eq3A_497, %broadcast_in_dim3A_501, %broadcast_in_dim3A_502 : vector<16xi1>, vector<16xi32>
        %sub3A_504 = arith.constant 1 : i32
        %sub3A_505 = vector.broadcast %sub3A_504 : i32 to vector<16xi32>
        %sub3A_506 = arith.subi %iota3A_498, %sub3A_505 : vector<16xi32>
        %max3A_507 = arith.constant 0 : i32
        %max3A_508 = vector.broadcast %max3A_507 : i32 to vector<16xi32>
        %max3A_509 = arith.maxsi %sub3A_506, %max3A_508 : vector<16xi32>
        %broadcast_in_dim3A_510 = vector.shape_cast %max3A_509 : vector<16xi32> to vector<16x1xi32>
        %gather3A_511 = vector.shape_cast %broadcast_in_dim3A_510 : vector<16x1xi32> to vector<16xi32>
        %gather3A_512 = tpu.dynamic_gather %select_n3A_503[%gather3A_511] in [0] : vector<16xi32>, vector<16xi32> -> vector<16xi32>
        %ge3A_513 = arith.constant 1 : i32
        %ge3A_514 = vector.broadcast %ge3A_513 : i32 to vector<16xi32>
        %ge3A_515 = arith.cmpi sge, %iota3A_498, %ge3A_514 : vector<16xi32>
        %jit3A_516 = arith.constant 0 : i32
        %broadcast_in_dim3A_517 = vector.broadcast %jit3A_516 : i32 to vector<16xi32>
        %select_n3A_518 = arith.select %ge3A_515, %gather3A_512, %broadcast_in_dim3A_517 : vector<16xi1>, vector<16xi32>
        %add3A_519 = arith.addi %select_n3A_503, %select_n3A_518 : vector<16xi32>
        %sub3A_520 = arith.constant 2 : i32
        %sub3A_521 = vector.broadcast %sub3A_520 : i32 to vector<16xi32>
        %sub3A_522 = arith.subi %iota3A_498, %sub3A_521 : vector<16xi32>
        %max3A_523 = arith.constant 0 : i32
        %max3A_524 = vector.broadcast %max3A_523 : i32 to vector<16xi32>
        %max3A_525 = arith.maxsi %sub3A_522, %max3A_524 : vector<16xi32>
        %broadcast_in_dim3A_526 = vector.shape_cast %max3A_525 : vector<16xi32> to vector<16x1xi32>
        %gather3A_527 = vector.shape_cast %broadcast_in_dim3A_526 : vector<16x1xi32> to vector<16xi32>
        %gather3A_528 = tpu.dynamic_gather %add3A_519[%gather3A_527] in [0] : vector<16xi32>, vector<16xi32> -> vector<16xi32>
        %ge3A_529 = arith.constant 2 : i32
        %ge3A_530 = vector.broadcast %ge3A_529 : i32 to vector<16xi32>
        %ge3A_531 = arith.cmpi sge, %iota3A_498, %ge3A_530 : vector<16xi32>
        %jit3A_532 = arith.constant 0 : i32
        %broadcast_in_dim3A_533 = vector.broadcast %jit3A_532 : i32 to vector<16xi32>
        %select_n3A_534 = arith.select %ge3A_531, %gather3A_528, %broadcast_in_dim3A_533 : vector<16xi1>, vector<16xi32>
        %add3A_535 = arith.addi %add3A_519, %select_n3A_534 : vector<16xi32>
        %sub3A_536 = arith.constant 4 : i32
        %sub3A_537 = vector.broadcast %sub3A_536 : i32 to vector<16xi32>
        %sub3A_538 = arith.subi %iota3A_498, %sub3A_537 : vector<16xi32>
        %max3A_539 = arith.constant 0 : i32
        %max3A_540 = vector.broadcast %max3A_539 : i32 to vector<16xi32>
        %max3A_541 = arith.maxsi %sub3A_538, %max3A_540 : vector<16xi32>
        %broadcast_in_dim3A_542 = vector.shape_cast %max3A_541 : vector<16xi32> to vector<16x1xi32>
        %gather3A_543 = vector.shape_cast %broadcast_in_dim3A_542 : vector<16x1xi32> to vector<16xi32>
        %gather3A_544 = tpu.dynamic_gather %add3A_535[%gather3A_543] in [0] : vector<16xi32>, vector<16xi32> -> vector<16xi32>
        %ge3A_545 = arith.constant 4 : i32
        %ge3A_546 = vector.broadcast %ge3A_545 : i32 to vector<16xi32>
        %ge3A_547 = arith.cmpi sge, %iota3A_498, %ge3A_546 : vector<16xi32>
        %jit3A_548 = arith.constant 0 : i32
        %broadcast_in_dim3A_549 = vector.broadcast %jit3A_548 : i32 to vector<16xi32>
        %select_n3A_550 = arith.select %ge3A_547, %gather3A_544, %broadcast_in_dim3A_549 : vector<16xi1>, vector<16xi32>
        %add3A_551 = arith.addi %add3A_535, %select_n3A_550 : vector<16xi32>
        %sub3A_552 = arith.constant 8 : i32
        %sub3A_553 = vector.broadcast %sub3A_552 : i32 to vector<16xi32>
        %sub3A_554 = arith.subi %iota3A_498, %sub3A_553 : vector<16xi32>
        %max3A_555 = arith.constant 0 : i32
        %max3A_556 = vector.broadcast %max3A_555 : i32 to vector<16xi32>
        %max3A_557 = arith.maxsi %sub3A_554, %max3A_556 : vector<16xi32>
        %broadcast_in_dim3A_558 = vector.shape_cast %max3A_557 : vector<16xi32> to vector<16x1xi32>
        %gather3A_559 = vector.shape_cast %broadcast_in_dim3A_558 : vector<16x1xi32> to vector<16xi32>
        %gather3A_560 = tpu.dynamic_gather %add3A_551[%gather3A_559] in [0] : vector<16xi32>, vector<16xi32> -> vector<16xi32>
        %ge3A_561 = arith.constant 8 : i32
        %ge3A_562 = vector.broadcast %ge3A_561 : i32 to vector<16xi32>
        %ge3A_563 = arith.cmpi sge, %iota3A_498, %ge3A_562 : vector<16xi32>
        %jit3A_564 = arith.constant 0 : i32
        %broadcast_in_dim3A_565 = vector.broadcast %jit3A_564 : i32 to vector<16xi32>
        %select_n3A_566 = arith.select %ge3A_563, %gather3A_560, %broadcast_in_dim3A_565 : vector<16xi1>, vector<16xi32>
        %add3A_567 = arith.addi %add3A_551, %select_n3A_566 : vector<16xi32>
        %slice3A_568 = vector.extract_strided_slice %add3A_567 {offsets = [15], sizes = [1], strides = [1]} : vector<16xi32> to vector<1xi32>
        %squeeze3A_569 = vector.extract %slice3A_568[0] : i32 from vector<1xi32>
        %add3A_570 = arith.addi %while3A_44, %squeeze3A_569 : i32
        %eq3A_571 = arith.constant 7 : i32
        %eq3A_572 = vector.broadcast %eq3A_571 : i32 to vector<16xi32>
        %eq3A_573 = arith.cmpi eq, %get3A_49, %eq3A_572 : vector<16xi32>
        %iota3A_574 = tpu.iota {dimensions = array<i32: 0>} : vector<16xi32>
        %jit3A_575 = arith.constant 1 : i32
        %jit3A_576 = arith.constant 0 : i32
        %broadcast_in_dim3A_577 = vector.broadcast %jit3A_575 : i32 to vector<16xi32>
        %broadcast_in_dim3A_578 = vector.broadcast %jit3A_576 : i32 to vector<16xi32>
        %select_n3A_579 = arith.select %eq3A_573, %broadcast_in_dim3A_577, %broadcast_in_dim3A_578 : vector<16xi1>, vector<16xi32>
        %sub3A_580 = arith.constant 1 : i32
        %sub3A_581 = vector.broadcast %sub3A_580 : i32 to vector<16xi32>
        %sub3A_582 = arith.subi %iota3A_574, %sub3A_581 : vector<16xi32>
        %max3A_583 = arith.constant 0 : i32
        %max3A_584 = vector.broadcast %max3A_583 : i32 to vector<16xi32>
        %max3A_585 = arith.maxsi %sub3A_582, %max3A_584 : vector<16xi32>
        %broadcast_in_dim3A_586 = vector.shape_cast %max3A_585 : vector<16xi32> to vector<16x1xi32>
        %gather3A_587 = vector.shape_cast %broadcast_in_dim3A_586 : vector<16x1xi32> to vector<16xi32>
        %gather3A_588 = tpu.dynamic_gather %select_n3A_579[%gather3A_587] in [0] : vector<16xi32>, vector<16xi32> -> vector<16xi32>
        %ge3A_589 = arith.constant 1 : i32
        %ge3A_590 = vector.broadcast %ge3A_589 : i32 to vector<16xi32>
        %ge3A_591 = arith.cmpi sge, %iota3A_574, %ge3A_590 : vector<16xi32>
        %jit3A_592 = arith.constant 0 : i32
        %broadcast_in_dim3A_593 = vector.broadcast %jit3A_592 : i32 to vector<16xi32>
        %select_n3A_594 = arith.select %ge3A_591, %gather3A_588, %broadcast_in_dim3A_593 : vector<16xi1>, vector<16xi32>
        %add3A_595 = arith.addi %select_n3A_579, %select_n3A_594 : vector<16xi32>
        %sub3A_596 = arith.constant 2 : i32
        %sub3A_597 = vector.broadcast %sub3A_596 : i32 to vector<16xi32>
        %sub3A_598 = arith.subi %iota3A_574, %sub3A_597 : vector<16xi32>
        %max3A_599 = arith.constant 0 : i32
        %max3A_600 = vector.broadcast %max3A_599 : i32 to vector<16xi32>
        %max3A_601 = arith.maxsi %sub3A_598, %max3A_600 : vector<16xi32>
        %broadcast_in_dim3A_602 = vector.shape_cast %max3A_601 : vector<16xi32> to vector<16x1xi32>
        %gather3A_603 = vector.shape_cast %broadcast_in_dim3A_602 : vector<16x1xi32> to vector<16xi32>
        %gather3A_604 = tpu.dynamic_gather %add3A_595[%gather3A_603] in [0] : vector<16xi32>, vector<16xi32> -> vector<16xi32>
        %ge3A_605 = arith.constant 2 : i32
        %ge3A_606 = vector.broadcast %ge3A_605 : i32 to vector<16xi32>
        %ge3A_607 = arith.cmpi sge, %iota3A_574, %ge3A_606 : vector<16xi32>
        %jit3A_608 = arith.constant 0 : i32
        %broadcast_in_dim3A_609 = vector.broadcast %jit3A_608 : i32 to vector<16xi32>
        %select_n3A_610 = arith.select %ge3A_607, %gather3A_604, %broadcast_in_dim3A_609 : vector<16xi1>, vector<16xi32>
        %add3A_611 = arith.addi %add3A_595, %select_n3A_610 : vector<16xi32>
        %sub3A_612 = arith.constant 4 : i32
        %sub3A_613 = vector.broadcast %sub3A_612 : i32 to vector<16xi32>
        %sub3A_614 = arith.subi %iota3A_574, %sub3A_613 : vector<16xi32>
        %max3A_615 = arith.constant 0 : i32
        %max3A_616 = vector.broadcast %max3A_615 : i32 to vector<16xi32>
        %max3A_617 = arith.maxsi %sub3A_614, %max3A_616 : vector<16xi32>
        %broadcast_in_dim3A_618 = vector.shape_cast %max3A_617 : vector<16xi32> to vector<16x1xi32>
        %gather3A_619 = vector.shape_cast %broadcast_in_dim3A_618 : vector<16x1xi32> to vector<16xi32>
        %gather3A_620 = tpu.dynamic_gather %add3A_611[%gather3A_619] in [0] : vector<16xi32>, vector<16xi32> -> vector<16xi32>
        %ge3A_621 = arith.constant 4 : i32
        %ge3A_622 = vector.broadcast %ge3A_621 : i32 to vector<16xi32>
        %ge3A_623 = arith.cmpi sge, %iota3A_574, %ge3A_622 : vector<16xi32>
        %jit3A_624 = arith.constant 0 : i32
        %broadcast_in_dim3A_625 = vector.broadcast %jit3A_624 : i32 to vector<16xi32>
        %select_n3A_626 = arith.select %ge3A_623, %gather3A_620, %broadcast_in_dim3A_625 : vector<16xi1>, vector<16xi32>
        %add3A_627 = arith.addi %add3A_611, %select_n3A_626 : vector<16xi32>
        %sub3A_628 = arith.constant 8 : i32
        %sub3A_629 = vector.broadcast %sub3A_628 : i32 to vector<16xi32>
        %sub3A_630 = arith.subi %iota3A_574, %sub3A_629 : vector<16xi32>
        %max3A_631 = arith.constant 0 : i32
        %max3A_632 = vector.broadcast %max3A_631 : i32 to vector<16xi32>
        %max3A_633 = arith.maxsi %sub3A_630, %max3A_632 : vector<16xi32>
        %broadcast_in_dim3A_634 = vector.shape_cast %max3A_633 : vector<16xi32> to vector<16x1xi32>
        %gather3A_635 = vector.shape_cast %broadcast_in_dim3A_634 : vector<16x1xi32> to vector<16xi32>
        %gather3A_636 = tpu.dynamic_gather %add3A_627[%gather3A_635] in [0] : vector<16xi32>, vector<16xi32> -> vector<16xi32>
        %ge3A_637 = arith.constant 8 : i32
        %ge3A_638 = vector.broadcast %ge3A_637 : i32 to vector<16xi32>
        %ge3A_639 = arith.cmpi sge, %iota3A_574, %ge3A_638 : vector<16xi32>
        %jit3A_640 = arith.constant 0 : i32
        %broadcast_in_dim3A_641 = vector.broadcast %jit3A_640 : i32 to vector<16xi32>
        %select_n3A_642 = arith.select %ge3A_639, %gather3A_636, %broadcast_in_dim3A_641 : vector<16xi1>, vector<16xi32>
        %add3A_643 = arith.addi %add3A_627, %select_n3A_642 : vector<16xi32>
        %slice3A_644 = vector.extract_strided_slice %add3A_643 {offsets = [15], sizes = [1], strides = [1]} : vector<16xi32> to vector<1xi32>
        %squeeze3A_645 = vector.extract %slice3A_644[0] : i32 from vector<1xi32>
        %add3A_646 = arith.addi %while3A_45, %squeeze3A_645 : i32
        scf.yield %add3A_114, %add3A_190, %add3A_266, %add3A_342, %add3A_418, %add3A_494, %add3A_570, %add3A_646 : i32, i32, i32, i32, i32, i32, i32, i32
      }
      %while3A_21 = arith.constant 1 : i32
      %while3A_22:8 = scf.for %while3A_37 = %while3A_18 to %while3A_14 step %while3A_21 iter_args(%while3A_38 = %while3A_20#0, %while3A_39 = %while3A_20#1, %while3A_40 = %while3A_20#2, %while3A_41 = %while3A_20#3, %while3A_42 = %while3A_20#4, %while3A_43 = %while3A_20#5, %while3A_44 = %while3A_20#6, %while3A_45 = %while3A_20#7) -> (i32, i32, i32, i32, i32, i32, i32, i32)  : i32 {
        %mul3A_46 = arith.constant 16 : i32
        %mul3A_47 = arith.muli %while3A_37, %mul3A_46 : i32
        %get3A = arith.index_cast %mul3A_47 : i32 to index
        %get3A_48 = tpu.vector_load %arg4[%get3A] {strides = array<i32>} : memref<8192xi32, #tpu.memory_space<vmem>>, vector<16xi32>,
        %get3A_49 = vector.shape_cast %get3A_48 : vector<16xi32> to vector<16xi32>
        %eq3A = arith.constant 0 : i32
        %eq3A_50 = vector.broadcast %eq3A : i32 to vector<16xi32>
        %eq3A_51 = arith.cmpi eq, %get3A_49, %eq3A_50 : vector<16xi32>
        %iota3A = tpu.iota {dimensions = array<i32: 0>} : vector<16xi32>
        %jit3A = arith.constant 1 : i32
        %jit3A_52 = arith.constant 0 : i32
        %broadcast_in_dim3A = vector.broadcast %jit3A : i32 to vector<16xi32>
        %broadcast_in_dim3A_53 = vector.broadcast %jit3A_52 : i32 to vector<16xi32>
        %select_n3A = arith.select %eq3A_51, %broadcast_in_dim3A, %broadcast_in_dim3A_53 : vector<16xi1>, vector<16xi32>
        %sub3A = arith.constant 1 : i32
        %sub3A_54 = vector.broadcast %sub3A : i32 to vector<16xi32>
        %sub3A_55 = arith.subi %iota3A, %sub3A_54 : vector<16xi32>
        %max3A = arith.constant 0 : i32
        %max3A_56 = vector.broadcast %max3A : i32 to vector<16xi32>
        %max3A_57 = arith.maxsi %sub3A_55, %max3A_56 : vector<16xi32>
        %broadcast_in_dim3A_58 = vector.shape_cast %max3A_57 : vector<16xi32> to vector<16x1xi32>
        %gather3A = vector.shape_cast %broadcast_in_dim3A_58 : vector<16x1xi32> to vector<16xi32>
        %gather3A_59 = tpu.dynamic_gather %select_n3A[%gather3A] in [0] : vector<16xi32>, vector<16xi32> -> vector<16xi32>
        %ge3A = arith.constant 1 : i32
        %ge3A_60 = vector.broadcast %ge3A : i32 to vector<16xi32>
        %ge3A_61 = arith.cmpi sge, %iota3A, %ge3A_60 : vector<16xi32>
        %jit3A_62 = arith.constant 0 : i32
        %broadcast_in_dim3A_63 = vector.broadcast %jit3A_62 : i32 to vector<16xi32>
        %select_n3A_64 = arith.select %ge3A_61, %gather3A_59, %broadcast_in_dim3A_63 : vector<16xi1>, vector<16xi32>
        %add3A_65 = arith.addi %select_n3A, %select_n3A_64 : vector<16xi32>
        %sub3A_66 = arith.constant 2 : i32
        %sub3A_67 = vector.broadcast %sub3A_66 : i32 to vector<16xi32>
        %sub3A_68 = arith.subi %iota3A, %sub3A_67 : vector<16xi32>
        %max3A_69 = arith.constant 0 : i32
        %max3A_70 = vector.broadcast %max3A_69 : i32 to vector<16xi32>
        %max3A_71 = arith.maxsi %sub3A_68, %max3A_70 : vector<16xi32>
        %broadcast_in_dim3A_72 = vector.shape_cast %max3A_71 : vector<16xi32> to vector<16x1xi32>
        %gather3A_73 = vector.shape_cast %broadcast_in_dim3A_72 : vector<16x1xi32> to vector<16xi32>
        %gather3A_74 = tpu.dynamic_gather %add3A_65[%gather3A_73] in [0] : vector<16xi32>, vector<16xi32> -> vector<16xi32>
        %ge3A_75 = arith.constant 2 : i32
        %ge3A_76 = vector.broadcast %ge3A_75 : i32 to vector<16xi32>
        %ge3A_77 = arith.cmpi sge, %iota3A, %ge3A_76 : vector<16xi32>
        %jit3A_78 = arith.constant 0 : i32
        %broadcast_in_dim3A_79 = vector.broadcast %jit3A_78 : i32 to vector<16xi32>
        %select_n3A_80 = arith.select %ge3A_77, %gather3A_74, %broadcast_in_dim3A_79 : vector<16xi1>, vector<16xi32>
        %add3A_81 = arith.addi %add3A_65, %select_n3A_80 : vector<16xi32>
        %sub3A_82 = arith.constant 4 : i32
        %sub3A_83 = vector.broadcast %sub3A_82 : i32 to vector<16xi32>
        %sub3A_84 = arith.subi %iota3A, %sub3A_83 : vector<16xi32>
        %max3A_85 = arith.constant 0 : i32
        %max3A_86 = vector.broadcast %max3A_85 : i32 to vector<16xi32>
        %max3A_87 = arith.maxsi %sub3A_84, %max3A_86 : vector<16xi32>
        %broadcast_in_dim3A_88 = vector.shape_cast %max3A_87 : vector<16xi32> to vector<16x1xi32>
        %gather3A_89 = vector.shape_cast %broadcast_in_dim3A_88 : vector<16x1xi32> to vector<16xi32>
        %gather3A_90 = tpu.dynamic_gather %add3A_81[%gather3A_89] in [0] : vector<16xi32>, vector<16xi32> -> vector<16xi32>
        %ge3A_91 = arith.constant 4 : i32
        %ge3A_92 = vector.broadcast %ge3A_91 : i32 to vector<16xi32>
        %ge3A_93 = arith.cmpi sge, %iota3A, %ge3A_92 : vector<16xi32>
        %jit3A_94 = arith.constant 0 : i32
        %broadcast_in_dim3A_95 = vector.broadcast %jit3A_94 : i32 to vector<16xi32>
        %select_n3A_96 = arith.select %ge3A_93, %gather3A_90, %broadcast_in_dim3A_95 : vector<16xi1>, vector<16xi32>
        %add3A_97 = arith.addi %add3A_81, %select_n3A_96 : vector<16xi32>
        %sub3A_98 = arith.constant 8 : i32
        %sub3A_99 = vector.broadcast %sub3A_98 : i32 to vector<16xi32>
        %sub3A_100 = arith.subi %iota3A, %sub3A_99 : vector<16xi32>
        %max3A_101 = arith.constant 0 : i32
        %max3A_102 = vector.broadcast %max3A_101 : i32 to vector<16xi32>
        %max3A_103 = arith.maxsi %sub3A_100, %max3A_102 : vector<16xi32>
        %broadcast_in_dim3A_104 = vector.shape_cast %max3A_103 : vector<16xi32> to vector<16x1xi32>
        %gather3A_105 = vector.shape_cast %broadcast_in_dim3A_104 : vector<16x1xi32> to vector<16xi32>
        %gather3A_106 = tpu.dynamic_gather %add3A_97[%gather3A_105] in [0] : vector<16xi32>, vector<16xi32> -> vector<16xi32>
        %ge3A_107 = arith.constant 8 : i32
        %ge3A_108 = vector.broadcast %ge3A_107 : i32 to vector<16xi32>
        %ge3A_109 = arith.cmpi sge, %iota3A, %ge3A_108 : vector<16xi32>
        %jit3A_110 = arith.constant 0 : i32
        %broadcast_in_dim3A_111 = vector.broadcast %jit3A_110 : i32 to vector<16xi32>
        %select_n3A_112 = arith.select %ge3A_109, %gather3A_106, %broadcast_in_dim3A_111 : vector<16xi1>, vector<16xi32>
        %add3A_113 = arith.addi %add3A_97, %select_n3A_112 : vector<16xi32>
        %slice3A = vector.extract_strided_slice %add3A_113 {offsets = [15], sizes = [1], strides = [1]} : vector<16xi32> to vector<1xi32>
        %squeeze3A = vector.extract %slice3A[0] : i32 from vector<1xi32>
        %add3A_114 = arith.addi %while3A_38, %squeeze3A : i32
        %eq3A_115 = arith.constant 1 : i32
        %eq3A_116 = vector.broadcast %eq3A_115 : i32 to vector<16xi32>
        %eq3A_117 = arith.cmpi eq, %get3A_49, %eq3A_116 : vector<16xi32>
        %iota3A_118 = tpu.iota {dimensions = array<i32: 0>} : vector<16xi32>
        %jit3A_119 = arith.constant 1 : i32
        %jit3A_120 = arith.constant 0 : i32
        %broadcast_in_dim3A_121 = vector.broadcast %jit3A_119 : i32 to vector<16xi32>
        %broadcast_in_dim3A_122 = vector.broadcast %jit3A_120 : i32 to vector<16xi32>
        %select_n3A_123 = arith.select %eq3A_117, %broadcast_in_dim3A_121, %broadcast_in_dim3A_122 : vector<16xi1>, vector<16xi32>
        %sub3A_124 = arith.constant 1 : i32
        %sub3A_125 = vector.broadcast %sub3A_124 : i32 to vector<16xi32>
        %sub3A_126 = arith.subi %iota3A_118, %sub3A_125 : vector<16xi32>
        %max3A_127 = arith.constant 0 : i32
        %max3A_128 = vector.broadcast %max3A_127 : i32 to vector<16xi32>
        %max3A_129 = arith.maxsi %sub3A_126, %max3A_128 : vector<16xi32>
        %broadcast_in_dim3A_130 = vector.shape_cast %max3A_129 : vector<16xi32> to vector<16x1xi32>
        %gather3A_131 = vector.shape_cast %broadcast_in_dim3A_130 : vector<16x1xi32> to vector<16xi32>
        %gather3A_132 = tpu.dynamic_gather %select_n3A_123[%gather3A_131] in [0] : vector<16xi32>, vector<16xi32> -> vector<16xi32>
        %ge3A_133 = arith.constant 1 : i32
        %ge3A_134 = vector.broadcast %ge3A_133 : i32 to vector<16xi32>
        %ge3A_135 = arith.cmpi sge, %iota3A_118, %ge3A_134 : vector<16xi32>
        %jit3A_136 = arith.constant 0 : i32
        %broadcast_in_dim3A_137 = vector.broadcast %jit3A_136 : i32 to vector<16xi32>
        %select_n3A_138 = arith.select %ge3A_135, %gather3A_132, %broadcast_in_dim3A_137 : vector<16xi1>, vector<16xi32>
        %add3A_139 = arith.addi %select_n3A_123, %select_n3A_138 : vector<16xi32>
        %sub3A_140 = arith.constant 2 : i32
        %sub3A_141 = vector.broadcast %sub3A_140 : i32 to vector<16xi32>
        %sub3A_142 = arith.subi %iota3A_118, %sub3A_141 : vector<16xi32>
        %max3A_143 = arith.constant 0 : i32
        %max3A_144 = vector.broadcast %max3A_143 : i32 to vector<16xi32>
        %max3A_145 = arith.maxsi %sub3A_142, %max3A_144 : vector<16xi32>
        %broadcast_in_dim3A_146 = vector.shape_cast %max3A_145 : vector<16xi32> to vector<16x1xi32>
        %gather3A_147 = vector.shape_cast %broadcast_in_dim3A_146 : vector<16x1xi32> to vector<16xi32>
        %gather3A_148 = tpu.dynamic_gather %add3A_139[%gather3A_147] in [0] : vector<16xi32>, vector<16xi32> -> vector<16xi32>
        %ge3A_149 = arith.constant 2 : i32
        %ge3A_150 = vector.broadcast %ge3A_149 : i32 to vector<16xi32>
        %ge3A_151 = arith.cmpi sge, %iota3A_118, %ge3A_150 : vector<16xi32>
        %jit3A_152 = arith.constant 0 : i32
        %broadcast_in_dim3A_153 = vector.broadcast %jit3A_152 : i32 to vector<16xi32>
        %select_n3A_154 = arith.select %ge3A_151, %gather3A_148, %broadcast_in_dim3A_153 : vector<16xi1>, vector<16xi32>
        %add3A_155 = arith.addi %add3A_139, %select_n3A_154 : vector<16xi32>
        %sub3A_156 = arith.constant 4 : i32
        %sub3A_157 = vector.broadcast %sub3A_156 : i32 to vector<16xi32>
        %sub3A_158 = arith.subi %iota3A_118, %sub3A_157 : vector<16xi32>
        %max3A_159 = arith.constant 0 : i32
        %max3A_160 = vector.broadcast %max3A_159 : i32 to vector<16xi32>
        %max3A_161 = arith.maxsi %sub3A_158, %max3A_160 : vector<16xi32>
        %broadcast_in_dim3A_162 = vector.shape_cast %max3A_161 : vector<16xi32> to vector<16x1xi32>
        %gather3A_163 = vector.shape_cast %broadcast_in_dim3A_162 : vector<16x1xi32> to vector<16xi32>
        %gather3A_164 = tpu.dynamic_gather %add3A_155[%gather3A_163] in [0] : vector<16xi32>, vector<16xi32> -> vector<16xi32>
        %ge3A_165 = arith.constant 4 : i32
        %ge3A_166 = vector.broadcast %ge3A_165 : i32 to vector<16xi32>
        %ge3A_167 = arith.cmpi sge, %iota3A_118, %ge3A_166 : vector<16xi32>
        %jit3A_168 = arith.constant 0 : i32
        %broadcast_in_dim3A_169 = vector.broadcast %jit3A_168 : i32 to vector<16xi32>
        %select_n3A_170 = arith.select %ge3A_167, %gather3A_164, %broadcast_in_dim3A_169 : vector<16xi1>, vector<16xi32>
        %add3A_171 = arith.addi %add3A_155, %select_n3A_170 : vector<16xi32>
        %sub3A_172 = arith.constant 8 : i32
        %sub3A_173 = vector.broadcast %sub3A_172 : i32 to vector<16xi32>
        %sub3A_174 = arith.subi %iota3A_118, %sub3A_173 : vector<16xi32>
        %max3A_175 = arith.constant 0 : i32
        %max3A_176 = vector.broadcast %max3A_175 : i32 to vector<16xi32>
        %max3A_177 = arith.maxsi %sub3A_174, %max3A_176 : vector<16xi32>
        %broadcast_in_dim3A_178 = vector.shape_cast %max3A_177 : vector<16xi32> to vector<16x1xi32>
        %gather3A_179 = vector.shape_cast %broadcast_in_dim3A_178 : vector<16x1xi32> to vector<16xi32>
        %gather3A_180 = tpu.dynamic_gather %add3A_171[%gather3A_179] in [0] : vector<16xi32>, vector<16xi32> -> vector<16xi32>
        %ge3A_181 = arith.constant 8 : i32
        %ge3A_182 = vector.broadcast %ge3A_181 : i32 to vector<16xi32>
        %ge3A_183 = arith.cmpi sge, %iota3A_118, %ge3A_182 : vector<16xi32>
        %jit3A_184 = arith.constant 0 : i32
        %broadcast_in_dim3A_185 = vector.broadcast %jit3A_184 : i32 to vector<16xi32>
        %select_n3A_186 = arith.select %ge3A_183, %gather3A_180, %broadcast_in_dim3A_185 : vector<16xi1>, vector<16xi32>
        %add3A_187 = arith.addi %add3A_171, %select_n3A_186 : vector<16xi32>
        %slice3A_188 = vector.extract_strided_slice %add3A_187 {offsets = [15], sizes = [1], strides = [1]} : vector<16xi32> to vector<1xi32>
        %squeeze3A_189 = vector.extract %slice3A_188[0] : i32 from vector<1xi32>
        %add3A_190 = arith.addi %while3A_39, %squeeze3A_189 : i32
        %eq3A_191 = arith.constant 2 : i32
        %eq3A_192 = vector.broadcast %eq3A_191 : i32 to vector<16xi32>
        %eq3A_193 = arith.cmpi eq, %get3A_49, %eq3A_192 : vector<16xi32>
        %iota3A_194 = tpu.iota {dimensions = array<i32: 0>} : vector<16xi32>
        %jit3A_195 = arith.constant 1 : i32
        %jit3A_196 = arith.constant 0 : i32
        %broadcast_in_dim3A_197 = vector.broadcast %jit3A_195 : i32 to vector<16xi32>
        %broadcast_in_dim3A_198 = vector.broadcast %jit3A_196 : i32 to vector<16xi32>
        %select_n3A_199 = arith.select %eq3A_193, %broadcast_in_dim3A_197, %broadcast_in_dim3A_198 : vector<16xi1>, vector<16xi32>
        %sub3A_200 = arith.constant 1 : i32
        %sub3A_201 = vector.broadcast %sub3A_200 : i32 to vector<16xi32>
        %sub3A_202 = arith.subi %iota3A_194, %sub3A_201 : vector<16xi32>
        %max3A_203 = arith.constant 0 : i32
        %max3A_204 = vector.broadcast %max3A_203 : i32 to vector<16xi32>
        %max3A_205 = arith.maxsi %sub3A_202, %max3A_204 : vector<16xi32>
        %broadcast_in_dim3A_206 = vector.shape_cast %max3A_205 : vector<16xi32> to vector<16x1xi32>
        %gather3A_207 = vector.shape_cast %broadcast_in_dim3A_206 : vector<16x1xi32> to vector<16xi32>
        %gather3A_208 = tpu.dynamic_gather %select_n3A_199[%gather3A_207] in [0] : vector<16xi32>, vector<16xi32> -> vector<16xi32>
        %ge3A_209 = arith.constant 1 : i32
        %ge3A_210 = vector.broadcast %ge3A_209 : i32 to vector<16xi32>
        %ge3A_211 = arith.cmpi sge, %iota3A_194, %ge3A_210 : vector<16xi32>
        %jit3A_212 = arith.constant 0 : i32
        %broadcast_in_dim3A_213 = vector.broadcast %jit3A_212 : i32 to vector<16xi32>
        %select_n3A_214 = arith.select %ge3A_211, %gather3A_208, %broadcast_in_dim3A_213 : vector<16xi1>, vector<16xi32>
        %add3A_215 = arith.addi %select_n3A_199, %select_n3A_214 : vector<16xi32>
        %sub3A_216 = arith.constant 2 : i32
        %sub3A_217 = vector.broadcast %sub3A_216 : i32 to vector<16xi32>
        %sub3A_218 = arith.subi %iota3A_194, %sub3A_217 : vector<16xi32>
        %max3A_219 = arith.constant 0 : i32
        %max3A_220 = vector.broadcast %max3A_219 : i32 to vector<16xi32>
        %max3A_221 = arith.maxsi %sub3A_218, %max3A_220 : vector<16xi32>
        %broadcast_in_dim3A_222 = vector.shape_cast %max3A_221 : vector<16xi32> to vector<16x1xi32>
        %gather3A_223 = vector.shape_cast %broadcast_in_dim3A_222 : vector<16x1xi32> to vector<16xi32>
        %gather3A_224 = tpu.dynamic_gather %add3A_215[%gather3A_223] in [0] : vector<16xi32>, vector<16xi32> -> vector<16xi32>
        %ge3A_225 = arith.constant 2 : i32
        %ge3A_226 = vector.broadcast %ge3A_225 : i32 to vector<16xi32>
        %ge3A_227 = arith.cmpi sge, %iota3A_194, %ge3A_226 : vector<16xi32>
        %jit3A_228 = arith.constant 0 : i32
        %broadcast_in_dim3A_229 = vector.broadcast %jit3A_228 : i32 to vector<16xi32>
        %select_n3A_230 = arith.select %ge3A_227, %gather3A_224, %broadcast_in_dim3A_229 : vector<16xi1>, vector<16xi32>
        %add3A_231 = arith.addi %add3A_215, %select_n3A_230 : vector<16xi32>
        %sub3A_232 = arith.constant 4 : i32
        %sub3A_233 = vector.broadcast %sub3A_232 : i32 to vector<16xi32>
        %sub3A_234 = arith.subi %iota3A_194, %sub3A_233 : vector<16xi32>
        %max3A_235 = arith.constant 0 : i32
        %max3A_236 = vector.broadcast %max3A_235 : i32 to vector<16xi32>
        %max3A_237 = arith.maxsi %sub3A_234, %max3A_236 : vector<16xi32>
        %broadcast_in_dim3A_238 = vector.shape_cast %max3A_237 : vector<16xi32> to vector<16x1xi32>
        %gather3A_239 = vector.shape_cast %broadcast_in_dim3A_238 : vector<16x1xi32> to vector<16xi32>
        %gather3A_240 = tpu.dynamic_gather %add3A_231[%gather3A_239] in [0] : vector<16xi32>, vector<16xi32> -> vector<16xi32>
        %ge3A_241 = arith.constant 4 : i32
        %ge3A_242 = vector.broadcast %ge3A_241 : i32 to vector<16xi32>
        %ge3A_243 = arith.cmpi sge, %iota3A_194, %ge3A_242 : vector<16xi32>
        %jit3A_244 = arith.constant 0 : i32
        %broadcast_in_dim3A_245 = vector.broadcast %jit3A_244 : i32 to vector<16xi32>
        %select_n3A_246 = arith.select %ge3A_243, %gather3A_240, %broadcast_in_dim3A_245 : vector<16xi1>, vector<16xi32>
        %add3A_247 = arith.addi %add3A_231, %select_n3A_246 : vector<16xi32>
        %sub3A_248 = arith.constant 8 : i32
        %sub3A_249 = vector.broadcast %sub3A_248 : i32 to vector<16xi32>
        %sub3A_250 = arith.subi %iota3A_194, %sub3A_249 : vector<16xi32>
        %max3A_251 = arith.constant 0 : i32
        %max3A_252 = vector.broadcast %max3A_251 : i32 to vector<16xi32>
        %max3A_253 = arith.maxsi %sub3A_250, %max3A_252 : vector<16xi32>
        %broadcast_in_dim3A_254 = vector.shape_cast %max3A_253 : vector<16xi32> to vector<16x1xi32>
        %gather3A_255 = vector.shape_cast %broadcast_in_dim3A_254 : vector<16x1xi32> to vector<16xi32>
        %gather3A_256 = tpu.dynamic_gather %add3A_247[%gather3A_255] in [0] : vector<16xi32>, vector<16xi32> -> vector<16xi32>
        %ge3A_257 = arith.constant 8 : i32
        %ge3A_258 = vector.broadcast %ge3A_257 : i32 to vector<16xi32>
        %ge3A_259 = arith.cmpi sge, %iota3A_194, %ge3A_258 : vector<16xi32>
        %jit3A_260 = arith.constant 0 : i32
        %broadcast_in_dim3A_261 = vector.broadcast %jit3A_260 : i32 to vector<16xi32>
        %select_n3A_262 = arith.select %ge3A_259, %gather3A_256, %broadcast_in_dim3A_261 : vector<16xi1>, vector<16xi32>
        %add3A_263 = arith.addi %add3A_247, %select_n3A_262 : vector<16xi32>
        %slice3A_264 = vector.extract_strided_slice %add3A_263 {offsets = [15], sizes = [1], strides = [1]} : vector<16xi32> to vector<1xi32>
        %squeeze3A_265 = vector.extract %slice3A_264[0] : i32 from vector<1xi32>
        %add3A_266 = arith.addi %while3A_40, %squeeze3A_265 : i32
        %eq3A_267 = arith.constant 3 : i32
        %eq3A_268 = vector.broadcast %eq3A_267 : i32 to vector<16xi32>
        %eq3A_269 = arith.cmpi eq, %get3A_49, %eq3A_268 : vector<16xi32>
        %iota3A_270 = tpu.iota {dimensions = array<i32: 0>} : vector<16xi32>
        %jit3A_271 = arith.constant 1 : i32
        %jit3A_272 = arith.constant 0 : i32
        %broadcast_in_dim3A_273 = vector.broadcast %jit3A_271 : i32 to vector<16xi32>
        %broadcast_in_dim3A_274 = vector.broadcast %jit3A_272 : i32 to vector<16xi32>
        %select_n3A_275 = arith.select %eq3A_269, %broadcast_in_dim3A_273, %broadcast_in_dim3A_274 : vector<16xi1>, vector<16xi32>
        %sub3A_276 = arith.constant 1 : i32
        %sub3A_277 = vector.broadcast %sub3A_276 : i32 to vector<16xi32>
        %sub3A_278 = arith.subi %iota3A_270, %sub3A_277 : vector<16xi32>
        %max3A_279 = arith.constant 0 : i32
        %max3A_280 = vector.broadcast %max3A_279 : i32 to vector<16xi32>
        %max3A_281 = arith.maxsi %sub3A_278, %max3A_280 : vector<16xi32>
        %broadcast_in_dim3A_282 = vector.shape_cast %max3A_281 : vector<16xi32> to vector<16x1xi32>
        %gather3A_283 = vector.shape_cast %broadcast_in_dim3A_282 : vector<16x1xi32> to vector<16xi32>
        %gather3A_284 = tpu.dynamic_gather %select_n3A_275[%gather3A_283] in [0] : vector<16xi32>, vector<16xi32> -> vector<16xi32>
        %ge3A_285 = arith.constant 1 : i32
        %ge3A_286 = vector.broadcast %ge3A_285 : i32 to vector<16xi32>
        %ge3A_287 = arith.cmpi sge, %iota3A_270, %ge3A_286 : vector<16xi32>
        %jit3A_288 = arith.constant 0 : i32
        %broadcast_in_dim3A_289 = vector.broadcast %jit3A_288 : i32 to vector<16xi32>
        %select_n3A_290 = arith.select %ge3A_287, %gather3A_284, %broadcast_in_dim3A_289 : vector<16xi1>, vector<16xi32>
        %add3A_291 = arith.addi %select_n3A_275, %select_n3A_290 : vector<16xi32>
        %sub3A_292 = arith.constant 2 : i32
        %sub3A_293 = vector.broadcast %sub3A_292 : i32 to vector<16xi32>
        %sub3A_294 = arith.subi %iota3A_270, %sub3A_293 : vector<16xi32>
        %max3A_295 = arith.constant 0 : i32
        %max3A_296 = vector.broadcast %max3A_295 : i32 to vector<16xi32>
        %max3A_297 = arith.maxsi %sub3A_294, %max3A_296 : vector<16xi32>
        %broadcast_in_dim3A_298 = vector.shape_cast %max3A_297 : vector<16xi32> to vector<16x1xi32>
        %gather3A_299 = vector.shape_cast %broadcast_in_dim3A_298 : vector<16x1xi32> to vector<16xi32>
        %gather3A_300 = tpu.dynamic_gather %add3A_291[%gather3A_299] in [0] : vector<16xi32>, vector<16xi32> -> vector<16xi32>
        %ge3A_301 = arith.constant 2 : i32
        %ge3A_302 = vector.broadcast %ge3A_301 : i32 to vector<16xi32>
        %ge3A_303 = arith.cmpi sge, %iota3A_270, %ge3A_302 : vector<16xi32>
        %jit3A_304 = arith.constant 0 : i32
        %broadcast_in_dim3A_305 = vector.broadcast %jit3A_304 : i32 to vector<16xi32>
        %select_n3A_306 = arith.select %ge3A_303, %gather3A_300, %broadcast_in_dim3A_305 : vector<16xi1>, vector<16xi32>
        %add3A_307 = arith.addi %add3A_291, %select_n3A_306 : vector<16xi32>
        %sub3A_308 = arith.constant 4 : i32
        %sub3A_309 = vector.broadcast %sub3A_308 : i32 to vector<16xi32>
        %sub3A_310 = arith.subi %iota3A_270, %sub3A_309 : vector<16xi32>
        %max3A_311 = arith.constant 0 : i32
        %max3A_312 = vector.broadcast %max3A_311 : i32 to vector<16xi32>
        %max3A_313 = arith.maxsi %sub3A_310, %max3A_312 : vector<16xi32>
        %broadcast_in_dim3A_314 = vector.shape_cast %max3A_313 : vector<16xi32> to vector<16x1xi32>
        %gather3A_315 = vector.shape_cast %broadcast_in_dim3A_314 : vector<16x1xi32> to vector<16xi32>
        %gather3A_316 = tpu.dynamic_gather %add3A_307[%gather3A_315] in [0] : vector<16xi32>, vector<16xi32> -> vector<16xi32>
        %ge3A_317 = arith.constant 4 : i32
        %ge3A_318 = vector.broadcast %ge3A_317 : i32 to vector<16xi32>
        %ge3A_319 = arith.cmpi sge, %iota3A_270, %ge3A_318 : vector<16xi32>
        %jit3A_320 = arith.constant 0 : i32
        %broadcast_in_dim3A_321 = vector.broadcast %jit3A_320 : i32 to vector<16xi32>
        %select_n3A_322 = arith.select %ge3A_319, %gather3A_316, %broadcast_in_dim3A_321 : vector<16xi1>, vector<16xi32>
        %add3A_323 = arith.addi %add3A_307, %select_n3A_322 : vector<16xi32>
        %sub3A_324 = arith.constant 8 : i32
        %sub3A_325 = vector.broadcast %sub3A_324 : i32 to vector<16xi32>
        %sub3A_326 = arith.subi %iota3A_270, %sub3A_325 : vector<16xi32>
        %max3A_327 = arith.constant 0 : i32
        %max3A_328 = vector.broadcast %max3A_327 : i32 to vector<16xi32>
        %max3A_329 = arith.maxsi %sub3A_326, %max3A_328 : vector<16xi32>
        %broadcast_in_dim3A_330 = vector.shape_cast %max3A_329 : vector<16xi32> to vector<16x1xi32>
        %gather3A_331 = vector.shape_cast %broadcast_in_dim3A_330 : vector<16x1xi32> to vector<16xi32>
        %gather3A_332 = tpu.dynamic_gather %add3A_323[%gather3A_331] in [0] : vector<16xi32>, vector<16xi32> -> vector<16xi32>
        %ge3A_333 = arith.constant 8 : i32
        %ge3A_334 = vector.broadcast %ge3A_333 : i32 to vector<16xi32>
        %ge3A_335 = arith.cmpi sge, %iota3A_270, %ge3A_334 : vector<16xi32>
        %jit3A_336 = arith.constant 0 : i32
        %broadcast_in_dim3A_337 = vector.broadcast %jit3A_336 : i32 to vector<16xi32>
        %select_n3A_338 = arith.select %ge3A_335, %gather3A_332, %broadcast_in_dim3A_337 : vector<16xi1>, vector<16xi32>
        %add3A_339 = arith.addi %add3A_323, %select_n3A_338 : vector<16xi32>
        %slice3A_340 = vector.extract_strided_slice %add3A_339 {offsets = [15], sizes = [1], strides = [1]} : vector<16xi32> to vector<1xi32>
        %squeeze3A_341 = vector.extract %slice3A_340[0] : i32 from vector<1xi32>
        %add3A_342 = arith.addi %while3A_41, %squeeze3A_341 : i32
        %eq3A_343 = arith.constant 4 : i32
        %eq3A_344 = vector.broadcast %eq3A_343 : i32 to vector<16xi32>
        %eq3A_345 = arith.cmpi eq, %get3A_49, %eq3A_344 : vector<16xi32>
        %iota3A_346 = tpu.iota {dimensions = array<i32: 0>} : vector<16xi32>
        %jit3A_347 = arith.constant 1 : i32
        %jit3A_348 = arith.constant 0 : i32
        %broadcast_in_dim3A_349 = vector.broadcast %jit3A_347 : i32 to vector<16xi32>
        %broadcast_in_dim3A_350 = vector.broadcast %jit3A_348 : i32 to vector<16xi32>
        %select_n3A_351 = arith.select %eq3A_345, %broadcast_in_dim3A_349, %broadcast_in_dim3A_350 : vector<16xi1>, vector<16xi32>
        %sub3A_352 = arith.constant 1 : i32
        %sub3A_353 = vector.broadcast %sub3A_352 : i32 to vector<16xi32>
        %sub3A_354 = arith.subi %iota3A_346, %sub3A_353 : vector<16xi32>
        %max3A_355 = arith.constant 0 : i32
        %max3A_356 = vector.broadcast %max3A_355 : i32 to vector<16xi32>
        %max3A_357 = arith.maxsi %sub3A_354, %max3A_356 : vector<16xi32>
        %broadcast_in_dim3A_358 = vector.shape_cast %max3A_357 : vector<16xi32> to vector<16x1xi32>
        %gather3A_359 = vector.shape_cast %broadcast_in_dim3A_358 : vector<16x1xi32> to vector<16xi32>
        %gather3A_360 = tpu.dynamic_gather %select_n3A_351[%gather3A_359] in [0] : vector<16xi32>, vector<16xi32> -> vector<16xi32>
        %ge3A_361 = arith.constant 1 : i32
        %ge3A_362 = vector.broadcast %ge3A_361 : i32 to vector<16xi32>
        %ge3A_363 = arith.cmpi sge, %iota3A_346, %ge3A_362 : vector<16xi32>
        %jit3A_364 = arith.constant 0 : i32
        %broadcast_in_dim3A_365 = vector.broadcast %jit3A_364 : i32 to vector<16xi32>
        %select_n3A_366 = arith.select %ge3A_363, %gather3A_360, %broadcast_in_dim3A_365 : vector<16xi1>, vector<16xi32>
        %add3A_367 = arith.addi %select_n3A_351, %select_n3A_366 : vector<16xi32>
        %sub3A_368 = arith.constant 2 : i32
        %sub3A_369 = vector.broadcast %sub3A_368 : i32 to vector<16xi32>
        %sub3A_370 = arith.subi %iota3A_346, %sub3A_369 : vector<16xi32>
        %max3A_371 = arith.constant 0 : i32
        %max3A_372 = vector.broadcast %max3A_371 : i32 to vector<16xi32>
        %max3A_373 = arith.maxsi %sub3A_370, %max3A_372 : vector<16xi32>
        %broadcast_in_dim3A_374 = vector.shape_cast %max3A_373 : vector<16xi32> to vector<16x1xi32>
        %gather3A_375 = vector.shape_cast %broadcast_in_dim3A_374 : vector<16x1xi32> to vector<16xi32>
        %gather3A_376 = tpu.dynamic_gather %add3A_367[%gather3A_375] in [0] : vector<16xi32>, vector<16xi32> -> vector<16xi32>
        %ge3A_377 = arith.constant 2 : i32
        %ge3A_378 = vector.broadcast %ge3A_377 : i32 to vector<16xi32>
        %ge3A_379 = arith.cmpi sge, %iota3A_346, %ge3A_378 : vector<16xi32>
        %jit3A_380 = arith.constant 0 : i32
        %broadcast_in_dim3A_381 = vector.broadcast %jit3A_380 : i32 to vector<16xi32>
        %select_n3A_382 = arith.select %ge3A_379, %gather3A_376, %broadcast_in_dim3A_381 : vector<16xi1>, vector<16xi32>
        %add3A_383 = arith.addi %add3A_367, %select_n3A_382 : vector<16xi32>
        %sub3A_384 = arith.constant 4 : i32
        %sub3A_385 = vector.broadcast %sub3A_384 : i32 to vector<16xi32>
        %sub3A_386 = arith.subi %iota3A_346, %sub3A_385 : vector<16xi32>
        %max3A_387 = arith.constant 0 : i32
        %max3A_388 = vector.broadcast %max3A_387 : i32 to vector<16xi32>
        %max3A_389 = arith.maxsi %sub3A_386, %max3A_388 : vector<16xi32>
        %broadcast_in_dim3A_390 = vector.shape_cast %max3A_389 : vector<16xi32> to vector<16x1xi32>
        %gather3A_391 = vector.shape_cast %broadcast_in_dim3A_390 : vector<16x1xi32> to vector<16xi32>
        %gather3A_392 = tpu.dynamic_gather %add3A_383[%gather3A_391] in [0] : vector<16xi32>, vector<16xi32> -> vector<16xi32>
        %ge3A_393 = arith.constant 4 : i32
        %ge3A_394 = vector.broadcast %ge3A_393 : i32 to vector<16xi32>
        %ge3A_395 = arith.cmpi sge, %iota3A_346, %ge3A_394 : vector<16xi32>
        %jit3A_396 = arith.constant 0 : i32
        %broadcast_in_dim3A_397 = vector.broadcast %jit3A_396 : i32 to vector<16xi32>
        %select_n3A_398 = arith.select %ge3A_395, %gather3A_392, %broadcast_in_dim3A_397 : vector<16xi1>, vector<16xi32>
        %add3A_399 = arith.addi %add3A_383, %select_n3A_398 : vector<16xi32>
        %sub3A_400 = arith.constant 8 : i32
        %sub3A_401 = vector.broadcast %sub3A_400 : i32 to vector<16xi32>
        %sub3A_402 = arith.subi %iota3A_346, %sub3A_401 : vector<16xi32>
        %max3A_403 = arith.constant 0 : i32
        %max3A_404 = vector.broadcast %max3A_403 : i32 to vector<16xi32>
        %max3A_405 = arith.maxsi %sub3A_402, %max3A_404 : vector<16xi32>
        %broadcast_in_dim3A_406 = vector.shape_cast %max3A_405 : vector<16xi32> to vector<16x1xi32>
        %gather3A_407 = vector.shape_cast %broadcast_in_dim3A_406 : vector<16x1xi32> to vector<16xi32>
        %gather3A_408 = tpu.dynamic_gather %add3A_399[%gather3A_407] in [0] : vector<16xi32>, vector<16xi32> -> vector<16xi32>
        %ge3A_409 = arith.constant 8 : i32
        %ge3A_410 = vector.broadcast %ge3A_409 : i32 to vector<16xi32>
        %ge3A_411 = arith.cmpi sge, %iota3A_346, %ge3A_410 : vector<16xi32>
        %jit3A_412 = arith.constant 0 : i32
        %broadcast_in_dim3A_413 = vector.broadcast %jit3A_412 : i32 to vector<16xi32>
        %select_n3A_414 = arith.select %ge3A_411, %gather3A_408, %broadcast_in_dim3A_413 : vector<16xi1>, vector<16xi32>
        %add3A_415 = arith.addi %add3A_399, %select_n3A_414 : vector<16xi32>
        %slice3A_416 = vector.extract_strided_slice %add3A_415 {offsets = [15], sizes = [1], strides = [1]} : vector<16xi32> to vector<1xi32>
        %squeeze3A_417 = vector.extract %slice3A_416[0] : i32 from vector<1xi32>
        %add3A_418 = arith.addi %while3A_42, %squeeze3A_417 : i32
        %eq3A_419 = arith.constant 5 : i32
        %eq3A_420 = vector.broadcast %eq3A_419 : i32 to vector<16xi32>
        %eq3A_421 = arith.cmpi eq, %get3A_49, %eq3A_420 : vector<16xi32>
        %iota3A_422 = tpu.iota {dimensions = array<i32: 0>} : vector<16xi32>
        %jit3A_423 = arith.constant 1 : i32
        %jit3A_424 = arith.constant 0 : i32
        %broadcast_in_dim3A_425 = vector.broadcast %jit3A_423 : i32 to vector<16xi32>
        %broadcast_in_dim3A_426 = vector.broadcast %jit3A_424 : i32 to vector<16xi32>
        %select_n3A_427 = arith.select %eq3A_421, %broadcast_in_dim3A_425, %broadcast_in_dim3A_426 : vector<16xi1>, vector<16xi32>
        %sub3A_428 = arith.constant 1 : i32
        %sub3A_429 = vector.broadcast %sub3A_428 : i32 to vector<16xi32>
        %sub3A_430 = arith.subi %iota3A_422, %sub3A_429 : vector<16xi32>
        %max3A_431 = arith.constant 0 : i32
        %max3A_432 = vector.broadcast %max3A_431 : i32 to vector<16xi32>
        %max3A_433 = arith.maxsi %sub3A_430, %max3A_432 : vector<16xi32>
        %broadcast_in_dim3A_434 = vector.shape_cast %max3A_433 : vector<16xi32> to vector<16x1xi32>
        %gather3A_435 = vector.shape_cast %broadcast_in_dim3A_434 : vector<16x1xi32> to vector<16xi32>
        %gather3A_436 = tpu.dynamic_gather %select_n3A_427[%gather3A_435] in [0] : vector<16xi32>, vector<16xi32> -> vector<16xi32>
        %ge3A_437 = arith.constant 1 : i32
        %ge3A_438 = vector.broadcast %ge3A_437 : i32 to vector<16xi32>
        %ge3A_439 = arith.cmpi sge, %iota3A_422, %ge3A_438 : vector<16xi32>
        %jit3A_440 = arith.constant 0 : i32
        %broadcast_in_dim3A_441 = vector.broadcast %jit3A_440 : i32 to vector<16xi32>
        %select_n3A_442 = arith.select %ge3A_439, %gather3A_436, %broadcast_in_dim3A_441 : vector<16xi1>, vector<16xi32>
        %add3A_443 = arith.addi %select_n3A_427, %select_n3A_442 : vector<16xi32>
        %sub3A_444 = arith.constant 2 : i32
        %sub3A_445 = vector.broadcast %sub3A_444 : i32 to vector<16xi32>
        %sub3A_446 = arith.subi %iota3A_422, %sub3A_445 : vector<16xi32>
        %max3A_447 = arith.constant 0 : i32
        %max3A_448 = vector.broadcast %max3A_447 : i32 to vector<16xi32>
        %max3A_449 = arith.maxsi %sub3A_446, %max3A_448 : vector<16xi32>
        %broadcast_in_dim3A_450 = vector.shape_cast %max3A_449 : vector<16xi32> to vector<16x1xi32>
        %gather3A_451 = vector.shape_cast %broadcast_in_dim3A_450 : vector<16x1xi32> to vector<16xi32>
        %gather3A_452 = tpu.dynamic_gather %add3A_443[%gather3A_451] in [0] : vector<16xi32>, vector<16xi32> -> vector<16xi32>
        %ge3A_453 = arith.constant 2 : i32
        %ge3A_454 = vector.broadcast %ge3A_453 : i32 to vector<16xi32>
        %ge3A_455 = arith.cmpi sge, %iota3A_422, %ge3A_454 : vector<16xi32>
        %jit3A_456 = arith.constant 0 : i32
        %broadcast_in_dim3A_457 = vector.broadcast %jit3A_456 : i32 to vector<16xi32>
        %select_n3A_458 = arith.select %ge3A_455, %gather3A_452, %broadcast_in_dim3A_457 : vector<16xi1>, vector<16xi32>
        %add3A_459 = arith.addi %add3A_443, %select_n3A_458 : vector<16xi32>
        %sub3A_460 = arith.constant 4 : i32
        %sub3A_461 = vector.broadcast %sub3A_460 : i32 to vector<16xi32>
        %sub3A_462 = arith.subi %iota3A_422, %sub3A_461 : vector<16xi32>
        %max3A_463 = arith.constant 0 : i32
        %max3A_464 = vector.broadcast %max3A_463 : i32 to vector<16xi32>
        %max3A_465 = arith.maxsi %sub3A_462, %max3A_464 : vector<16xi32>
        %broadcast_in_dim3A_466 = vector.shape_cast %max3A_465 : vector<16xi32> to vector<16x1xi32>
        %gather3A_467 = vector.shape_cast %broadcast_in_dim3A_466 : vector<16x1xi32> to vector<16xi32>
        %gather3A_468 = tpu.dynamic_gather %add3A_459[%gather3A_467] in [0] : vector<16xi32>, vector<16xi32> -> vector<16xi32>
        %ge3A_469 = arith.constant 4 : i32
        %ge3A_470 = vector.broadcast %ge3A_469 : i32 to vector<16xi32>
        %ge3A_471 = arith.cmpi sge, %iota3A_422, %ge3A_470 : vector<16xi32>
        %jit3A_472 = arith.constant 0 : i32
        %broadcast_in_dim3A_473 = vector.broadcast %jit3A_472 : i32 to vector<16xi32>
        %select_n3A_474 = arith.select %ge3A_471, %gather3A_468, %broadcast_in_dim3A_473 : vector<16xi1>, vector<16xi32>
        %add3A_475 = arith.addi %add3A_459, %select_n3A_474 : vector<16xi32>
        %sub3A_476 = arith.constant 8 : i32
        %sub3A_477 = vector.broadcast %sub3A_476 : i32 to vector<16xi32>
        %sub3A_478 = arith.subi %iota3A_422, %sub3A_477 : vector<16xi32>
        %max3A_479 = arith.constant 0 : i32
        %max3A_480 = vector.broadcast %max3A_479 : i32 to vector<16xi32>
        %max3A_481 = arith.maxsi %sub3A_478, %max3A_480 : vector<16xi32>
        %broadcast_in_dim3A_482 = vector.shape_cast %max3A_481 : vector<16xi32> to vector<16x1xi32>
        %gather3A_483 = vector.shape_cast %broadcast_in_dim3A_482 : vector<16x1xi32> to vector<16xi32>
        %gather3A_484 = tpu.dynamic_gather %add3A_475[%gather3A_483] in [0] : vector<16xi32>, vector<16xi32> -> vector<16xi32>
        %ge3A_485 = arith.constant 8 : i32
        %ge3A_486 = vector.broadcast %ge3A_485 : i32 to vector<16xi32>
        %ge3A_487 = arith.cmpi sge, %iota3A_422, %ge3A_486 : vector<16xi32>
        %jit3A_488 = arith.constant 0 : i32
        %broadcast_in_dim3A_489 = vector.broadcast %jit3A_488 : i32 to vector<16xi32>
        %select_n3A_490 = arith.select %ge3A_487, %gather3A_484, %broadcast_in_dim3A_489 : vector<16xi1>, vector<16xi32>
        %add3A_491 = arith.addi %add3A_475, %select_n3A_490 : vector<16xi32>
        %slice3A_492 = vector.extract_strided_slice %add3A_491 {offsets = [15], sizes = [1], strides = [1]} : vector<16xi32> to vector<1xi32>
        %squeeze3A_493 = vector.extract %slice3A_492[0] : i32 from vector<1xi32>
        %add3A_494 = arith.addi %while3A_43, %squeeze3A_493 : i32
        %eq3A_495 = arith.constant 6 : i32
        %eq3A_496 = vector.broadcast %eq3A_495 : i32 to vector<16xi32>
        %eq3A_497 = arith.cmpi eq, %get3A_49, %eq3A_496 : vector<16xi32>
        %iota3A_498 = tpu.iota {dimensions = array<i32: 0>} : vector<16xi32>
        %jit3A_499 = arith.constant 1 : i32
        %jit3A_500 = arith.constant 0 : i32
        %broadcast_in_dim3A_501 = vector.broadcast %jit3A_499 : i32 to vector<16xi32>
        %broadcast_in_dim3A_502 = vector.broadcast %jit3A_500 : i32 to vector<16xi32>
        %select_n3A_503 = arith.select %eq3A_497, %broadcast_in_dim3A_501, %broadcast_in_dim3A_502 : vector<16xi1>, vector<16xi32>
        %sub3A_504 = arith.constant 1 : i32
        %sub3A_505 = vector.broadcast %sub3A_504 : i32 to vector<16xi32>
        %sub3A_506 = arith.subi %iota3A_498, %sub3A_505 : vector<16xi32>
        %max3A_507 = arith.constant 0 : i32
        %max3A_508 = vector.broadcast %max3A_507 : i32 to vector<16xi32>
        %max3A_509 = arith.maxsi %sub3A_506, %max3A_508 : vector<16xi32>
        %broadcast_in_dim3A_510 = vector.shape_cast %max3A_509 : vector<16xi32> to vector<16x1xi32>
        %gather3A_511 = vector.shape_cast %broadcast_in_dim3A_510 : vector<16x1xi32> to vector<16xi32>
        %gather3A_512 = tpu.dynamic_gather %select_n3A_503[%gather3A_511] in [0] : vector<16xi32>, vector<16xi32> -> vector<16xi32>
        %ge3A_513 = arith.constant 1 : i32
        %ge3A_514 = vector.broadcast %ge3A_513 : i32 to vector<16xi32>
        %ge3A_515 = arith.cmpi sge, %iota3A_498, %ge3A_514 : vector<16xi32>
        %jit3A_516 = arith.constant 0 : i32
        %broadcast_in_dim3A_517 = vector.broadcast %jit3A_516 : i32 to vector<16xi32>
        %select_n3A_518 = arith.select %ge3A_515, %gather3A_512, %broadcast_in_dim3A_517 : vector<16xi1>, vector<16xi32>
        %add3A_519 = arith.addi %select_n3A_503, %select_n3A_518 : vector<16xi32>
        %sub3A_520 = arith.constant 2 : i32
        %sub3A_521 = vector.broadcast %sub3A_520 : i32 to vector<16xi32>
        %sub3A_522 = arith.subi %iota3A_498, %sub3A_521 : vector<16xi32>
        %max3A_523 = arith.constant 0 : i32
        %max3A_524 = vector.broadcast %max3A_523 : i32 to vector<16xi32>
        %max3A_525 = arith.maxsi %sub3A_522, %max3A_524 : vector<16xi32>
        %broadcast_in_dim3A_526 = vector.shape_cast %max3A_525 : vector<16xi32> to vector<16x1xi32>
        %gather3A_527 = vector.shape_cast %broadcast_in_dim3A_526 : vector<16x1xi32> to vector<16xi32>
        %gather3A_528 = tpu.dynamic_gather %add3A_519[%gather3A_527] in [0] : vector<16xi32>, vector<16xi32> -> vector<16xi32>
        %ge3A_529 = arith.constant 2 : i32
        %ge3A_530 = vector.broadcast %ge3A_529 : i32 to vector<16xi32>
        %ge3A_531 = arith.cmpi sge, %iota3A_498, %ge3A_530 : vector<16xi32>
        %jit3A_532 = arith.constant 0 : i32
        %broadcast_in_dim3A_533 = vector.broadcast %jit3A_532 : i32 to vector<16xi32>
        %select_n3A_534 = arith.select %ge3A_531, %gather3A_528, %broadcast_in_dim3A_533 : vector<16xi1>, vector<16xi32>
        %add3A_535 = arith.addi %add3A_519, %select_n3A_534 : vector<16xi32>
        %sub3A_536 = arith.constant 4 : i32
        %sub3A_537 = vector.broadcast %sub3A_536 : i32 to vector<16xi32>
        %sub3A_538 = arith.subi %iota3A_498, %sub3A_537 : vector<16xi32>
        %max3A_539 = arith.constant 0 : i32
        %max3A_540 = vector.broadcast %max3A_539 : i32 to vector<16xi32>
        %max3A_541 = arith.maxsi %sub3A_538, %max3A_540 : vector<16xi32>
        %broadcast_in_dim3A_542 = vector.shape_cast %max3A_541 : vector<16xi32> to vector<16x1xi32>
        %gather3A_543 = vector.shape_cast %broadcast_in_dim3A_542 : vector<16x1xi32> to vector<16xi32>
        %gather3A_544 = tpu.dynamic_gather %add3A_535[%gather3A_543] in [0] : vector<16xi32>, vector<16xi32> -> vector<16xi32>
        %ge3A_545 = arith.constant 4 : i32
        %ge3A_546 = vector.broadcast %ge3A_545 : i32 to vector<16xi32>
        %ge3A_547 = arith.cmpi sge, %iota3A_498, %ge3A_546 : vector<16xi32>
        %jit3A_548 = arith.constant 0 : i32
        %broadcast_in_dim3A_549 = vector.broadcast %jit3A_548 : i32 to vector<16xi32>
        %select_n3A_550 = arith.select %ge3A_547, %gather3A_544, %broadcast_in_dim3A_549 : vector<16xi1>, vector<16xi32>
        %add3A_551 = arith.addi %add3A_535, %select_n3A_550 : vector<16xi32>
        %sub3A_552 = arith.constant 8 : i32
        %sub3A_553 = vector.broadcast %sub3A_552 : i32 to vector<16xi32>
        %sub3A_554 = arith.subi %iota3A_498, %sub3A_553 : vector<16xi32>
        %max3A_555 = arith.constant 0 : i32
        %max3A_556 = vector.broadcast %max3A_555 : i32 to vector<16xi32>
        %max3A_557 = arith.maxsi %sub3A_554, %max3A_556 : vector<16xi32>
        %broadcast_in_dim3A_558 = vector.shape_cast %max3A_557 : vector<16xi32> to vector<16x1xi32>
        %gather3A_559 = vector.shape_cast %broadcast_in_dim3A_558 : vector<16x1xi32> to vector<16xi32>
        %gather3A_560 = tpu.dynamic_gather %add3A_551[%gather3A_559] in [0] : vector<16xi32>, vector<16xi32> -> vector<16xi32>
        %ge3A_561 = arith.constant 8 : i32
        %ge3A_562 = vector.broadcast %ge3A_561 : i32 to vector<16xi32>
        %ge3A_563 = arith.cmpi sge, %iota3A_498, %ge3A_562 : vector<16xi32>
        %jit3A_564 = arith.constant 0 : i32
        %broadcast_in_dim3A_565 = vector.broadcast %jit3A_564 : i32 to vector<16xi32>
        %select_n3A_566 = arith.select %ge3A_563, %gather3A_560, %broadcast_in_dim3A_565 : vector<16xi1>, vector<16xi32>
        %add3A_567 = arith.addi %add3A_551, %select_n3A_566 : vector<16xi32>
        %slice3A_568 = vector.extract_strided_slice %add3A_567 {offsets = [15], sizes = [1], strides = [1]} : vector<16xi32> to vector<1xi32>
        %squeeze3A_569 = vector.extract %slice3A_568[0] : i32 from vector<1xi32>
        %add3A_570 = arith.addi %while3A_44, %squeeze3A_569 : i32
        %eq3A_571 = arith.constant 7 : i32
        %eq3A_572 = vector.broadcast %eq3A_571 : i32 to vector<16xi32>
        %eq3A_573 = arith.cmpi eq, %get3A_49, %eq3A_572 : vector<16xi32>
        %iota3A_574 = tpu.iota {dimensions = array<i32: 0>} : vector<16xi32>
        %jit3A_575 = arith.constant 1 : i32
        %jit3A_576 = arith.constant 0 : i32
        %broadcast_in_dim3A_577 = vector.broadcast %jit3A_575 : i32 to vector<16xi32>
        %broadcast_in_dim3A_578 = vector.broadcast %jit3A_576 : i32 to vector<16xi32>
        %select_n3A_579 = arith.select %eq3A_573, %broadcast_in_dim3A_577, %broadcast_in_dim3A_578 : vector<16xi1>, vector<16xi32>
        %sub3A_580 = arith.constant 1 : i32
        %sub3A_581 = vector.broadcast %sub3A_580 : i32 to vector<16xi32>
        %sub3A_582 = arith.subi %iota3A_574, %sub3A_581 : vector<16xi32>
        %max3A_583 = arith.constant 0 : i32
        %max3A_584 = vector.broadcast %max3A_583 : i32 to vector<16xi32>
        %max3A_585 = arith.maxsi %sub3A_582, %max3A_584 : vector<16xi32>
        %broadcast_in_dim3A_586 = vector.shape_cast %max3A_585 : vector<16xi32> to vector<16x1xi32>
        %gather3A_587 = vector.shape_cast %broadcast_in_dim3A_586 : vector<16x1xi32> to vector<16xi32>
        %gather3A_588 = tpu.dynamic_gather %select_n3A_579[%gather3A_587] in [0] : vector<16xi32>, vector<16xi32> -> vector<16xi32>
        %ge3A_589 = arith.constant 1 : i32
        %ge3A_590 = vector.broadcast %ge3A_589 : i32 to vector<16xi32>
        %ge3A_591 = arith.cmpi sge, %iota3A_574, %ge3A_590 : vector<16xi32>
        %jit3A_592 = arith.constant 0 : i32
        %broadcast_in_dim3A_593 = vector.broadcast %jit3A_592 : i32 to vector<16xi32>
        %select_n3A_594 = arith.select %ge3A_591, %gather3A_588, %broadcast_in_dim3A_593 : vector<16xi1>, vector<16xi32>
        %add3A_595 = arith.addi %select_n3A_579, %select_n3A_594 : vector<16xi32>
        %sub3A_596 = arith.constant 2 : i32
        %sub3A_597 = vector.broadcast %sub3A_596 : i32 to vector<16xi32>
        %sub3A_598 = arith.subi %iota3A_574, %sub3A_597 : vector<16xi32>
        %max3A_599 = arith.constant 0 : i32
        %max3A_600 = vector.broadcast %max3A_599 : i32 to vector<16xi32>
        %max3A_601 = arith.maxsi %sub3A_598, %max3A_600 : vector<16xi32>
        %broadcast_in_dim3A_602 = vector.shape_cast %max3A_601 : vector<16xi32> to vector<16x1xi32>
        %gather3A_603 = vector.shape_cast %broadcast_in_dim3A_602 : vector<16x1xi32> to vector<16xi32>
        %gather3A_604 = tpu.dynamic_gather %add3A_595[%gather3A_603] in [0] : vector<16xi32>, vector<16xi32> -> vector<16xi32>
        %ge3A_605 = arith.constant 2 : i32
        %ge3A_606 = vector.broadcast %ge3A_605 : i32 to vector<16xi32>
        %ge3A_607 = arith.cmpi sge, %iota3A_574, %ge3A_606 : vector<16xi32>
        %jit3A_608 = arith.constant 0 : i32
        %broadcast_in_dim3A_609 = vector.broadcast %jit3A_608 : i32 to vector<16xi32>
        %select_n3A_610 = arith.select %ge3A_607, %gather3A_604, %broadcast_in_dim3A_609 : vector<16xi1>, vector<16xi32>
        %add3A_611 = arith.addi %add3A_595, %select_n3A_610 : vector<16xi32>
        %sub3A_612 = arith.constant 4 : i32
        %sub3A_613 = vector.broadcast %sub3A_612 : i32 to vector<16xi32>
        %sub3A_614 = arith.subi %iota3A_574, %sub3A_613 : vector<16xi32>
        %max3A_615 = arith.constant 0 : i32
        %max3A_616 = vector.broadcast %max3A_615 : i32 to vector<16xi32>
        %max3A_617 = arith.maxsi %sub3A_614, %max3A_616 : vector<16xi32>
        %broadcast_in_dim3A_618 = vector.shape_cast %max3A_617 : vector<16xi32> to vector<16x1xi32>
        %gather3A_619 = vector.shape_cast %broadcast_in_dim3A_618 : vector<16x1xi32> to vector<16xi32>
        %gather3A_620 = tpu.dynamic_gather %add3A_611[%gather3A_619] in [0] : vector<16xi32>, vector<16xi32> -> vector<16xi32>
        %ge3A_621 = arith.constant 4 : i32
        %ge3A_622 = vector.broadcast %ge3A_621 : i32 to vector<16xi32>
        %ge3A_623 = arith.cmpi sge, %iota3A_574, %ge3A_622 : vector<16xi32>
        %jit3A_624 = arith.constant 0 : i32
        %broadcast_in_dim3A_625 = vector.broadcast %jit3A_624 : i32 to vector<16xi32>
        %select_n3A_626 = arith.select %ge3A_623, %gather3A_620, %broadcast_in_dim3A_625 : vector<16xi1>, vector<16xi32>
        %add3A_627 = arith.addi %add3A_611, %select_n3A_626 : vector<16xi32>
        %sub3A_628 = arith.constant 8 : i32
        %sub3A_629 = vector.broadcast %sub3A_628 : i32 to vector<16xi32>
        %sub3A_630 = arith.subi %iota3A_574, %sub3A_629 : vector<16xi32>
        %max3A_631 = arith.constant 0 : i32
        %max3A_632 = vector.broadcast %max3A_631 : i32 to vector<16xi32>
        %max3A_633 = arith.maxsi %sub3A_630, %max3A_632 : vector<16xi32>
        %broadcast_in_dim3A_634 = vector.shape_cast %max3A_633 : vector<16xi32> to vector<16x1xi32>
        %gather3A_635 = vector.shape_cast %broadcast_in_dim3A_634 : vector<16x1xi32> to vector<16xi32>
        %gather3A_636 = tpu.dynamic_gather %add3A_627[%gather3A_635] in [0] : vector<16xi32>, vector<16xi32> -> vector<16xi32>
        %ge3A_637 = arith.constant 8 : i32
        %ge3A_638 = vector.broadcast %ge3A_637 : i32 to vector<16xi32>
        %ge3A_639 = arith.cmpi sge, %iota3A_574, %ge3A_638 : vector<16xi32>
        %jit3A_640 = arith.constant 0 : i32
        %broadcast_in_dim3A_641 = vector.broadcast %jit3A_640 : i32 to vector<16xi32>
        %select_n3A_642 = arith.select %ge3A_639, %gather3A_636, %broadcast_in_dim3A_641 : vector<16xi1>, vector<16xi32>
        %add3A_643 = arith.addi %add3A_627, %select_n3A_642 : vector<16xi32>
        %slice3A_644 = vector.extract_strided_slice %add3A_643 {offsets = [15], sizes = [1], strides = [1]} : vector<16xi32> to vector<1xi32>
        %squeeze3A_645 = vector.extract %slice3A_644[0] : i32 from vector<1xi32>
        %add3A_646 = arith.addi %while3A_45, %squeeze3A_645 : i32
        scf.yield %add3A_114, %add3A_190, %add3A_266, %add3A_342, %add3A_418, %add3A_494, %add3A_570, %add3A_646 : i32, i32, i32, i32, i32, i32, i32, i32
      }
      %add3A_23 = arith.constant 32 : i32
      %add3A_24 = arith.addi %mul3A_4, %add3A_23 : i32
      %while3A_25 = arith.subi %add3A_24, %mul3A_4 : i32
      %while3A_26 = arith.addi %mul3A_4, %while3A_25 : i32
      %while3A_27 = arith.constant 1 : i32
      %while3A_28 = arith.divsi %while3A_25, %while3A_27 : i32
      %while3A_29 = arith.muli %while3A_28, %while3A_27 : i32
      %while3A_30 = arith.addi %mul3A_4, %while3A_29 : i32
      %while3A_31 = arith.constant 1 : i32
      %while3A_32:8 = scf.for %while3A_37 = %mul3A_4 to %while3A_30 step %while3A_31 iter_args(%while3A_38 = %while3A_22#0, %while3A_39 = %while3A_22#1, %while3A_40 = %while3A_22#2, %while3A_41 = %while3A_22#3, %while3A_42 = %while3A_22#4, %while3A_43 = %while3A_22#5, %while3A_44 = %while3A_22#6, %while3A_45 = %while3A_22#7) -> (i32, i32, i32, i32, i32, i32, i32, i32)  : i32 {
        %mul3A_46 = arith.constant 16 : i32
        %mul3A_47 = arith.muli %while3A_37, %mul3A_46 : i32
        %get3A = arith.index_cast %mul3A_47 : i32 to index
        %get3A_48 = tpu.vector_load %arg4[%get3A] {strides = array<i32>} : memref<8192xi32, #tpu.memory_space<vmem>>, vector<16xi32>,
        %get3A_49 = vector.shape_cast %get3A_48 : vector<16xi32> to vector<16xi32>
        %broadcast_in_dim3A = arith.constant 8192 : i32
        %broadcast_in_dim3A_50 = vector.broadcast %broadcast_in_dim3A : i32 to vector<16xi32>
        %eq3A = arith.constant 0 : i32
        %eq3A_51 = vector.broadcast %eq3A : i32 to vector<16xi32>
        %eq3A_52 = arith.cmpi eq, %get3A_49, %eq3A_51 : vector<16xi32>
        %iota3A = tpu.iota {dimensions = array<i32: 0>} : vector<16xi32>
        %jit3A = arith.constant 1 : i32
        %jit3A_53 = arith.constant 0 : i32
        %broadcast_in_dim3A_54 = vector.broadcast %jit3A : i32 to vector<16xi32>
        %broadcast_in_dim3A_55 = vector.broadcast %jit3A_53 : i32 to vector<16xi32>
        %select_n3A = arith.select %eq3A_52, %broadcast_in_dim3A_54, %broadcast_in_dim3A_55 : vector<16xi1>, vector<16xi32>
        %sub3A = arith.constant 1 : i32
        %sub3A_56 = vector.broadcast %sub3A : i32 to vector<16xi32>
        %sub3A_57 = arith.subi %iota3A, %sub3A_56 : vector<16xi32>
        %max3A = arith.constant 0 : i32
        %max3A_58 = vector.broadcast %max3A : i32 to vector<16xi32>
        %max3A_59 = arith.maxsi %sub3A_57, %max3A_58 : vector<16xi32>
        %broadcast_in_dim3A_60 = vector.shape_cast %max3A_59 : vector<16xi32> to vector<16x1xi32>
        %gather3A = vector.shape_cast %broadcast_in_dim3A_60 : vector<16x1xi32> to vector<16xi32>
        %gather3A_61 = tpu.dynamic_gather %select_n3A[%gather3A] in [0] : vector<16xi32>, vector<16xi32> -> vector<16xi32>
        %ge3A = arith.constant 1 : i32
        %ge3A_62 = vector.broadcast %ge3A : i32 to vector<16xi32>
        %ge3A_63 = arith.cmpi sge, %iota3A, %ge3A_62 : vector<16xi32>
        %jit3A_64 = arith.constant 0 : i32
        %broadcast_in_dim3A_65 = vector.broadcast %jit3A_64 : i32 to vector<16xi32>
        %select_n3A_66 = arith.select %ge3A_63, %gather3A_61, %broadcast_in_dim3A_65 : vector<16xi1>, vector<16xi32>
        %add3A_67 = arith.addi %select_n3A, %select_n3A_66 : vector<16xi32>
        %sub3A_68 = arith.constant 2 : i32
        %sub3A_69 = vector.broadcast %sub3A_68 : i32 to vector<16xi32>
        %sub3A_70 = arith.subi %iota3A, %sub3A_69 : vector<16xi32>
        %max3A_71 = arith.constant 0 : i32
        %max3A_72 = vector.broadcast %max3A_71 : i32 to vector<16xi32>
        %max3A_73 = arith.maxsi %sub3A_70, %max3A_72 : vector<16xi32>
        %broadcast_in_dim3A_74 = vector.shape_cast %max3A_73 : vector<16xi32> to vector<16x1xi32>
        %gather3A_75 = vector.shape_cast %broadcast_in_dim3A_74 : vector<16x1xi32> to vector<16xi32>
        %gather3A_76 = tpu.dynamic_gather %add3A_67[%gather3A_75] in [0] : vector<16xi32>, vector<16xi32> -> vector<16xi32>
        %ge3A_77 = arith.constant 2 : i32
        %ge3A_78 = vector.broadcast %ge3A_77 : i32 to vector<16xi32>
        %ge3A_79 = arith.cmpi sge, %iota3A, %ge3A_78 : vector<16xi32>
        %jit3A_80 = arith.constant 0 : i32
        %broadcast_in_dim3A_81 = vector.broadcast %jit3A_80 : i32 to vector<16xi32>
        %select_n3A_82 = arith.select %ge3A_79, %gather3A_76, %broadcast_in_dim3A_81 : vector<16xi1>, vector<16xi32>
        %add3A_83 = arith.addi %add3A_67, %select_n3A_82 : vector<16xi32>
        %sub3A_84 = arith.constant 4 : i32
        %sub3A_85 = vector.broadcast %sub3A_84 : i32 to vector<16xi32>
        %sub3A_86 = arith.subi %iota3A, %sub3A_85 : vector<16xi32>
        %max3A_87 = arith.constant 0 : i32
        %max3A_88 = vector.broadcast %max3A_87 : i32 to vector<16xi32>
        %max3A_89 = arith.maxsi %sub3A_86, %max3A_88 : vector<16xi32>
        %broadcast_in_dim3A_90 = vector.shape_cast %max3A_89 : vector<16xi32> to vector<16x1xi32>
        %gather3A_91 = vector.shape_cast %broadcast_in_dim3A_90 : vector<16x1xi32> to vector<16xi32>
        %gather3A_92 = tpu.dynamic_gather %add3A_83[%gather3A_91] in [0] : vector<16xi32>, vector<16xi32> -> vector<16xi32>
        %ge3A_93 = arith.constant 4 : i32
        %ge3A_94 = vector.broadcast %ge3A_93 : i32 to vector<16xi32>
        %ge3A_95 = arith.cmpi sge, %iota3A, %ge3A_94 : vector<16xi32>
        %jit3A_96 = arith.constant 0 : i32
        %broadcast_in_dim3A_97 = vector.broadcast %jit3A_96 : i32 to vector<16xi32>
        %select_n3A_98 = arith.select %ge3A_95, %gather3A_92, %broadcast_in_dim3A_97 : vector<16xi1>, vector<16xi32>
        %add3A_99 = arith.addi %add3A_83, %select_n3A_98 : vector<16xi32>
        %sub3A_100 = arith.constant 8 : i32
        %sub3A_101 = vector.broadcast %sub3A_100 : i32 to vector<16xi32>
        %sub3A_102 = arith.subi %iota3A, %sub3A_101 : vector<16xi32>
        %max3A_103 = arith.constant 0 : i32
        %max3A_104 = vector.broadcast %max3A_103 : i32 to vector<16xi32>
        %max3A_105 = arith.maxsi %sub3A_102, %max3A_104 : vector<16xi32>
        %broadcast_in_dim3A_106 = vector.shape_cast %max3A_105 : vector<16xi32> to vector<16x1xi32>
        %gather3A_107 = vector.shape_cast %broadcast_in_dim3A_106 : vector<16x1xi32> to vector<16xi32>
        %gather3A_108 = tpu.dynamic_gather %add3A_99[%gather3A_107] in [0] : vector<16xi32>, vector<16xi32> -> vector<16xi32>
        %ge3A_109 = arith.constant 8 : i32
        %ge3A_110 = vector.broadcast %ge3A_109 : i32 to vector<16xi32>
        %ge3A_111 = arith.cmpi sge, %iota3A, %ge3A_110 : vector<16xi32>
        %jit3A_112 = arith.constant 0 : i32
        %broadcast_in_dim3A_113 = vector.broadcast %jit3A_112 : i32 to vector<16xi32>
        %select_n3A_114 = arith.select %ge3A_111, %gather3A_108, %broadcast_in_dim3A_113 : vector<16xi1>, vector<16xi32>
        %add3A_115 = arith.addi %add3A_99, %select_n3A_114 : vector<16xi32>
        %add3A_116 = vector.broadcast %while3A_38 : i32 to vector<16xi32>
        %add3A_117 = arith.addi %add3A_116, %add3A_115 : vector<16xi32>
        %sub3A_118 = arith.constant 1 : i32
        %sub3A_119 = vector.broadcast %sub3A_118 : i32 to vector<16xi32>
        %sub3A_120 = arith.subi %add3A_117, %sub3A_119 : vector<16xi32>
        %lt3A_121 = arith.constant 1024 : i32
        %lt3A_122 = vector.broadcast %lt3A_121 : i32 to vector<16xi32>
        %lt3A_123 = arith.cmpi slt, %sub3A_120, %lt3A_122 : vector<16xi32>
        %and3A = arith.andi %eq3A_52, %lt3A_123 : vector<16xi1>
        %add3A_124 = arith.constant 0 : i32
        %add3A_125 = vector.broadcast %add3A_124 : i32 to vector<16xi32>
        %add3A_126 = arith.addi %add3A_125, %sub3A_120 : vector<16xi32>
        %select_n3A_127 = arith.select %and3A, %add3A_126, %broadcast_in_dim3A_50 : vector<16xi1>, vector<16xi32>
        %slice3A = vector.extract_strided_slice %add3A_115 {offsets = [15], sizes = [1], strides = [1]} : vector<16xi32> to vector<1xi32>
        %squeeze3A = vector.extract %slice3A[0] : i32 from vector<1xi32>
        %add3A_128 = arith.addi %while3A_38, %squeeze3A : i32
        %eq3A_129 = arith.constant 1 : i32
        %eq3A_130 = vector.broadcast %eq3A_129 : i32 to vector<16xi32>
        %eq3A_131 = arith.cmpi eq, %get3A_49, %eq3A_130 : vector<16xi32>
        %iota3A_132 = tpu.iota {dimensions = array<i32: 0>} : vector<16xi32>
        %jit3A_133 = arith.constant 1 : i32
        %jit3A_134 = arith.constant 0 : i32
        %broadcast_in_dim3A_135 = vector.broadcast %jit3A_133 : i32 to vector<16xi32>
        %broadcast_in_dim3A_136 = vector.broadcast %jit3A_134 : i32 to vector<16xi32>
        %select_n3A_137 = arith.select %eq3A_131, %broadcast_in_dim3A_135, %broadcast_in_dim3A_136 : vector<16xi1>, vector<16xi32>
        %sub3A_138 = arith.constant 1 : i32
        %sub3A_139 = vector.broadcast %sub3A_138 : i32 to vector<16xi32>
        %sub3A_140 = arith.subi %iota3A_132, %sub3A_139 : vector<16xi32>
        %max3A_141 = arith.constant 0 : i32
        %max3A_142 = vector.broadcast %max3A_141 : i32 to vector<16xi32>
        %max3A_143 = arith.maxsi %sub3A_140, %max3A_142 : vector<16xi32>
        %broadcast_in_dim3A_144 = vector.shape_cast %max3A_143 : vector<16xi32> to vector<16x1xi32>
        %gather3A_145 = vector.shape_cast %broadcast_in_dim3A_144 : vector<16x1xi32> to vector<16xi32>
        %gather3A_146 = tpu.dynamic_gather %select_n3A_137[%gather3A_145] in [0] : vector<16xi32>, vector<16xi32> -> vector<16xi32>
        %ge3A_147 = arith.constant 1 : i32
        %ge3A_148 = vector.broadcast %ge3A_147 : i32 to vector<16xi32>
        %ge3A_149 = arith.cmpi sge, %iota3A_132, %ge3A_148 : vector<16xi32>
        %jit3A_150 = arith.constant 0 : i32
        %broadcast_in_dim3A_151 = vector.broadcast %jit3A_150 : i32 to vector<16xi32>
        %select_n3A_152 = arith.select %ge3A_149, %gather3A_146, %broadcast_in_dim3A_151 : vector<16xi1>, vector<16xi32>
        %add3A_153 = arith.addi %select_n3A_137, %select_n3A_152 : vector<16xi32>
        %sub3A_154 = arith.constant 2 : i32
        %sub3A_155 = vector.broadcast %sub3A_154 : i32 to vector<16xi32>
        %sub3A_156 = arith.subi %iota3A_132, %sub3A_155 : vector<16xi32>
        %max3A_157 = arith.constant 0 : i32
        %max3A_158 = vector.broadcast %max3A_157 : i32 to vector<16xi32>
        %max3A_159 = arith.maxsi %sub3A_156, %max3A_158 : vector<16xi32>
        %broadcast_in_dim3A_160 = vector.shape_cast %max3A_159 : vector<16xi32> to vector<16x1xi32>
        %gather3A_161 = vector.shape_cast %broadcast_in_dim3A_160 : vector<16x1xi32> to vector<16xi32>
        %gather3A_162 = tpu.dynamic_gather %add3A_153[%gather3A_161] in [0] : vector<16xi32>, vector<16xi32> -> vector<16xi32>
        %ge3A_163 = arith.constant 2 : i32
        %ge3A_164 = vector.broadcast %ge3A_163 : i32 to vector<16xi32>
        %ge3A_165 = arith.cmpi sge, %iota3A_132, %ge3A_164 : vector<16xi32>
        %jit3A_166 = arith.constant 0 : i32
        %broadcast_in_dim3A_167 = vector.broadcast %jit3A_166 : i32 to vector<16xi32>
        %select_n3A_168 = arith.select %ge3A_165, %gather3A_162, %broadcast_in_dim3A_167 : vector<16xi1>, vector<16xi32>
        %add3A_169 = arith.addi %add3A_153, %select_n3A_168 : vector<16xi32>
        %sub3A_170 = arith.constant 4 : i32
        %sub3A_171 = vector.broadcast %sub3A_170 : i32 to vector<16xi32>
        %sub3A_172 = arith.subi %iota3A_132, %sub3A_171 : vector<16xi32>
        %max3A_173 = arith.constant 0 : i32
        %max3A_174 = vector.broadcast %max3A_173 : i32 to vector<16xi32>
        %max3A_175 = arith.maxsi %sub3A_172, %max3A_174 : vector<16xi32>
        %broadcast_in_dim3A_176 = vector.shape_cast %max3A_175 : vector<16xi32> to vector<16x1xi32>
        %gather3A_177 = vector.shape_cast %broadcast_in_dim3A_176 : vector<16x1xi32> to vector<16xi32>
        %gather3A_178 = tpu.dynamic_gather %add3A_169[%gather3A_177] in [0] : vector<16xi32>, vector<16xi32> -> vector<16xi32>
        %ge3A_179 = arith.constant 4 : i32
        %ge3A_180 = vector.broadcast %ge3A_179 : i32 to vector<16xi32>
        %ge3A_181 = arith.cmpi sge, %iota3A_132, %ge3A_180 : vector<16xi32>
        %jit3A_182 = arith.constant 0 : i32
        %broadcast_in_dim3A_183 = vector.broadcast %jit3A_182 : i32 to vector<16xi32>
        %select_n3A_184 = arith.select %ge3A_181, %gather3A_178, %broadcast_in_dim3A_183 : vector<16xi1>, vector<16xi32>
        %add3A_185 = arith.addi %add3A_169, %select_n3A_184 : vector<16xi32>
        %sub3A_186 = arith.constant 8 : i32
        %sub3A_187 = vector.broadcast %sub3A_186 : i32 to vector<16xi32>
        %sub3A_188 = arith.subi %iota3A_132, %sub3A_187 : vector<16xi32>
        %max3A_189 = arith.constant 0 : i32
        %max3A_190 = vector.broadcast %max3A_189 : i32 to vector<16xi32>
        %max3A_191 = arith.maxsi %sub3A_188, %max3A_190 : vector<16xi32>
        %broadcast_in_dim3A_192 = vector.shape_cast %max3A_191 : vector<16xi32> to vector<16x1xi32>
        %gather3A_193 = vector.shape_cast %broadcast_in_dim3A_192 : vector<16x1xi32> to vector<16xi32>
        %gather3A_194 = tpu.dynamic_gather %add3A_185[%gather3A_193] in [0] : vector<16xi32>, vector<16xi32> -> vector<16xi32>
        %ge3A_195 = arith.constant 8 : i32
        %ge3A_196 = vector.broadcast %ge3A_195 : i32 to vector<16xi32>
        %ge3A_197 = arith.cmpi sge, %iota3A_132, %ge3A_196 : vector<16xi32>
        %jit3A_198 = arith.constant 0 : i32
        %broadcast_in_dim3A_199 = vector.broadcast %jit3A_198 : i32 to vector<16xi32>
        %select_n3A_200 = arith.select %ge3A_197, %gather3A_194, %broadcast_in_dim3A_199 : vector<16xi1>, vector<16xi32>
        %add3A_201 = arith.addi %add3A_185, %select_n3A_200 : vector<16xi32>
        %add3A_202 = vector.broadcast %while3A_39 : i32 to vector<16xi32>
        %add3A_203 = arith.addi %add3A_202, %add3A_201 : vector<16xi32>
        %sub3A_204 = arith.constant 1 : i32
        %sub3A_205 = vector.broadcast %sub3A_204 : i32 to vector<16xi32>
        %sub3A_206 = arith.subi %add3A_203, %sub3A_205 : vector<16xi32>
        %lt3A_207 = arith.constant 1024 : i32
        %lt3A_208 = vector.broadcast %lt3A_207 : i32 to vector<16xi32>
        %lt3A_209 = arith.cmpi slt, %sub3A_206, %lt3A_208 : vector<16xi32>
        %and3A_210 = arith.andi %eq3A_131, %lt3A_209 : vector<16xi1>
        %add3A_211 = arith.constant 1024 : i32
        %add3A_212 = vector.broadcast %add3A_211 : i32 to vector<16xi32>
        %add3A_213 = arith.addi %add3A_212, %sub3A_206 : vector<16xi32>
        %select_n3A_214 = arith.select %and3A_210, %add3A_213, %select_n3A_127 : vector<16xi1>, vector<16xi32>
        %slice3A_215 = vector.extract_strided_slice %add3A_201 {offsets = [15], sizes = [1], strides = [1]} : vector<16xi32> to vector<1xi32>
        %squeeze3A_216 = vector.extract %slice3A_215[0] : i32 from vector<1xi32>
        %add3A_217 = arith.addi %while3A_39, %squeeze3A_216 : i32
        %eq3A_218 = arith.constant 2 : i32
        %eq3A_219 = vector.broadcast %eq3A_218 : i32 to vector<16xi32>
        %eq3A_220 = arith.cmpi eq, %get3A_49, %eq3A_219 : vector<16xi32>
        %iota3A_221 = tpu.iota {dimensions = array<i32: 0>} : vector<16xi32>
        %jit3A_222 = arith.constant 1 : i32
        %jit3A_223 = arith.constant 0 : i32
        %broadcast_in_dim3A_224 = vector.broadcast %jit3A_222 : i32 to vector<16xi32>
        %broadcast_in_dim3A_225 = vector.broadcast %jit3A_223 : i32 to vector<16xi32>
        %select_n3A_226 = arith.select %eq3A_220, %broadcast_in_dim3A_224, %broadcast_in_dim3A_225 : vector<16xi1>, vector<16xi32>
        %sub3A_227 = arith.constant 1 : i32
        %sub3A_228 = vector.broadcast %sub3A_227 : i32 to vector<16xi32>
        %sub3A_229 = arith.subi %iota3A_221, %sub3A_228 : vector<16xi32>
        %max3A_230 = arith.constant 0 : i32
        %max3A_231 = vector.broadcast %max3A_230 : i32 to vector<16xi32>
        %max3A_232 = arith.maxsi %sub3A_229, %max3A_231 : vector<16xi32>
        %broadcast_in_dim3A_233 = vector.shape_cast %max3A_232 : vector<16xi32> to vector<16x1xi32>
        %gather3A_234 = vector.shape_cast %broadcast_in_dim3A_233 : vector<16x1xi32> to vector<16xi32>
        %gather3A_235 = tpu.dynamic_gather %select_n3A_226[%gather3A_234] in [0] : vector<16xi32>, vector<16xi32> -> vector<16xi32>
        %ge3A_236 = arith.constant 1 : i32
        %ge3A_237 = vector.broadcast %ge3A_236 : i32 to vector<16xi32>
        %ge3A_238 = arith.cmpi sge, %iota3A_221, %ge3A_237 : vector<16xi32>
        %jit3A_239 = arith.constant 0 : i32
        %broadcast_in_dim3A_240 = vector.broadcast %jit3A_239 : i32 to vector<16xi32>
        %select_n3A_241 = arith.select %ge3A_238, %gather3A_235, %broadcast_in_dim3A_240 : vector<16xi1>, vector<16xi32>
        %add3A_242 = arith.addi %select_n3A_226, %select_n3A_241 : vector<16xi32>
        %sub3A_243 = arith.constant 2 : i32
        %sub3A_244 = vector.broadcast %sub3A_243 : i32 to vector<16xi32>
        %sub3A_245 = arith.subi %iota3A_221, %sub3A_244 : vector<16xi32>
        %max3A_246 = arith.constant 0 : i32
        %max3A_247 = vector.broadcast %max3A_246 : i32 to vector<16xi32>
        %max3A_248 = arith.maxsi %sub3A_245, %max3A_247 : vector<16xi32>
        %broadcast_in_dim3A_249 = vector.shape_cast %max3A_248 : vector<16xi32> to vector<16x1xi32>
        %gather3A_250 = vector.shape_cast %broadcast_in_dim3A_249 : vector<16x1xi32> to vector<16xi32>
        %gather3A_251 = tpu.dynamic_gather %add3A_242[%gather3A_250] in [0] : vector<16xi32>, vector<16xi32> -> vector<16xi32>
        %ge3A_252 = arith.constant 2 : i32
        %ge3A_253 = vector.broadcast %ge3A_252 : i32 to vector<16xi32>
        %ge3A_254 = arith.cmpi sge, %iota3A_221, %ge3A_253 : vector<16xi32>
        %jit3A_255 = arith.constant 0 : i32
        %broadcast_in_dim3A_256 = vector.broadcast %jit3A_255 : i32 to vector<16xi32>
        %select_n3A_257 = arith.select %ge3A_254, %gather3A_251, %broadcast_in_dim3A_256 : vector<16xi1>, vector<16xi32>
        %add3A_258 = arith.addi %add3A_242, %select_n3A_257 : vector<16xi32>
        %sub3A_259 = arith.constant 4 : i32
        %sub3A_260 = vector.broadcast %sub3A_259 : i32 to vector<16xi32>
        %sub3A_261 = arith.subi %iota3A_221, %sub3A_260 : vector<16xi32>
        %max3A_262 = arith.constant 0 : i32
        %max3A_263 = vector.broadcast %max3A_262 : i32 to vector<16xi32>
        %max3A_264 = arith.maxsi %sub3A_261, %max3A_263 : vector<16xi32>
        %broadcast_in_dim3A_265 = vector.shape_cast %max3A_264 : vector<16xi32> to vector<16x1xi32>
        %gather3A_266 = vector.shape_cast %broadcast_in_dim3A_265 : vector<16x1xi32> to vector<16xi32>
        %gather3A_267 = tpu.dynamic_gather %add3A_258[%gather3A_266] in [0] : vector<16xi32>, vector<16xi32> -> vector<16xi32>
        %ge3A_268 = arith.constant 4 : i32
        %ge3A_269 = vector.broadcast %ge3A_268 : i32 to vector<16xi32>
        %ge3A_270 = arith.cmpi sge, %iota3A_221, %ge3A_269 : vector<16xi32>
        %jit3A_271 = arith.constant 0 : i32
        %broadcast_in_dim3A_272 = vector.broadcast %jit3A_271 : i32 to vector<16xi32>
        %select_n3A_273 = arith.select %ge3A_270, %gather3A_267, %broadcast_in_dim3A_272 : vector<16xi1>, vector<16xi32>
        %add3A_274 = arith.addi %add3A_258, %select_n3A_273 : vector<16xi32>
        %sub3A_275 = arith.constant 8 : i32
        %sub3A_276 = vector.broadcast %sub3A_275 : i32 to vector<16xi32>
        %sub3A_277 = arith.subi %iota3A_221, %sub3A_276 : vector<16xi32>
        %max3A_278 = arith.constant 0 : i32
        %max3A_279 = vector.broadcast %max3A_278 : i32 to vector<16xi32>
        %max3A_280 = arith.maxsi %sub3A_277, %max3A_279 : vector<16xi32>
        %broadcast_in_dim3A_281 = vector.shape_cast %max3A_280 : vector<16xi32> to vector<16x1xi32>
        %gather3A_282 = vector.shape_cast %broadcast_in_dim3A_281 : vector<16x1xi32> to vector<16xi32>
        %gather3A_283 = tpu.dynamic_gather %add3A_274[%gather3A_282] in [0] : vector<16xi32>, vector<16xi32> -> vector<16xi32>
        %ge3A_284 = arith.constant 8 : i32
        %ge3A_285 = vector.broadcast %ge3A_284 : i32 to vector<16xi32>
        %ge3A_286 = arith.cmpi sge, %iota3A_221, %ge3A_285 : vector<16xi32>
        %jit3A_287 = arith.constant 0 : i32
        %broadcast_in_dim3A_288 = vector.broadcast %jit3A_287 : i32 to vector<16xi32>
        %select_n3A_289 = arith.select %ge3A_286, %gather3A_283, %broadcast_in_dim3A_288 : vector<16xi1>, vector<16xi32>
        %add3A_290 = arith.addi %add3A_274, %select_n3A_289 : vector<16xi32>
        %add3A_291 = vector.broadcast %while3A_40 : i32 to vector<16xi32>
        %add3A_292 = arith.addi %add3A_291, %add3A_290 : vector<16xi32>
        %sub3A_293 = arith.constant 1 : i32
        %sub3A_294 = vector.broadcast %sub3A_293 : i32 to vector<16xi32>
        %sub3A_295 = arith.subi %add3A_292, %sub3A_294 : vector<16xi32>
        %lt3A_296 = arith.constant 1024 : i32
        %lt3A_297 = vector.broadcast %lt3A_296 : i32 to vector<16xi32>
        %lt3A_298 = arith.cmpi slt, %sub3A_295, %lt3A_297 : vector<16xi32>
        %and3A_299 = arith.andi %eq3A_220, %lt3A_298 : vector<16xi1>
        %add3A_300 = arith.constant 2048 : i32
        %add3A_301 = vector.broadcast %add3A_300 : i32 to vector<16xi32>
        %add3A_302 = arith.addi %add3A_301, %sub3A_295 : vector<16xi32>
        %select_n3A_303 = arith.select %and3A_299, %add3A_302, %select_n3A_214 : vector<16xi1>, vector<16xi32>
        %slice3A_304 = vector.extract_strided_slice %add3A_290 {offsets = [15], sizes = [1], strides = [1]} : vector<16xi32> to vector<1xi32>
        %squeeze3A_305 = vector.extract %slice3A_304[0] : i32 from vector<1xi32>
        %add3A_306 = arith.addi %while3A_40, %squeeze3A_305 : i32
        %eq3A_307 = arith.constant 3 : i32
        %eq3A_308 = vector.broadcast %eq3A_307 : i32 to vector<16xi32>
        %eq3A_309 = arith.cmpi eq, %get3A_49, %eq3A_308 : vector<16xi32>
        %iota3A_310 = tpu.iota {dimensions = array<i32: 0>} : vector<16xi32>
        %jit3A_311 = arith.constant 1 : i32
        %jit3A_312 = arith.constant 0 : i32
        %broadcast_in_dim3A_313 = vector.broadcast %jit3A_311 : i32 to vector<16xi32>
        %broadcast_in_dim3A_314 = vector.broadcast %jit3A_312 : i32 to vector<16xi32>
        %select_n3A_315 = arith.select %eq3A_309, %broadcast_in_dim3A_313, %broadcast_in_dim3A_314 : vector<16xi1>, vector<16xi32>
        %sub3A_316 = arith.constant 1 : i32
        %sub3A_317 = vector.broadcast %sub3A_316 : i32 to vector<16xi32>
        %sub3A_318 = arith.subi %iota3A_310, %sub3A_317 : vector<16xi32>
        %max3A_319 = arith.constant 0 : i32
        %max3A_320 = vector.broadcast %max3A_319 : i32 to vector<16xi32>
        %max3A_321 = arith.maxsi %sub3A_318, %max3A_320 : vector<16xi32>
        %broadcast_in_dim3A_322 = vector.shape_cast %max3A_321 : vector<16xi32> to vector<16x1xi32>
        %gather3A_323 = vector.shape_cast %broadcast_in_dim3A_322 : vector<16x1xi32> to vector<16xi32>
        %gather3A_324 = tpu.dynamic_gather %select_n3A_315[%gather3A_323] in [0] : vector<16xi32>, vector<16xi32> -> vector<16xi32>
        %ge3A_325 = arith.constant 1 : i32
        %ge3A_326 = vector.broadcast %ge3A_325 : i32 to vector<16xi32>
        %ge3A_327 = arith.cmpi sge, %iota3A_310, %ge3A_326 : vector<16xi32>
        %jit3A_328 = arith.constant 0 : i32
        %broadcast_in_dim3A_329 = vector.broadcast %jit3A_328 : i32 to vector<16xi32>
        %select_n3A_330 = arith.select %ge3A_327, %gather3A_324, %broadcast_in_dim3A_329 : vector<16xi1>, vector<16xi32>
        %add3A_331 = arith.addi %select_n3A_315, %select_n3A_330 : vector<16xi32>
        %sub3A_332 = arith.constant 2 : i32
        %sub3A_333 = vector.broadcast %sub3A_332 : i32 to vector<16xi32>
        %sub3A_334 = arith.subi %iota3A_310, %sub3A_333 : vector<16xi32>
        %max3A_335 = arith.constant 0 : i32
        %max3A_336 = vector.broadcast %max3A_335 : i32 to vector<16xi32>
        %max3A_337 = arith.maxsi %sub3A_334, %max3A_336 : vector<16xi32>
        %broadcast_in_dim3A_338 = vector.shape_cast %max3A_337 : vector<16xi32> to vector<16x1xi32>
        %gather3A_339 = vector.shape_cast %broadcast_in_dim3A_338 : vector<16x1xi32> to vector<16xi32>
        %gather3A_340 = tpu.dynamic_gather %add3A_331[%gather3A_339] in [0] : vector<16xi32>, vector<16xi32> -> vector<16xi32>
        %ge3A_341 = arith.constant 2 : i32
        %ge3A_342 = vector.broadcast %ge3A_341 : i32 to vector<16xi32>
        %ge3A_343 = arith.cmpi sge, %iota3A_310, %ge3A_342 : vector<16xi32>
        %jit3A_344 = arith.constant 0 : i32
        %broadcast_in_dim3A_345 = vector.broadcast %jit3A_344 : i32 to vector<16xi32>
        %select_n3A_346 = arith.select %ge3A_343, %gather3A_340, %broadcast_in_dim3A_345 : vector<16xi1>, vector<16xi32>
        %add3A_347 = arith.addi %add3A_331, %select_n3A_346 : vector<16xi32>
        %sub3A_348 = arith.constant 4 : i32
        %sub3A_349 = vector.broadcast %sub3A_348 : i32 to vector<16xi32>
        %sub3A_350 = arith.subi %iota3A_310, %sub3A_349 : vector<16xi32>
        %max3A_351 = arith.constant 0 : i32
        %max3A_352 = vector.broadcast %max3A_351 : i32 to vector<16xi32>
        %max3A_353 = arith.maxsi %sub3A_350, %max3A_352 : vector<16xi32>
        %broadcast_in_dim3A_354 = vector.shape_cast %max3A_353 : vector<16xi32> to vector<16x1xi32>
        %gather3A_355 = vector.shape_cast %broadcast_in_dim3A_354 : vector<16x1xi32> to vector<16xi32>
        %gather3A_356 = tpu.dynamic_gather %add3A_347[%gather3A_355] in [0] : vector<16xi32>, vector<16xi32> -> vector<16xi32>
        %ge3A_357 = arith.constant 4 : i32
        %ge3A_358 = vector.broadcast %ge3A_357 : i32 to vector<16xi32>
        %ge3A_359 = arith.cmpi sge, %iota3A_310, %ge3A_358 : vector<16xi32>
        %jit3A_360 = arith.constant 0 : i32
        %broadcast_in_dim3A_361 = vector.broadcast %jit3A_360 : i32 to vector<16xi32>
        %select_n3A_362 = arith.select %ge3A_359, %gather3A_356, %broadcast_in_dim3A_361 : vector<16xi1>, vector<16xi32>
        %add3A_363 = arith.addi %add3A_347, %select_n3A_362 : vector<16xi32>
        %sub3A_364 = arith.constant 8 : i32
        %sub3A_365 = vector.broadcast %sub3A_364 : i32 to vector<16xi32>
        %sub3A_366 = arith.subi %iota3A_310, %sub3A_365 : vector<16xi32>
        %max3A_367 = arith.constant 0 : i32
        %max3A_368 = vector.broadcast %max3A_367 : i32 to vector<16xi32>
        %max3A_369 = arith.maxsi %sub3A_366, %max3A_368 : vector<16xi32>
        %broadcast_in_dim3A_370 = vector.shape_cast %max3A_369 : vector<16xi32> to vector<16x1xi32>
        %gather3A_371 = vector.shape_cast %broadcast_in_dim3A_370 : vector<16x1xi32> to vector<16xi32>
        %gather3A_372 = tpu.dynamic_gather %add3A_363[%gather3A_371] in [0] : vector<16xi32>, vector<16xi32> -> vector<16xi32>
        %ge3A_373 = arith.constant 8 : i32
        %ge3A_374 = vector.broadcast %ge3A_373 : i32 to vector<16xi32>
        %ge3A_375 = arith.cmpi sge, %iota3A_310, %ge3A_374 : vector<16xi32>
        %jit3A_376 = arith.constant 0 : i32
        %broadcast_in_dim3A_377 = vector.broadcast %jit3A_376 : i32 to vector<16xi32>
        %select_n3A_378 = arith.select %ge3A_375, %gather3A_372, %broadcast_in_dim3A_377 : vector<16xi1>, vector<16xi32>
        %add3A_379 = arith.addi %add3A_363, %select_n3A_378 : vector<16xi32>
        %add3A_380 = vector.broadcast %while3A_41 : i32 to vector<16xi32>
        %add3A_381 = arith.addi %add3A_380, %add3A_379 : vector<16xi32>
        %sub3A_382 = arith.constant 1 : i32
        %sub3A_383 = vector.broadcast %sub3A_382 : i32 to vector<16xi32>
        %sub3A_384 = arith.subi %add3A_381, %sub3A_383 : vector<16xi32>
        %lt3A_385 = arith.constant 1024 : i32
        %lt3A_386 = vector.broadcast %lt3A_385 : i32 to vector<16xi32>
        %lt3A_387 = arith.cmpi slt, %sub3A_384, %lt3A_386 : vector<16xi32>
        %and3A_388 = arith.andi %eq3A_309, %lt3A_387 : vector<16xi1>
        %add3A_389 = arith.constant 3072 : i32
        %add3A_390 = vector.broadcast %add3A_389 : i32 to vector<16xi32>
        %add3A_391 = arith.addi %add3A_390, %sub3A_384 : vector<16xi32>
        %select_n3A_392 = arith.select %and3A_388, %add3A_391, %select_n3A_303 : vector<16xi1>, vector<16xi32>
        %slice3A_393 = vector.extract_strided_slice %add3A_379 {offsets = [15], sizes = [1], strides = [1]} : vector<16xi32> to vector<1xi32>
        %squeeze3A_394 = vector.extract %slice3A_393[0] : i32 from vector<1xi32>
        %add3A_395 = arith.addi %while3A_41, %squeeze3A_394 : i32
        %eq3A_396 = arith.constant 4 : i32
        %eq3A_397 = vector.broadcast %eq3A_396 : i32 to vector<16xi32>
        %eq3A_398 = arith.cmpi eq, %get3A_49, %eq3A_397 : vector<16xi32>
        %iota3A_399 = tpu.iota {dimensions = array<i32: 0>} : vector<16xi32>
        %jit3A_400 = arith.constant 1 : i32
        %jit3A_401 = arith.constant 0 : i32
        %broadcast_in_dim3A_402 = vector.broadcast %jit3A_400 : i32 to vector<16xi32>
        %broadcast_in_dim3A_403 = vector.broadcast %jit3A_401 : i32 to vector<16xi32>
        %select_n3A_404 = arith.select %eq3A_398, %broadcast_in_dim3A_402, %broadcast_in_dim3A_403 : vector<16xi1>, vector<16xi32>
        %sub3A_405 = arith.constant 1 : i32
        %sub3A_406 = vector.broadcast %sub3A_405 : i32 to vector<16xi32>
        %sub3A_407 = arith.subi %iota3A_399, %sub3A_406 : vector<16xi32>
        %max3A_408 = arith.constant 0 : i32
        %max3A_409 = vector.broadcast %max3A_408 : i32 to vector<16xi32>
        %max3A_410 = arith.maxsi %sub3A_407, %max3A_409 : vector<16xi32>
        %broadcast_in_dim3A_411 = vector.shape_cast %max3A_410 : vector<16xi32> to vector<16x1xi32>
        %gather3A_412 = vector.shape_cast %broadcast_in_dim3A_411 : vector<16x1xi32> to vector<16xi32>
        %gather3A_413 = tpu.dynamic_gather %select_n3A_404[%gather3A_412] in [0] : vector<16xi32>, vector<16xi32> -> vector<16xi32>
        %ge3A_414 = arith.constant 1 : i32
        %ge3A_415 = vector.broadcast %ge3A_414 : i32 to vector<16xi32>
        %ge3A_416 = arith.cmpi sge, %iota3A_399, %ge3A_415 : vector<16xi32>
        %jit3A_417 = arith.constant 0 : i32
        %broadcast_in_dim3A_418 = vector.broadcast %jit3A_417 : i32 to vector<16xi32>
        %select_n3A_419 = arith.select %ge3A_416, %gather3A_413, %broadcast_in_dim3A_418 : vector<16xi1>, vector<16xi32>
        %add3A_420 = arith.addi %select_n3A_404, %select_n3A_419 : vector<16xi32>
        %sub3A_421 = arith.constant 2 : i32
        %sub3A_422 = vector.broadcast %sub3A_421 : i32 to vector<16xi32>
        %sub3A_423 = arith.subi %iota3A_399, %sub3A_422 : vector<16xi32>
        %max3A_424 = arith.constant 0 : i32
        %max3A_425 = vector.broadcast %max3A_424 : i32 to vector<16xi32>
        %max3A_426 = arith.maxsi %sub3A_423, %max3A_425 : vector<16xi32>
        %broadcast_in_dim3A_427 = vector.shape_cast %max3A_426 : vector<16xi32> to vector<16x1xi32>
        %gather3A_428 = vector.shape_cast %broadcast_in_dim3A_427 : vector<16x1xi32> to vector<16xi32>
        %gather3A_429 = tpu.dynamic_gather %add3A_420[%gather3A_428] in [0] : vector<16xi32>, vector<16xi32> -> vector<16xi32>
        %ge3A_430 = arith.constant 2 : i32
        %ge3A_431 = vector.broadcast %ge3A_430 : i32 to vector<16xi32>
        %ge3A_432 = arith.cmpi sge, %iota3A_399, %ge3A_431 : vector<16xi32>
        %jit3A_433 = arith.constant 0 : i32
        %broadcast_in_dim3A_434 = vector.broadcast %jit3A_433 : i32 to vector<16xi32>
        %select_n3A_435 = arith.select %ge3A_432, %gather3A_429, %broadcast_in_dim3A_434 : vector<16xi1>, vector<16xi32>
        %add3A_436 = arith.addi %add3A_420, %select_n3A_435 : vector<16xi32>
        %sub3A_437 = arith.constant 4 : i32
        %sub3A_438 = vector.broadcast %sub3A_437 : i32 to vector<16xi32>
        %sub3A_439 = arith.subi %iota3A_399, %sub3A_438 : vector<16xi32>
        %max3A_440 = arith.constant 0 : i32
        %max3A_441 = vector.broadcast %max3A_440 : i32 to vector<16xi32>
        %max3A_442 = arith.maxsi %sub3A_439, %max3A_441 : vector<16xi32>
        %broadcast_in_dim3A_443 = vector.shape_cast %max3A_442 : vector<16xi32> to vector<16x1xi32>
        %gather3A_444 = vector.shape_cast %broadcast_in_dim3A_443 : vector<16x1xi32> to vector<16xi32>
        %gather3A_445 = tpu.dynamic_gather %add3A_436[%gather3A_444] in [0] : vector<16xi32>, vector<16xi32> -> vector<16xi32>
        %ge3A_446 = arith.constant 4 : i32
        %ge3A_447 = vector.broadcast %ge3A_446 : i32 to vector<16xi32>
        %ge3A_448 = arith.cmpi sge, %iota3A_399, %ge3A_447 : vector<16xi32>
        %jit3A_449 = arith.constant 0 : i32
        %broadcast_in_dim3A_450 = vector.broadcast %jit3A_449 : i32 to vector<16xi32>
        %select_n3A_451 = arith.select %ge3A_448, %gather3A_445, %broadcast_in_dim3A_450 : vector<16xi1>, vector<16xi32>
        %add3A_452 = arith.addi %add3A_436, %select_n3A_451 : vector<16xi32>
        %sub3A_453 = arith.constant 8 : i32
        %sub3A_454 = vector.broadcast %sub3A_453 : i32 to vector<16xi32>
        %sub3A_455 = arith.subi %iota3A_399, %sub3A_454 : vector<16xi32>
        %max3A_456 = arith.constant 0 : i32
        %max3A_457 = vector.broadcast %max3A_456 : i32 to vector<16xi32>
        %max3A_458 = arith.maxsi %sub3A_455, %max3A_457 : vector<16xi32>
        %broadcast_in_dim3A_459 = vector.shape_cast %max3A_458 : vector<16xi32> to vector<16x1xi32>
        %gather3A_460 = vector.shape_cast %broadcast_in_dim3A_459 : vector<16x1xi32> to vector<16xi32>
        %gather3A_461 = tpu.dynamic_gather %add3A_452[%gather3A_460] in [0] : vector<16xi32>, vector<16xi32> -> vector<16xi32>
        %ge3A_462 = arith.constant 8 : i32
        %ge3A_463 = vector.broadcast %ge3A_462 : i32 to vector<16xi32>
        %ge3A_464 = arith.cmpi sge, %iota3A_399, %ge3A_463 : vector<16xi32>
        %jit3A_465 = arith.constant 0 : i32
        %broadcast_in_dim3A_466 = vector.broadcast %jit3A_465 : i32 to vector<16xi32>
        %select_n3A_467 = arith.select %ge3A_464, %gather3A_461, %broadcast_in_dim3A_466 : vector<16xi1>, vector<16xi32>
        %add3A_468 = arith.addi %add3A_452, %select_n3A_467 : vector<16xi32>
        %add3A_469 = vector.broadcast %while3A_42 : i32 to vector<16xi32>
        %add3A_470 = arith.addi %add3A_469, %add3A_468 : vector<16xi32>
        %sub3A_471 = arith.constant 1 : i32
        %sub3A_472 = vector.broadcast %sub3A_471 : i32 to vector<16xi32>
        %sub3A_473 = arith.subi %add3A_470, %sub3A_472 : vector<16xi32>
        %lt3A_474 = arith.constant 1024 : i32
        %lt3A_475 = vector.broadcast %lt3A_474 : i32 to vector<16xi32>
        %lt3A_476 = arith.cmpi slt, %sub3A_473, %lt3A_475 : vector<16xi32>
        %and3A_477 = arith.andi %eq3A_398, %lt3A_476 : vector<16xi1>
        %add3A_478 = arith.constant 4096 : i32
        %add3A_479 = vector.broadcast %add3A_478 : i32 to vector<16xi32>
        %add3A_480 = arith.addi %add3A_479, %sub3A_473 : vector<16xi32>
        %select_n3A_481 = arith.select %and3A_477, %add3A_480, %select_n3A_392 : vector<16xi1>, vector<16xi32>
        %slice3A_482 = vector.extract_strided_slice %add3A_468 {offsets = [15], sizes = [1], strides = [1]} : vector<16xi32> to vector<1xi32>
        %squeeze3A_483 = vector.extract %slice3A_482[0] : i32 from vector<1xi32>
        %add3A_484 = arith.addi %while3A_42, %squeeze3A_483 : i32
        %eq3A_485 = arith.constant 5 : i32
        %eq3A_486 = vector.broadcast %eq3A_485 : i32 to vector<16xi32>
        %eq3A_487 = arith.cmpi eq, %get3A_49, %eq3A_486 : vector<16xi32>
        %iota3A_488 = tpu.iota {dimensions = array<i32: 0>} : vector<16xi32>
        %jit3A_489 = arith.constant 1 : i32
        %jit3A_490 = arith.constant 0 : i32
        %broadcast_in_dim3A_491 = vector.broadcast %jit3A_489 : i32 to vector<16xi32>
        %broadcast_in_dim3A_492 = vector.broadcast %jit3A_490 : i32 to vector<16xi32>
        %select_n3A_493 = arith.select %eq3A_487, %broadcast_in_dim3A_491, %broadcast_in_dim3A_492 : vector<16xi1>, vector<16xi32>
        %sub3A_494 = arith.constant 1 : i32
        %sub3A_495 = vector.broadcast %sub3A_494 : i32 to vector<16xi32>
        %sub3A_496 = arith.subi %iota3A_488, %sub3A_495 : vector<16xi32>
        %max3A_497 = arith.constant 0 : i32
        %max3A_498 = vector.broadcast %max3A_497 : i32 to vector<16xi32>
        %max3A_499 = arith.maxsi %sub3A_496, %max3A_498 : vector<16xi32>
        %broadcast_in_dim3A_500 = vector.shape_cast %max3A_499 : vector<16xi32> to vector<16x1xi32>
        %gather3A_501 = vector.shape_cast %broadcast_in_dim3A_500 : vector<16x1xi32> to vector<16xi32>
        %gather3A_502 = tpu.dynamic_gather %select_n3A_493[%gather3A_501] in [0] : vector<16xi32>, vector<16xi32> -> vector<16xi32>
        %ge3A_503 = arith.constant 1 : i32
        %ge3A_504 = vector.broadcast %ge3A_503 : i32 to vector<16xi32>
        %ge3A_505 = arith.cmpi sge, %iota3A_488, %ge3A_504 : vector<16xi32>
        %jit3A_506 = arith.constant 0 : i32
        %broadcast_in_dim3A_507 = vector.broadcast %jit3A_506 : i32 to vector<16xi32>
        %select_n3A_508 = arith.select %ge3A_505, %gather3A_502, %broadcast_in_dim3A_507 : vector<16xi1>, vector<16xi32>
        %add3A_509 = arith.addi %select_n3A_493, %select_n3A_508 : vector<16xi32>
        %sub3A_510 = arith.constant 2 : i32
        %sub3A_511 = vector.broadcast %sub3A_510 : i32 to vector<16xi32>
        %sub3A_512 = arith.subi %iota3A_488, %sub3A_511 : vector<16xi32>
        %max3A_513 = arith.constant 0 : i32
        %max3A_514 = vector.broadcast %max3A_513 : i32 to vector<16xi32>
        %max3A_515 = arith.maxsi %sub3A_512, %max3A_514 : vector<16xi32>
        %broadcast_in_dim3A_516 = vector.shape_cast %max3A_515 : vector<16xi32> to vector<16x1xi32>
        %gather3A_517 = vector.shape_cast %broadcast_in_dim3A_516 : vector<16x1xi32> to vector<16xi32>
        %gather3A_518 = tpu.dynamic_gather %add3A_509[%gather3A_517] in [0] : vector<16xi32>, vector<16xi32> -> vector<16xi32>
        %ge3A_519 = arith.constant 2 : i32
        %ge3A_520 = vector.broadcast %ge3A_519 : i32 to vector<16xi32>
        %ge3A_521 = arith.cmpi sge, %iota3A_488, %ge3A_520 : vector<16xi32>
        %jit3A_522 = arith.constant 0 : i32
        %broadcast_in_dim3A_523 = vector.broadcast %jit3A_522 : i32 to vector<16xi32>
        %select_n3A_524 = arith.select %ge3A_521, %gather3A_518, %broadcast_in_dim3A_523 : vector<16xi1>, vector<16xi32>
        %add3A_525 = arith.addi %add3A_509, %select_n3A_524 : vector<16xi32>
        %sub3A_526 = arith.constant 4 : i32
        %sub3A_527 = vector.broadcast %sub3A_526 : i32 to vector<16xi32>
        %sub3A_528 = arith.subi %iota3A_488, %sub3A_527 : vector<16xi32>
        %max3A_529 = arith.constant 0 : i32
        %max3A_530 = vector.broadcast %max3A_529 : i32 to vector<16xi32>
        %max3A_531 = arith.maxsi %sub3A_528, %max3A_530 : vector<16xi32>
        %broadcast_in_dim3A_532 = vector.shape_cast %max3A_531 : vector<16xi32> to vector<16x1xi32>
        %gather3A_533 = vector.shape_cast %broadcast_in_dim3A_532 : vector<16x1xi32> to vector<16xi32>
        %gather3A_534 = tpu.dynamic_gather %add3A_525[%gather3A_533] in [0] : vector<16xi32>, vector<16xi32> -> vector<16xi32>
        %ge3A_535 = arith.constant 4 : i32
        %ge3A_536 = vector.broadcast %ge3A_535 : i32 to vector<16xi32>
        %ge3A_537 = arith.cmpi sge, %iota3A_488, %ge3A_536 : vector<16xi32>
        %jit3A_538 = arith.constant 0 : i32
        %broadcast_in_dim3A_539 = vector.broadcast %jit3A_538 : i32 to vector<16xi32>
        %select_n3A_540 = arith.select %ge3A_537, %gather3A_534, %broadcast_in_dim3A_539 : vector<16xi1>, vector<16xi32>
        %add3A_541 = arith.addi %add3A_525, %select_n3A_540 : vector<16xi32>
        %sub3A_542 = arith.constant 8 : i32
        %sub3A_543 = vector.broadcast %sub3A_542 : i32 to vector<16xi32>
        %sub3A_544 = arith.subi %iota3A_488, %sub3A_543 : vector<16xi32>
        %max3A_545 = arith.constant 0 : i32
        %max3A_546 = vector.broadcast %max3A_545 : i32 to vector<16xi32>
        %max3A_547 = arith.maxsi %sub3A_544, %max3A_546 : vector<16xi32>
        %broadcast_in_dim3A_548 = vector.shape_cast %max3A_547 : vector<16xi32> to vector<16x1xi32>
        %gather3A_549 = vector.shape_cast %broadcast_in_dim3A_548 : vector<16x1xi32> to vector<16xi32>
        %gather3A_550 = tpu.dynamic_gather %add3A_541[%gather3A_549] in [0] : vector<16xi32>, vector<16xi32> -> vector<16xi32>
        %ge3A_551 = arith.constant 8 : i32
        %ge3A_552 = vector.broadcast %ge3A_551 : i32 to vector<16xi32>
        %ge3A_553 = arith.cmpi sge, %iota3A_488, %ge3A_552 : vector<16xi32>
        %jit3A_554 = arith.constant 0 : i32
        %broadcast_in_dim3A_555 = vector.broadcast %jit3A_554 : i32 to vector<16xi32>
        %select_n3A_556 = arith.select %ge3A_553, %gather3A_550, %broadcast_in_dim3A_555 : vector<16xi1>, vector<16xi32>
        %add3A_557 = arith.addi %add3A_541, %select_n3A_556 : vector<16xi32>
        %add3A_558 = vector.broadcast %while3A_43 : i32 to vector<16xi32>
        %add3A_559 = arith.addi %add3A_558, %add3A_557 : vector<16xi32>
        %sub3A_560 = arith.constant 1 : i32
        %sub3A_561 = vector.broadcast %sub3A_560 : i32 to vector<16xi32>
        %sub3A_562 = arith.subi %add3A_559, %sub3A_561 : vector<16xi32>
        %lt3A_563 = arith.constant 1024 : i32
        %lt3A_564 = vector.broadcast %lt3A_563 : i32 to vector<16xi32>
        %lt3A_565 = arith.cmpi slt, %sub3A_562, %lt3A_564 : vector<16xi32>
        %and3A_566 = arith.andi %eq3A_487, %lt3A_565 : vector<16xi1>
        %add3A_567 = arith.constant 5120 : i32
        %add3A_568 = vector.broadcast %add3A_567 : i32 to vector<16xi32>
        %add3A_569 = arith.addi %add3A_568, %sub3A_562 : vector<16xi32>
        %select_n3A_570 = arith.select %and3A_566, %add3A_569, %select_n3A_481 : vector<16xi1>, vector<16xi32>
        %slice3A_571 = vector.extract_strided_slice %add3A_557 {offsets = [15], sizes = [1], strides = [1]} : vector<16xi32> to vector<1xi32>
        %squeeze3A_572 = vector.extract %slice3A_571[0] : i32 from vector<1xi32>
        %add3A_573 = arith.addi %while3A_43, %squeeze3A_572 : i32
        %eq3A_574 = arith.constant 6 : i32
        %eq3A_575 = vector.broadcast %eq3A_574 : i32 to vector<16xi32>
        %eq3A_576 = arith.cmpi eq, %get3A_49, %eq3A_575 : vector<16xi32>
        %iota3A_577 = tpu.iota {dimensions = array<i32: 0>} : vector<16xi32>
        %jit3A_578 = arith.constant 1 : i32
        %jit3A_579 = arith.constant 0 : i32
        %broadcast_in_dim3A_580 = vector.broadcast %jit3A_578 : i32 to vector<16xi32>
        %broadcast_in_dim3A_581 = vector.broadcast %jit3A_579 : i32 to vector<16xi32>
        %select_n3A_582 = arith.select %eq3A_576, %broadcast_in_dim3A_580, %broadcast_in_dim3A_581 : vector<16xi1>, vector<16xi32>
        %sub3A_583 = arith.constant 1 : i32
        %sub3A_584 = vector.broadcast %sub3A_583 : i32 to vector<16xi32>
        %sub3A_585 = arith.subi %iota3A_577, %sub3A_584 : vector<16xi32>
        %max3A_586 = arith.constant 0 : i32
        %max3A_587 = vector.broadcast %max3A_586 : i32 to vector<16xi32>
        %max3A_588 = arith.maxsi %sub3A_585, %max3A_587 : vector<16xi32>
        %broadcast_in_dim3A_589 = vector.shape_cast %max3A_588 : vector<16xi32> to vector<16x1xi32>
        %gather3A_590 = vector.shape_cast %broadcast_in_dim3A_589 : vector<16x1xi32> to vector<16xi32>
        %gather3A_591 = tpu.dynamic_gather %select_n3A_582[%gather3A_590] in [0] : vector<16xi32>, vector<16xi32> -> vector<16xi32>
        %ge3A_592 = arith.constant 1 : i32
        %ge3A_593 = vector.broadcast %ge3A_592 : i32 to vector<16xi32>
        %ge3A_594 = arith.cmpi sge, %iota3A_577, %ge3A_593 : vector<16xi32>
        %jit3A_595 = arith.constant 0 : i32
        %broadcast_in_dim3A_596 = vector.broadcast %jit3A_595 : i32 to vector<16xi32>
        %select_n3A_597 = arith.select %ge3A_594, %gather3A_591, %broadcast_in_dim3A_596 : vector<16xi1>, vector<16xi32>
        %add3A_598 = arith.addi %select_n3A_582, %select_n3A_597 : vector<16xi32>
        %sub3A_599 = arith.constant 2 : i32
        %sub3A_600 = vector.broadcast %sub3A_599 : i32 to vector<16xi32>
        %sub3A_601 = arith.subi %iota3A_577, %sub3A_600 : vector<16xi32>
        %max3A_602 = arith.constant 0 : i32
        %max3A_603 = vector.broadcast %max3A_602 : i32 to vector<16xi32>
        %max3A_604 = arith.maxsi %sub3A_601, %max3A_603 : vector<16xi32>
        %broadcast_in_dim3A_605 = vector.shape_cast %max3A_604 : vector<16xi32> to vector<16x1xi32>
        %gather3A_606 = vector.shape_cast %broadcast_in_dim3A_605 : vector<16x1xi32> to vector<16xi32>
        %gather3A_607 = tpu.dynamic_gather %add3A_598[%gather3A_606] in [0] : vector<16xi32>, vector<16xi32> -> vector<16xi32>
        %ge3A_608 = arith.constant 2 : i32
        %ge3A_609 = vector.broadcast %ge3A_608 : i32 to vector<16xi32>
        %ge3A_610 = arith.cmpi sge, %iota3A_577, %ge3A_609 : vector<16xi32>
        %jit3A_611 = arith.constant 0 : i32
        %broadcast_in_dim3A_612 = vector.broadcast %jit3A_611 : i32 to vector<16xi32>
        %select_n3A_613 = arith.select %ge3A_610, %gather3A_607, %broadcast_in_dim3A_612 : vector<16xi1>, vector<16xi32>
        %add3A_614 = arith.addi %add3A_598, %select_n3A_613 : vector<16xi32>
        %sub3A_615 = arith.constant 4 : i32
        %sub3A_616 = vector.broadcast %sub3A_615 : i32 to vector<16xi32>
        %sub3A_617 = arith.subi %iota3A_577, %sub3A_616 : vector<16xi32>
        %max3A_618 = arith.constant 0 : i32
        %max3A_619 = vector.broadcast %max3A_618 : i32 to vector<16xi32>
        %max3A_620 = arith.maxsi %sub3A_617, %max3A_619 : vector<16xi32>
        %broadcast_in_dim3A_621 = vector.shape_cast %max3A_620 : vector<16xi32> to vector<16x1xi32>
        %gather3A_622 = vector.shape_cast %broadcast_in_dim3A_621 : vector<16x1xi32> to vector<16xi32>
        %gather3A_623 = tpu.dynamic_gather %add3A_614[%gather3A_622] in [0] : vector<16xi32>, vector<16xi32> -> vector<16xi32>
        %ge3A_624 = arith.constant 4 : i32
        %ge3A_625 = vector.broadcast %ge3A_624 : i32 to vector<16xi32>
        %ge3A_626 = arith.cmpi sge, %iota3A_577, %ge3A_625 : vector<16xi32>
        %jit3A_627 = arith.constant 0 : i32
        %broadcast_in_dim3A_628 = vector.broadcast %jit3A_627 : i32 to vector<16xi32>
        %select_n3A_629 = arith.select %ge3A_626, %gather3A_623, %broadcast_in_dim3A_628 : vector<16xi1>, vector<16xi32>
        %add3A_630 = arith.addi %add3A_614, %select_n3A_629 : vector<16xi32>
        %sub3A_631 = arith.constant 8 : i32
        %sub3A_632 = vector.broadcast %sub3A_631 : i32 to vector<16xi32>
        %sub3A_633 = arith.subi %iota3A_577, %sub3A_632 : vector<16xi32>
        %max3A_634 = arith.constant 0 : i32
        %max3A_635 = vector.broadcast %max3A_634 : i32 to vector<16xi32>
        %max3A_636 = arith.maxsi %sub3A_633, %max3A_635 : vector<16xi32>
        %broadcast_in_dim3A_637 = vector.shape_cast %max3A_636 : vector<16xi32> to vector<16x1xi32>
        %gather3A_638 = vector.shape_cast %broadcast_in_dim3A_637 : vector<16x1xi32> to vector<16xi32>
        %gather3A_639 = tpu.dynamic_gather %add3A_630[%gather3A_638] in [0] : vector<16xi32>, vector<16xi32> -> vector<16xi32>
        %ge3A_640 = arith.constant 8 : i32
        %ge3A_641 = vector.broadcast %ge3A_640 : i32 to vector<16xi32>
        %ge3A_642 = arith.cmpi sge, %iota3A_577, %ge3A_641 : vector<16xi32>
        %jit3A_643 = arith.constant 0 : i32
        %broadcast_in_dim3A_644 = vector.broadcast %jit3A_643 : i32 to vector<16xi32>
        %select_n3A_645 = arith.select %ge3A_642, %gather3A_639, %broadcast_in_dim3A_644 : vector<16xi1>, vector<16xi32>
        %add3A_646 = arith.addi %add3A_630, %select_n3A_645 : vector<16xi32>
        %add3A_647 = vector.broadcast %while3A_44 : i32 to vector<16xi32>
        %add3A_648 = arith.addi %add3A_647, %add3A_646 : vector<16xi32>
        %sub3A_649 = arith.constant 1 : i32
        %sub3A_650 = vector.broadcast %sub3A_649 : i32 to vector<16xi32>
        %sub3A_651 = arith.subi %add3A_648, %sub3A_650 : vector<16xi32>
        %lt3A_652 = arith.constant 1024 : i32
        %lt3A_653 = vector.broadcast %lt3A_652 : i32 to vector<16xi32>
        %lt3A_654 = arith.cmpi slt, %sub3A_651, %lt3A_653 : vector<16xi32>
        %and3A_655 = arith.andi %eq3A_576, %lt3A_654 : vector<16xi1>
        %add3A_656 = arith.constant 6144 : i32
        %add3A_657 = vector.broadcast %add3A_656 : i32 to vector<16xi32>
        %add3A_658 = arith.addi %add3A_657, %sub3A_651 : vector<16xi32>
        %select_n3A_659 = arith.select %and3A_655, %add3A_658, %select_n3A_570 : vector<16xi1>, vector<16xi32>
        %slice3A_660 = vector.extract_strided_slice %add3A_646 {offsets = [15], sizes = [1], strides = [1]} : vector<16xi32> to vector<1xi32>
        %squeeze3A_661 = vector.extract %slice3A_660[0] : i32 from vector<1xi32>
        %add3A_662 = arith.addi %while3A_44, %squeeze3A_661 : i32
        %eq3A_663 = arith.constant 7 : i32
        %eq3A_664 = vector.broadcast %eq3A_663 : i32 to vector<16xi32>
        %eq3A_665 = arith.cmpi eq, %get3A_49, %eq3A_664 : vector<16xi32>
        %iota3A_666 = tpu.iota {dimensions = array<i32: 0>} : vector<16xi32>
        %jit3A_667 = arith.constant 1 : i32
        %jit3A_668 = arith.constant 0 : i32
        %broadcast_in_dim3A_669 = vector.broadcast %jit3A_667 : i32 to vector<16xi32>
        %broadcast_in_dim3A_670 = vector.broadcast %jit3A_668 : i32 to vector<16xi32>
        %select_n3A_671 = arith.select %eq3A_665, %broadcast_in_dim3A_669, %broadcast_in_dim3A_670 : vector<16xi1>, vector<16xi32>
        %sub3A_672 = arith.constant 1 : i32
        %sub3A_673 = vector.broadcast %sub3A_672 : i32 to vector<16xi32>
        %sub3A_674 = arith.subi %iota3A_666, %sub3A_673 : vector<16xi32>
        %max3A_675 = arith.constant 0 : i32
        %max3A_676 = vector.broadcast %max3A_675 : i32 to vector<16xi32>
        %max3A_677 = arith.maxsi %sub3A_674, %max3A_676 : vector<16xi32>
        %broadcast_in_dim3A_678 = vector.shape_cast %max3A_677 : vector<16xi32> to vector<16x1xi32>
        %gather3A_679 = vector.shape_cast %broadcast_in_dim3A_678 : vector<16x1xi32> to vector<16xi32>
        %gather3A_680 = tpu.dynamic_gather %select_n3A_671[%gather3A_679] in [0] : vector<16xi32>, vector<16xi32> -> vector<16xi32>
        %ge3A_681 = arith.constant 1 : i32
        %ge3A_682 = vector.broadcast %ge3A_681 : i32 to vector<16xi32>
        %ge3A_683 = arith.cmpi sge, %iota3A_666, %ge3A_682 : vector<16xi32>
        %jit3A_684 = arith.constant 0 : i32
        %broadcast_in_dim3A_685 = vector.broadcast %jit3A_684 : i32 to vector<16xi32>
        %select_n3A_686 = arith.select %ge3A_683, %gather3A_680, %broadcast_in_dim3A_685 : vector<16xi1>, vector<16xi32>
        %add3A_687 = arith.addi %select_n3A_671, %select_n3A_686 : vector<16xi32>
        %sub3A_688 = arith.constant 2 : i32
        %sub3A_689 = vector.broadcast %sub3A_688 : i32 to vector<16xi32>
        %sub3A_690 = arith.subi %iota3A_666, %sub3A_689 : vector<16xi32>
        %max3A_691 = arith.constant 0 : i32
        %max3A_692 = vector.broadcast %max3A_691 : i32 to vector<16xi32>
        %max3A_693 = arith.maxsi %sub3A_690, %max3A_692 : vector<16xi32>
        %broadcast_in_dim3A_694 = vector.shape_cast %max3A_693 : vector<16xi32> to vector<16x1xi32>
        %gather3A_695 = vector.shape_cast %broadcast_in_dim3A_694 : vector<16x1xi32> to vector<16xi32>
        %gather3A_696 = tpu.dynamic_gather %add3A_687[%gather3A_695] in [0] : vector<16xi32>, vector<16xi32> -> vector<16xi32>
        %ge3A_697 = arith.constant 2 : i32
        %ge3A_698 = vector.broadcast %ge3A_697 : i32 to vector<16xi32>
        %ge3A_699 = arith.cmpi sge, %iota3A_666, %ge3A_698 : vector<16xi32>
        %jit3A_700 = arith.constant 0 : i32
        %broadcast_in_dim3A_701 = vector.broadcast %jit3A_700 : i32 to vector<16xi32>
        %select_n3A_702 = arith.select %ge3A_699, %gather3A_696, %broadcast_in_dim3A_701 : vector<16xi1>, vector<16xi32>
        %add3A_703 = arith.addi %add3A_687, %select_n3A_702 : vector<16xi32>
        %sub3A_704 = arith.constant 4 : i32
        %sub3A_705 = vector.broadcast %sub3A_704 : i32 to vector<16xi32>
        %sub3A_706 = arith.subi %iota3A_666, %sub3A_705 : vector<16xi32>
        %max3A_707 = arith.constant 0 : i32
        %max3A_708 = vector.broadcast %max3A_707 : i32 to vector<16xi32>
        %max3A_709 = arith.maxsi %sub3A_706, %max3A_708 : vector<16xi32>
        %broadcast_in_dim3A_710 = vector.shape_cast %max3A_709 : vector<16xi32> to vector<16x1xi32>
        %gather3A_711 = vector.shape_cast %broadcast_in_dim3A_710 : vector<16x1xi32> to vector<16xi32>
        %gather3A_712 = tpu.dynamic_gather %add3A_703[%gather3A_711] in [0] : vector<16xi32>, vector<16xi32> -> vector<16xi32>
        %ge3A_713 = arith.constant 4 : i32
        %ge3A_714 = vector.broadcast %ge3A_713 : i32 to vector<16xi32>
        %ge3A_715 = arith.cmpi sge, %iota3A_666, %ge3A_714 : vector<16xi32>
        %jit3A_716 = arith.constant 0 : i32
        %broadcast_in_dim3A_717 = vector.broadcast %jit3A_716 : i32 to vector<16xi32>
        %select_n3A_718 = arith.select %ge3A_715, %gather3A_712, %broadcast_in_dim3A_717 : vector<16xi1>, vector<16xi32>
        %add3A_719 = arith.addi %add3A_703, %select_n3A_718 : vector<16xi32>
        %sub3A_720 = arith.constant 8 : i32
        %sub3A_721 = vector.broadcast %sub3A_720 : i32 to vector<16xi32>
        %sub3A_722 = arith.subi %iota3A_666, %sub3A_721 : vector<16xi32>
        %max3A_723 = arith.constant 0 : i32
        %max3A_724 = vector.broadcast %max3A_723 : i32 to vector<16xi32>
        %max3A_725 = arith.maxsi %sub3A_722, %max3A_724 : vector<16xi32>
        %broadcast_in_dim3A_726 = vector.shape_cast %max3A_725 : vector<16xi32> to vector<16x1xi32>
        %gather3A_727 = vector.shape_cast %broadcast_in_dim3A_726 : vector<16x1xi32> to vector<16xi32>
        %gather3A_728 = tpu.dynamic_gather %add3A_719[%gather3A_727] in [0] : vector<16xi32>, vector<16xi32> -> vector<16xi32>
        %ge3A_729 = arith.constant 8 : i32
        %ge3A_730 = vector.broadcast %ge3A_729 : i32 to vector<16xi32>
        %ge3A_731 = arith.cmpi sge, %iota3A_666, %ge3A_730 : vector<16xi32>
        %jit3A_732 = arith.constant 0 : i32
        %broadcast_in_dim3A_733 = vector.broadcast %jit3A_732 : i32 to vector<16xi32>
        %select_n3A_734 = arith.select %ge3A_731, %gather3A_728, %broadcast_in_dim3A_733 : vector<16xi1>, vector<16xi32>
        %add3A_735 = arith.addi %add3A_719, %select_n3A_734 : vector<16xi32>
        %add3A_736 = vector.broadcast %while3A_45 : i32 to vector<16xi32>
        %add3A_737 = arith.addi %add3A_736, %add3A_735 : vector<16xi32>
        %sub3A_738 = arith.constant 1 : i32
        %sub3A_739 = vector.broadcast %sub3A_738 : i32 to vector<16xi32>
        %sub3A_740 = arith.subi %add3A_737, %sub3A_739 : vector<16xi32>
        %lt3A_741 = arith.constant 1024 : i32
        %lt3A_742 = vector.broadcast %lt3A_741 : i32 to vector<16xi32>
        %lt3A_743 = arith.cmpi slt, %sub3A_740, %lt3A_742 : vector<16xi32>
        %and3A_744 = arith.andi %eq3A_665, %lt3A_743 : vector<16xi1>
        %add3A_745 = arith.constant 7168 : i32
        %add3A_746 = vector.broadcast %add3A_745 : i32 to vector<16xi32>
        %add3A_747 = arith.addi %add3A_746, %sub3A_740 : vector<16xi32>
        %select_n3A_748 = arith.select %and3A_744, %add3A_747, %select_n3A_659 : vector<16xi1>, vector<16xi32>
        %slice3A_749 = vector.extract_strided_slice %add3A_735 {offsets = [15], sizes = [1], strides = [1]} : vector<16xi32> to vector<1xi32>
        %squeeze3A_750 = vector.extract %slice3A_749[0] : i32 from vector<1xi32>
        %add3A_751 = arith.addi %while3A_45, %squeeze3A_750 : i32
        %sub3A_752 = arith.subi %while3A_37, %mul3A_4 : i32
        %mul3A_753 = arith.constant 16 : i32
        %mul3A_754 = arith.muli %sub3A_752, %mul3A_753 : i32
        %swap3A = arith.index_cast %mul3A_754 : i32 to index
        %swap3A_755 = tpu.vector_load %arg5[%swap3A] {strides = array<i32>} : memref<512xi32, #tpu.memory_space<vmem>>, vector<16xi32>,
        %swap3A_756 = vector.shape_cast %swap3A_755 : vector<16xi32> to vector<16xi32>
        %swap3A_757 = vector.shape_cast %select_n3A_748 : vector<16xi32> to vector<16xi32>
        tpu.vector_store %arg5[%swap3A], %swap3A_757 {strides = array<i32>} : memref<512xi32, #tpu.memory_space<vmem>>, vector<16xi32>,
        scf.yield %add3A_128, %add3A_217, %add3A_306, %add3A_395, %add3A_484, %add3A_573, %add3A_662, %add3A_751 : i32, i32, i32, i32, i32, i32, i32, i32
      }
      %while3A_33 = arith.constant 1 : i32
      %while3A_34:8 = scf.for %while3A_37 = %while3A_30 to %while3A_26 step %while3A_33 iter_args(%while3A_38 = %while3A_32#0, %while3A_39 = %while3A_32#1, %while3A_40 = %while3A_32#2, %while3A_41 = %while3A_32#3, %while3A_42 = %while3A_32#4, %while3A_43 = %while3A_32#5, %while3A_44 = %while3A_32#6, %while3A_45 = %while3A_32#7) -> (i32, i32, i32, i32, i32, i32, i32, i32)  : i32 {
        %mul3A_46 = arith.constant 16 : i32
        %mul3A_47 = arith.muli %while3A_37, %mul3A_46 : i32
        %get3A = arith.index_cast %mul3A_47 : i32 to index
        %get3A_48 = tpu.vector_load %arg4[%get3A] {strides = array<i32>} : memref<8192xi32, #tpu.memory_space<vmem>>, vector<16xi32>,
        %get3A_49 = vector.shape_cast %get3A_48 : vector<16xi32> to vector<16xi32>
        %broadcast_in_dim3A = arith.constant 8192 : i32
        %broadcast_in_dim3A_50 = vector.broadcast %broadcast_in_dim3A : i32 to vector<16xi32>
        %eq3A = arith.constant 0 : i32
        %eq3A_51 = vector.broadcast %eq3A : i32 to vector<16xi32>
        %eq3A_52 = arith.cmpi eq, %get3A_49, %eq3A_51 : vector<16xi32>
        %iota3A = tpu.iota {dimensions = array<i32: 0>} : vector<16xi32>
        %jit3A = arith.constant 1 : i32
        %jit3A_53 = arith.constant 0 : i32
        %broadcast_in_dim3A_54 = vector.broadcast %jit3A : i32 to vector<16xi32>
        %broadcast_in_dim3A_55 = vector.broadcast %jit3A_53 : i32 to vector<16xi32>
        %select_n3A = arith.select %eq3A_52, %broadcast_in_dim3A_54, %broadcast_in_dim3A_55 : vector<16xi1>, vector<16xi32>
        %sub3A = arith.constant 1 : i32
        %sub3A_56 = vector.broadcast %sub3A : i32 to vector<16xi32>
        %sub3A_57 = arith.subi %iota3A, %sub3A_56 : vector<16xi32>
        %max3A = arith.constant 0 : i32
        %max3A_58 = vector.broadcast %max3A : i32 to vector<16xi32>
        %max3A_59 = arith.maxsi %sub3A_57, %max3A_58 : vector<16xi32>
        %broadcast_in_dim3A_60 = vector.shape_cast %max3A_59 : vector<16xi32> to vector<16x1xi32>
        %gather3A = vector.shape_cast %broadcast_in_dim3A_60 : vector<16x1xi32> to vector<16xi32>
        %gather3A_61 = tpu.dynamic_gather %select_n3A[%gather3A] in [0] : vector<16xi32>, vector<16xi32> -> vector<16xi32>
        %ge3A = arith.constant 1 : i32
        %ge3A_62 = vector.broadcast %ge3A : i32 to vector<16xi32>
        %ge3A_63 = arith.cmpi sge, %iota3A, %ge3A_62 : vector<16xi32>
        %jit3A_64 = arith.constant 0 : i32
        %broadcast_in_dim3A_65 = vector.broadcast %jit3A_64 : i32 to vector<16xi32>
        %select_n3A_66 = arith.select %ge3A_63, %gather3A_61, %broadcast_in_dim3A_65 : vector<16xi1>, vector<16xi32>
        %add3A_67 = arith.addi %select_n3A, %select_n3A_66 : vector<16xi32>
        %sub3A_68 = arith.constant 2 : i32
        %sub3A_69 = vector.broadcast %sub3A_68 : i32 to vector<16xi32>
        %sub3A_70 = arith.subi %iota3A, %sub3A_69 : vector<16xi32>
        %max3A_71 = arith.constant 0 : i32
        %max3A_72 = vector.broadcast %max3A_71 : i32 to vector<16xi32>
        %max3A_73 = arith.maxsi %sub3A_70, %max3A_72 : vector<16xi32>
        %broadcast_in_dim3A_74 = vector.shape_cast %max3A_73 : vector<16xi32> to vector<16x1xi32>
        %gather3A_75 = vector.shape_cast %broadcast_in_dim3A_74 : vector<16x1xi32> to vector<16xi32>
        %gather3A_76 = tpu.dynamic_gather %add3A_67[%gather3A_75] in [0] : vector<16xi32>, vector<16xi32> -> vector<16xi32>
        %ge3A_77 = arith.constant 2 : i32
        %ge3A_78 = vector.broadcast %ge3A_77 : i32 to vector<16xi32>
        %ge3A_79 = arith.cmpi sge, %iota3A, %ge3A_78 : vector<16xi32>
        %jit3A_80 = arith.constant 0 : i32
        %broadcast_in_dim3A_81 = vector.broadcast %jit3A_80 : i32 to vector<16xi32>
        %select_n3A_82 = arith.select %ge3A_79, %gather3A_76, %broadcast_in_dim3A_81 : vector<16xi1>, vector<16xi32>
        %add3A_83 = arith.addi %add3A_67, %select_n3A_82 : vector<16xi32>
        %sub3A_84 = arith.constant 4 : i32
        %sub3A_85 = vector.broadcast %sub3A_84 : i32 to vector<16xi32>
        %sub3A_86 = arith.subi %iota3A, %sub3A_85 : vector<16xi32>
        %max3A_87 = arith.constant 0 : i32
        %max3A_88 = vector.broadcast %max3A_87 : i32 to vector<16xi32>
        %max3A_89 = arith.maxsi %sub3A_86, %max3A_88 : vector<16xi32>
        %broadcast_in_dim3A_90 = vector.shape_cast %max3A_89 : vector<16xi32> to vector<16x1xi32>
        %gather3A_91 = vector.shape_cast %broadcast_in_dim3A_90 : vector<16x1xi32> to vector<16xi32>
        %gather3A_92 = tpu.dynamic_gather %add3A_83[%gather3A_91] in [0] : vector<16xi32>, vector<16xi32> -> vector<16xi32>
        %ge3A_93 = arith.constant 4 : i32
        %ge3A_94 = vector.broadcast %ge3A_93 : i32 to vector<16xi32>
        %ge3A_95 = arith.cmpi sge, %iota3A, %ge3A_94 : vector<16xi32>
        %jit3A_96 = arith.constant 0 : i32
        %broadcast_in_dim3A_97 = vector.broadcast %jit3A_96 : i32 to vector<16xi32>
        %select_n3A_98 = arith.select %ge3A_95, %gather3A_92, %broadcast_in_dim3A_97 : vector<16xi1>, vector<16xi32>
        %add3A_99 = arith.addi %add3A_83, %select_n3A_98 : vector<16xi32>
        %sub3A_100 = arith.constant 8 : i32
        %sub3A_101 = vector.broadcast %sub3A_100 : i32 to vector<16xi32>
        %sub3A_102 = arith.subi %iota3A, %sub3A_101 : vector<16xi32>
        %max3A_103 = arith.constant 0 : i32
        %max3A_104 = vector.broadcast %max3A_103 : i32 to vector<16xi32>
        %max3A_105 = arith.maxsi %sub3A_102, %max3A_104 : vector<16xi32>
        %broadcast_in_dim3A_106 = vector.shape_cast %max3A_105 : vector<16xi32> to vector<16x1xi32>
        %gather3A_107 = vector.shape_cast %broadcast_in_dim3A_106 : vector<16x1xi32> to vector<16xi32>
        %gather3A_108 = tpu.dynamic_gather %add3A_99[%gather3A_107] in [0] : vector<16xi32>, vector<16xi32> -> vector<16xi32>
        %ge3A_109 = arith.constant 8 : i32
        %ge3A_110 = vector.broadcast %ge3A_109 : i32 to vector<16xi32>
        %ge3A_111 = arith.cmpi sge, %iota3A, %ge3A_110 : vector<16xi32>
        %jit3A_112 = arith.constant 0 : i32
        %broadcast_in_dim3A_113 = vector.broadcast %jit3A_112 : i32 to vector<16xi32>
        %select_n3A_114 = arith.select %ge3A_111, %gather3A_108, %broadcast_in_dim3A_113 : vector<16xi1>, vector<16xi32>
        %add3A_115 = arith.addi %add3A_99, %select_n3A_114 : vector<16xi32>
        %add3A_116 = vector.broadcast %while3A_38 : i32 to vector<16xi32>
        %add3A_117 = arith.addi %add3A_116, %add3A_115 : vector<16xi32>
        %sub3A_118 = arith.constant 1 : i32
        %sub3A_119 = vector.broadcast %sub3A_118 : i32 to vector<16xi32>
        %sub3A_120 = arith.subi %add3A_117, %sub3A_119 : vector<16xi32>
        %lt3A_121 = arith.constant 1024 : i32
        %lt3A_122 = vector.broadcast %lt3A_121 : i32 to vector<16xi32>
        %lt3A_123 = arith.cmpi slt, %sub3A_120, %lt3A_122 : vector<16xi32>
        %and3A = arith.andi %eq3A_52, %lt3A_123 : vector<16xi1>
        %add3A_124 = arith.constant 0 : i32
        %add3A_125 = vector.broadcast %add3A_124 : i32 to vector<16xi32>
        %add3A_126 = arith.addi %add3A_125, %sub3A_120 : vector<16xi32>
        %select_n3A_127 = arith.select %and3A, %add3A_126, %broadcast_in_dim3A_50 : vector<16xi1>, vector<16xi32>
        %slice3A = vector.extract_strided_slice %add3A_115 {offsets = [15], sizes = [1], strides = [1]} : vector<16xi32> to vector<1xi32>
        %squeeze3A = vector.extract %slice3A[0] : i32 from vector<1xi32>
        %add3A_128 = arith.addi %while3A_38, %squeeze3A : i32
        %eq3A_129 = arith.constant 1 : i32
        %eq3A_130 = vector.broadcast %eq3A_129 : i32 to vector<16xi32>
        %eq3A_131 = arith.cmpi eq, %get3A_49, %eq3A_130 : vector<16xi32>
        %iota3A_132 = tpu.iota {dimensions = array<i32: 0>} : vector<16xi32>
        %jit3A_133 = arith.constant 1 : i32
        %jit3A_134 = arith.constant 0 : i32
        %broadcast_in_dim3A_135 = vector.broadcast %jit3A_133 : i32 to vector<16xi32>
        %broadcast_in_dim3A_136 = vector.broadcast %jit3A_134 : i32 to vector<16xi32>
        %select_n3A_137 = arith.select %eq3A_131, %broadcast_in_dim3A_135, %broadcast_in_dim3A_136 : vector<16xi1>, vector<16xi32>
        %sub3A_138 = arith.constant 1 : i32
        %sub3A_139 = vector.broadcast %sub3A_138 : i32 to vector<16xi32>
        %sub3A_140 = arith.subi %iota3A_132, %sub3A_139 : vector<16xi32>
        %max3A_141 = arith.constant 0 : i32
        %max3A_142 = vector.broadcast %max3A_141 : i32 to vector<16xi32>
        %max3A_143 = arith.maxsi %sub3A_140, %max3A_142 : vector<16xi32>
        %broadcast_in_dim3A_144 = vector.shape_cast %max3A_143 : vector<16xi32> to vector<16x1xi32>
        %gather3A_145 = vector.shape_cast %broadcast_in_dim3A_144 : vector<16x1xi32> to vector<16xi32>
        %gather3A_146 = tpu.dynamic_gather %select_n3A_137[%gather3A_145] in [0] : vector<16xi32>, vector<16xi32> -> vector<16xi32>
        %ge3A_147 = arith.constant 1 : i32
        %ge3A_148 = vector.broadcast %ge3A_147 : i32 to vector<16xi32>
        %ge3A_149 = arith.cmpi sge, %iota3A_132, %ge3A_148 : vector<16xi32>
        %jit3A_150 = arith.constant 0 : i32
        %broadcast_in_dim3A_151 = vector.broadcast %jit3A_150 : i32 to vector<16xi32>
        %select_n3A_152 = arith.select %ge3A_149, %gather3A_146, %broadcast_in_dim3A_151 : vector<16xi1>, vector<16xi32>
        %add3A_153 = arith.addi %select_n3A_137, %select_n3A_152 : vector<16xi32>
        %sub3A_154 = arith.constant 2 : i32
        %sub3A_155 = vector.broadcast %sub3A_154 : i32 to vector<16xi32>
        %sub3A_156 = arith.subi %iota3A_132, %sub3A_155 : vector<16xi32>
        %max3A_157 = arith.constant 0 : i32
        %max3A_158 = vector.broadcast %max3A_157 : i32 to vector<16xi32>
        %max3A_159 = arith.maxsi %sub3A_156, %max3A_158 : vector<16xi32>
        %broadcast_in_dim3A_160 = vector.shape_cast %max3A_159 : vector<16xi32> to vector<16x1xi32>
        %gather3A_161 = vector.shape_cast %broadcast_in_dim3A_160 : vector<16x1xi32> to vector<16xi32>
        %gather3A_162 = tpu.dynamic_gather %add3A_153[%gather3A_161] in [0] : vector<16xi32>, vector<16xi32> -> vector<16xi32>
        %ge3A_163 = arith.constant 2 : i32
        %ge3A_164 = vector.broadcast %ge3A_163 : i32 to vector<16xi32>
        %ge3A_165 = arith.cmpi sge, %iota3A_132, %ge3A_164 : vector<16xi32>
        %jit3A_166 = arith.constant 0 : i32
        %broadcast_in_dim3A_167 = vector.broadcast %jit3A_166 : i32 to vector<16xi32>
        %select_n3A_168 = arith.select %ge3A_165, %gather3A_162, %broadcast_in_dim3A_167 : vector<16xi1>, vector<16xi32>
        %add3A_169 = arith.addi %add3A_153, %select_n3A_168 : vector<16xi32>
        %sub3A_170 = arith.constant 4 : i32
        %sub3A_171 = vector.broadcast %sub3A_170 : i32 to vector<16xi32>
        %sub3A_172 = arith.subi %iota3A_132, %sub3A_171 : vector<16xi32>
        %max3A_173 = arith.constant 0 : i32
        %max3A_174 = vector.broadcast %max3A_173 : i32 to vector<16xi32>
        %max3A_175 = arith.maxsi %sub3A_172, %max3A_174 : vector<16xi32>
        %broadcast_in_dim3A_176 = vector.shape_cast %max3A_175 : vector<16xi32> to vector<16x1xi32>
        %gather3A_177 = vector.shape_cast %broadcast_in_dim3A_176 : vector<16x1xi32> to vector<16xi32>
        %gather3A_178 = tpu.dynamic_gather %add3A_169[%gather3A_177] in [0] : vector<16xi32>, vector<16xi32> -> vector<16xi32>
        %ge3A_179 = arith.constant 4 : i32
        %ge3A_180 = vector.broadcast %ge3A_179 : i32 to vector<16xi32>
        %ge3A_181 = arith.cmpi sge, %iota3A_132, %ge3A_180 : vector<16xi32>
        %jit3A_182 = arith.constant 0 : i32
        %broadcast_in_dim3A_183 = vector.broadcast %jit3A_182 : i32 to vector<16xi32>
        %select_n3A_184 = arith.select %ge3A_181, %gather3A_178, %broadcast_in_dim3A_183 : vector<16xi1>, vector<16xi32>
        %add3A_185 = arith.addi %add3A_169, %select_n3A_184 : vector<16xi32>
        %sub3A_186 = arith.constant 8 : i32
        %sub3A_187 = vector.broadcast %sub3A_186 : i32 to vector<16xi32>
        %sub3A_188 = arith.subi %iota3A_132, %sub3A_187 : vector<16xi32>
        %max3A_189 = arith.constant 0 : i32
        %max3A_190 = vector.broadcast %max3A_189 : i32 to vector<16xi32>
        %max3A_191 = arith.maxsi %sub3A_188, %max3A_190 : vector<16xi32>
        %broadcast_in_dim3A_192 = vector.shape_cast %max3A_191 : vector<16xi32> to vector<16x1xi32>
        %gather3A_193 = vector.shape_cast %broadcast_in_dim3A_192 : vector<16x1xi32> to vector<16xi32>
        %gather3A_194 = tpu.dynamic_gather %add3A_185[%gather3A_193] in [0] : vector<16xi32>, vector<16xi32> -> vector<16xi32>
        %ge3A_195 = arith.constant 8 : i32
        %ge3A_196 = vector.broadcast %ge3A_195 : i32 to vector<16xi32>
        %ge3A_197 = arith.cmpi sge, %iota3A_132, %ge3A_196 : vector<16xi32>
        %jit3A_198 = arith.constant 0 : i32
        %broadcast_in_dim3A_199 = vector.broadcast %jit3A_198 : i32 to vector<16xi32>
        %select_n3A_200 = arith.select %ge3A_197, %gather3A_194, %broadcast_in_dim3A_199 : vector<16xi1>, vector<16xi32>
        %add3A_201 = arith.addi %add3A_185, %select_n3A_200 : vector<16xi32>
        %add3A_202 = vector.broadcast %while3A_39 : i32 to vector<16xi32>
        %add3A_203 = arith.addi %add3A_202, %add3A_201 : vector<16xi32>
        %sub3A_204 = arith.constant 1 : i32
        %sub3A_205 = vector.broadcast %sub3A_204 : i32 to vector<16xi32>
        %sub3A_206 = arith.subi %add3A_203, %sub3A_205 : vector<16xi32>
        %lt3A_207 = arith.constant 1024 : i32
        %lt3A_208 = vector.broadcast %lt3A_207 : i32 to vector<16xi32>
        %lt3A_209 = arith.cmpi slt, %sub3A_206, %lt3A_208 : vector<16xi32>
        %and3A_210 = arith.andi %eq3A_131, %lt3A_209 : vector<16xi1>
        %add3A_211 = arith.constant 1024 : i32
        %add3A_212 = vector.broadcast %add3A_211 : i32 to vector<16xi32>
        %add3A_213 = arith.addi %add3A_212, %sub3A_206 : vector<16xi32>
        %select_n3A_214 = arith.select %and3A_210, %add3A_213, %select_n3A_127 : vector<16xi1>, vector<16xi32>
        %slice3A_215 = vector.extract_strided_slice %add3A_201 {offsets = [15], sizes = [1], strides = [1]} : vector<16xi32> to vector<1xi32>
        %squeeze3A_216 = vector.extract %slice3A_215[0] : i32 from vector<1xi32>
        %add3A_217 = arith.addi %while3A_39, %squeeze3A_216 : i32
        %eq3A_218 = arith.constant 2 : i32
        %eq3A_219 = vector.broadcast %eq3A_218 : i32 to vector<16xi32>
        %eq3A_220 = arith.cmpi eq, %get3A_49, %eq3A_219 : vector<16xi32>
        %iota3A_221 = tpu.iota {dimensions = array<i32: 0>} : vector<16xi32>
        %jit3A_222 = arith.constant 1 : i32
        %jit3A_223 = arith.constant 0 : i32
        %broadcast_in_dim3A_224 = vector.broadcast %jit3A_222 : i32 to vector<16xi32>
        %broadcast_in_dim3A_225 = vector.broadcast %jit3A_223 : i32 to vector<16xi32>
        %select_n3A_226 = arith.select %eq3A_220, %broadcast_in_dim3A_224, %broadcast_in_dim3A_225 : vector<16xi1>, vector<16xi32>
        %sub3A_227 = arith.constant 1 : i32
        %sub3A_228 = vector.broadcast %sub3A_227 : i32 to vector<16xi32>
        %sub3A_229 = arith.subi %iota3A_221, %sub3A_228 : vector<16xi32>
        %max3A_230 = arith.constant 0 : i32
        %max3A_231 = vector.broadcast %max3A_230 : i32 to vector<16xi32>
        %max3A_232 = arith.maxsi %sub3A_229, %max3A_231 : vector<16xi32>
        %broadcast_in_dim3A_233 = vector.shape_cast %max3A_232 : vector<16xi32> to vector<16x1xi32>
        %gather3A_234 = vector.shape_cast %broadcast_in_dim3A_233 : vector<16x1xi32> to vector<16xi32>
        %gather3A_235 = tpu.dynamic_gather %select_n3A_226[%gather3A_234] in [0] : vector<16xi32>, vector<16xi32> -> vector<16xi32>
        %ge3A_236 = arith.constant 1 : i32
        %ge3A_237 = vector.broadcast %ge3A_236 : i32 to vector<16xi32>
        %ge3A_238 = arith.cmpi sge, %iota3A_221, %ge3A_237 : vector<16xi32>
        %jit3A_239 = arith.constant 0 : i32
        %broadcast_in_dim3A_240 = vector.broadcast %jit3A_239 : i32 to vector<16xi32>
        %select_n3A_241 = arith.select %ge3A_238, %gather3A_235, %broadcast_in_dim3A_240 : vector<16xi1>, vector<16xi32>
        %add3A_242 = arith.addi %select_n3A_226, %select_n3A_241 : vector<16xi32>
        %sub3A_243 = arith.constant 2 : i32
        %sub3A_244 = vector.broadcast %sub3A_243 : i32 to vector<16xi32>
        %sub3A_245 = arith.subi %iota3A_221, %sub3A_244 : vector<16xi32>
        %max3A_246 = arith.constant 0 : i32
        %max3A_247 = vector.broadcast %max3A_246 : i32 to vector<16xi32>
        %max3A_248 = arith.maxsi %sub3A_245, %max3A_247 : vector<16xi32>
        %broadcast_in_dim3A_249 = vector.shape_cast %max3A_248 : vector<16xi32> to vector<16x1xi32>
        %gather3A_250 = vector.shape_cast %broadcast_in_dim3A_249 : vector<16x1xi32> to vector<16xi32>
        %gather3A_251 = tpu.dynamic_gather %add3A_242[%gather3A_250] in [0] : vector<16xi32>, vector<16xi32> -> vector<16xi32>
        %ge3A_252 = arith.constant 2 : i32
        %ge3A_253 = vector.broadcast %ge3A_252 : i32 to vector<16xi32>
        %ge3A_254 = arith.cmpi sge, %iota3A_221, %ge3A_253 : vector<16xi32>
        %jit3A_255 = arith.constant 0 : i32
        %broadcast_in_dim3A_256 = vector.broadcast %jit3A_255 : i32 to vector<16xi32>
        %select_n3A_257 = arith.select %ge3A_254, %gather3A_251, %broadcast_in_dim3A_256 : vector<16xi1>, vector<16xi32>
        %add3A_258 = arith.addi %add3A_242, %select_n3A_257 : vector<16xi32>
        %sub3A_259 = arith.constant 4 : i32
        %sub3A_260 = vector.broadcast %sub3A_259 : i32 to vector<16xi32>
        %sub3A_261 = arith.subi %iota3A_221, %sub3A_260 : vector<16xi32>
        %max3A_262 = arith.constant 0 : i32
        %max3A_263 = vector.broadcast %max3A_262 : i32 to vector<16xi32>
        %max3A_264 = arith.maxsi %sub3A_261, %max3A_263 : vector<16xi32>
        %broadcast_in_dim3A_265 = vector.shape_cast %max3A_264 : vector<16xi32> to vector<16x1xi32>
        %gather3A_266 = vector.shape_cast %broadcast_in_dim3A_265 : vector<16x1xi32> to vector<16xi32>
        %gather3A_267 = tpu.dynamic_gather %add3A_258[%gather3A_266] in [0] : vector<16xi32>, vector<16xi32> -> vector<16xi32>
        %ge3A_268 = arith.constant 4 : i32
        %ge3A_269 = vector.broadcast %ge3A_268 : i32 to vector<16xi32>
        %ge3A_270 = arith.cmpi sge, %iota3A_221, %ge3A_269 : vector<16xi32>
        %jit3A_271 = arith.constant 0 : i32
        %broadcast_in_dim3A_272 = vector.broadcast %jit3A_271 : i32 to vector<16xi32>
        %select_n3A_273 = arith.select %ge3A_270, %gather3A_267, %broadcast_in_dim3A_272 : vector<16xi1>, vector<16xi32>
        %add3A_274 = arith.addi %add3A_258, %select_n3A_273 : vector<16xi32>
        %sub3A_275 = arith.constant 8 : i32
        %sub3A_276 = vector.broadcast %sub3A_275 : i32 to vector<16xi32>
        %sub3A_277 = arith.subi %iota3A_221, %sub3A_276 : vector<16xi32>
        %max3A_278 = arith.constant 0 : i32
        %max3A_279 = vector.broadcast %max3A_278 : i32 to vector<16xi32>
        %max3A_280 = arith.maxsi %sub3A_277, %max3A_279 : vector<16xi32>
        %broadcast_in_dim3A_281 = vector.shape_cast %max3A_280 : vector<16xi32> to vector<16x1xi32>
        %gather3A_282 = vector.shape_cast %broadcast_in_dim3A_281 : vector<16x1xi32> to vector<16xi32>
        %gather3A_283 = tpu.dynamic_gather %add3A_274[%gather3A_282] in [0] : vector<16xi32>, vector<16xi32> -> vector<16xi32>
        %ge3A_284 = arith.constant 8 : i32
        %ge3A_285 = vector.broadcast %ge3A_284 : i32 to vector<16xi32>
        %ge3A_286 = arith.cmpi sge, %iota3A_221, %ge3A_285 : vector<16xi32>
        %jit3A_287 = arith.constant 0 : i32
        %broadcast_in_dim3A_288 = vector.broadcast %jit3A_287 : i32 to vector<16xi32>
        %select_n3A_289 = arith.select %ge3A_286, %gather3A_283, %broadcast_in_dim3A_288 : vector<16xi1>, vector<16xi32>
        %add3A_290 = arith.addi %add3A_274, %select_n3A_289 : vector<16xi32>
        %add3A_291 = vector.broadcast %while3A_40 : i32 to vector<16xi32>
        %add3A_292 = arith.addi %add3A_291, %add3A_290 : vector<16xi32>
        %sub3A_293 = arith.constant 1 : i32
        %sub3A_294 = vector.broadcast %sub3A_293 : i32 to vector<16xi32>
        %sub3A_295 = arith.subi %add3A_292, %sub3A_294 : vector<16xi32>
        %lt3A_296 = arith.constant 1024 : i32
        %lt3A_297 = vector.broadcast %lt3A_296 : i32 to vector<16xi32>
        %lt3A_298 = arith.cmpi slt, %sub3A_295, %lt3A_297 : vector<16xi32>
        %and3A_299 = arith.andi %eq3A_220, %lt3A_298 : vector<16xi1>
        %add3A_300 = arith.constant 2048 : i32
        %add3A_301 = vector.broadcast %add3A_300 : i32 to vector<16xi32>
        %add3A_302 = arith.addi %add3A_301, %sub3A_295 : vector<16xi32>
        %select_n3A_303 = arith.select %and3A_299, %add3A_302, %select_n3A_214 : vector<16xi1>, vector<16xi32>
        %slice3A_304 = vector.extract_strided_slice %add3A_290 {offsets = [15], sizes = [1], strides = [1]} : vector<16xi32> to vector<1xi32>
        %squeeze3A_305 = vector.extract %slice3A_304[0] : i32 from vector<1xi32>
        %add3A_306 = arith.addi %while3A_40, %squeeze3A_305 : i32
        %eq3A_307 = arith.constant 3 : i32
        %eq3A_308 = vector.broadcast %eq3A_307 : i32 to vector<16xi32>
        %eq3A_309 = arith.cmpi eq, %get3A_49, %eq3A_308 : vector<16xi32>
        %iota3A_310 = tpu.iota {dimensions = array<i32: 0>} : vector<16xi32>
        %jit3A_311 = arith.constant 1 : i32
        %jit3A_312 = arith.constant 0 : i32
        %broadcast_in_dim3A_313 = vector.broadcast %jit3A_311 : i32 to vector<16xi32>
        %broadcast_in_dim3A_314 = vector.broadcast %jit3A_312 : i32 to vector<16xi32>
        %select_n3A_315 = arith.select %eq3A_309, %broadcast_in_dim3A_313, %broadcast_in_dim3A_314 : vector<16xi1>, vector<16xi32>
        %sub3A_316 = arith.constant 1 : i32
        %sub3A_317 = vector.broadcast %sub3A_316 : i32 to vector<16xi32>
        %sub3A_318 = arith.subi %iota3A_310, %sub3A_317 : vector<16xi32>
        %max3A_319 = arith.constant 0 : i32
        %max3A_320 = vector.broadcast %max3A_319 : i32 to vector<16xi32>
        %max3A_321 = arith.maxsi %sub3A_318, %max3A_320 : vector<16xi32>
        %broadcast_in_dim3A_322 = vector.shape_cast %max3A_321 : vector<16xi32> to vector<16x1xi32>
        %gather3A_323 = vector.shape_cast %broadcast_in_dim3A_322 : vector<16x1xi32> to vector<16xi32>
        %gather3A_324 = tpu.dynamic_gather %select_n3A_315[%gather3A_323] in [0] : vector<16xi32>, vector<16xi32> -> vector<16xi32>
        %ge3A_325 = arith.constant 1 : i32
        %ge3A_326 = vector.broadcast %ge3A_325 : i32 to vector<16xi32>
        %ge3A_327 = arith.cmpi sge, %iota3A_310, %ge3A_326 : vector<16xi32>
        %jit3A_328 = arith.constant 0 : i32
        %broadcast_in_dim3A_329 = vector.broadcast %jit3A_328 : i32 to vector<16xi32>
        %select_n3A_330 = arith.select %ge3A_327, %gather3A_324, %broadcast_in_dim3A_329 : vector<16xi1>, vector<16xi32>
        %add3A_331 = arith.addi %select_n3A_315, %select_n3A_330 : vector<16xi32>
        %sub3A_332 = arith.constant 2 : i32
        %sub3A_333 = vector.broadcast %sub3A_332 : i32 to vector<16xi32>
        %sub3A_334 = arith.subi %iota3A_310, %sub3A_333 : vector<16xi32>
        %max3A_335 = arith.constant 0 : i32
        %max3A_336 = vector.broadcast %max3A_335 : i32 to vector<16xi32>
        %max3A_337 = arith.maxsi %sub3A_334, %max3A_336 : vector<16xi32>
        %broadcast_in_dim3A_338 = vector.shape_cast %max3A_337 : vector<16xi32> to vector<16x1xi32>
        %gather3A_339 = vector.shape_cast %broadcast_in_dim3A_338 : vector<16x1xi32> to vector<16xi32>
        %gather3A_340 = tpu.dynamic_gather %add3A_331[%gather3A_339] in [0] : vector<16xi32>, vector<16xi32> -> vector<16xi32>
        %ge3A_341 = arith.constant 2 : i32
        %ge3A_342 = vector.broadcast %ge3A_341 : i32 to vector<16xi32>
        %ge3A_343 = arith.cmpi sge, %iota3A_310, %ge3A_342 : vector<16xi32>
        %jit3A_344 = arith.constant 0 : i32
        %broadcast_in_dim3A_345 = vector.broadcast %jit3A_344 : i32 to vector<16xi32>
        %select_n3A_346 = arith.select %ge3A_343, %gather3A_340, %broadcast_in_dim3A_345 : vector<16xi1>, vector<16xi32>
        %add3A_347 = arith.addi %add3A_331, %select_n3A_346 : vector<16xi32>
        %sub3A_348 = arith.constant 4 : i32
        %sub3A_349 = vector.broadcast %sub3A_348 : i32 to vector<16xi32>
        %sub3A_350 = arith.subi %iota3A_310, %sub3A_349 : vector<16xi32>
        %max3A_351 = arith.constant 0 : i32
        %max3A_352 = vector.broadcast %max3A_351 : i32 to vector<16xi32>
        %max3A_353 = arith.maxsi %sub3A_350, %max3A_352 : vector<16xi32>
        %broadcast_in_dim3A_354 = vector.shape_cast %max3A_353 : vector<16xi32> to vector<16x1xi32>
        %gather3A_355 = vector.shape_cast %broadcast_in_dim3A_354 : vector<16x1xi32> to vector<16xi32>
        %gather3A_356 = tpu.dynamic_gather %add3A_347[%gather3A_355] in [0] : vector<16xi32>, vector<16xi32> -> vector<16xi32>
        %ge3A_357 = arith.constant 4 : i32
        %ge3A_358 = vector.broadcast %ge3A_357 : i32 to vector<16xi32>
        %ge3A_359 = arith.cmpi sge, %iota3A_310, %ge3A_358 : vector<16xi32>
        %jit3A_360 = arith.constant 0 : i32
        %broadcast_in_dim3A_361 = vector.broadcast %jit3A_360 : i32 to vector<16xi32>
        %select_n3A_362 = arith.select %ge3A_359, %gather3A_356, %broadcast_in_dim3A_361 : vector<16xi1>, vector<16xi32>
        %add3A_363 = arith.addi %add3A_347, %select_n3A_362 : vector<16xi32>
        %sub3A_364 = arith.constant 8 : i32
        %sub3A_365 = vector.broadcast %sub3A_364 : i32 to vector<16xi32>
        %sub3A_366 = arith.subi %iota3A_310, %sub3A_365 : vector<16xi32>
        %max3A_367 = arith.constant 0 : i32
        %max3A_368 = vector.broadcast %max3A_367 : i32 to vector<16xi32>
        %max3A_369 = arith.maxsi %sub3A_366, %max3A_368 : vector<16xi32>
        %broadcast_in_dim3A_370 = vector.shape_cast %max3A_369 : vector<16xi32> to vector<16x1xi32>
        %gather3A_371 = vector.shape_cast %broadcast_in_dim3A_370 : vector<16x1xi32> to vector<16xi32>
        %gather3A_372 = tpu.dynamic_gather %add3A_363[%gather3A_371] in [0] : vector<16xi32>, vector<16xi32> -> vector<16xi32>
        %ge3A_373 = arith.constant 8 : i32
        %ge3A_374 = vector.broadcast %ge3A_373 : i32 to vector<16xi32>
        %ge3A_375 = arith.cmpi sge, %iota3A_310, %ge3A_374 : vector<16xi32>
        %jit3A_376 = arith.constant 0 : i32
        %broadcast_in_dim3A_377 = vector.broadcast %jit3A_376 : i32 to vector<16xi32>
        %select_n3A_378 = arith.select %ge3A_375, %gather3A_372, %broadcast_in_dim3A_377 : vector<16xi1>, vector<16xi32>
        %add3A_379 = arith.addi %add3A_363, %select_n3A_378 : vector<16xi32>
        %add3A_380 = vector.broadcast %while3A_41 : i32 to vector<16xi32>
        %add3A_381 = arith.addi %add3A_380, %add3A_379 : vector<16xi32>
        %sub3A_382 = arith.constant 1 : i32
        %sub3A_383 = vector.broadcast %sub3A_382 : i32 to vector<16xi32>
        %sub3A_384 = arith.subi %add3A_381, %sub3A_383 : vector<16xi32>
        %lt3A_385 = arith.constant 1024 : i32
        %lt3A_386 = vector.broadcast %lt3A_385 : i32 to vector<16xi32>
        %lt3A_387 = arith.cmpi slt, %sub3A_384, %lt3A_386 : vector<16xi32>
        %and3A_388 = arith.andi %eq3A_309, %lt3A_387 : vector<16xi1>
        %add3A_389 = arith.constant 3072 : i32
        %add3A_390 = vector.broadcast %add3A_389 : i32 to vector<16xi32>
        %add3A_391 = arith.addi %add3A_390, %sub3A_384 : vector<16xi32>
        %select_n3A_392 = arith.select %and3A_388, %add3A_391, %select_n3A_303 : vector<16xi1>, vector<16xi32>
        %slice3A_393 = vector.extract_strided_slice %add3A_379 {offsets = [15], sizes = [1], strides = [1]} : vector<16xi32> to vector<1xi32>
        %squeeze3A_394 = vector.extract %slice3A_393[0] : i32 from vector<1xi32>
        %add3A_395 = arith.addi %while3A_41, %squeeze3A_394 : i32
        %eq3A_396 = arith.constant 4 : i32
        %eq3A_397 = vector.broadcast %eq3A_396 : i32 to vector<16xi32>
        %eq3A_398 = arith.cmpi eq, %get3A_49, %eq3A_397 : vector<16xi32>
        %iota3A_399 = tpu.iota {dimensions = array<i32: 0>} : vector<16xi32>
        %jit3A_400 = arith.constant 1 : i32
        %jit3A_401 = arith.constant 0 : i32
        %broadcast_in_dim3A_402 = vector.broadcast %jit3A_400 : i32 to vector<16xi32>
        %broadcast_in_dim3A_403 = vector.broadcast %jit3A_401 : i32 to vector<16xi32>
        %select_n3A_404 = arith.select %eq3A_398, %broadcast_in_dim3A_402, %broadcast_in_dim3A_403 : vector<16xi1>, vector<16xi32>
        %sub3A_405 = arith.constant 1 : i32
        %sub3A_406 = vector.broadcast %sub3A_405 : i32 to vector<16xi32>
        %sub3A_407 = arith.subi %iota3A_399, %sub3A_406 : vector<16xi32>
        %max3A_408 = arith.constant 0 : i32
        %max3A_409 = vector.broadcast %max3A_408 : i32 to vector<16xi32>
        %max3A_410 = arith.maxsi %sub3A_407, %max3A_409 : vector<16xi32>
        %broadcast_in_dim3A_411 = vector.shape_cast %max3A_410 : vector<16xi32> to vector<16x1xi32>
        %gather3A_412 = vector.shape_cast %broadcast_in_dim3A_411 : vector<16x1xi32> to vector<16xi32>
        %gather3A_413 = tpu.dynamic_gather %select_n3A_404[%gather3A_412] in [0] : vector<16xi32>, vector<16xi32> -> vector<16xi32>
        %ge3A_414 = arith.constant 1 : i32
        %ge3A_415 = vector.broadcast %ge3A_414 : i32 to vector<16xi32>
        %ge3A_416 = arith.cmpi sge, %iota3A_399, %ge3A_415 : vector<16xi32>
        %jit3A_417 = arith.constant 0 : i32
        %broadcast_in_dim3A_418 = vector.broadcast %jit3A_417 : i32 to vector<16xi32>
        %select_n3A_419 = arith.select %ge3A_416, %gather3A_413, %broadcast_in_dim3A_418 : vector<16xi1>, vector<16xi32>
        %add3A_420 = arith.addi %select_n3A_404, %select_n3A_419 : vector<16xi32>
        %sub3A_421 = arith.constant 2 : i32
        %sub3A_422 = vector.broadcast %sub3A_421 : i32 to vector<16xi32>
        %sub3A_423 = arith.subi %iota3A_399, %sub3A_422 : vector<16xi32>
        %max3A_424 = arith.constant 0 : i32
        %max3A_425 = vector.broadcast %max3A_424 : i32 to vector<16xi32>
        %max3A_426 = arith.maxsi %sub3A_423, %max3A_425 : vector<16xi32>
        %broadcast_in_dim3A_427 = vector.shape_cast %max3A_426 : vector<16xi32> to vector<16x1xi32>
        %gather3A_428 = vector.shape_cast %broadcast_in_dim3A_427 : vector<16x1xi32> to vector<16xi32>
        %gather3A_429 = tpu.dynamic_gather %add3A_420[%gather3A_428] in [0] : vector<16xi32>, vector<16xi32> -> vector<16xi32>
        %ge3A_430 = arith.constant 2 : i32
        %ge3A_431 = vector.broadcast %ge3A_430 : i32 to vector<16xi32>
        %ge3A_432 = arith.cmpi sge, %iota3A_399, %ge3A_431 : vector<16xi32>
        %jit3A_433 = arith.constant 0 : i32
        %broadcast_in_dim3A_434 = vector.broadcast %jit3A_433 : i32 to vector<16xi32>
        %select_n3A_435 = arith.select %ge3A_432, %gather3A_429, %broadcast_in_dim3A_434 : vector<16xi1>, vector<16xi32>
        %add3A_436 = arith.addi %add3A_420, %select_n3A_435 : vector<16xi32>
        %sub3A_437 = arith.constant 4 : i32
        %sub3A_438 = vector.broadcast %sub3A_437 : i32 to vector<16xi32>
        %sub3A_439 = arith.subi %iota3A_399, %sub3A_438 : vector<16xi32>
        %max3A_440 = arith.constant 0 : i32
        %max3A_441 = vector.broadcast %max3A_440 : i32 to vector<16xi32>
        %max3A_442 = arith.maxsi %sub3A_439, %max3A_441 : vector<16xi32>
        %broadcast_in_dim3A_443 = vector.shape_cast %max3A_442 : vector<16xi32> to vector<16x1xi32>
        %gather3A_444 = vector.shape_cast %broadcast_in_dim3A_443 : vector<16x1xi32> to vector<16xi32>
        %gather3A_445 = tpu.dynamic_gather %add3A_436[%gather3A_444] in [0] : vector<16xi32>, vector<16xi32> -> vector<16xi32>
        %ge3A_446 = arith.constant 4 : i32
        %ge3A_447 = vector.broadcast %ge3A_446 : i32 to vector<16xi32>
        %ge3A_448 = arith.cmpi sge, %iota3A_399, %ge3A_447 : vector<16xi32>
        %jit3A_449 = arith.constant 0 : i32
        %broadcast_in_dim3A_450 = vector.broadcast %jit3A_449 : i32 to vector<16xi32>
        %select_n3A_451 = arith.select %ge3A_448, %gather3A_445, %broadcast_in_dim3A_450 : vector<16xi1>, vector<16xi32>
        %add3A_452 = arith.addi %add3A_436, %select_n3A_451 : vector<16xi32>
        %sub3A_453 = arith.constant 8 : i32
        %sub3A_454 = vector.broadcast %sub3A_453 : i32 to vector<16xi32>
        %sub3A_455 = arith.subi %iota3A_399, %sub3A_454 : vector<16xi32>
        %max3A_456 = arith.constant 0 : i32
        %max3A_457 = vector.broadcast %max3A_456 : i32 to vector<16xi32>
        %max3A_458 = arith.maxsi %sub3A_455, %max3A_457 : vector<16xi32>
        %broadcast_in_dim3A_459 = vector.shape_cast %max3A_458 : vector<16xi32> to vector<16x1xi32>
        %gather3A_460 = vector.shape_cast %broadcast_in_dim3A_459 : vector<16x1xi32> to vector<16xi32>
        %gather3A_461 = tpu.dynamic_gather %add3A_452[%gather3A_460] in [0] : vector<16xi32>, vector<16xi32> -> vector<16xi32>
        %ge3A_462 = arith.constant 8 : i32
        %ge3A_463 = vector.broadcast %ge3A_462 : i32 to vector<16xi32>
        %ge3A_464 = arith.cmpi sge, %iota3A_399, %ge3A_463 : vector<16xi32>
        %jit3A_465 = arith.constant 0 : i32
        %broadcast_in_dim3A_466 = vector.broadcast %jit3A_465 : i32 to vector<16xi32>
        %select_n3A_467 = arith.select %ge3A_464, %gather3A_461, %broadcast_in_dim3A_466 : vector<16xi1>, vector<16xi32>
        %add3A_468 = arith.addi %add3A_452, %select_n3A_467 : vector<16xi32>
        %add3A_469 = vector.broadcast %while3A_42 : i32 to vector<16xi32>
        %add3A_470 = arith.addi %add3A_469, %add3A_468 : vector<16xi32>
        %sub3A_471 = arith.constant 1 : i32
        %sub3A_472 = vector.broadcast %sub3A_471 : i32 to vector<16xi32>
        %sub3A_473 = arith.subi %add3A_470, %sub3A_472 : vector<16xi32>
        %lt3A_474 = arith.constant 1024 : i32
        %lt3A_475 = vector.broadcast %lt3A_474 : i32 to vector<16xi32>
        %lt3A_476 = arith.cmpi slt, %sub3A_473, %lt3A_475 : vector<16xi32>
        %and3A_477 = arith.andi %eq3A_398, %lt3A_476 : vector<16xi1>
        %add3A_478 = arith.constant 4096 : i32
        %add3A_479 = vector.broadcast %add3A_478 : i32 to vector<16xi32>
        %add3A_480 = arith.addi %add3A_479, %sub3A_473 : vector<16xi32>
        %select_n3A_481 = arith.select %and3A_477, %add3A_480, %select_n3A_392 : vector<16xi1>, vector<16xi32>
        %slice3A_482 = vector.extract_strided_slice %add3A_468 {offsets = [15], sizes = [1], strides = [1]} : vector<16xi32> to vector<1xi32>
        %squeeze3A_483 = vector.extract %slice3A_482[0] : i32 from vector<1xi32>
        %add3A_484 = arith.addi %while3A_42, %squeeze3A_483 : i32
        %eq3A_485 = arith.constant 5 : i32
        %eq3A_486 = vector.broadcast %eq3A_485 : i32 to vector<16xi32>
        %eq3A_487 = arith.cmpi eq, %get3A_49, %eq3A_486 : vector<16xi32>
        %iota3A_488 = tpu.iota {dimensions = array<i32: 0>} : vector<16xi32>
        %jit3A_489 = arith.constant 1 : i32
        %jit3A_490 = arith.constant 0 : i32
        %broadcast_in_dim3A_491 = vector.broadcast %jit3A_489 : i32 to vector<16xi32>
        %broadcast_in_dim3A_492 = vector.broadcast %jit3A_490 : i32 to vector<16xi32>
        %select_n3A_493 = arith.select %eq3A_487, %broadcast_in_dim3A_491, %broadcast_in_dim3A_492 : vector<16xi1>, vector<16xi32>
        %sub3A_494 = arith.constant 1 : i32
        %sub3A_495 = vector.broadcast %sub3A_494 : i32 to vector<16xi32>
        %sub3A_496 = arith.subi %iota3A_488, %sub3A_495 : vector<16xi32>
        %max3A_497 = arith.constant 0 : i32
        %max3A_498 = vector.broadcast %max3A_497 : i32 to vector<16xi32>
        %max3A_499 = arith.maxsi %sub3A_496, %max3A_498 : vector<16xi32>
        %broadcast_in_dim3A_500 = vector.shape_cast %max3A_499 : vector<16xi32> to vector<16x1xi32>
        %gather3A_501 = vector.shape_cast %broadcast_in_dim3A_500 : vector<16x1xi32> to vector<16xi32>
        %gather3A_502 = tpu.dynamic_gather %select_n3A_493[%gather3A_501] in [0] : vector<16xi32>, vector<16xi32> -> vector<16xi32>
        %ge3A_503 = arith.constant 1 : i32
        %ge3A_504 = vector.broadcast %ge3A_503 : i32 to vector<16xi32>
        %ge3A_505 = arith.cmpi sge, %iota3A_488, %ge3A_504 : vector<16xi32>
        %jit3A_506 = arith.constant 0 : i32
        %broadcast_in_dim3A_507 = vector.broadcast %jit3A_506 : i32 to vector<16xi32>
        %select_n3A_508 = arith.select %ge3A_505, %gather3A_502, %broadcast_in_dim3A_507 : vector<16xi1>, vector<16xi32>
        %add3A_509 = arith.addi %select_n3A_493, %select_n3A_508 : vector<16xi32>
        %sub3A_510 = arith.constant 2 : i32
        %sub3A_511 = vector.broadcast %sub3A_510 : i32 to vector<16xi32>
        %sub3A_512 = arith.subi %iota3A_488, %sub3A_511 : vector<16xi32>
        %max3A_513 = arith.constant 0 : i32
        %max3A_514 = vector.broadcast %max3A_513 : i32 to vector<16xi32>
        %max3A_515 = arith.maxsi %sub3A_512, %max3A_514 : vector<16xi32>
        %broadcast_in_dim3A_516 = vector.shape_cast %max3A_515 : vector<16xi32> to vector<16x1xi32>
        %gather3A_517 = vector.shape_cast %broadcast_in_dim3A_516 : vector<16x1xi32> to vector<16xi32>
        %gather3A_518 = tpu.dynamic_gather %add3A_509[%gather3A_517] in [0] : vector<16xi32>, vector<16xi32> -> vector<16xi32>
        %ge3A_519 = arith.constant 2 : i32
        %ge3A_520 = vector.broadcast %ge3A_519 : i32 to vector<16xi32>
        %ge3A_521 = arith.cmpi sge, %iota3A_488, %ge3A_520 : vector<16xi32>
        %jit3A_522 = arith.constant 0 : i32
        %broadcast_in_dim3A_523 = vector.broadcast %jit3A_522 : i32 to vector<16xi32>
        %select_n3A_524 = arith.select %ge3A_521, %gather3A_518, %broadcast_in_dim3A_523 : vector<16xi1>, vector<16xi32>
        %add3A_525 = arith.addi %add3A_509, %select_n3A_524 : vector<16xi32>
        %sub3A_526 = arith.constant 4 : i32
        %sub3A_527 = vector.broadcast %sub3A_526 : i32 to vector<16xi32>
        %sub3A_528 = arith.subi %iota3A_488, %sub3A_527 : vector<16xi32>
        %max3A_529 = arith.constant 0 : i32
        %max3A_530 = vector.broadcast %max3A_529 : i32 to vector<16xi32>
        %max3A_531 = arith.maxsi %sub3A_528, %max3A_530 : vector<16xi32>
        %broadcast_in_dim3A_532 = vector.shape_cast %max3A_531 : vector<16xi32> to vector<16x1xi32>
        %gather3A_533 = vector.shape_cast %broadcast_in_dim3A_532 : vector<16x1xi32> to vector<16xi32>
        %gather3A_534 = tpu.dynamic_gather %add3A_525[%gather3A_533] in [0] : vector<16xi32>, vector<16xi32> -> vector<16xi32>
        %ge3A_535 = arith.constant 4 : i32
        %ge3A_536 = vector.broadcast %ge3A_535 : i32 to vector<16xi32>
        %ge3A_537 = arith.cmpi sge, %iota3A_488, %ge3A_536 : vector<16xi32>
        %jit3A_538 = arith.constant 0 : i32
        %broadcast_in_dim3A_539 = vector.broadcast %jit3A_538 : i32 to vector<16xi32>
        %select_n3A_540 = arith.select %ge3A_537, %gather3A_534, %broadcast_in_dim3A_539 : vector<16xi1>, vector<16xi32>
        %add3A_541 = arith.addi %add3A_525, %select_n3A_540 : vector<16xi32>
        %sub3A_542 = arith.constant 8 : i32
        %sub3A_543 = vector.broadcast %sub3A_542 : i32 to vector<16xi32>
        %sub3A_544 = arith.subi %iota3A_488, %sub3A_543 : vector<16xi32>
        %max3A_545 = arith.constant 0 : i32
        %max3A_546 = vector.broadcast %max3A_545 : i32 to vector<16xi32>
        %max3A_547 = arith.maxsi %sub3A_544, %max3A_546 : vector<16xi32>
        %broadcast_in_dim3A_548 = vector.shape_cast %max3A_547 : vector<16xi32> to vector<16x1xi32>
        %gather3A_549 = vector.shape_cast %broadcast_in_dim3A_548 : vector<16x1xi32> to vector<16xi32>
        %gather3A_550 = tpu.dynamic_gather %add3A_541[%gather3A_549] in [0] : vector<16xi32>, vector<16xi32> -> vector<16xi32>
        %ge3A_551 = arith.constant 8 : i32
        %ge3A_552 = vector.broadcast %ge3A_551 : i32 to vector<16xi32>
        %ge3A_553 = arith.cmpi sge, %iota3A_488, %ge3A_552 : vector<16xi32>
        %jit3A_554 = arith.constant 0 : i32
        %broadcast_in_dim3A_555 = vector.broadcast %jit3A_554 : i32 to vector<16xi32>
        %select_n3A_556 = arith.select %ge3A_553, %gather3A_550, %broadcast_in_dim3A_555 : vector<16xi1>, vector<16xi32>
        %add3A_557 = arith.addi %add3A_541, %select_n3A_556 : vector<16xi32>
        %add3A_558 = vector.broadcast %while3A_43 : i32 to vector<16xi32>
        %add3A_559 = arith.addi %add3A_558, %add3A_557 : vector<16xi32>
        %sub3A_560 = arith.constant 1 : i32
        %sub3A_561 = vector.broadcast %sub3A_560 : i32 to vector<16xi32>
        %sub3A_562 = arith.subi %add3A_559, %sub3A_561 : vector<16xi32>
        %lt3A_563 = arith.constant 1024 : i32
        %lt3A_564 = vector.broadcast %lt3A_563 : i32 to vector<16xi32>
        %lt3A_565 = arith.cmpi slt, %sub3A_562, %lt3A_564 : vector<16xi32>
        %and3A_566 = arith.andi %eq3A_487, %lt3A_565 : vector<16xi1>
        %add3A_567 = arith.constant 5120 : i32
        %add3A_568 = vector.broadcast %add3A_567 : i32 to vector<16xi32>
        %add3A_569 = arith.addi %add3A_568, %sub3A_562 : vector<16xi32>
        %select_n3A_570 = arith.select %and3A_566, %add3A_569, %select_n3A_481 : vector<16xi1>, vector<16xi32>
        %slice3A_571 = vector.extract_strided_slice %add3A_557 {offsets = [15], sizes = [1], strides = [1]} : vector<16xi32> to vector<1xi32>
        %squeeze3A_572 = vector.extract %slice3A_571[0] : i32 from vector<1xi32>
        %add3A_573 = arith.addi %while3A_43, %squeeze3A_572 : i32
        %eq3A_574 = arith.constant 6 : i32
        %eq3A_575 = vector.broadcast %eq3A_574 : i32 to vector<16xi32>
        %eq3A_576 = arith.cmpi eq, %get3A_49, %eq3A_575 : vector<16xi32>
        %iota3A_577 = tpu.iota {dimensions = array<i32: 0>} : vector<16xi32>
        %jit3A_578 = arith.constant 1 : i32
        %jit3A_579 = arith.constant 0 : i32
        %broadcast_in_dim3A_580 = vector.broadcast %jit3A_578 : i32 to vector<16xi32>
        %broadcast_in_dim3A_581 = vector.broadcast %jit3A_579 : i32 to vector<16xi32>
        %select_n3A_582 = arith.select %eq3A_576, %broadcast_in_dim3A_580, %broadcast_in_dim3A_581 : vector<16xi1>, vector<16xi32>
        %sub3A_583 = arith.constant 1 : i32
        %sub3A_584 = vector.broadcast %sub3A_583 : i32 to vector<16xi32>
        %sub3A_585 = arith.subi %iota3A_577, %sub3A_584 : vector<16xi32>
        %max3A_586 = arith.constant 0 : i32
        %max3A_587 = vector.broadcast %max3A_586 : i32 to vector<16xi32>
        %max3A_588 = arith.maxsi %sub3A_585, %max3A_587 : vector<16xi32>
        %broadcast_in_dim3A_589 = vector.shape_cast %max3A_588 : vector<16xi32> to vector<16x1xi32>
        %gather3A_590 = vector.shape_cast %broadcast_in_dim3A_589 : vector<16x1xi32> to vector<16xi32>
        %gather3A_591 = tpu.dynamic_gather %select_n3A_582[%gather3A_590] in [0] : vector<16xi32>, vector<16xi32> -> vector<16xi32>
        %ge3A_592 = arith.constant 1 : i32
        %ge3A_593 = vector.broadcast %ge3A_592 : i32 to vector<16xi32>
        %ge3A_594 = arith.cmpi sge, %iota3A_577, %ge3A_593 : vector<16xi32>
        %jit3A_595 = arith.constant 0 : i32
        %broadcast_in_dim3A_596 = vector.broadcast %jit3A_595 : i32 to vector<16xi32>
        %select_n3A_597 = arith.select %ge3A_594, %gather3A_591, %broadcast_in_dim3A_596 : vector<16xi1>, vector<16xi32>
        %add3A_598 = arith.addi %select_n3A_582, %select_n3A_597 : vector<16xi32>
        %sub3A_599 = arith.constant 2 : i32
        %sub3A_600 = vector.broadcast %sub3A_599 : i32 to vector<16xi32>
        %sub3A_601 = arith.subi %iota3A_577, %sub3A_600 : vector<16xi32>
        %max3A_602 = arith.constant 0 : i32
        %max3A_603 = vector.broadcast %max3A_602 : i32 to vector<16xi32>
        %max3A_604 = arith.maxsi %sub3A_601, %max3A_603 : vector<16xi32>
        %broadcast_in_dim3A_605 = vector.shape_cast %max3A_604 : vector<16xi32> to vector<16x1xi32>
        %gather3A_606 = vector.shape_cast %broadcast_in_dim3A_605 : vector<16x1xi32> to vector<16xi32>
        %gather3A_607 = tpu.dynamic_gather %add3A_598[%gather3A_606] in [0] : vector<16xi32>, vector<16xi32> -> vector<16xi32>
        %ge3A_608 = arith.constant 2 : i32
        %ge3A_609 = vector.broadcast %ge3A_608 : i32 to vector<16xi32>
        %ge3A_610 = arith.cmpi sge, %iota3A_577, %ge3A_609 : vector<16xi32>
        %jit3A_611 = arith.constant 0 : i32
        %broadcast_in_dim3A_612 = vector.broadcast %jit3A_611 : i32 to vector<16xi32>
        %select_n3A_613 = arith.select %ge3A_610, %gather3A_607, %broadcast_in_dim3A_612 : vector<16xi1>, vector<16xi32>
        %add3A_614 = arith.addi %add3A_598, %select_n3A_613 : vector<16xi32>
        %sub3A_615 = arith.constant 4 : i32
        %sub3A_616 = vector.broadcast %sub3A_615 : i32 to vector<16xi32>
        %sub3A_617 = arith.subi %iota3A_577, %sub3A_616 : vector<16xi32>
        %max3A_618 = arith.constant 0 : i32
        %max3A_619 = vector.broadcast %max3A_618 : i32 to vector<16xi32>
        %max3A_620 = arith.maxsi %sub3A_617, %max3A_619 : vector<16xi32>
        %broadcast_in_dim3A_621 = vector.shape_cast %max3A_620 : vector<16xi32> to vector<16x1xi32>
        %gather3A_622 = vector.shape_cast %broadcast_in_dim3A_621 : vector<16x1xi32> to vector<16xi32>
        %gather3A_623 = tpu.dynamic_gather %add3A_614[%gather3A_622] in [0] : vector<16xi32>, vector<16xi32> -> vector<16xi32>
        %ge3A_624 = arith.constant 4 : i32
        %ge3A_625 = vector.broadcast %ge3A_624 : i32 to vector<16xi32>
        %ge3A_626 = arith.cmpi sge, %iota3A_577, %ge3A_625 : vector<16xi32>
        %jit3A_627 = arith.constant 0 : i32
        %broadcast_in_dim3A_628 = vector.broadcast %jit3A_627 : i32 to vector<16xi32>
        %select_n3A_629 = arith.select %ge3A_626, %gather3A_623, %broadcast_in_dim3A_628 : vector<16xi1>, vector<16xi32>
        %add3A_630 = arith.addi %add3A_614, %select_n3A_629 : vector<16xi32>
        %sub3A_631 = arith.constant 8 : i32
        %sub3A_632 = vector.broadcast %sub3A_631 : i32 to vector<16xi32>
        %sub3A_633 = arith.subi %iota3A_577, %sub3A_632 : vector<16xi32>
        %max3A_634 = arith.constant 0 : i32
        %max3A_635 = vector.broadcast %max3A_634 : i32 to vector<16xi32>
        %max3A_636 = arith.maxsi %sub3A_633, %max3A_635 : vector<16xi32>
        %broadcast_in_dim3A_637 = vector.shape_cast %max3A_636 : vector<16xi32> to vector<16x1xi32>
        %gather3A_638 = vector.shape_cast %broadcast_in_dim3A_637 : vector<16x1xi32> to vector<16xi32>
        %gather3A_639 = tpu.dynamic_gather %add3A_630[%gather3A_638] in [0] : vector<16xi32>, vector<16xi32> -> vector<16xi32>
        %ge3A_640 = arith.constant 8 : i32
        %ge3A_641 = vector.broadcast %ge3A_640 : i32 to vector<16xi32>
        %ge3A_642 = arith.cmpi sge, %iota3A_577, %ge3A_641 : vector<16xi32>
        %jit3A_643 = arith.constant 0 : i32
        %broadcast_in_dim3A_644 = vector.broadcast %jit3A_643 : i32 to vector<16xi32>
        %select_n3A_645 = arith.select %ge3A_642, %gather3A_639, %broadcast_in_dim3A_644 : vector<16xi1>, vector<16xi32>
        %add3A_646 = arith.addi %add3A_630, %select_n3A_645 : vector<16xi32>
        %add3A_647 = vector.broadcast %while3A_44 : i32 to vector<16xi32>
        %add3A_648 = arith.addi %add3A_647, %add3A_646 : vector<16xi32>
        %sub3A_649 = arith.constant 1 : i32
        %sub3A_650 = vector.broadcast %sub3A_649 : i32 to vector<16xi32>
        %sub3A_651 = arith.subi %add3A_648, %sub3A_650 : vector<16xi32>
        %lt3A_652 = arith.constant 1024 : i32
        %lt3A_653 = vector.broadcast %lt3A_652 : i32 to vector<16xi32>
        %lt3A_654 = arith.cmpi slt, %sub3A_651, %lt3A_653 : vector<16xi32>
        %and3A_655 = arith.andi %eq3A_576, %lt3A_654 : vector<16xi1>
        %add3A_656 = arith.constant 6144 : i32
        %add3A_657 = vector.broadcast %add3A_656 : i32 to vector<16xi32>
        %add3A_658 = arith.addi %add3A_657, %sub3A_651 : vector<16xi32>
        %select_n3A_659 = arith.select %and3A_655, %add3A_658, %select_n3A_570 : vector<16xi1>, vector<16xi32>
        %slice3A_660 = vector.extract_strided_slice %add3A_646 {offsets = [15], sizes = [1], strides = [1]} : vector<16xi32> to vector<1xi32>
        %squeeze3A_661 = vector.extract %slice3A_660[0] : i32 from vector<1xi32>
        %add3A_662 = arith.addi %while3A_44, %squeeze3A_661 : i32
        %eq3A_663 = arith.constant 7 : i32
        %eq3A_664 = vector.broadcast %eq3A_663 : i32 to vector<16xi32>
        %eq3A_665 = arith.cmpi eq, %get3A_49, %eq3A_664 : vector<16xi32>
        %iota3A_666 = tpu.iota {dimensions = array<i32: 0>} : vector<16xi32>
        %jit3A_667 = arith.constant 1 : i32
        %jit3A_668 = arith.constant 0 : i32
        %broadcast_in_dim3A_669 = vector.broadcast %jit3A_667 : i32 to vector<16xi32>
        %broadcast_in_dim3A_670 = vector.broadcast %jit3A_668 : i32 to vector<16xi32>
        %select_n3A_671 = arith.select %eq3A_665, %broadcast_in_dim3A_669, %broadcast_in_dim3A_670 : vector<16xi1>, vector<16xi32>
        %sub3A_672 = arith.constant 1 : i32
        %sub3A_673 = vector.broadcast %sub3A_672 : i32 to vector<16xi32>
        %sub3A_674 = arith.subi %iota3A_666, %sub3A_673 : vector<16xi32>
        %max3A_675 = arith.constant 0 : i32
        %max3A_676 = vector.broadcast %max3A_675 : i32 to vector<16xi32>
        %max3A_677 = arith.maxsi %sub3A_674, %max3A_676 : vector<16xi32>
        %broadcast_in_dim3A_678 = vector.shape_cast %max3A_677 : vector<16xi32> to vector<16x1xi32>
        %gather3A_679 = vector.shape_cast %broadcast_in_dim3A_678 : vector<16x1xi32> to vector<16xi32>
        %gather3A_680 = tpu.dynamic_gather %select_n3A_671[%gather3A_679] in [0] : vector<16xi32>, vector<16xi32> -> vector<16xi32>
        %ge3A_681 = arith.constant 1 : i32
        %ge3A_682 = vector.broadcast %ge3A_681 : i32 to vector<16xi32>
        %ge3A_683 = arith.cmpi sge, %iota3A_666, %ge3A_682 : vector<16xi32>
        %jit3A_684 = arith.constant 0 : i32
        %broadcast_in_dim3A_685 = vector.broadcast %jit3A_684 : i32 to vector<16xi32>
        %select_n3A_686 = arith.select %ge3A_683, %gather3A_680, %broadcast_in_dim3A_685 : vector<16xi1>, vector<16xi32>
        %add3A_687 = arith.addi %select_n3A_671, %select_n3A_686 : vector<16xi32>
        %sub3A_688 = arith.constant 2 : i32
        %sub3A_689 = vector.broadcast %sub3A_688 : i32 to vector<16xi32>
        %sub3A_690 = arith.subi %iota3A_666, %sub3A_689 : vector<16xi32>
        %max3A_691 = arith.constant 0 : i32
        %max3A_692 = vector.broadcast %max3A_691 : i32 to vector<16xi32>
        %max3A_693 = arith.maxsi %sub3A_690, %max3A_692 : vector<16xi32>
        %broadcast_in_dim3A_694 = vector.shape_cast %max3A_693 : vector<16xi32> to vector<16x1xi32>
        %gather3A_695 = vector.shape_cast %broadcast_in_dim3A_694 : vector<16x1xi32> to vector<16xi32>
        %gather3A_696 = tpu.dynamic_gather %add3A_687[%gather3A_695] in [0] : vector<16xi32>, vector<16xi32> -> vector<16xi32>
        %ge3A_697 = arith.constant 2 : i32
        %ge3A_698 = vector.broadcast %ge3A_697 : i32 to vector<16xi32>
        %ge3A_699 = arith.cmpi sge, %iota3A_666, %ge3A_698 : vector<16xi32>
        %jit3A_700 = arith.constant 0 : i32
        %broadcast_in_dim3A_701 = vector.broadcast %jit3A_700 : i32 to vector<16xi32>
        %select_n3A_702 = arith.select %ge3A_699, %gather3A_696, %broadcast_in_dim3A_701 : vector<16xi1>, vector<16xi32>
        %add3A_703 = arith.addi %add3A_687, %select_n3A_702 : vector<16xi32>
        %sub3A_704 = arith.constant 4 : i32
        %sub3A_705 = vector.broadcast %sub3A_704 : i32 to vector<16xi32>
        %sub3A_706 = arith.subi %iota3A_666, %sub3A_705 : vector<16xi32>
        %max3A_707 = arith.constant 0 : i32
        %max3A_708 = vector.broadcast %max3A_707 : i32 to vector<16xi32>
        %max3A_709 = arith.maxsi %sub3A_706, %max3A_708 : vector<16xi32>
        %broadcast_in_dim3A_710 = vector.shape_cast %max3A_709 : vector<16xi32> to vector<16x1xi32>
        %gather3A_711 = vector.shape_cast %broadcast_in_dim3A_710 : vector<16x1xi32> to vector<16xi32>
        %gather3A_712 = tpu.dynamic_gather %add3A_703[%gather3A_711] in [0] : vector<16xi32>, vector<16xi32> -> vector<16xi32>
        %ge3A_713 = arith.constant 4 : i32
        %ge3A_714 = vector.broadcast %ge3A_713 : i32 to vector<16xi32>
        %ge3A_715 = arith.cmpi sge, %iota3A_666, %ge3A_714 : vector<16xi32>
        %jit3A_716 = arith.constant 0 : i32
        %broadcast_in_dim3A_717 = vector.broadcast %jit3A_716 : i32 to vector<16xi32>
        %select_n3A_718 = arith.select %ge3A_715, %gather3A_712, %broadcast_in_dim3A_717 : vector<16xi1>, vector<16xi32>
        %add3A_719 = arith.addi %add3A_703, %select_n3A_718 : vector<16xi32>
        %sub3A_720 = arith.constant 8 : i32
        %sub3A_721 = vector.broadcast %sub3A_720 : i32 to vector<16xi32>
        %sub3A_722 = arith.subi %iota3A_666, %sub3A_721 : vector<16xi32>
        %max3A_723 = arith.constant 0 : i32
        %max3A_724 = vector.broadcast %max3A_723 : i32 to vector<16xi32>
        %max3A_725 = arith.maxsi %sub3A_722, %max3A_724 : vector<16xi32>
        %broadcast_in_dim3A_726 = vector.shape_cast %max3A_725 : vector<16xi32> to vector<16x1xi32>
        %gather3A_727 = vector.shape_cast %broadcast_in_dim3A_726 : vector<16x1xi32> to vector<16xi32>
        %gather3A_728 = tpu.dynamic_gather %add3A_719[%gather3A_727] in [0] : vector<16xi32>, vector<16xi32> -> vector<16xi32>
        %ge3A_729 = arith.constant 8 : i32
        %ge3A_730 = vector.broadcast %ge3A_729 : i32 to vector<16xi32>
        %ge3A_731 = arith.cmpi sge, %iota3A_666, %ge3A_730 : vector<16xi32>
        %jit3A_732 = arith.constant 0 : i32
        %broadcast_in_dim3A_733 = vector.broadcast %jit3A_732 : i32 to vector<16xi32>
        %select_n3A_734 = arith.select %ge3A_731, %gather3A_728, %broadcast_in_dim3A_733 : vector<16xi1>, vector<16xi32>
        %add3A_735 = arith.addi %add3A_719, %select_n3A_734 : vector<16xi32>
        %add3A_736 = vector.broadcast %while3A_45 : i32 to vector<16xi32>
        %add3A_737 = arith.addi %add3A_736, %add3A_735 : vector<16xi32>
        %sub3A_738 = arith.constant 1 : i32
        %sub3A_739 = vector.broadcast %sub3A_738 : i32 to vector<16xi32>
        %sub3A_740 = arith.subi %add3A_737, %sub3A_739 : vector<16xi32>
        %lt3A_741 = arith.constant 1024 : i32
        %lt3A_742 = vector.broadcast %lt3A_741 : i32 to vector<16xi32>
        %lt3A_743 = arith.cmpi slt, %sub3A_740, %lt3A_742 : vector<16xi32>
        %and3A_744 = arith.andi %eq3A_665, %lt3A_743 : vector<16xi1>
        %add3A_745 = arith.constant 7168 : i32
        %add3A_746 = vector.broadcast %add3A_745 : i32 to vector<16xi32>
        %add3A_747 = arith.addi %add3A_746, %sub3A_740 : vector<16xi32>
        %select_n3A_748 = arith.select %and3A_744, %add3A_747, %select_n3A_659 : vector<16xi1>, vector<16xi32>
        %slice3A_749 = vector.extract_strided_slice %add3A_735 {offsets = [15], sizes = [1], strides = [1]} : vector<16xi32> to vector<1xi32>
        %squeeze3A_750 = vector.extract %slice3A_749[0] : i32 from vector<1xi32>
        %add3A_751 = arith.addi %while3A_45, %squeeze3A_750 : i32
        %sub3A_752 = arith.subi %while3A_37, %mul3A_4 : i32
        %mul3A_753 = arith.constant 16 : i32
        %mul3A_754 = arith.muli %sub3A_752, %mul3A_753 : i32
        %swap3A = arith.index_cast %mul3A_754 : i32 to index
        %swap3A_755 = tpu.vector_load %arg5[%swap3A] {strides = array<i32>} : memref<512xi32, #tpu.memory_space<vmem>>, vector<16xi32>,
        %swap3A_756 = vector.shape_cast %swap3A_755 : vector<16xi32> to vector<16xi32>
        %swap3A_757 = vector.shape_cast %select_n3A_748 : vector<16xi32> to vector<16xi32>
        tpu.vector_store %arg5[%swap3A], %swap3A_757 {strides = array<i32>} : memref<512xi32, #tpu.memory_space<vmem>>, vector<16xi32>,
        scf.yield %add3A_128, %add3A_217, %add3A_306, %add3A_395, %add3A_484, %add3A_573, %add3A_662, %add3A_751 : i32, i32, i32, i32, i32, i32, i32, i32
      }
      %mul3A_35 = arith.constant 16 : i32
      %mul3A_36 = arith.muli %mul3A_4, %mul3A_35 : i32
      "tpu.region"() ({
        %run_scoped3A = tpu.sem_alloc : memref<!tpu.dma_semaphore, #tpu.memory_space<semaphore_mem>>
        %dma_start3A = tpu.memref_slice %arg3[%mul3A_36] : memref<8192xi32, #tpu.memory_space<hbm>> -> memref<512xi32, #tpu.memory_space<hbm>>
        %dma_start3A_37 = tpu.memref_slice %arg3[%mul3A_36] : memref<8192xi32, #tpu.memory_space<hbm>> -> memref<512xi32, #tpu.memory_space<hbm>>
        tpu.enqueue_dma source(%arg5 : memref<512xi32, #tpu.memory_space<vmem>>) target(%dma_start3A_37 : memref<512xi32, #tpu.memory_space<hbm>>) target_semaphore(%run_scoped3A : memref<!tpu.dma_semaphore, #tpu.memory_space<semaphore_mem>>)
        %dma_wait3A = tpu.memref_slice %arg3[%mul3A_36] : memref<8192xi32, #tpu.memory_space<hbm>> -> memref<512xi32, #tpu.memory_space<hbm>>
        %dma_wait3A_38 = tpu.memref_slice %arg3[%mul3A_36] : memref<8192xi32, #tpu.memory_space<hbm>> -> memref<512xi32, #tpu.memory_space<hbm>>
        tpu.wait_dma2 semaphore(%run_scoped3A : memref<!tpu.dma_semaphore, #tpu.memory_space<semaphore_mem>>) src(%arg5 : memref<512xi32, #tpu.memory_space<vmem>>) dst(%dma_wait3A_38 : memref<512xi32, #tpu.memory_space<hbm>>)
        tpu.yield
      }) : () -> ()
    } else {
    }
    return
  }
}

#map = affine_map<(d0, d1) -> (0, 0)>
#map1 = affine_map<(d0, d1) -> (0)>
module attributes {stable_mosaic.version = 14 : i64} {
  func.func @combine_k(%arg0: i32, %arg1: i32, %arg2: memref<9216x1024xf32, #tpu.memory_space<hbm>>, %arg3: memref<4096xi32, #tpu.memory_space<hbm>>, %arg4: memref<4096xi32, #tpu.memory_space<hbm>>, %arg5: memref<4096xf32, #tpu.memory_space<hbm>>, %arg6: memref<4096xf32, #tpu.memory_space<hbm>>, %arg7: memref<4096x1024xf32, #tpu.memory_space<hbm>>, %arg8: memref<128xi32, #tpu.memory_space<vmem>>, %arg9: memref<128xi32, #tpu.memory_space<vmem>>, %arg10: memref<128xf32, #tpu.memory_space<vmem>>, %arg11: memref<128xf32, #tpu.memory_space<vmem>>, %arg12: memref<32x1024xf32, #tpu.memory_space<vmem>>, %arg13: memref<32x1024xf32, #tpu.memory_space<vmem>>, %arg14: memref<32x1024xf32, #tpu.memory_space<vmem>>, %arg15: memref<!tpu.dma_semaphore, #tpu.memory_space<semaphore_mem>>, %arg16: memref<!tpu.dma_semaphore, #tpu.memory_space<semaphore_mem>>) attributes {dimension_semantics = [#tpu.dimension_semantics<core_parallel>, #tpu.dimension_semantics<subcore_parallel>], iteration_bounds = array<i64: 2, 16>, scalar_prefetch = 0 : i64, scratch_operands = 9 : i64, tpu.core_type = #tpu.core_type<sc_vector_subcore>, window_params = [{transform_indices = #map}, {transform_indices = #map1}, {transform_indices = #map1}, {transform_indices = #map1}, {transform_indices = #map1}, {transform_indices = #map}]} {
    %mul3A = arith.constant 2 : i32
    %mul3A_0 = arith.muli %arg1, %mul3A : i32
    %add3A = arith.addi %mul3A_0, %arg0 : i32
    %mul3A_1 = arith.constant 128 : i32
    %mul3A_2 = arith.muli %add3A, %mul3A_1 : i32
    "tpu.region"() ({
      %run_scoped3A = tpu.sem_alloc : memref<!tpu.dma_semaphore, #tpu.memory_space<semaphore_mem>>
      %dma_start3A = tpu.memref_slice %arg3[%mul3A_2] : memref<4096xi32, #tpu.memory_space<hbm>> -> memref<128xi32, #tpu.memory_space<hbm>>
      %dma_start3A_8 = tpu.memref_slice %arg3[%mul3A_2] : memref<4096xi32, #tpu.memory_space<hbm>> -> memref<128xi32, #tpu.memory_space<hbm>>
      tpu.enqueue_dma source(%dma_start3A_8 : memref<128xi32, #tpu.memory_space<hbm>>) target(%arg8 : memref<128xi32, #tpu.memory_space<vmem>>) target_semaphore(%run_scoped3A : memref<!tpu.dma_semaphore, #tpu.memory_space<semaphore_mem>>)
      %dma_wait3A = tpu.memref_slice %arg3[%mul3A_2] : memref<4096xi32, #tpu.memory_space<hbm>> -> memref<128xi32, #tpu.memory_space<hbm>>
      %dma_wait3A_9 = tpu.memref_slice %arg3[%mul3A_2] : memref<4096xi32, #tpu.memory_space<hbm>> -> memref<128xi32, #tpu.memory_space<hbm>>
      tpu.wait_dma2 semaphore(%run_scoped3A : memref<!tpu.dma_semaphore, #tpu.memory_space<semaphore_mem>>) src(%dma_wait3A_9 : memref<128xi32, #tpu.memory_space<hbm>>) dst(%arg8 : memref<128xi32, #tpu.memory_space<vmem>>)
      tpu.yield
    }) : () -> ()
    "tpu.region"() ({
      %run_scoped3A = tpu.sem_alloc : memref<!tpu.dma_semaphore, #tpu.memory_space<semaphore_mem>>
      %dma_start3A = tpu.memref_slice %arg4[%mul3A_2] : memref<4096xi32, #tpu.memory_space<hbm>> -> memref<128xi32, #tpu.memory_space<hbm>>
      %dma_start3A_8 = tpu.memref_slice %arg4[%mul3A_2] : memref<4096xi32, #tpu.memory_space<hbm>> -> memref<128xi32, #tpu.memory_space<hbm>>
      tpu.enqueue_dma source(%dma_start3A_8 : memref<128xi32, #tpu.memory_space<hbm>>) target(%arg9 : memref<128xi32, #tpu.memory_space<vmem>>) target_semaphore(%run_scoped3A : memref<!tpu.dma_semaphore, #tpu.memory_space<semaphore_mem>>)
      %dma_wait3A = tpu.memref_slice %arg4[%mul3A_2] : memref<4096xi32, #tpu.memory_space<hbm>> -> memref<128xi32, #tpu.memory_space<hbm>>
      %dma_wait3A_9 = tpu.memref_slice %arg4[%mul3A_2] : memref<4096xi32, #tpu.memory_space<hbm>> -> memref<128xi32, #tpu.memory_space<hbm>>
      tpu.wait_dma2 semaphore(%run_scoped3A : memref<!tpu.dma_semaphore, #tpu.memory_space<semaphore_mem>>) src(%dma_wait3A_9 : memref<128xi32, #tpu.memory_space<hbm>>) dst(%arg9 : memref<128xi32, #tpu.memory_space<vmem>>)
      tpu.yield
    }) : () -> ()
    "tpu.region"() ({
      %run_scoped3A = tpu.sem_alloc : memref<!tpu.dma_semaphore, #tpu.memory_space<semaphore_mem>>
      %dma_start3A = tpu.memref_slice %arg5[%mul3A_2] : memref<4096xf32, #tpu.memory_space<hbm>> -> memref<128xf32, #tpu.memory_space<hbm>>
      %dma_start3A_8 = tpu.memref_slice %arg5[%mul3A_2] : memref<4096xf32, #tpu.memory_space<hbm>> -> memref<128xf32, #tpu.memory_space<hbm>>
      tpu.enqueue_dma source(%dma_start3A_8 : memref<128xf32, #tpu.memory_space<hbm>>) target(%arg10 : memref<128xf32, #tpu.memory_space<vmem>>) target_semaphore(%run_scoped3A : memref<!tpu.dma_semaphore, #tpu.memory_space<semaphore_mem>>)
      %dma_wait3A = tpu.memref_slice %arg5[%mul3A_2] : memref<4096xf32, #tpu.memory_space<hbm>> -> memref<128xf32, #tpu.memory_space<hbm>>
      %dma_wait3A_9 = tpu.memref_slice %arg5[%mul3A_2] : memref<4096xf32, #tpu.memory_space<hbm>> -> memref<128xf32, #tpu.memory_space<hbm>>
      tpu.wait_dma2 semaphore(%run_scoped3A : memref<!tpu.dma_semaphore, #tpu.memory_space<semaphore_mem>>) src(%dma_wait3A_9 : memref<128xf32, #tpu.memory_space<hbm>>) dst(%arg10 : memref<128xf32, #tpu.memory_space<vmem>>)
      tpu.yield
    }) : () -> ()
    "tpu.region"() ({
      %run_scoped3A = tpu.sem_alloc : memref<!tpu.dma_semaphore, #tpu.memory_space<semaphore_mem>>
      %dma_start3A = tpu.memref_slice %arg6[%mul3A_2] : memref<4096xf32, #tpu.memory_space<hbm>> -> memref<128xf32, #tpu.memory_space<hbm>>
      %dma_start3A_8 = tpu.memref_slice %arg6[%mul3A_2] : memref<4096xf32, #tpu.memory_space<hbm>> -> memref<128xf32, #tpu.memory_space<hbm>>
      tpu.enqueue_dma source(%dma_start3A_8 : memref<128xf32, #tpu.memory_space<hbm>>) target(%arg11 : memref<128xf32, #tpu.memory_space<vmem>>) target_semaphore(%run_scoped3A : memref<!tpu.dma_semaphore, #tpu.memory_space<semaphore_mem>>)
      %dma_wait3A = tpu.memref_slice %arg6[%mul3A_2] : memref<4096xf32, #tpu.memory_space<hbm>> -> memref<128xf32, #tpu.memory_space<hbm>>
      %dma_wait3A_9 = tpu.memref_slice %arg6[%mul3A_2] : memref<4096xf32, #tpu.memory_space<hbm>> -> memref<128xf32, #tpu.memory_space<hbm>>
      tpu.wait_dma2 semaphore(%run_scoped3A : memref<!tpu.dma_semaphore, #tpu.memory_space<semaphore_mem>>) src(%dma_wait3A_9 : memref<128xf32, #tpu.memory_space<hbm>>) dst(%arg11 : memref<128xf32, #tpu.memory_space<vmem>>)
      tpu.yield
    }) : () -> ()
    %scan3A = arith.constant 0 : i32
    %scan3A_3 = arith.constant 0 : i32
    %scan3A_4 = arith.constant 4 : i32
    %scan3A_5 = arith.addi %scan3A_3, %scan3A_4 : i32
    %scan3A_6 = arith.constant 1 : i32
    scf.for %scan3A_8 = %scan3A_3 to %scan3A_5 step %scan3A_6  : i32 {
      %mul3A_9 = arith.constant 32 : i32
      %mul3A_10 = arith.muli %scan3A_8, %mul3A_9 : i32
      %dma_start3A = tpu.memref_slice %arg8[%mul3A_10] : memref<128xi32, #tpu.memory_space<vmem>> -> memref<32xi32, #tpu.memory_space<vmem>>
      %dma_start3A_11 = arith.constant 0 : i32
      %dma_start3A_12 = arith.constant 0 : i32
      %dma_start3A_13 = tpu.memref_slice %arg2[%dma_start3A_11, %dma_start3A_12] : memref<9216x1024xf32, #tpu.memory_space<hbm>> -> memref<9216x1024xf32, #tpu.memory_space<hbm>>
      tpu.enqueue_indirect_dma source(%dma_start3A_13 : memref<9216x1024xf32, #tpu.memory_space<hbm>>) target(%arg12 : memref<32x1024xf32, #tpu.memory_space<vmem>>) offsets(%dma_start3A : memref<32xi32, #tpu.memory_space<vmem>>) semaphore(%arg15 : memref<!tpu.dma_semaphore, #tpu.memory_space<semaphore_mem>>)
      %mul3A_14 = arith.constant 32 : i32
      %mul3A_15 = arith.muli %scan3A_8, %mul3A_14 : i32
      %dma_start3A_16 = tpu.memref_slice %arg9[%mul3A_15] : memref<128xi32, #tpu.memory_space<vmem>> -> memref<32xi32, #tpu.memory_space<vmem>>
      %dma_start3A_17 = arith.constant 0 : i32
      %dma_start3A_18 = arith.constant 0 : i32
      %dma_start3A_19 = tpu.memref_slice %arg2[%dma_start3A_17, %dma_start3A_18] : memref<9216x1024xf32, #tpu.memory_space<hbm>> -> memref<9216x1024xf32, #tpu.memory_space<hbm>>
      tpu.enqueue_indirect_dma source(%dma_start3A_19 : memref<9216x1024xf32, #tpu.memory_space<hbm>>) target(%arg13 : memref<32x1024xf32, #tpu.memory_space<vmem>>) offsets(%dma_start3A_16 : memref<32xi32, #tpu.memory_space<vmem>>) semaphore(%arg16 : memref<!tpu.dma_semaphore, #tpu.memory_space<semaphore_mem>>)
      %dma_wait3A = tpu.memref_slice %arg8[%mul3A_10] : memref<128xi32, #tpu.memory_space<vmem>> -> memref<32xi32, #tpu.memory_space<vmem>>
      %dma_wait3A_20 = arith.constant 0 : i32
      %dma_wait3A_21 = arith.constant 0 : i32
      %dma_wait3A_22 = tpu.memref_slice %arg2[%dma_wait3A_20, %dma_wait3A_21] : memref<9216x1024xf32, #tpu.memory_space<hbm>> -> memref<9216x1024xf32, #tpu.memory_space<hbm>>
      tpu.wait_indirect_dma semaphore(%arg15 : memref<!tpu.dma_semaphore, #tpu.memory_space<semaphore_mem>>) src(%dma_wait3A_22 : memref<9216x1024xf32, #tpu.memory_space<hbm>>) dst(%arg12 : memref<32x1024xf32, #tpu.memory_space<vmem>>)
      %dma_wait3A_23 = tpu.memref_slice %arg9[%mul3A_15] : memref<128xi32, #tpu.memory_space<vmem>> -> memref<32xi32, #tpu.memory_space<vmem>>
      %dma_wait3A_24 = arith.constant 0 : i32
      %dma_wait3A_25 = arith.constant 0 : i32
      %dma_wait3A_26 = tpu.memref_slice %arg2[%dma_wait3A_24, %dma_wait3A_25] : memref<9216x1024xf32, #tpu.memory_space<hbm>> -> memref<9216x1024xf32, #tpu.memory_space<hbm>>
      tpu.wait_indirect_dma semaphore(%arg16 : memref<!tpu.dma_semaphore, #tpu.memory_space<semaphore_mem>>) src(%dma_wait3A_26 : memref<9216x1024xf32, #tpu.memory_space<hbm>>) dst(%arg13 : memref<32x1024xf32, #tpu.memory_space<vmem>>)
      %scan3A_27 = arith.constant 0 : i32
      %scan3A_28 = arith.constant 0 : i32
      %scan3A_29 = arith.constant 32 : i32
      %scan3A_30 = arith.addi %scan3A_28, %scan3A_29 : i32
      %scan3A_31 = arith.constant 2 : i32
      scf.for %scan3A_36 = %scan3A_28 to %scan3A_30 step %scan3A_31  : i32 {
        %jit3A = arith.constant 16 : i32
        %div3A = arith.divsi %scan3A_36, %jit3A : i32
        %sign3A = arith.constant 0 : i32
        %sign3A_37 = arith.cmpi sgt, %scan3A_36, %sign3A : i32
        %sign3A_38 = arith.extui %sign3A_37 : i1 to i32
        %sign3A_39 = arith.constant 0 : i32
        %sign3A_40 = arith.cmpi slt, %scan3A_36, %sign3A_39 : i32
        %sign3A_41 = arith.extui %sign3A_40 : i1 to i32
        %sign3A_42 = arith.subi %sign3A_38, %sign3A_41 : i32
        %sign3A_43 = arith.constant 0 : i32
        %sign3A_44 = arith.cmpi sgt, %jit3A, %sign3A_43 : i32
        %sign3A_45 = arith.extui %sign3A_44 : i1 to i32
        %sign3A_46 = arith.constant 0 : i32
        %sign3A_47 = arith.cmpi slt, %jit3A, %sign3A_46 : i32
        %sign3A_48 = arith.extui %sign3A_47 : i1 to i32
        %sign3A_49 = arith.subi %sign3A_45, %sign3A_48 : i32
        %ne3A = arith.cmpi ne, %sign3A_42, %sign3A_49 : i32
        %rem3A = arith.remsi %scan3A_36, %jit3A : i32
        %ne3A_50 = arith.constant 0 : i32
        %ne3A_51 = arith.cmpi ne, %rem3A, %ne3A_50 : i32
        %and3A = arith.andi %ne3A, %ne3A_51 : i1
        %sub3A = arith.constant 1 : i32
        %sub3A_52 = arith.subi %div3A, %sub3A : i32
        %select_n3A = arith.select %and3A, %sub3A_52, %div3A : i32
        %mul3A_53 = arith.constant 16 : i32
        %mul3A_54 = arith.muli %select_n3A, %mul3A_53 : i32
        %mul3A_55 = arith.constant 32 : i32
        %mul3A_56 = arith.muli %scan3A_8, %mul3A_55 : i32
        %add3A_57 = arith.addi %mul3A_56, %mul3A_54 : i32
        %get3A = arith.index_cast %add3A_57 : i32 to index
        %get3A_58 = tpu.vector_load %arg10[%get3A] {strides = array<i32>} : memref<128xf32, #tpu.memory_space<vmem>>, vector<16xf32>,
        %get3A_59 = vector.shape_cast %get3A_58 : vector<16xf32> to vector<16xf32>
        %mul3A_60 = arith.constant 32 : i32
        %mul3A_61 = arith.muli %scan3A_8, %mul3A_60 : i32
        %add3A_62 = arith.addi %mul3A_61, %mul3A_54 : i32
        %get3A_63 = arith.index_cast %add3A_62 : i32 to index
        %get3A_64 = tpu.vector_load %arg11[%get3A_63] {strides = array<i32>} : memref<128xf32, #tpu.memory_space<vmem>>, vector<16xf32>,
        %get3A_65 = vector.shape_cast %get3A_64 : vector<16xf32> to vector<16xf32>
        %sub3A_66 = arith.subi %scan3A_36, %mul3A_54 : i32
        %broadcast_in_dim3A = arith.constant 0 : i32
        %broadcast_in_dim3A_67 = vector.broadcast %broadcast_in_dim3A : i32 to vector<16xi32>
        %add3A_68 = vector.broadcast %sub3A_66 : i32 to vector<16xi32>
        %add3A_69 = arith.addi %broadcast_in_dim3A_67, %add3A_68 : vector<16xi32>
        %broadcast_in_dim3A_70 = vector.shape_cast %add3A_69 : vector<16xi32> to vector<16x1xi32>
        %gather3A = vector.shape_cast %broadcast_in_dim3A_70 : vector<16x1xi32> to vector<16xi32>
        %gather3A_71 = tpu.dynamic_gather %get3A_59[%gather3A] in [0] : vector<16xf32>, vector<16xi32> -> vector<16xf32>
        %broadcast_in_dim3A_72 = arith.constant 0 : i32
        %broadcast_in_dim3A_73 = vector.broadcast %broadcast_in_dim3A_72 : i32 to vector<16xi32>
        %add3A_74 = vector.broadcast %sub3A_66 : i32 to vector<16xi32>
        %add3A_75 = arith.addi %broadcast_in_dim3A_73, %add3A_74 : vector<16xi32>
        %broadcast_in_dim3A_76 = vector.shape_cast %add3A_75 : vector<16xi32> to vector<16x1xi32>
        %gather3A_77 = vector.shape_cast %broadcast_in_dim3A_76 : vector<16x1xi32> to vector<16xi32>
        %gather3A_78 = tpu.dynamic_gather %get3A_65[%gather3A_77] in [0] : vector<16xf32>, vector<16xi32> -> vector<16xf32>
        %scan3A_79 = arith.constant 0 : i32
        %scan3A_80 = arith.constant 64 : i32
        %scan3A_81 = arith.addi %scan3A_79, %scan3A_80 : i32
        %scan3A_82 = arith.constant 16 : i32
        scf.for %scan3A_144 = %scan3A_79 to %scan3A_81 step %scan3A_82  : i32 {
          %mul3A_145 = arith.constant 16 : i32
          %mul3A_146 = arith.muli %scan3A_144, %mul3A_145 : i32
          %get3A_147 = arith.index_cast %scan3A_36 : i32 to index
          %get3A_148 = arith.index_cast %mul3A_146 : i32 to index
          %get3A_149 = tpu.vector_load %arg12[%get3A_147, %get3A_148] {strides = array<i32>} : memref<32x1024xf32, #tpu.memory_space<vmem>>, vector<1x16xf32>,
          %get3A_150 = vector.shape_cast %get3A_149 : vector<1x16xf32> to vector<16xf32>
          %mul3A_151 = arith.mulf %get3A_150, %gather3A_71 : vector<16xf32>
          %get3A_152 = arith.index_cast %scan3A_36 : i32 to index
          %get3A_153 = arith.index_cast %mul3A_146 : i32 to index
          %get3A_154 = tpu.vector_load %arg13[%get3A_152, %get3A_153] {strides = array<i32>} : memref<32x1024xf32, #tpu.memory_space<vmem>>, vector<1x16xf32>,
          %get3A_155 = vector.shape_cast %get3A_154 : vector<1x16xf32> to vector<16xf32>
          %mul3A_156 = arith.mulf %get3A_155, %gather3A_78 : vector<16xf32>
          %add3A_157 = arith.addf %mul3A_151, %mul3A_156 : vector<16xf32>
          %swap3A = arith.index_cast %scan3A_36 : i32 to index
          %swap3A_158 = arith.index_cast %mul3A_146 : i32 to index
          %swap3A_159 = tpu.vector_load %arg14[%swap3A, %swap3A_158] {strides = array<i32>} : memref<32x1024xf32, #tpu.memory_space<vmem>>, vector<1x16xf32>,
          %swap3A_160 = vector.shape_cast %swap3A_159 : vector<1x16xf32> to vector<16xf32>
          %swap3A_161 = vector.shape_cast %add3A_157 : vector<16xf32> to vector<1x16xf32>
          tpu.vector_store %arg14[%swap3A, %swap3A_158], %swap3A_161 {strides = array<i32>} : memref<32x1024xf32, #tpu.memory_space<vmem>>, vector<1x16xf32>,
          %scan3A_162 = arith.constant 1 : i32
          %scan3A_163 = arith.addi %scan3A_144, %scan3A_162 : i32
          %mul3A_164 = arith.constant 16 : i32
          %mul3A_165 = arith.muli %scan3A_163, %mul3A_164 : i32
          %get3A_166 = arith.index_cast %scan3A_36 : i32 to index
          %get3A_167 = arith.index_cast %mul3A_165 : i32 to index
          %get3A_168 = tpu.vector_load %arg12[%get3A_166, %get3A_167] {strides = array<i32>} : memref<32x1024xf32, #tpu.memory_space<vmem>>, vector<1x16xf32>,
          %get3A_169 = vector.shape_cast %get3A_168 : vector<1x16xf32> to vector<16xf32>
          %mul3A_170 = arith.mulf %get3A_169, %gather3A_71 : vector<16xf32>
          %get3A_171 = arith.index_cast %scan3A_36 : i32 to index
          %get3A_172 = arith.index_cast %mul3A_165 : i32 to index
          %get3A_173 = tpu.vector_load %arg13[%get3A_171, %get3A_172] {strides = array<i32>} : memref<32x1024xf32, #tpu.memory_space<vmem>>, vector<1x16xf32>,
          %get3A_174 = vector.shape_cast %get3A_173 : vector<1x16xf32> to vector<16xf32>
          %mul3A_175 = arith.mulf %get3A_174, %gather3A_78 : vector<16xf32>
          %add3A_176 = arith.addf %mul3A_170, %mul3A_175 : vector<16xf32>
          %swap3A_177 = arith.index_cast %scan3A_36 : i32 to index
          %swap3A_178 = arith.index_cast %mul3A_165 : i32 to index
          %swap3A_179 = tpu.vector_load %arg14[%swap3A_177, %swap3A_178] {strides = array<i32>} : memref<32x1024xf32, #tpu.memory_space<vmem>>, vector<1x16xf32>,
          %swap3A_180 = vector.shape_cast %swap3A_179 : vector<1x16xf32> to vector<16xf32>
          %swap3A_181 = vector.shape_cast %add3A_176 : vector<16xf32> to vector<1x16xf32>
          tpu.vector_store %arg14[%swap3A_177, %swap3A_178], %swap3A_181 {strides = array<i32>} : memref<32x1024xf32, #tpu.memory_space<vmem>>, vector<1x16xf32>,
          %scan3A_182 = arith.constant 2 : i32
          %scan3A_183 = arith.addi %scan3A_144, %scan3A_182 : i32
          %mul3A_184 = arith.constant 16 : i32
          %mul3A_185 = arith.muli %scan3A_183, %mul3A_184 : i32
          %get3A_186 = arith.index_cast %scan3A_36 : i32 to index
          %get3A_187 = arith.index_cast %mul3A_185 : i32 to index
          %get3A_188 = tpu.vector_load %arg12[%get3A_186, %get3A_187] {strides = array<i32>} : memref<32x1024xf32, #tpu.memory_space<vmem>>, vector<1x16xf32>,
          %get3A_189 = vector.shape_cast %get3A_188 : vector<1x16xf32> to vector<16xf32>
          %mul3A_190 = arith.mulf %get3A_189, %gather3A_71 : vector<16xf32>
          %get3A_191 = arith.index_cast %scan3A_36 : i32 to index
          %get3A_192 = arith.index_cast %mul3A_185 : i32 to index
          %get3A_193 = tpu.vector_load %arg13[%get3A_191, %get3A_192] {strides = array<i32>} : memref<32x1024xf32, #tpu.memory_space<vmem>>, vector<1x16xf32>,
          %get3A_194 = vector.shape_cast %get3A_193 : vector<1x16xf32> to vector<16xf32>
          %mul3A_195 = arith.mulf %get3A_194, %gather3A_78 : vector<16xf32>
          %add3A_196 = arith.addf %mul3A_190, %mul3A_195 : vector<16xf32>
          %swap3A_197 = arith.index_cast %scan3A_36 : i32 to index
          %swap3A_198 = arith.index_cast %mul3A_185 : i32 to index
          %swap3A_199 = tpu.vector_load %arg14[%swap3A_197, %swap3A_198] {strides = array<i32>} : memref<32x1024xf32, #tpu.memory_space<vmem>>, vector<1x16xf32>,
          %swap3A_200 = vector.shape_cast %swap3A_199 : vector<1x16xf32> to vector<16xf32>
          %swap3A_201 = vector.shape_cast %add3A_196 : vector<16xf32> to vector<1x16xf32>
          tpu.vector_store %arg14[%swap3A_197, %swap3A_198], %swap3A_201 {strides = array<i32>} : memref<32x1024xf32, #tpu.memory_space<vmem>>, vector<1x16xf32>,
          %scan3A_202 = arith.constant 3 : i32
          %scan3A_203 = arith.addi %scan3A_144, %scan3A_202 : i32
          %mul3A_204 = arith.constant 16 : i32
          %mul3A_205 = arith.muli %scan3A_203, %mul3A_204 : i32
          %get3A_206 = arith.index_cast %scan3A_36 : i32 to index
          %get3A_207 = arith.index_cast %mul3A_205 : i32 to index
          %get3A_208 = tpu.vector_load %arg12[%get3A_206, %get3A_207] {strides = array<i32>} : memref<32x1024xf32, #tpu.memory_space<vmem>>, vector<1x16xf32>,
          %get3A_209 = vector.shape_cast %get3A_208 : vector<1x16xf32> to vector<16xf32>
          %mul3A_210 = arith.mulf %get3A_209, %gather3A_71 : vector<16xf32>
          %get3A_211 = arith.index_cast %scan3A_36 : i32 to index
          %get3A_212 = arith.index_cast %mul3A_205 : i32 to index
          %get3A_213 = tpu.vector_load %arg13[%get3A_211, %get3A_212] {strides = array<i32>} : memref<32x1024xf32, #tpu.memory_space<vmem>>, vector<1x16xf32>,
          %get3A_214 = vector.shape_cast %get3A_213 : vector<1x16xf32> to vector<16xf32>
          %mul3A_215 = arith.mulf %get3A_214, %gather3A_78 : vector<16xf32>
          %add3A_216 = arith.addf %mul3A_210, %mul3A_215 : vector<16xf32>
          %swap3A_217 = arith.index_cast %scan3A_36 : i32 to index
          %swap3A_218 = arith.index_cast %mul3A_205 : i32 to index
          %swap3A_219 = tpu.vector_load %arg14[%swap3A_217, %swap3A_218] {strides = array<i32>} : memref<32x1024xf32, #tpu.memory_space<vmem>>, vector<1x16xf32>,
          %swap3A_220 = vector.shape_cast %swap3A_219 : vector<1x16xf32> to vector<16xf32>
          %swap3A_221 = vector.shape_cast %add3A_216 : vector<16xf32> to vector<1x16xf32>
          tpu.vector_store %arg14[%swap3A_217, %swap3A_218], %swap3A_221 {strides = array<i32>} : memref<32x1024xf32, #tpu.memory_space<vmem>>, vector<1x16xf32>,
          %scan3A_222 = arith.constant 4 : i32
          %scan3A_223 = arith.addi %scan3A_144, %scan3A_222 : i32
          %mul3A_224 = arith.constant 16 : i32
          %mul3A_225 = arith.muli %scan3A_223, %mul3A_224 : i32
          %get3A_226 = arith.index_cast %scan3A_36 : i32 to index
          %get3A_227 = arith.index_cast %mul3A_225 : i32 to index
          %get3A_228 = tpu.vector_load %arg12[%get3A_226, %get3A_227] {strides = array<i32>} : memref<32x1024xf32, #tpu.memory_space<vmem>>, vector<1x16xf32>,
          %get3A_229 = vector.shape_cast %get3A_228 : vector<1x16xf32> to vector<16xf32>
          %mul3A_230 = arith.mulf %get3A_229, %gather3A_71 : vector<16xf32>
          %get3A_231 = arith.index_cast %scan3A_36 : i32 to index
          %get3A_232 = arith.index_cast %mul3A_225 : i32 to index
          %get3A_233 = tpu.vector_load %arg13[%get3A_231, %get3A_232] {strides = array<i32>} : memref<32x1024xf32, #tpu.memory_space<vmem>>, vector<1x16xf32>,
          %get3A_234 = vector.shape_cast %get3A_233 : vector<1x16xf32> to vector<16xf32>
          %mul3A_235 = arith.mulf %get3A_234, %gather3A_78 : vector<16xf32>
          %add3A_236 = arith.addf %mul3A_230, %mul3A_235 : vector<16xf32>
          %swap3A_237 = arith.index_cast %scan3A_36 : i32 to index
          %swap3A_238 = arith.index_cast %mul3A_225 : i32 to index
          %swap3A_239 = tpu.vector_load %arg14[%swap3A_237, %swap3A_238] {strides = array<i32>} : memref<32x1024xf32, #tpu.memory_space<vmem>>, vector<1x16xf32>,
          %swap3A_240 = vector.shape_cast %swap3A_239 : vector<1x16xf32> to vector<16xf32>
          %swap3A_241 = vector.shape_cast %add3A_236 : vector<16xf32> to vector<1x16xf32>
          tpu.vector_store %arg14[%swap3A_237, %swap3A_238], %swap3A_241 {strides = array<i32>} : memref<32x1024xf32, #tpu.memory_space<vmem>>, vector<1x16xf32>,
          %scan3A_242 = arith.constant 5 : i32
          %scan3A_243 = arith.addi %scan3A_144, %scan3A_242 : i32
          %mul3A_244 = arith.constant 16 : i32
          %mul3A_245 = arith.muli %scan3A_243, %mul3A_244 : i32
          %get3A_246 = arith.index_cast %scan3A_36 : i32 to index
          %get3A_247 = arith.index_cast %mul3A_245 : i32 to index
          %get3A_248 = tpu.vector_load %arg12[%get3A_246, %get3A_247] {strides = array<i32>} : memref<32x1024xf32, #tpu.memory_space<vmem>>, vector<1x16xf32>,
          %get3A_249 = vector.shape_cast %get3A_248 : vector<1x16xf32> to vector<16xf32>
          %mul3A_250 = arith.mulf %get3A_249, %gather3A_71 : vector<16xf32>
          %get3A_251 = arith.index_cast %scan3A_36 : i32 to index
          %get3A_252 = arith.index_cast %mul3A_245 : i32 to index
          %get3A_253 = tpu.vector_load %arg13[%get3A_251, %get3A_252] {strides = array<i32>} : memref<32x1024xf32, #tpu.memory_space<vmem>>, vector<1x16xf32>,
          %get3A_254 = vector.shape_cast %get3A_253 : vector<1x16xf32> to vector<16xf32>
          %mul3A_255 = arith.mulf %get3A_254, %gather3A_78 : vector<16xf32>
          %add3A_256 = arith.addf %mul3A_250, %mul3A_255 : vector<16xf32>
          %swap3A_257 = arith.index_cast %scan3A_36 : i32 to index
          %swap3A_258 = arith.index_cast %mul3A_245 : i32 to index
          %swap3A_259 = tpu.vector_load %arg14[%swap3A_257, %swap3A_258] {strides = array<i32>} : memref<32x1024xf32, #tpu.memory_space<vmem>>, vector<1x16xf32>,
          %swap3A_260 = vector.shape_cast %swap3A_259 : vector<1x16xf32> to vector<16xf32>
          %swap3A_261 = vector.shape_cast %add3A_256 : vector<16xf32> to vector<1x16xf32>
          tpu.vector_store %arg14[%swap3A_257, %swap3A_258], %swap3A_261 {strides = array<i32>} : memref<32x1024xf32, #tpu.memory_space<vmem>>, vector<1x16xf32>,
          %scan3A_262 = arith.constant 6 : i32
          %scan3A_263 = arith.addi %scan3A_144, %scan3A_262 : i32
          %mul3A_264 = arith.constant 16 : i32
          %mul3A_265 = arith.muli %scan3A_263, %mul3A_264 : i32
          %get3A_266 = arith.index_cast %scan3A_36 : i32 to index
          %get3A_267 = arith.index_cast %mul3A_265 : i32 to index
          %get3A_268 = tpu.vector_load %arg12[%get3A_266, %get3A_267] {strides = array<i32>} : memref<32x1024xf32, #tpu.memory_space<vmem>>, vector<1x16xf32>,
          %get3A_269 = vector.shape_cast %get3A_268 : vector<1x16xf32> to vector<16xf32>
          %mul3A_270 = arith.mulf %get3A_269, %gather3A_71 : vector<16xf32>
          %get3A_271 = arith.index_cast %scan3A_36 : i32 to index
          %get3A_272 = arith.index_cast %mul3A_265 : i32 to index
          %get3A_273 = tpu.vector_load %arg13[%get3A_271, %get3A_272] {strides = array<i32>} : memref<32x1024xf32, #tpu.memory_space<vmem>>, vector<1x16xf32>,
          %get3A_274 = vector.shape_cast %get3A_273 : vector<1x16xf32> to vector<16xf32>
          %mul3A_275 = arith.mulf %get3A_274, %gather3A_78 : vector<16xf32>
          %add3A_276 = arith.addf %mul3A_270, %mul3A_275 : vector<16xf32>
          %swap3A_277 = arith.index_cast %scan3A_36 : i32 to index
          %swap3A_278 = arith.index_cast %mul3A_265 : i32 to index
          %swap3A_279 = tpu.vector_load %arg14[%swap3A_277, %swap3A_278] {strides = array<i32>} : memref<32x1024xf32, #tpu.memory_space<vmem>>, vector<1x16xf32>,
          %swap3A_280 = vector.shape_cast %swap3A_279 : vector<1x16xf32> to vector<16xf32>
          %swap3A_281 = vector.shape_cast %add3A_276 : vector<16xf32> to vector<1x16xf32>
          tpu.vector_store %arg14[%swap3A_277, %swap3A_278], %swap3A_281 {strides = array<i32>} : memref<32x1024xf32, #tpu.memory_space<vmem>>, vector<1x16xf32>,
          %scan3A_282 = arith.constant 7 : i32
          %scan3A_283 = arith.addi %scan3A_144, %scan3A_282 : i32
          %mul3A_284 = arith.constant 16 : i32
          %mul3A_285 = arith.muli %scan3A_283, %mul3A_284 : i32
          %get3A_286 = arith.index_cast %scan3A_36 : i32 to index
          %get3A_287 = arith.index_cast %mul3A_285 : i32 to index
          %get3A_288 = tpu.vector_load %arg12[%get3A_286, %get3A_287] {strides = array<i32>} : memref<32x1024xf32, #tpu.memory_space<vmem>>, vector<1x16xf32>,
          %get3A_289 = vector.shape_cast %get3A_288 : vector<1x16xf32> to vector<16xf32>
          %mul3A_290 = arith.mulf %get3A_289, %gather3A_71 : vector<16xf32>
          %get3A_291 = arith.index_cast %scan3A_36 : i32 to index
          %get3A_292 = arith.index_cast %mul3A_285 : i32 to index
          %get3A_293 = tpu.vector_load %arg13[%get3A_291, %get3A_292] {strides = array<i32>} : memref<32x1024xf32, #tpu.memory_space<vmem>>, vector<1x16xf32>,
          %get3A_294 = vector.shape_cast %get3A_293 : vector<1x16xf32> to vector<16xf32>
          %mul3A_295 = arith.mulf %get3A_294, %gather3A_78 : vector<16xf32>
          %add3A_296 = arith.addf %mul3A_290, %mul3A_295 : vector<16xf32>
          %swap3A_297 = arith.index_cast %scan3A_36 : i32 to index
          %swap3A_298 = arith.index_cast %mul3A_285 : i32 to index
          %swap3A_299 = tpu.vector_load %arg14[%swap3A_297, %swap3A_298] {strides = array<i32>} : memref<32x1024xf32, #tpu.memory_space<vmem>>, vector<1x16xf32>,
          %swap3A_300 = vector.shape_cast %swap3A_299 : vector<1x16xf32> to vector<16xf32>
          %swap3A_301 = vector.shape_cast %add3A_296 : vector<16xf32> to vector<1x16xf32>
          tpu.vector_store %arg14[%swap3A_297, %swap3A_298], %swap3A_301 {strides = array<i32>} : memref<32x1024xf32, #tpu.memory_space<vmem>>, vector<1x16xf32>,
          %scan3A_302 = arith.constant 8 : i32
          %scan3A_303 = arith.addi %scan3A_144, %scan3A_302 : i32
          %mul3A_304 = arith.constant 16 : i32
          %mul3A_305 = arith.muli %scan3A_303, %mul3A_304 : i32
          %get3A_306 = arith.index_cast %scan3A_36 : i32 to index
          %get3A_307 = arith.index_cast %mul3A_305 : i32 to index
          %get3A_308 = tpu.vector_load %arg12[%get3A_306, %get3A_307] {strides = array<i32>} : memref<32x1024xf32, #tpu.memory_space<vmem>>, vector<1x16xf32>,
          %get3A_309 = vector.shape_cast %get3A_308 : vector<1x16xf32> to vector<16xf32>
          %mul3A_310 = arith.mulf %get3A_309, %gather3A_71 : vector<16xf32>
          %get3A_311 = arith.index_cast %scan3A_36 : i32 to index
          %get3A_312 = arith.index_cast %mul3A_305 : i32 to index
          %get3A_313 = tpu.vector_load %arg13[%get3A_311, %get3A_312] {strides = array<i32>} : memref<32x1024xf32, #tpu.memory_space<vmem>>, vector<1x16xf32>,
          %get3A_314 = vector.shape_cast %get3A_313 : vector<1x16xf32> to vector<16xf32>
          %mul3A_315 = arith.mulf %get3A_314, %gather3A_78 : vector<16xf32>
          %add3A_316 = arith.addf %mul3A_310, %mul3A_315 : vector<16xf32>
          %swap3A_317 = arith.index_cast %scan3A_36 : i32 to index
          %swap3A_318 = arith.index_cast %mul3A_305 : i32 to index
          %swap3A_319 = tpu.vector_load %arg14[%swap3A_317, %swap3A_318] {strides = array<i32>} : memref<32x1024xf32, #tpu.memory_space<vmem>>, vector<1x16xf32>,
          %swap3A_320 = vector.shape_cast %swap3A_319 : vector<1x16xf32> to vector<16xf32>
          %swap3A_321 = vector.shape_cast %add3A_316 : vector<16xf32> to vector<1x16xf32>
          tpu.vector_store %arg14[%swap3A_317, %swap3A_318], %swap3A_321 {strides = array<i32>} : memref<32x1024xf32, #tpu.memory_space<vmem>>, vector<1x16xf32>,
          %scan3A_322 = arith.constant 9 : i32
          %scan3A_323 = arith.addi %scan3A_144, %scan3A_322 : i32
          %mul3A_324 = arith.constant 16 : i32
          %mul3A_325 = arith.muli %scan3A_323, %mul3A_324 : i32
          %get3A_326 = arith.index_cast %scan3A_36 : i32 to index
          %get3A_327 = arith.index_cast %mul3A_325 : i32 to index
          %get3A_328 = tpu.vector_load %arg12[%get3A_326, %get3A_327] {strides = array<i32>} : memref<32x1024xf32, #tpu.memory_space<vmem>>, vector<1x16xf32>,
          %get3A_329 = vector.shape_cast %get3A_328 : vector<1x16xf32> to vector<16xf32>
          %mul3A_330 = arith.mulf %get3A_329, %gather3A_71 : vector<16xf32>
          %get3A_331 = arith.index_cast %scan3A_36 : i32 to index
          %get3A_332 = arith.index_cast %mul3A_325 : i32 to index
          %get3A_333 = tpu.vector_load %arg13[%get3A_331, %get3A_332] {strides = array<i32>} : memref<32x1024xf32, #tpu.memory_space<vmem>>, vector<1x16xf32>,
          %get3A_334 = vector.shape_cast %get3A_333 : vector<1x16xf32> to vector<16xf32>
          %mul3A_335 = arith.mulf %get3A_334, %gather3A_78 : vector<16xf32>
          %add3A_336 = arith.addf %mul3A_330, %mul3A_335 : vector<16xf32>
          %swap3A_337 = arith.index_cast %scan3A_36 : i32 to index
          %swap3A_338 = arith.index_cast %mul3A_325 : i32 to index
          %swap3A_339 = tpu.vector_load %arg14[%swap3A_337, %swap3A_338] {strides = array<i32>} : memref<32x1024xf32, #tpu.memory_space<vmem>>, vector<1x16xf32>,
          %swap3A_340 = vector.shape_cast %swap3A_339 : vector<1x16xf32> to vector<16xf32>
          %swap3A_341 = vector.shape_cast %add3A_336 : vector<16xf32> to vector<1x16xf32>
          tpu.vector_store %arg14[%swap3A_337, %swap3A_338], %swap3A_341 {strides = array<i32>} : memref<32x1024xf32, #tpu.memory_space<vmem>>, vector<1x16xf32>,
          %scan3A_342 = arith.constant 10 : i32
          %scan3A_343 = arith.addi %scan3A_144, %scan3A_342 : i32
          %mul3A_344 = arith.constant 16 : i32
          %mul3A_345 = arith.muli %scan3A_343, %mul3A_344 : i32
          %get3A_346 = arith.index_cast %scan3A_36 : i32 to index
          %get3A_347 = arith.index_cast %mul3A_345 : i32 to index
          %get3A_348 = tpu.vector_load %arg12[%get3A_346, %get3A_347] {strides = array<i32>} : memref<32x1024xf32, #tpu.memory_space<vmem>>, vector<1x16xf32>,
          %get3A_349 = vector.shape_cast %get3A_348 : vector<1x16xf32> to vector<16xf32>
          %mul3A_350 = arith.mulf %get3A_349, %gather3A_71 : vector<16xf32>
          %get3A_351 = arith.index_cast %scan3A_36 : i32 to index
          %get3A_352 = arith.index_cast %mul3A_345 : i32 to index
          %get3A_353 = tpu.vector_load %arg13[%get3A_351, %get3A_352] {strides = array<i32>} : memref<32x1024xf32, #tpu.memory_space<vmem>>, vector<1x16xf32>,
          %get3A_354 = vector.shape_cast %get3A_353 : vector<1x16xf32> to vector<16xf32>
          %mul3A_355 = arith.mulf %get3A_354, %gather3A_78 : vector<16xf32>
          %add3A_356 = arith.addf %mul3A_350, %mul3A_355 : vector<16xf32>
          %swap3A_357 = arith.index_cast %scan3A_36 : i32 to index
          %swap3A_358 = arith.index_cast %mul3A_345 : i32 to index
          %swap3A_359 = tpu.vector_load %arg14[%swap3A_357, %swap3A_358] {strides = array<i32>} : memref<32x1024xf32, #tpu.memory_space<vmem>>, vector<1x16xf32>,
          %swap3A_360 = vector.shape_cast %swap3A_359 : vector<1x16xf32> to vector<16xf32>
          %swap3A_361 = vector.shape_cast %add3A_356 : vector<16xf32> to vector<1x16xf32>
          tpu.vector_store %arg14[%swap3A_357, %swap3A_358], %swap3A_361 {strides = array<i32>} : memref<32x1024xf32, #tpu.memory_space<vmem>>, vector<1x16xf32>,
          %scan3A_362 = arith.constant 11 : i32
          %scan3A_363 = arith.addi %scan3A_144, %scan3A_362 : i32
          %mul3A_364 = arith.constant 16 : i32
          %mul3A_365 = arith.muli %scan3A_363, %mul3A_364 : i32
          %get3A_366 = arith.index_cast %scan3A_36 : i32 to index
          %get3A_367 = arith.index_cast %mul3A_365 : i32 to index
          %get3A_368 = tpu.vector_load %arg12[%get3A_366, %get3A_367] {strides = array<i32>} : memref<32x1024xf32, #tpu.memory_space<vmem>>, vector<1x16xf32>,
          %get3A_369 = vector.shape_cast %get3A_368 : vector<1x16xf32> to vector<16xf32>
          %mul3A_370 = arith.mulf %get3A_369, %gather3A_71 : vector<16xf32>
          %get3A_371 = arith.index_cast %scan3A_36 : i32 to index
          %get3A_372 = arith.index_cast %mul3A_365 : i32 to index
          %get3A_373 = tpu.vector_load %arg13[%get3A_371, %get3A_372] {strides = array<i32>} : memref<32x1024xf32, #tpu.memory_space<vmem>>, vector<1x16xf32>,
          %get3A_374 = vector.shape_cast %get3A_373 : vector<1x16xf32> to vector<16xf32>
          %mul3A_375 = arith.mulf %get3A_374, %gather3A_78 : vector<16xf32>
          %add3A_376 = arith.addf %mul3A_370, %mul3A_375 : vector<16xf32>
          %swap3A_377 = arith.index_cast %scan3A_36 : i32 to index
          %swap3A_378 = arith.index_cast %mul3A_365 : i32 to index
          %swap3A_379 = tpu.vector_load %arg14[%swap3A_377, %swap3A_378] {strides = array<i32>} : memref<32x1024xf32, #tpu.memory_space<vmem>>, vector<1x16xf32>,
          %swap3A_380 = vector.shape_cast %swap3A_379 : vector<1x16xf32> to vector<16xf32>
          %swap3A_381 = vector.shape_cast %add3A_376 : vector<16xf32> to vector<1x16xf32>
          tpu.vector_store %arg14[%swap3A_377, %swap3A_378], %swap3A_381 {strides = array<i32>} : memref<32x1024xf32, #tpu.memory_space<vmem>>, vector<1x16xf32>,
          %scan3A_382 = arith.constant 12 : i32
          %scan3A_383 = arith.addi %scan3A_144, %scan3A_382 : i32
          %mul3A_384 = arith.constant 16 : i32
          %mul3A_385 = arith.muli %scan3A_383, %mul3A_384 : i32
          %get3A_386 = arith.index_cast %scan3A_36 : i32 to index
          %get3A_387 = arith.index_cast %mul3A_385 : i32 to index
          %get3A_388 = tpu.vector_load %arg12[%get3A_386, %get3A_387] {strides = array<i32>} : memref<32x1024xf32, #tpu.memory_space<vmem>>, vector<1x16xf32>,
          %get3A_389 = vector.shape_cast %get3A_388 : vector<1x16xf32> to vector<16xf32>
          %mul3A_390 = arith.mulf %get3A_389, %gather3A_71 : vector<16xf32>
          %get3A_391 = arith.index_cast %scan3A_36 : i32 to index
          %get3A_392 = arith.index_cast %mul3A_385 : i32 to index
          %get3A_393 = tpu.vector_load %arg13[%get3A_391, %get3A_392] {strides = array<i32>} : memref<32x1024xf32, #tpu.memory_space<vmem>>, vector<1x16xf32>,
          %get3A_394 = vector.shape_cast %get3A_393 : vector<1x16xf32> to vector<16xf32>
          %mul3A_395 = arith.mulf %get3A_394, %gather3A_78 : vector<16xf32>
          %add3A_396 = arith.addf %mul3A_390, %mul3A_395 : vector<16xf32>
          %swap3A_397 = arith.index_cast %scan3A_36 : i32 to index
          %swap3A_398 = arith.index_cast %mul3A_385 : i32 to index
          %swap3A_399 = tpu.vector_load %arg14[%swap3A_397, %swap3A_398] {strides = array<i32>} : memref<32x1024xf32, #tpu.memory_space<vmem>>, vector<1x16xf32>,
          %swap3A_400 = vector.shape_cast %swap3A_399 : vector<1x16xf32> to vector<16xf32>
          %swap3A_401 = vector.shape_cast %add3A_396 : vector<16xf32> to vector<1x16xf32>
          tpu.vector_store %arg14[%swap3A_397, %swap3A_398], %swap3A_401 {strides = array<i32>} : memref<32x1024xf32, #tpu.memory_space<vmem>>, vector<1x16xf32>,
          %scan3A_402 = arith.constant 13 : i32
          %scan3A_403 = arith.addi %scan3A_144, %scan3A_402 : i32
          %mul3A_404 = arith.constant 16 : i32
          %mul3A_405 = arith.muli %scan3A_403, %mul3A_404 : i32
          %get3A_406 = arith.index_cast %scan3A_36 : i32 to index
          %get3A_407 = arith.index_cast %mul3A_405 : i32 to index
          %get3A_408 = tpu.vector_load %arg12[%get3A_406, %get3A_407] {strides = array<i32>} : memref<32x1024xf32, #tpu.memory_space<vmem>>, vector<1x16xf32>,
          %get3A_409 = vector.shape_cast %get3A_408 : vector<1x16xf32> to vector<16xf32>
          %mul3A_410 = arith.mulf %get3A_409, %gather3A_71 : vector<16xf32>
          %get3A_411 = arith.index_cast %scan3A_36 : i32 to index
          %get3A_412 = arith.index_cast %mul3A_405 : i32 to index
          %get3A_413 = tpu.vector_load %arg13[%get3A_411, %get3A_412] {strides = array<i32>} : memref<32x1024xf32, #tpu.memory_space<vmem>>, vector<1x16xf32>,
          %get3A_414 = vector.shape_cast %get3A_413 : vector<1x16xf32> to vector<16xf32>
          %mul3A_415 = arith.mulf %get3A_414, %gather3A_78 : vector<16xf32>
          %add3A_416 = arith.addf %mul3A_410, %mul3A_415 : vector<16xf32>
          %swap3A_417 = arith.index_cast %scan3A_36 : i32 to index
          %swap3A_418 = arith.index_cast %mul3A_405 : i32 to index
          %swap3A_419 = tpu.vector_load %arg14[%swap3A_417, %swap3A_418] {strides = array<i32>} : memref<32x1024xf32, #tpu.memory_space<vmem>>, vector<1x16xf32>,
          %swap3A_420 = vector.shape_cast %swap3A_419 : vector<1x16xf32> to vector<16xf32>
          %swap3A_421 = vector.shape_cast %add3A_416 : vector<16xf32> to vector<1x16xf32>
          tpu.vector_store %arg14[%swap3A_417, %swap3A_418], %swap3A_421 {strides = array<i32>} : memref<32x1024xf32, #tpu.memory_space<vmem>>, vector<1x16xf32>,
          %scan3A_422 = arith.constant 14 : i32
          %scan3A_423 = arith.addi %scan3A_144, %scan3A_422 : i32
          %mul3A_424 = arith.constant 16 : i32
          %mul3A_425 = arith.muli %scan3A_423, %mul3A_424 : i32
          %get3A_426 = arith.index_cast %scan3A_36 : i32 to index
          %get3A_427 = arith.index_cast %mul3A_425 : i32 to index
          %get3A_428 = tpu.vector_load %arg12[%get3A_426, %get3A_427] {strides = array<i32>} : memref<32x1024xf32, #tpu.memory_space<vmem>>, vector<1x16xf32>,
          %get3A_429 = vector.shape_cast %get3A_428 : vector<1x16xf32> to vector<16xf32>
          %mul3A_430 = arith.mulf %get3A_429, %gather3A_71 : vector<16xf32>
          %get3A_431 = arith.index_cast %scan3A_36 : i32 to index
          %get3A_432 = arith.index_cast %mul3A_425 : i32 to index
          %get3A_433 = tpu.vector_load %arg13[%get3A_431, %get3A_432] {strides = array<i32>} : memref<32x1024xf32, #tpu.memory_space<vmem>>, vector<1x16xf32>,
          %get3A_434 = vector.shape_cast %get3A_433 : vector<1x16xf32> to vector<16xf32>
          %mul3A_435 = arith.mulf %get3A_434, %gather3A_78 : vector<16xf32>
          %add3A_436 = arith.addf %mul3A_430, %mul3A_435 : vector<16xf32>
          %swap3A_437 = arith.index_cast %scan3A_36 : i32 to index
          %swap3A_438 = arith.index_cast %mul3A_425 : i32 to index
          %swap3A_439 = tpu.vector_load %arg14[%swap3A_437, %swap3A_438] {strides = array<i32>} : memref<32x1024xf32, #tpu.memory_space<vmem>>, vector<1x16xf32>,
          %swap3A_440 = vector.shape_cast %swap3A_439 : vector<1x16xf32> to vector<16xf32>
          %swap3A_441 = vector.shape_cast %add3A_436 : vector<16xf32> to vector<1x16xf32>
          tpu.vector_store %arg14[%swap3A_437, %swap3A_438], %swap3A_441 {strides = array<i32>} : memref<32x1024xf32, #tpu.memory_space<vmem>>, vector<1x16xf32>,
          %scan3A_442 = arith.constant 15 : i32
          %scan3A_443 = arith.addi %scan3A_144, %scan3A_442 : i32
          %mul3A_444 = arith.constant 16 : i32
          %mul3A_445 = arith.muli %scan3A_443, %mul3A_444 : i32
          %get3A_446 = arith.index_cast %scan3A_36 : i32 to index
          %get3A_447 = arith.index_cast %mul3A_445 : i32 to index
          %get3A_448 = tpu.vector_load %arg12[%get3A_446, %get3A_447] {strides = array<i32>} : memref<32x1024xf32, #tpu.memory_space<vmem>>, vector<1x16xf32>,
          %get3A_449 = vector.shape_cast %get3A_448 : vector<1x16xf32> to vector<16xf32>
          %mul3A_450 = arith.mulf %get3A_449, %gather3A_71 : vector<16xf32>
          %get3A_451 = arith.index_cast %scan3A_36 : i32 to index
          %get3A_452 = arith.index_cast %mul3A_445 : i32 to index
          %get3A_453 = tpu.vector_load %arg13[%get3A_451, %get3A_452] {strides = array<i32>} : memref<32x1024xf32, #tpu.memory_space<vmem>>, vector<1x16xf32>,
          %get3A_454 = vector.shape_cast %get3A_453 : vector<1x16xf32> to vector<16xf32>
          %mul3A_455 = arith.mulf %get3A_454, %gather3A_78 : vector<16xf32>
          %add3A_456 = arith.addf %mul3A_450, %mul3A_455 : vector<16xf32>
          %swap3A_457 = arith.index_cast %scan3A_36 : i32 to index
          %swap3A_458 = arith.index_cast %mul3A_445 : i32 to index
          %swap3A_459 = tpu.vector_load %arg14[%swap3A_457, %swap3A_458] {strides = array<i32>} : memref<32x1024xf32, #tpu.memory_space<vmem>>, vector<1x16xf32>,
          %swap3A_460 = vector.shape_cast %swap3A_459 : vector<1x16xf32> to vector<16xf32>
          %swap3A_461 = vector.shape_cast %add3A_456 : vector<16xf32> to vector<1x16xf32>
          tpu.vector_store %arg14[%swap3A_457, %swap3A_458], %swap3A_461 {strides = array<i32>} : memref<32x1024xf32, #tpu.memory_space<vmem>>, vector<1x16xf32>,
        }
        %scan3A_83 = arith.constant 64 : i32
        %scan3A_84 = arith.constant 1 : i32
        %scan3A_85 = arith.addi %scan3A_36, %scan3A_84 : i32
        %jit3A_86 = arith.constant 16 : i32
        %div3A_87 = arith.divsi %scan3A_85, %jit3A_86 : i32
        %sign3A_88 = arith.constant 0 : i32
        %sign3A_89 = arith.cmpi sgt, %scan3A_85, %sign3A_88 : i32
        %sign3A_90 = arith.extui %sign3A_89 : i1 to i32
        %sign3A_91 = arith.constant 0 : i32
        %sign3A_92 = arith.cmpi slt, %scan3A_85, %sign3A_91 : i32
        %sign3A_93 = arith.extui %sign3A_92 : i1 to i32
        %sign3A_94 = arith.subi %sign3A_90, %sign3A_93 : i32
        %sign3A_95 = arith.constant 0 : i32
        %sign3A_96 = arith.cmpi sgt, %jit3A_86, %sign3A_95 : i32
        %sign3A_97 = arith.extui %sign3A_96 : i1 to i32
        %sign3A_98 = arith.constant 0 : i32
        %sign3A_99 = arith.cmpi slt, %jit3A_86, %sign3A_98 : i32
        %sign3A_100 = arith.extui %sign3A_99 : i1 to i32
        %sign3A_101 = arith.subi %sign3A_97, %sign3A_100 : i32
        %ne3A_102 = arith.cmpi ne, %sign3A_94, %sign3A_101 : i32
        %rem3A_103 = arith.remsi %scan3A_85, %jit3A_86 : i32
        %ne3A_104 = arith.constant 0 : i32
        %ne3A_105 = arith.cmpi ne, %rem3A_103, %ne3A_104 : i32
        %and3A_106 = arith.andi %ne3A_102, %ne3A_105 : i1
        %sub3A_107 = arith.constant 1 : i32
        %sub3A_108 = arith.subi %div3A_87, %sub3A_107 : i32
        %select_n3A_109 = arith.select %and3A_106, %sub3A_108, %div3A_87 : i32
        %mul3A_110 = arith.constant 16 : i32
        %mul3A_111 = arith.muli %select_n3A_109, %mul3A_110 : i32
        %mul3A_112 = arith.constant 32 : i32
        %mul3A_113 = arith.muli %scan3A_8, %mul3A_112 : i32
        %add3A_114 = arith.addi %mul3A_113, %mul3A_111 : i32
        %get3A_115 = arith.index_cast %add3A_114 : i32 to index
        %get3A_116 = tpu.vector_load %arg10[%get3A_115] {strides = array<i32>} : memref<128xf32, #tpu.memory_space<vmem>>, vector<16xf32>,
        %get3A_117 = vector.shape_cast %get3A_116 : vector<16xf32> to vector<16xf32>
        %mul3A_118 = arith.constant 32 : i32
        %mul3A_119 = arith.muli %scan3A_8, %mul3A_118 : i32
        %add3A_120 = arith.addi %mul3A_119, %mul3A_111 : i32
        %get3A_121 = arith.index_cast %add3A_120 : i32 to index
        %get3A_122 = tpu.vector_load %arg11[%get3A_121] {strides = array<i32>} : memref<128xf32, #tpu.memory_space<vmem>>, vector<16xf32>,
        %get3A_123 = vector.shape_cast %get3A_122 : vector<16xf32> to vector<16xf32>
        %sub3A_124 = arith.subi %scan3A_85, %mul3A_111 : i32
        %broadcast_in_dim3A_125 = arith.constant 0 : i32
        %broadcast_in_dim3A_126 = vector.broadcast %broadcast_in_dim3A_125 : i32 to vector<16xi32>
        %add3A_127 = vector.broadcast %sub3A_124 : i32 to vector<16xi32>
        %add3A_128 = arith.addi %broadcast_in_dim3A_126, %add3A_127 : vector<16xi32>
        %broadcast_in_dim3A_129 = vector.shape_cast %add3A_128 : vector<16xi32> to vector<16x1xi32>
        %gather3A_130 = vector.shape_cast %broadcast_in_dim3A_129 : vector<16x1xi32> to vector<16xi32>
        %gather3A_131 = tpu.dynamic_gather %get3A_117[%gather3A_130] in [0] : vector<16xf32>, vector<16xi32> -> vector<16xf32>
        %broadcast_in_dim3A_132 = arith.constant 0 : i32
        %broadcast_in_dim3A_133 = vector.broadcast %broadcast_in_dim3A_132 : i32 to vector<16xi32>
        %add3A_134 = vector.broadcast %sub3A_124 : i32 to vector<16xi32>
        %add3A_135 = arith.addi %broadcast_in_dim3A_133, %add3A_134 : vector<16xi32>
        %broadcast_in_dim3A_136 = vector.shape_cast %add3A_135 : vector<16xi32> to vector<16x1xi32>
        %gather3A_137 = vector.shape_cast %broadcast_in_dim3A_136 : vector<16x1xi32> to vector<16xi32>
        %gather3A_138 = tpu.dynamic_gather %get3A_123[%gather3A_137] in [0] : vector<16xf32>, vector<16xi32> -> vector<16xf32>
        %scan3A_139 = arith.constant 0 : i32
        %scan3A_140 = arith.constant 64 : i32
        %scan3A_141 = arith.addi %scan3A_139, %scan3A_140 : i32
        %scan3A_142 = arith.constant 16 : i32
        scf.for %scan3A_144 = %scan3A_139 to %scan3A_141 step %scan3A_142  : i32 {
          %mul3A_145 = arith.constant 16 : i32
          %mul3A_146 = arith.muli %scan3A_144, %mul3A_145 : i32
          %get3A_147 = arith.index_cast %scan3A_85 : i32 to index
          %get3A_148 = arith.index_cast %mul3A_146 : i32 to index
          %get3A_149 = tpu.vector_load %arg12[%get3A_147, %get3A_148] {strides = array<i32>} : memref<32x1024xf32, #tpu.memory_space<vmem>>, vector<1x16xf32>,
          %get3A_150 = vector.shape_cast %get3A_149 : vector<1x16xf32> to vector<16xf32>
          %mul3A_151 = arith.mulf %get3A_150, %gather3A_131 : vector<16xf32>
          %get3A_152 = arith.index_cast %scan3A_85 : i32 to index
          %get3A_153 = arith.index_cast %mul3A_146 : i32 to index
          %get3A_154 = tpu.vector_load %arg13[%get3A_152, %get3A_153] {strides = array<i32>} : memref<32x1024xf32, #tpu.memory_space<vmem>>, vector<1x16xf32>,
          %get3A_155 = vector.shape_cast %get3A_154 : vector<1x16xf32> to vector<16xf32>
          %mul3A_156 = arith.mulf %get3A_155, %gather3A_138 : vector<16xf32>
          %add3A_157 = arith.addf %mul3A_151, %mul3A_156 : vector<16xf32>
          %swap3A = arith.index_cast %scan3A_85 : i32 to index
          %swap3A_158 = arith.index_cast %mul3A_146 : i32 to index
          %swap3A_159 = tpu.vector_load %arg14[%swap3A, %swap3A_158] {strides = array<i32>} : memref<32x1024xf32, #tpu.memory_space<vmem>>, vector<1x16xf32>,
          %swap3A_160 = vector.shape_cast %swap3A_159 : vector<1x16xf32> to vector<16xf32>
          %swap3A_161 = vector.shape_cast %add3A_157 : vector<16xf32> to vector<1x16xf32>
          tpu.vector_store %arg14[%swap3A, %swap3A_158], %swap3A_161 {strides = array<i32>} : memref<32x1024xf32, #tpu.memory_space<vmem>>, vector<1x16xf32>,
          %scan3A_162 = arith.constant 1 : i32
          %scan3A_163 = arith.addi %scan3A_144, %scan3A_162 : i32
          %mul3A_164 = arith.constant 16 : i32
          %mul3A_165 = arith.muli %scan3A_163, %mul3A_164 : i32
          %get3A_166 = arith.index_cast %scan3A_85 : i32 to index
          %get3A_167 = arith.index_cast %mul3A_165 : i32 to index
          %get3A_168 = tpu.vector_load %arg12[%get3A_166, %get3A_167] {strides = array<i32>} : memref<32x1024xf32, #tpu.memory_space<vmem>>, vector<1x16xf32>,
          %get3A_169 = vector.shape_cast %get3A_168 : vector<1x16xf32> to vector<16xf32>
          %mul3A_170 = arith.mulf %get3A_169, %gather3A_131 : vector<16xf32>
          %get3A_171 = arith.index_cast %scan3A_85 : i32 to index
          %get3A_172 = arith.index_cast %mul3A_165 : i32 to index
          %get3A_173 = tpu.vector_load %arg13[%get3A_171, %get3A_172] {strides = array<i32>} : memref<32x1024xf32, #tpu.memory_space<vmem>>, vector<1x16xf32>,
          %get3A_174 = vector.shape_cast %get3A_173 : vector<1x16xf32> to vector<16xf32>
          %mul3A_175 = arith.mulf %get3A_174, %gather3A_138 : vector<16xf32>
          %add3A_176 = arith.addf %mul3A_170, %mul3A_175 : vector<16xf32>
          %swap3A_177 = arith.index_cast %scan3A_85 : i32 to index
          %swap3A_178 = arith.index_cast %mul3A_165 : i32 to index
          %swap3A_179 = tpu.vector_load %arg14[%swap3A_177, %swap3A_178] {strides = array<i32>} : memref<32x1024xf32, #tpu.memory_space<vmem>>, vector<1x16xf32>,
          %swap3A_180 = vector.shape_cast %swap3A_179 : vector<1x16xf32> to vector<16xf32>
          %swap3A_181 = vector.shape_cast %add3A_176 : vector<16xf32> to vector<1x16xf32>
          tpu.vector_store %arg14[%swap3A_177, %swap3A_178], %swap3A_181 {strides = array<i32>} : memref<32x1024xf32, #tpu.memory_space<vmem>>, vector<1x16xf32>,
          %scan3A_182 = arith.constant 2 : i32
          %scan3A_183 = arith.addi %scan3A_144, %scan3A_182 : i32
          %mul3A_184 = arith.constant 16 : i32
          %mul3A_185 = arith.muli %scan3A_183, %mul3A_184 : i32
          %get3A_186 = arith.index_cast %scan3A_85 : i32 to index
          %get3A_187 = arith.index_cast %mul3A_185 : i32 to index
          %get3A_188 = tpu.vector_load %arg12[%get3A_186, %get3A_187] {strides = array<i32>} : memref<32x1024xf32, #tpu.memory_space<vmem>>, vector<1x16xf32>,
          %get3A_189 = vector.shape_cast %get3A_188 : vector<1x16xf32> to vector<16xf32>
          %mul3A_190 = arith.mulf %get3A_189, %gather3A_131 : vector<16xf32>
          %get3A_191 = arith.index_cast %scan3A_85 : i32 to index
          %get3A_192 = arith.index_cast %mul3A_185 : i32 to index
          %get3A_193 = tpu.vector_load %arg13[%get3A_191, %get3A_192] {strides = array<i32>} : memref<32x1024xf32, #tpu.memory_space<vmem>>, vector<1x16xf32>,
          %get3A_194 = vector.shape_cast %get3A_193 : vector<1x16xf32> to vector<16xf32>
          %mul3A_195 = arith.mulf %get3A_194, %gather3A_138 : vector<16xf32>
          %add3A_196 = arith.addf %mul3A_190, %mul3A_195 : vector<16xf32>
          %swap3A_197 = arith.index_cast %scan3A_85 : i32 to index
          %swap3A_198 = arith.index_cast %mul3A_185 : i32 to index
          %swap3A_199 = tpu.vector_load %arg14[%swap3A_197, %swap3A_198] {strides = array<i32>} : memref<32x1024xf32, #tpu.memory_space<vmem>>, vector<1x16xf32>,
          %swap3A_200 = vector.shape_cast %swap3A_199 : vector<1x16xf32> to vector<16xf32>
          %swap3A_201 = vector.shape_cast %add3A_196 : vector<16xf32> to vector<1x16xf32>
          tpu.vector_store %arg14[%swap3A_197, %swap3A_198], %swap3A_201 {strides = array<i32>} : memref<32x1024xf32, #tpu.memory_space<vmem>>, vector<1x16xf32>,
          %scan3A_202 = arith.constant 3 : i32
          %scan3A_203 = arith.addi %scan3A_144, %scan3A_202 : i32
          %mul3A_204 = arith.constant 16 : i32
          %mul3A_205 = arith.muli %scan3A_203, %mul3A_204 : i32
          %get3A_206 = arith.index_cast %scan3A_85 : i32 to index
          %get3A_207 = arith.index_cast %mul3A_205 : i32 to index
          %get3A_208 = tpu.vector_load %arg12[%get3A_206, %get3A_207] {strides = array<i32>} : memref<32x1024xf32, #tpu.memory_space<vmem>>, vector<1x16xf32>,
          %get3A_209 = vector.shape_cast %get3A_208 : vector<1x16xf32> to vector<16xf32>
          %mul3A_210 = arith.mulf %get3A_209, %gather3A_131 : vector<16xf32>
          %get3A_211 = arith.index_cast %scan3A_85 : i32 to index
          %get3A_212 = arith.index_cast %mul3A_205 : i32 to index
          %get3A_213 = tpu.vector_load %arg13[%get3A_211, %get3A_212] {strides = array<i32>} : memref<32x1024xf32, #tpu.memory_space<vmem>>, vector<1x16xf32>,
          %get3A_214 = vector.shape_cast %get3A_213 : vector<1x16xf32> to vector<16xf32>
          %mul3A_215 = arith.mulf %get3A_214, %gather3A_138 : vector<16xf32>
          %add3A_216 = arith.addf %mul3A_210, %mul3A_215 : vector<16xf32>
          %swap3A_217 = arith.index_cast %scan3A_85 : i32 to index
          %swap3A_218 = arith.index_cast %mul3A_205 : i32 to index
          %swap3A_219 = tpu.vector_load %arg14[%swap3A_217, %swap3A_218] {strides = array<i32>} : memref<32x1024xf32, #tpu.memory_space<vmem>>, vector<1x16xf32>,
          %swap3A_220 = vector.shape_cast %swap3A_219 : vector<1x16xf32> to vector<16xf32>
          %swap3A_221 = vector.shape_cast %add3A_216 : vector<16xf32> to vector<1x16xf32>
          tpu.vector_store %arg14[%swap3A_217, %swap3A_218], %swap3A_221 {strides = array<i32>} : memref<32x1024xf32, #tpu.memory_space<vmem>>, vector<1x16xf32>,
          %scan3A_222 = arith.constant 4 : i32
          %scan3A_223 = arith.addi %scan3A_144, %scan3A_222 : i32
          %mul3A_224 = arith.constant 16 : i32
          %mul3A_225 = arith.muli %scan3A_223, %mul3A_224 : i32
          %get3A_226 = arith.index_cast %scan3A_85 : i32 to index
          %get3A_227 = arith.index_cast %mul3A_225 : i32 to index
          %get3A_228 = tpu.vector_load %arg12[%get3A_226, %get3A_227] {strides = array<i32>} : memref<32x1024xf32, #tpu.memory_space<vmem>>, vector<1x16xf32>,
          %get3A_229 = vector.shape_cast %get3A_228 : vector<1x16xf32> to vector<16xf32>
          %mul3A_230 = arith.mulf %get3A_229, %gather3A_131 : vector<16xf32>
          %get3A_231 = arith.index_cast %scan3A_85 : i32 to index
          %get3A_232 = arith.index_cast %mul3A_225 : i32 to index
          %get3A_233 = tpu.vector_load %arg13[%get3A_231, %get3A_232] {strides = array<i32>} : memref<32x1024xf32, #tpu.memory_space<vmem>>, vector<1x16xf32>,
          %get3A_234 = vector.shape_cast %get3A_233 : vector<1x16xf32> to vector<16xf32>
          %mul3A_235 = arith.mulf %get3A_234, %gather3A_138 : vector<16xf32>
          %add3A_236 = arith.addf %mul3A_230, %mul3A_235 : vector<16xf32>
          %swap3A_237 = arith.index_cast %scan3A_85 : i32 to index
          %swap3A_238 = arith.index_cast %mul3A_225 : i32 to index
          %swap3A_239 = tpu.vector_load %arg14[%swap3A_237, %swap3A_238] {strides = array<i32>} : memref<32x1024xf32, #tpu.memory_space<vmem>>, vector<1x16xf32>,
          %swap3A_240 = vector.shape_cast %swap3A_239 : vector<1x16xf32> to vector<16xf32>
          %swap3A_241 = vector.shape_cast %add3A_236 : vector<16xf32> to vector<1x16xf32>
          tpu.vector_store %arg14[%swap3A_237, %swap3A_238], %swap3A_241 {strides = array<i32>} : memref<32x1024xf32, #tpu.memory_space<vmem>>, vector<1x16xf32>,
          %scan3A_242 = arith.constant 5 : i32
          %scan3A_243 = arith.addi %scan3A_144, %scan3A_242 : i32
          %mul3A_244 = arith.constant 16 : i32
          %mul3A_245 = arith.muli %scan3A_243, %mul3A_244 : i32
          %get3A_246 = arith.index_cast %scan3A_85 : i32 to index
          %get3A_247 = arith.index_cast %mul3A_245 : i32 to index
          %get3A_248 = tpu.vector_load %arg12[%get3A_246, %get3A_247] {strides = array<i32>} : memref<32x1024xf32, #tpu.memory_space<vmem>>, vector<1x16xf32>,
          %get3A_249 = vector.shape_cast %get3A_248 : vector<1x16xf32> to vector<16xf32>
          %mul3A_250 = arith.mulf %get3A_249, %gather3A_131 : vector<16xf32>
          %get3A_251 = arith.index_cast %scan3A_85 : i32 to index
          %get3A_252 = arith.index_cast %mul3A_245 : i32 to index
          %get3A_253 = tpu.vector_load %arg13[%get3A_251, %get3A_252] {strides = array<i32>} : memref<32x1024xf32, #tpu.memory_space<vmem>>, vector<1x16xf32>,
          %get3A_254 = vector.shape_cast %get3A_253 : vector<1x16xf32> to vector<16xf32>
          %mul3A_255 = arith.mulf %get3A_254, %gather3A_138 : vector<16xf32>
          %add3A_256 = arith.addf %mul3A_250, %mul3A_255 : vector<16xf32>
          %swap3A_257 = arith.index_cast %scan3A_85 : i32 to index
          %swap3A_258 = arith.index_cast %mul3A_245 : i32 to index
          %swap3A_259 = tpu.vector_load %arg14[%swap3A_257, %swap3A_258] {strides = array<i32>} : memref<32x1024xf32, #tpu.memory_space<vmem>>, vector<1x16xf32>,
          %swap3A_260 = vector.shape_cast %swap3A_259 : vector<1x16xf32> to vector<16xf32>
          %swap3A_261 = vector.shape_cast %add3A_256 : vector<16xf32> to vector<1x16xf32>
          tpu.vector_store %arg14[%swap3A_257, %swap3A_258], %swap3A_261 {strides = array<i32>} : memref<32x1024xf32, #tpu.memory_space<vmem>>, vector<1x16xf32>,
          %scan3A_262 = arith.constant 6 : i32
          %scan3A_263 = arith.addi %scan3A_144, %scan3A_262 : i32
          %mul3A_264 = arith.constant 16 : i32
          %mul3A_265 = arith.muli %scan3A_263, %mul3A_264 : i32
          %get3A_266 = arith.index_cast %scan3A_85 : i32 to index
          %get3A_267 = arith.index_cast %mul3A_265 : i32 to index
          %get3A_268 = tpu.vector_load %arg12[%get3A_266, %get3A_267] {strides = array<i32>} : memref<32x1024xf32, #tpu.memory_space<vmem>>, vector<1x16xf32>,
          %get3A_269 = vector.shape_cast %get3A_268 : vector<1x16xf32> to vector<16xf32>
          %mul3A_270 = arith.mulf %get3A_269, %gather3A_131 : vector<16xf32>
          %get3A_271 = arith.index_cast %scan3A_85 : i32 to index
          %get3A_272 = arith.index_cast %mul3A_265 : i32 to index
          %get3A_273 = tpu.vector_load %arg13[%get3A_271, %get3A_272] {strides = array<i32>} : memref<32x1024xf32, #tpu.memory_space<vmem>>, vector<1x16xf32>,
          %get3A_274 = vector.shape_cast %get3A_273 : vector<1x16xf32> to vector<16xf32>
          %mul3A_275 = arith.mulf %get3A_274, %gather3A_138 : vector<16xf32>
          %add3A_276 = arith.addf %mul3A_270, %mul3A_275 : vector<16xf32>
          %swap3A_277 = arith.index_cast %scan3A_85 : i32 to index
          %swap3A_278 = arith.index_cast %mul3A_265 : i32 to index
          %swap3A_279 = tpu.vector_load %arg14[%swap3A_277, %swap3A_278] {strides = array<i32>} : memref<32x1024xf32, #tpu.memory_space<vmem>>, vector<1x16xf32>,
          %swap3A_280 = vector.shape_cast %swap3A_279 : vector<1x16xf32> to vector<16xf32>
          %swap3A_281 = vector.shape_cast %add3A_276 : vector<16xf32> to vector<1x16xf32>
          tpu.vector_store %arg14[%swap3A_277, %swap3A_278], %swap3A_281 {strides = array<i32>} : memref<32x1024xf32, #tpu.memory_space<vmem>>, vector<1x16xf32>,
          %scan3A_282 = arith.constant 7 : i32
          %scan3A_283 = arith.addi %scan3A_144, %scan3A_282 : i32
          %mul3A_284 = arith.constant 16 : i32
          %mul3A_285 = arith.muli %scan3A_283, %mul3A_284 : i32
          %get3A_286 = arith.index_cast %scan3A_85 : i32 to index
          %get3A_287 = arith.index_cast %mul3A_285 : i32 to index
          %get3A_288 = tpu.vector_load %arg12[%get3A_286, %get3A_287] {strides = array<i32>} : memref<32x1024xf32, #tpu.memory_space<vmem>>, vector<1x16xf32>,
          %get3A_289 = vector.shape_cast %get3A_288 : vector<1x16xf32> to vector<16xf32>
          %mul3A_290 = arith.mulf %get3A_289, %gather3A_131 : vector<16xf32>
          %get3A_291 = arith.index_cast %scan3A_85 : i32 to index
          %get3A_292 = arith.index_cast %mul3A_285 : i32 to index
          %get3A_293 = tpu.vector_load %arg13[%get3A_291, %get3A_292] {strides = array<i32>} : memref<32x1024xf32, #tpu.memory_space<vmem>>, vector<1x16xf32>,
          %get3A_294 = vector.shape_cast %get3A_293 : vector<1x16xf32> to vector<16xf32>
          %mul3A_295 = arith.mulf %get3A_294, %gather3A_138 : vector<16xf32>
          %add3A_296 = arith.addf %mul3A_290, %mul3A_295 : vector<16xf32>
          %swap3A_297 = arith.index_cast %scan3A_85 : i32 to index
          %swap3A_298 = arith.index_cast %mul3A_285 : i32 to index
          %swap3A_299 = tpu.vector_load %arg14[%swap3A_297, %swap3A_298] {strides = array<i32>} : memref<32x1024xf32, #tpu.memory_space<vmem>>, vector<1x16xf32>,
          %swap3A_300 = vector.shape_cast %swap3A_299 : vector<1x16xf32> to vector<16xf32>
          %swap3A_301 = vector.shape_cast %add3A_296 : vector<16xf32> to vector<1x16xf32>
          tpu.vector_store %arg14[%swap3A_297, %swap3A_298], %swap3A_301 {strides = array<i32>} : memref<32x1024xf32, #tpu.memory_space<vmem>>, vector<1x16xf32>,
          %scan3A_302 = arith.constant 8 : i32
          %scan3A_303 = arith.addi %scan3A_144, %scan3A_302 : i32
          %mul3A_304 = arith.constant 16 : i32
          %mul3A_305 = arith.muli %scan3A_303, %mul3A_304 : i32
          %get3A_306 = arith.index_cast %scan3A_85 : i32 to index
          %get3A_307 = arith.index_cast %mul3A_305 : i32 to index
          %get3A_308 = tpu.vector_load %arg12[%get3A_306, %get3A_307] {strides = array<i32>} : memref<32x1024xf32, #tpu.memory_space<vmem>>, vector<1x16xf32>,
          %get3A_309 = vector.shape_cast %get3A_308 : vector<1x16xf32> to vector<16xf32>
          %mul3A_310 = arith.mulf %get3A_309, %gather3A_131 : vector<16xf32>
          %get3A_311 = arith.index_cast %scan3A_85 : i32 to index
          %get3A_312 = arith.index_cast %mul3A_305 : i32 to index
          %get3A_313 = tpu.vector_load %arg13[%get3A_311, %get3A_312] {strides = array<i32>} : memref<32x1024xf32, #tpu.memory_space<vmem>>, vector<1x16xf32>,
          %get3A_314 = vector.shape_cast %get3A_313 : vector<1x16xf32> to vector<16xf32>
          %mul3A_315 = arith.mulf %get3A_314, %gather3A_138 : vector<16xf32>
          %add3A_316 = arith.addf %mul3A_310, %mul3A_315 : vector<16xf32>
          %swap3A_317 = arith.index_cast %scan3A_85 : i32 to index
          %swap3A_318 = arith.index_cast %mul3A_305 : i32 to index
          %swap3A_319 = tpu.vector_load %arg14[%swap3A_317, %swap3A_318] {strides = array<i32>} : memref<32x1024xf32, #tpu.memory_space<vmem>>, vector<1x16xf32>,
          %swap3A_320 = vector.shape_cast %swap3A_319 : vector<1x16xf32> to vector<16xf32>
          %swap3A_321 = vector.shape_cast %add3A_316 : vector<16xf32> to vector<1x16xf32>
          tpu.vector_store %arg14[%swap3A_317, %swap3A_318], %swap3A_321 {strides = array<i32>} : memref<32x1024xf32, #tpu.memory_space<vmem>>, vector<1x16xf32>,
          %scan3A_322 = arith.constant 9 : i32
          %scan3A_323 = arith.addi %scan3A_144, %scan3A_322 : i32
          %mul3A_324 = arith.constant 16 : i32
          %mul3A_325 = arith.muli %scan3A_323, %mul3A_324 : i32
          %get3A_326 = arith.index_cast %scan3A_85 : i32 to index
          %get3A_327 = arith.index_cast %mul3A_325 : i32 to index
          %get3A_328 = tpu.vector_load %arg12[%get3A_326, %get3A_327] {strides = array<i32>} : memref<32x1024xf32, #tpu.memory_space<vmem>>, vector<1x16xf32>,
          %get3A_329 = vector.shape_cast %get3A_328 : vector<1x16xf32> to vector<16xf32>
          %mul3A_330 = arith.mulf %get3A_329, %gather3A_131 : vector<16xf32>
          %get3A_331 = arith.index_cast %scan3A_85 : i32 to index
          %get3A_332 = arith.index_cast %mul3A_325 : i32 to index
          %get3A_333 = tpu.vector_load %arg13[%get3A_331, %get3A_332] {strides = array<i32>} : memref<32x1024xf32, #tpu.memory_space<vmem>>, vector<1x16xf32>,
          %get3A_334 = vector.shape_cast %get3A_333 : vector<1x16xf32> to vector<16xf32>
          %mul3A_335 = arith.mulf %get3A_334, %gather3A_138 : vector<16xf32>
          %add3A_336 = arith.addf %mul3A_330, %mul3A_335 : vector<16xf32>
          %swap3A_337 = arith.index_cast %scan3A_85 : i32 to index
          %swap3A_338 = arith.index_cast %mul3A_325 : i32 to index
          %swap3A_339 = tpu.vector_load %arg14[%swap3A_337, %swap3A_338] {strides = array<i32>} : memref<32x1024xf32, #tpu.memory_space<vmem>>, vector<1x16xf32>,
          %swap3A_340 = vector.shape_cast %swap3A_339 : vector<1x16xf32> to vector<16xf32>
          %swap3A_341 = vector.shape_cast %add3A_336 : vector<16xf32> to vector<1x16xf32>
          tpu.vector_store %arg14[%swap3A_337, %swap3A_338], %swap3A_341 {strides = array<i32>} : memref<32x1024xf32, #tpu.memory_space<vmem>>, vector<1x16xf32>,
          %scan3A_342 = arith.constant 10 : i32
          %scan3A_343 = arith.addi %scan3A_144, %scan3A_342 : i32
          %mul3A_344 = arith.constant 16 : i32
          %mul3A_345 = arith.muli %scan3A_343, %mul3A_344 : i32
          %get3A_346 = arith.index_cast %scan3A_85 : i32 to index
          %get3A_347 = arith.index_cast %mul3A_345 : i32 to index
          %get3A_348 = tpu.vector_load %arg12[%get3A_346, %get3A_347] {strides = array<i32>} : memref<32x1024xf32, #tpu.memory_space<vmem>>, vector<1x16xf32>,
          %get3A_349 = vector.shape_cast %get3A_348 : vector<1x16xf32> to vector<16xf32>
          %mul3A_350 = arith.mulf %get3A_349, %gather3A_131 : vector<16xf32>
          %get3A_351 = arith.index_cast %scan3A_85 : i32 to index
          %get3A_352 = arith.index_cast %mul3A_345 : i32 to index
          %get3A_353 = tpu.vector_load %arg13[%get3A_351, %get3A_352] {strides = array<i32>} : memref<32x1024xf32, #tpu.memory_space<vmem>>, vector<1x16xf32>,
          %get3A_354 = vector.shape_cast %get3A_353 : vector<1x16xf32> to vector<16xf32>
          %mul3A_355 = arith.mulf %get3A_354, %gather3A_138 : vector<16xf32>
          %add3A_356 = arith.addf %mul3A_350, %mul3A_355 : vector<16xf32>
          %swap3A_357 = arith.index_cast %scan3A_85 : i32 to index
          %swap3A_358 = arith.index_cast %mul3A_345 : i32 to index
          %swap3A_359 = tpu.vector_load %arg14[%swap3A_357, %swap3A_358] {strides = array<i32>} : memref<32x1024xf32, #tpu.memory_space<vmem>>, vector<1x16xf32>,
          %swap3A_360 = vector.shape_cast %swap3A_359 : vector<1x16xf32> to vector<16xf32>
          %swap3A_361 = vector.shape_cast %add3A_356 : vector<16xf32> to vector<1x16xf32>
          tpu.vector_store %arg14[%swap3A_357, %swap3A_358], %swap3A_361 {strides = array<i32>} : memref<32x1024xf32, #tpu.memory_space<vmem>>, vector<1x16xf32>,
          %scan3A_362 = arith.constant 11 : i32
          %scan3A_363 = arith.addi %scan3A_144, %scan3A_362 : i32
          %mul3A_364 = arith.constant 16 : i32
          %mul3A_365 = arith.muli %scan3A_363, %mul3A_364 : i32
          %get3A_366 = arith.index_cast %scan3A_85 : i32 to index
          %get3A_367 = arith.index_cast %mul3A_365 : i32 to index
          %get3A_368 = tpu.vector_load %arg12[%get3A_366, %get3A_367] {strides = array<i32>} : memref<32x1024xf32, #tpu.memory_space<vmem>>, vector<1x16xf32>,
          %get3A_369 = vector.shape_cast %get3A_368 : vector<1x16xf32> to vector<16xf32>
          %mul3A_370 = arith.mulf %get3A_369, %gather3A_131 : vector<16xf32>
          %get3A_371 = arith.index_cast %scan3A_85 : i32 to index
          %get3A_372 = arith.index_cast %mul3A_365 : i32 to index
          %get3A_373 = tpu.vector_load %arg13[%get3A_371, %get3A_372] {strides = array<i32>} : memref<32x1024xf32, #tpu.memory_space<vmem>>, vector<1x16xf32>,
          %get3A_374 = vector.shape_cast %get3A_373 : vector<1x16xf32> to vector<16xf32>
          %mul3A_375 = arith.mulf %get3A_374, %gather3A_138 : vector<16xf32>
          %add3A_376 = arith.addf %mul3A_370, %mul3A_375 : vector<16xf32>
          %swap3A_377 = arith.index_cast %scan3A_85 : i32 to index
          %swap3A_378 = arith.index_cast %mul3A_365 : i32 to index
          %swap3A_379 = tpu.vector_load %arg14[%swap3A_377, %swap3A_378] {strides = array<i32>} : memref<32x1024xf32, #tpu.memory_space<vmem>>, vector<1x16xf32>,
          %swap3A_380 = vector.shape_cast %swap3A_379 : vector<1x16xf32> to vector<16xf32>
          %swap3A_381 = vector.shape_cast %add3A_376 : vector<16xf32> to vector<1x16xf32>
          tpu.vector_store %arg14[%swap3A_377, %swap3A_378], %swap3A_381 {strides = array<i32>} : memref<32x1024xf32, #tpu.memory_space<vmem>>, vector<1x16xf32>,
          %scan3A_382 = arith.constant 12 : i32
          %scan3A_383 = arith.addi %scan3A_144, %scan3A_382 : i32
          %mul3A_384 = arith.constant 16 : i32
          %mul3A_385 = arith.muli %scan3A_383, %mul3A_384 : i32
          %get3A_386 = arith.index_cast %scan3A_85 : i32 to index
          %get3A_387 = arith.index_cast %mul3A_385 : i32 to index
          %get3A_388 = tpu.vector_load %arg12[%get3A_386, %get3A_387] {strides = array<i32>} : memref<32x1024xf32, #tpu.memory_space<vmem>>, vector<1x16xf32>,
          %get3A_389 = vector.shape_cast %get3A_388 : vector<1x16xf32> to vector<16xf32>
          %mul3A_390 = arith.mulf %get3A_389, %gather3A_131 : vector<16xf32>
          %get3A_391 = arith.index_cast %scan3A_85 : i32 to index
          %get3A_392 = arith.index_cast %mul3A_385 : i32 to index
          %get3A_393 = tpu.vector_load %arg13[%get3A_391, %get3A_392] {strides = array<i32>} : memref<32x1024xf32, #tpu.memory_space<vmem>>, vector<1x16xf32>,
          %get3A_394 = vector.shape_cast %get3A_393 : vector<1x16xf32> to vector<16xf32>
          %mul3A_395 = arith.mulf %get3A_394, %gather3A_138 : vector<16xf32>
          %add3A_396 = arith.addf %mul3A_390, %mul3A_395 : vector<16xf32>
          %swap3A_397 = arith.index_cast %scan3A_85 : i32 to index
          %swap3A_398 = arith.index_cast %mul3A_385 : i32 to index
          %swap3A_399 = tpu.vector_load %arg14[%swap3A_397, %swap3A_398] {strides = array<i32>} : memref<32x1024xf32, #tpu.memory_space<vmem>>, vector<1x16xf32>,
          %swap3A_400 = vector.shape_cast %swap3A_399 : vector<1x16xf32> to vector<16xf32>
          %swap3A_401 = vector.shape_cast %add3A_396 : vector<16xf32> to vector<1x16xf32>
          tpu.vector_store %arg14[%swap3A_397, %swap3A_398], %swap3A_401 {strides = array<i32>} : memref<32x1024xf32, #tpu.memory_space<vmem>>, vector<1x16xf32>,
          %scan3A_402 = arith.constant 13 : i32
          %scan3A_403 = arith.addi %scan3A_144, %scan3A_402 : i32
          %mul3A_404 = arith.constant 16 : i32
          %mul3A_405 = arith.muli %scan3A_403, %mul3A_404 : i32
          %get3A_406 = arith.index_cast %scan3A_85 : i32 to index
          %get3A_407 = arith.index_cast %mul3A_405 : i32 to index
          %get3A_408 = tpu.vector_load %arg12[%get3A_406, %get3A_407] {strides = array<i32>} : memref<32x1024xf32, #tpu.memory_space<vmem>>, vector<1x16xf32>,
          %get3A_409 = vector.shape_cast %get3A_408 : vector<1x16xf32> to vector<16xf32>
          %mul3A_410 = arith.mulf %get3A_409, %gather3A_131 : vector<16xf32>
          %get3A_411 = arith.index_cast %scan3A_85 : i32 to index
          %get3A_412 = arith.index_cast %mul3A_405 : i32 to index
          %get3A_413 = tpu.vector_load %arg13[%get3A_411, %get3A_412] {strides = array<i32>} : memref<32x1024xf32, #tpu.memory_space<vmem>>, vector<1x16xf32>,
          %get3A_414 = vector.shape_cast %get3A_413 : vector<1x16xf32> to vector<16xf32>
          %mul3A_415 = arith.mulf %get3A_414, %gather3A_138 : vector<16xf32>
          %add3A_416 = arith.addf %mul3A_410, %mul3A_415 : vector<16xf32>
          %swap3A_417 = arith.index_cast %scan3A_85 : i32 to index
          %swap3A_418 = arith.index_cast %mul3A_405 : i32 to index
          %swap3A_419 = tpu.vector_load %arg14[%swap3A_417, %swap3A_418] {strides = array<i32>} : memref<32x1024xf32, #tpu.memory_space<vmem>>, vector<1x16xf32>,
          %swap3A_420 = vector.shape_cast %swap3A_419 : vector<1x16xf32> to vector<16xf32>
          %swap3A_421 = vector.shape_cast %add3A_416 : vector<16xf32> to vector<1x16xf32>
          tpu.vector_store %arg14[%swap3A_417, %swap3A_418], %swap3A_421 {strides = array<i32>} : memref<32x1024xf32, #tpu.memory_space<vmem>>, vector<1x16xf32>,
          %scan3A_422 = arith.constant 14 : i32
          %scan3A_423 = arith.addi %scan3A_144, %scan3A_422 : i32
          %mul3A_424 = arith.constant 16 : i32
          %mul3A_425 = arith.muli %scan3A_423, %mul3A_424 : i32
          %get3A_426 = arith.index_cast %scan3A_85 : i32 to index
          %get3A_427 = arith.index_cast %mul3A_425 : i32 to index
          %get3A_428 = tpu.vector_load %arg12[%get3A_426, %get3A_427] {strides = array<i32>} : memref<32x1024xf32, #tpu.memory_space<vmem>>, vector<1x16xf32>,
          %get3A_429 = vector.shape_cast %get3A_428 : vector<1x16xf32> to vector<16xf32>
          %mul3A_430 = arith.mulf %get3A_429, %gather3A_131 : vector<16xf32>
          %get3A_431 = arith.index_cast %scan3A_85 : i32 to index
          %get3A_432 = arith.index_cast %mul3A_425 : i32 to index
          %get3A_433 = tpu.vector_load %arg13[%get3A_431, %get3A_432] {strides = array<i32>} : memref<32x1024xf32, #tpu.memory_space<vmem>>, vector<1x16xf32>,
          %get3A_434 = vector.shape_cast %get3A_433 : vector<1x16xf32> to vector<16xf32>
          %mul3A_435 = arith.mulf %get3A_434, %gather3A_138 : vector<16xf32>
          %add3A_436 = arith.addf %mul3A_430, %mul3A_435 : vector<16xf32>
          %swap3A_437 = arith.index_cast %scan3A_85 : i32 to index
          %swap3A_438 = arith.index_cast %mul3A_425 : i32 to index
          %swap3A_439 = tpu.vector_load %arg14[%swap3A_437, %swap3A_438] {strides = array<i32>} : memref<32x1024xf32, #tpu.memory_space<vmem>>, vector<1x16xf32>,
          %swap3A_440 = vector.shape_cast %swap3A_439 : vector<1x16xf32> to vector<16xf32>
          %swap3A_441 = vector.shape_cast %add3A_436 : vector<16xf32> to vector<1x16xf32>
          tpu.vector_store %arg14[%swap3A_437, %swap3A_438], %swap3A_441 {strides = array<i32>} : memref<32x1024xf32, #tpu.memory_space<vmem>>, vector<1x16xf32>,
          %scan3A_442 = arith.constant 15 : i32
          %scan3A_443 = arith.addi %scan3A_144, %scan3A_442 : i32
          %mul3A_444 = arith.constant 16 : i32
          %mul3A_445 = arith.muli %scan3A_443, %mul3A_444 : i32
          %get3A_446 = arith.index_cast %scan3A_85 : i32 to index
          %get3A_447 = arith.index_cast %mul3A_445 : i32 to index
          %get3A_448 = tpu.vector_load %arg12[%get3A_446, %get3A_447] {strides = array<i32>} : memref<32x1024xf32, #tpu.memory_space<vmem>>, vector<1x16xf32>,
          %get3A_449 = vector.shape_cast %get3A_448 : vector<1x16xf32> to vector<16xf32>
          %mul3A_450 = arith.mulf %get3A_449, %gather3A_131 : vector<16xf32>
          %get3A_451 = arith.index_cast %scan3A_85 : i32 to index
          %get3A_452 = arith.index_cast %mul3A_445 : i32 to index
          %get3A_453 = tpu.vector_load %arg13[%get3A_451, %get3A_452] {strides = array<i32>} : memref<32x1024xf32, #tpu.memory_space<vmem>>, vector<1x16xf32>,
          %get3A_454 = vector.shape_cast %get3A_453 : vector<1x16xf32> to vector<16xf32>
          %mul3A_455 = arith.mulf %get3A_454, %gather3A_138 : vector<16xf32>
          %add3A_456 = arith.addf %mul3A_450, %mul3A_455 : vector<16xf32>
          %swap3A_457 = arith.index_cast %scan3A_85 : i32 to index
          %swap3A_458 = arith.index_cast %mul3A_445 : i32 to index
          %swap3A_459 = tpu.vector_load %arg14[%swap3A_457, %swap3A_458] {strides = array<i32>} : memref<32x1024xf32, #tpu.memory_space<vmem>>, vector<1x16xf32>,
          %swap3A_460 = vector.shape_cast %swap3A_459 : vector<1x16xf32> to vector<16xf32>
          %swap3A_461 = vector.shape_cast %add3A_456 : vector<16xf32> to vector<1x16xf32>
          tpu.vector_store %arg14[%swap3A_457, %swap3A_458], %swap3A_461 {strides = array<i32>} : memref<32x1024xf32, #tpu.memory_space<vmem>>, vector<1x16xf32>,
        }
        %scan3A_143 = arith.constant 64 : i32
      }
      %scan3A_32 = arith.constant 32 : i32
      %mul3A_33 = arith.constant 32 : i32
      %mul3A_34 = arith.muli %scan3A_8, %mul3A_33 : i32
      %add3A_35 = arith.addi %mul3A_2, %mul3A_34 : i32
      "tpu.region"() ({
        %run_scoped3A = tpu.sem_alloc : memref<!tpu.dma_semaphore, #tpu.memory_space<semaphore_mem>>
        %dma_start3A_36 = arith.constant 0 : i32
        %dma_start3A_37 = tpu.memref_slice %arg7[%add3A_35, %dma_start3A_36] : memref<4096x1024xf32, #tpu.memory_space<hbm>> -> memref<32x1024xf32, #tpu.memory_space<hbm>>
        %dma_start3A_38 = arith.constant 0 : i32
        %dma_start3A_39 = tpu.memref_slice %arg7[%add3A_35, %dma_start3A_38] : memref<4096x1024xf32, #tpu.memory_space<hbm>> -> memref<32x1024xf32, #tpu.memory_space<hbm>>
        tpu.enqueue_dma source(%arg14 : memref<32x1024xf32, #tpu.memory_space<vmem>>) target(%dma_start3A_39 : memref<32x1024xf32, #tpu.memory_space<hbm>>) target_semaphore(%run_scoped3A : memref<!tpu.dma_semaphore, #tpu.memory_space<semaphore_mem>>)
        %dma_wait3A_40 = arith.constant 0 : i32
        %dma_wait3A_41 = tpu.memref_slice %arg7[%add3A_35, %dma_wait3A_40] : memref<4096x1024xf32, #tpu.memory_space<hbm>> -> memref<32x1024xf32, #tpu.memory_space<hbm>>
        %dma_wait3A_42 = arith.constant 0 : i32
        %dma_wait3A_43 = tpu.memref_slice %arg7[%add3A_35, %dma_wait3A_42] : memref<4096x1024xf32, #tpu.memory_space<hbm>> -> memref<32x1024xf32, #tpu.memory_space<hbm>>
        tpu.wait_dma2 semaphore(%run_scoped3A : memref<!tpu.dma_semaphore, #tpu.memory_space<semaphore_mem>>) src(%arg14 : memref<32x1024xf32, #tpu.memory_space<vmem>>) dst(%dma_wait3A_43 : memref<32x1024xf32, #tpu.memory_space<hbm>>)
        tpu.yield
      }) : () -> ()
    }
    %scan3A_7 = arith.constant 4 : i32
    return
  }
}

module attributes {stable_mosaic.version = 14 : i64} {
  func.func @body(%arg0: i32, %arg1: memref<512x1024xf32, #tpu.memory_space<vmem>>, %arg2: memref<1024x128xf32, #tpu.memory_space<vmem>>, %arg3: memref<512x128xi32, #tpu.memory_space<vmem>>, %arg4: memref<512x128xf32, #tpu.memory_space<vmem>>) attributes {dimension_semantics = [#tpu.dimension_semantics<arbitrary>], iteration_bounds = array<i64: 8>, scalar_prefetch = 0 : i64, scratch_operands = 0 : i64, tpu.core_type = #tpu.core_type<tc>, window_params = [{transform_indices = @transform_0, window_bounds = array<i64: 512, 1024>}, {pipeline_mode = #tpu.pipeline_mode<synchronous>, transform_indices = @transform_1, window_bounds = array<i64: 1024, 128>}, {transform_indices = @transform_2, window_bounds = array<i64: 512, 128>}, {transform_indices = @transform_3, window_bounds = array<i64: 512, 128>}]} {
    %get3A = arith.constant 0 : index
    %get3A_0 = arith.constant 0 : index
    %get3A_1 = vector.load %arg1[%get3A, %get3A_0] : memref<512x1024xf32, #tpu.memory_space<vmem>>, vector<512x1024xf32>
    %get3A_2 = arith.constant 0 : index
    %get3A_3 = arith.constant 0 : index
    %get3A_4 = vector.load %arg2[%get3A_2, %get3A_3] : memref<1024x128xf32, #tpu.memory_space<vmem>>, vector<1024x128xf32>
    %dot_general3A = arith.constant dense<0.000000e+00> : vector<512x128xf32>
    %dot_general3A_5 = tpu.matmul %get3A_1, %get3A_4, %dot_general3A {dimension_numbers = #tpu.dot_dimension_numbers<[1], [0], [0], [1], [0, 0, 1, 1], [], []>, transpose_lhs_hint = false} : vector<512x1024xf32>, vector<1024x128xf32>, vector<512x128xf32> -> vector<512x128xf32>
    %iota3A = tpu.iota {dimensions = array<i32: 1>} : vector<512x128xi32>
    %lt3A = arith.constant 8 : i32
    %lt3A_6 = vector.broadcast %lt3A : i32 to vector<512x128xi32>
    %lt3A_7 = arith.cmpi slt, %iota3A, %lt3A_6 : vector<512x128xi32>
    %jit3A = arith.constant -1.000000e+30 : f32
    %broadcast_in_dim3A = vector.broadcast %jit3A : f32 to vector<512x128xf32>
    %select_n3A = arith.select %lt3A_7, %dot_general3A_5, %broadcast_in_dim3A : vector<512x128xi1>, vector<512x128xf32>
    %reduce_max3A = arith.constant dense<0xFF800000> : vector<512xf32>
    %reduce_max3A_8 = vector.multi_reduction <maximumf>, %select_n3A, %reduce_max3A [1] : vector<512x128xf32> to vector<512xf32>
    %broadcast_in_dim3A_9 = vector.shape_cast %reduce_max3A_8 : vector<512xf32> to vector<512x1xf32>
    %eq3A = vector.broadcast %broadcast_in_dim3A_9 : vector<512x1xf32> to vector<512x128xf32>
    %eq3A_10 = arith.cmpf oeq, %select_n3A, %eq3A : vector<512x128xf32>
    %jit3A_11 = arith.constant 128 : i32
    %broadcast_in_dim3A_12 = vector.broadcast %jit3A_11 : i32 to vector<512x128xi32>
    %select_n3A_13 = arith.select %eq3A_10, %iota3A, %broadcast_in_dim3A_12 : vector<512x128xi1>, vector<512x128xi32>
    %reduce_min3A = arith.constant dense<2147483647> : vector<512xi32>
    %reduce_min3A_14 = vector.multi_reduction <minsi>, %select_n3A_13, %reduce_min3A [1] : vector<512x128xi32> to vector<512xi32>
    %broadcast_in_dim3A_15 = vector.shape_cast %reduce_min3A_14 : vector<512xi32> to vector<512x1xi32>
    %eq3A_16 = vector.broadcast %broadcast_in_dim3A_15 : vector<512x1xi32> to vector<512x128xi32>
    %eq3A_17 = arith.cmpi eq, %iota3A, %eq3A_16 : vector<512x128xi32>
    %jit3A_18 = arith.constant -1.000000e+30 : f32
    %broadcast_in_dim3A_19 = vector.broadcast %jit3A_18 : f32 to vector<512x128xf32>
    %select_n3A_20 = arith.select %eq3A_17, %broadcast_in_dim3A_19, %select_n3A : vector<512x128xi1>, vector<512x128xf32>
    %reduce_max3A_21 = arith.constant dense<0xFF800000> : vector<512xf32>
    %reduce_max3A_22 = vector.multi_reduction <maximumf>, %select_n3A_20, %reduce_max3A_21 [1] : vector<512x128xf32> to vector<512xf32>
    %broadcast_in_dim3A_23 = vector.shape_cast %reduce_max3A_22 : vector<512xf32> to vector<512x1xf32>
    %eq3A_24 = vector.broadcast %broadcast_in_dim3A_23 : vector<512x1xf32> to vector<512x128xf32>
    %eq3A_25 = arith.cmpf oeq, %select_n3A_20, %eq3A_24 : vector<512x128xf32>
    %jit3A_26 = arith.constant 128 : i32
    %broadcast_in_dim3A_27 = vector.broadcast %jit3A_26 : i32 to vector<512x128xi32>
    %select_n3A_28 = arith.select %eq3A_25, %iota3A, %broadcast_in_dim3A_27 : vector<512x128xi1>, vector<512x128xi32>
    %reduce_min3A_29 = arith.constant dense<2147483647> : vector<512xi32>
    %reduce_min3A_30 = vector.multi_reduction <minsi>, %select_n3A_28, %reduce_min3A_29 [1] : vector<512x128xi32> to vector<512xi32>
    %broadcast_in_dim3A_31 = vector.shape_cast %reduce_min3A_30 : vector<512xi32> to vector<512x1xi32>
    %sub3A = vector.broadcast %broadcast_in_dim3A_9 : vector<512x1xf32> to vector<512x128xf32>
    %sub3A_32 = arith.subf %select_n3A, %sub3A : vector<512x128xf32>
    %exp3A = math.exp %sub3A_32 : vector<512x128xf32>
    %reduce_sum3A = arith.constant dense<0.000000e+00> : vector<512xf32>
    %reduce_sum3A_33 = vector.multi_reduction <add>, %exp3A, %reduce_sum3A [1] : vector<512x128xf32> to vector<512xf32>
    %broadcast_in_dim3A_34 = vector.shape_cast %reduce_sum3A_33 : vector<512xf32> to vector<512x1xf32>
    %div3A = arith.constant 1.000000e+00 : f32
    %div3A_35 = vector.broadcast %div3A : f32 to vector<512x1xf32>
    %div3A_36 = arith.divf %div3A_35, %broadcast_in_dim3A_34 : vector<512x1xf32>
    %sub3A_37 = arith.subf %broadcast_in_dim3A_23, %broadcast_in_dim3A_9 : vector<512x1xf32>
    %exp3A_38 = math.exp %sub3A_37 : vector<512x1xf32>
    %div3A_39 = arith.divf %exp3A_38, %broadcast_in_dim3A_34 : vector<512x1xf32>
    %eq3A_40 = arith.constant 0 : i32
    %eq3A_41 = vector.broadcast %eq3A_40 : i32 to vector<512x128xi32>
    %eq3A_42 = arith.cmpi eq, %iota3A, %eq3A_41 : vector<512x128xi32>
    %eq3A_43 = arith.constant 1 : i32
    %eq3A_44 = vector.broadcast %eq3A_43 : i32 to vector<512x128xi32>
    %eq3A_45 = arith.cmpi eq, %iota3A, %eq3A_44 : vector<512x128xi32>
    %jit3A_46 = arith.constant 0 : i32
    %broadcast_in_dim3A_47 = vector.shape_cast %broadcast_in_dim3A_31 : vector<512x1xi32> to vector<512x1xi32>
    %broadcast_in_dim3A_48 = vector.broadcast %broadcast_in_dim3A_47 : vector<512x1xi32> to vector<512x128xi32>
    %broadcast_in_dim3A_49 = vector.broadcast %jit3A_46 : i32 to vector<512x128xi32>
    %select_n3A_50 = arith.select %eq3A_45, %broadcast_in_dim3A_48, %broadcast_in_dim3A_49 : vector<512x128xi1>, vector<512x128xi32>
    %broadcast_in_dim3A_51 = vector.shape_cast %broadcast_in_dim3A_15 : vector<512x1xi32> to vector<512x1xi32>
    %broadcast_in_dim3A_52 = vector.broadcast %broadcast_in_dim3A_51 : vector<512x1xi32> to vector<512x128xi32>
    %select_n3A_53 = arith.select %eq3A_42, %broadcast_in_dim3A_52, %select_n3A_50 : vector<512x128xi1>, vector<512x128xi32>
    %swap3A = arith.constant 0 : index
    %swap3A_54 = arith.constant 0 : index
    %swap3A_55 = vector.load %arg3[%swap3A, %swap3A_54] : memref<512x128xi32, #tpu.memory_space<vmem>>, vector<512x128xi32>
    tpu.vector_store %arg3[%swap3A, %swap3A_54], %select_n3A_53 {strides = array<i32>} : memref<512x128xi32, #tpu.memory_space<vmem>>, vector<512x128xi32>,
    %eq3A_56 = arith.constant 0 : i32
    %eq3A_57 = vector.broadcast %eq3A_56 : i32 to vector<512x128xi32>
    %eq3A_58 = arith.cmpi eq, %iota3A, %eq3A_57 : vector<512x128xi32>
    %eq3A_59 = arith.constant 1 : i32
    %eq3A_60 = vector.broadcast %eq3A_59 : i32 to vector<512x128xi32>
    %eq3A_61 = arith.cmpi eq, %iota3A, %eq3A_60 : vector<512x128xi32>
    %jit3A_62 = arith.constant 0.000000e+00 : f32
    %broadcast_in_dim3A_63 = vector.shape_cast %div3A_39 : vector<512x1xf32> to vector<512x1xf32>
    %broadcast_in_dim3A_64 = vector.broadcast %broadcast_in_dim3A_63 : vector<512x1xf32> to vector<512x128xf32>
    %broadcast_in_dim3A_65 = vector.broadcast %jit3A_62 : f32 to vector<512x128xf32>
    %select_n3A_66 = arith.select %eq3A_61, %broadcast_in_dim3A_64, %broadcast_in_dim3A_65 : vector<512x128xi1>, vector<512x128xf32>
    %broadcast_in_dim3A_67 = vector.shape_cast %div3A_36 : vector<512x1xf32> to vector<512x1xf32>
    %broadcast_in_dim3A_68 = vector.broadcast %broadcast_in_dim3A_67 : vector<512x1xf32> to vector<512x128xf32>
    %select_n3A_69 = arith.select %eq3A_58, %broadcast_in_dim3A_68, %select_n3A_66 : vector<512x128xi1>, vector<512x128xf32>
    %swap3A_70 = arith.constant 0 : index
    %swap3A_71 = arith.constant 0 : index
    %swap3A_72 = vector.load %arg4[%swap3A_70, %swap3A_71] : memref<512x128xf32, #tpu.memory_space<vmem>>, vector<512x128xf32>
    tpu.vector_store %arg4[%swap3A_70, %swap3A_71], %select_n3A_69 {strides = array<i32>} : memref<512x128xf32, #tpu.memory_space<vmem>>, vector<512x128xf32>,
    return
  }
  func.func @transform_0(%arg0: i32) -> (i32, i32) {
    %c0_i32 = arith.constant 0 : i32
    %c0_i32_0 = arith.constant 0 : i32
    return %arg0, %c0_i32 : i32, i32
  }
  func.func @transform_1(%arg0: i32) -> (i32, i32) {
    %c0_i32 = arith.constant 0 : i32
    %c0_i32_0 = arith.constant 0 : i32
    %c0_i32_1 = arith.constant 0 : i32
    return %c0_i32, %c0_i32_0 : i32, i32
  }
  func.func @transform_2(%arg0: i32) -> (i32, i32) {
    %c0_i32 = arith.constant 0 : i32
    %c0_i32_0 = arith.constant 0 : i32
    return %arg0, %c0_i32 : i32, i32
  }
  func.func @transform_3(%arg0: i32) -> (i32, i32) {
    %c0_i32 = arith.constant 0 : i32
    %c0_i32_0 = arith.constant 0 : i32
    return %arg0, %c0_i32 : i32, i32
  }
}

module attributes {stable_mosaic.version = 14 : i64} {
  func.func @body(%arg0: i32, %arg1: i32, %arg2: memref<1024x1024xf32, #tpu.memory_space<vmem>>, %arg3: memref<1x1024x512xf32, #tpu.memory_space<vmem>>, %arg4: memref<1x512x1024xf32, #tpu.memory_space<vmem>>, %arg5: memref<1024x1024xf32, #tpu.memory_space<vmem>>) attributes {dimension_semantics = [#tpu.dimension_semantics<arbitrary>, #tpu.dimension_semantics<arbitrary>], iteration_bounds = array<i64: 9, 8>, scalar_prefetch = 0 : i64, scratch_operands = 0 : i64, tpu.core_type = #tpu.core_type<tc>, window_params = [{transform_indices = @transform_0, window_bounds = array<i64: 1024, 1024>}, {transform_indices = @transform_1, window_bounds = array<i64: 1, 1024, 512>}, {transform_indices = @transform_2, window_bounds = array<i64: 1, 512, 1024>}, {transform_indices = @transform_3, window_bounds = array<i64: 1024, 1024>}]} {
    %eq3A = arith.constant 0 : i32
    %eq3A_0 = arith.cmpi eq, %arg1, %eq3A : i32
    %convert_element_type3A = arith.extui %eq3A_0 : i1 to i32
    %cond3A = arith.constant 0 : i32
    %cond3A_1 = arith.cmpi ne, %convert_element_type3A, %cond3A : i32
    scf.if %cond3A_1 {
      %broadcast_in_dim3A = arith.constant 0.000000e+00 : f32
      %broadcast_in_dim3A_6 = vector.broadcast %broadcast_in_dim3A : f32 to vector<1024x1024xf32>
      %swap3A = arith.constant 0 : index
      %swap3A_7 = arith.constant 0 : index
      %swap3A_8 = vector.load %arg5[%swap3A, %swap3A_7] : memref<1024x1024xf32, #tpu.memory_space<vmem>>, vector<1024x1024xf32>
      tpu.vector_store %arg5[%swap3A, %swap3A_7], %broadcast_in_dim3A_6 {strides = array<i32>} : memref<1024x1024xf32, #tpu.memory_space<vmem>>, vector<1024x1024xf32>,
    } else {
    }
    %lt3A = arith.constant 8 : i32
    %lt3A_2 = arith.cmpi slt, %arg0, %lt3A : i32
    %convert_element_type3A_3 = arith.extui %lt3A_2 : i1 to i32
    %cond3A_4 = arith.constant 0 : i32
    %cond3A_5 = arith.cmpi ne, %convert_element_type3A_3, %cond3A_4 : i32
    scf.if %cond3A_5 {
      %get3A = arith.constant 0 : index
      %get3A_6 = arith.constant 0 : index
      %get3A_7 = vector.load %arg2[%get3A, %get3A_6] : memref<1024x1024xf32, #tpu.memory_space<vmem>>, vector<1024x1024xf32>
      %get3A_8 = arith.constant 0 : index
      %get3A_9 = arith.constant 0 : index
      %get3A_10 = arith.constant 0 : index
      %get3A_11 = vector.load %arg3[%get3A_8, %get3A_9, %get3A_10] : memref<1x1024x512xf32, #tpu.memory_space<vmem>>, vector<1x1024x512xf32>
      %get3A_12 = vector.shape_cast %get3A_11 : vector<1x1024x512xf32> to vector<1024x512xf32>
      %dot_general3A = arith.constant dense<0.000000e+00> : vector<1024x512xf32>
      %dot_general3A_13 = tpu.matmul %get3A_7, %get3A_12, %dot_general3A {dimension_numbers = #tpu.dot_dimension_numbers<[1], [0], [0], [1], [0, 0, 1, 1], [], []>, transpose_lhs_hint = false} : vector<1024x1024xf32>, vector<1024x512xf32>, vector<1024x512xf32> -> vector<1024x512xf32>
      %mul3A = arith.constant 5.000000e-01 : f32
      %mul3A_14 = vector.broadcast %mul3A : f32 to vector<1024x512xf32>
      %mul3A_15 = arith.mulf %dot_general3A_13, %mul3A_14 : vector<1024x512xf32>
      %mul3A_16 = arith.constant 0.707106769 : f32
      %mul3A_17 = vector.broadcast %mul3A_16 : f32 to vector<1024x512xf32>
      %mul3A_18 = arith.mulf %dot_general3A_13, %mul3A_17 : vector<1024x512xf32>
      %erf3A = math.erf %mul3A_18 : vector<1024x512xf32>
      %add3A = arith.constant 1.000000e+00 : f32
      %add3A_19 = vector.broadcast %add3A : f32 to vector<1024x512xf32>
      %add3A_20 = arith.addf %add3A_19, %erf3A : vector<1024x512xf32>
      %mul3A_21 = arith.mulf %mul3A_15, %add3A_20 : vector<1024x512xf32>
      %get3A_22 = arith.constant 0 : index
      %get3A_23 = arith.constant 0 : index
      %get3A_24 = vector.load %arg5[%get3A_22, %get3A_23] : memref<1024x1024xf32, #tpu.memory_space<vmem>>, vector<1024x1024xf32>
      %get3A_25 = arith.constant 0 : index
      %get3A_26 = arith.constant 0 : index
      %get3A_27 = arith.constant 0 : index
      %get3A_28 = vector.load %arg4[%get3A_25, %get3A_26, %get3A_27] : memref<1x512x1024xf32, #tpu.memory_space<vmem>>, vector<1x512x1024xf32>
      %get3A_29 = vector.shape_cast %get3A_28 : vector<1x512x1024xf32> to vector<512x1024xf32>
      %dot_general3A_30 = arith.constant dense<0.000000e+00> : vector<1024x1024xf32>
      %dot_general3A_31 = tpu.matmul %mul3A_21, %get3A_29, %dot_general3A_30 {dimension_numbers = #tpu.dot_dimension_numbers<[1], [0], [0], [1], [0, 0, 1, 1], [], []>, transpose_lhs_hint = false} : vector<1024x512xf32>, vector<512x1024xf32>, vector<1024x1024xf32> -> vector<1024x1024xf32>
      %add3A_32 = arith.addf %get3A_24, %dot_general3A_31 : vector<1024x1024xf32>
      %swap3A = arith.constant 0 : index
      %swap3A_33 = arith.constant 0 : index
      %swap3A_34 = vector.load %arg5[%swap3A, %swap3A_33] : memref<1024x1024xf32, #tpu.memory_space<vmem>>, vector<1024x1024xf32>
      tpu.vector_store %arg5[%swap3A, %swap3A_33], %add3A_32 {strides = array<i32>} : memref<1024x1024xf32, #tpu.memory_space<vmem>>, vector<1024x1024xf32>,
    } else {
    }
    return
  }
  func.func @transform_0(%arg0: i32, %arg1: i32) -> (i32, i32) {
    %min3A = arith.constant 7 : i32
    %min3A_0 = arith.minsi %arg0, %min3A : i32
    %c0_i32 = arith.constant 0 : i32
    %c0_i32_1 = arith.constant 0 : i32
    return %min3A_0, %c0_i32 : i32, i32
  }
  func.func @transform_1(%arg0: i32, %arg1: i32) -> (i32, i32, i32) {
    %min3A = arith.constant 7 : i32
    %min3A_0 = arith.minsi %arg0, %min3A : i32
    %lt3A = arith.constant 8 : i32
    %lt3A_1 = arith.cmpi slt, %arg0, %lt3A : i32
    %jit3A = arith.constant 0 : i32
    %select_n3A = arith.select %lt3A_1, %arg1, %jit3A : i32
    %c0_i32 = arith.constant 0 : i32
    %c0_i32_2 = arith.constant 0 : i32
    return %min3A_0, %c0_i32, %select_n3A : i32, i32, i32
  }
  func.func @transform_2(%arg0: i32, %arg1: i32) -> (i32, i32, i32) {
    %min3A = arith.constant 7 : i32
    %min3A_0 = arith.minsi %arg0, %min3A : i32
    %lt3A = arith.constant 8 : i32
    %lt3A_1 = arith.cmpi slt, %arg0, %lt3A : i32
    %jit3A = arith.constant 0 : i32
    %select_n3A = arith.select %lt3A_1, %arg1, %jit3A : i32
    %c0_i32 = arith.constant 0 : i32
    %c0_i32_2 = arith.constant 0 : i32
    return %min3A_0, %select_n3A, %c0_i32 : i32, i32, i32
  }
  func.func @transform_3(%arg0: i32, %arg1: i32) -> (i32, i32) {
    %c0_i32 = arith.constant 0 : i32
    %c0_i32_0 = arith.constant 0 : i32
    return %arg0, %c0_i32 : i32, i32
  }
}

</mosaic_0001>

<sc_bundles>
// kernel: kernel.10.cloned.1.call-start
scs
__scs_entry_jumppad:
0x0: {  	(pc) =	sbr.rel $0x88, $3  }
0x1: {  	(tag) =	ssettag $0x0;
	lr =	simm.s32 $0x1  }
0x2: {  	[smem:$0x3F9D] =	sst lr;
	_ =	strace $0xD0000000  }
0x3: {  	_ = 	snop  }
0x4: {  	_ = 	snop  }
0x5: {  	_ = 	snop  }
0x6: {  	_ = 	snop  }
0x7: {  	_ = 	snop  }
__scs_overlays_trampoline_lowered:
0x8: {  	[smem:$0x3FAC] =	sst s0  }
0x9: {  	[smem:$0x3FAD] =	sst s1  }
0xa: {  	[smem:$0x3FAE] =	sst s2  }
0xb: {  	[smem:$0x3FAF] =	sst s3  }
0xc: {  	[smem:$0x3FB0] =	sst s4  }
0xd: {  	[smem:$0x3FB1] =	sst s5  }
0xe: {  	[smem:$0x3FB2] =	sst s6  }
0xf: {  	[smem:$0x3FB3] =	sst s7  }
0x10: {  	[smem:$0x3FB4] =	sst s8  }
0x11: {  	[smem:$0x3FB5] =	sst s9;
	s0 =	simm.s32 @!p0 $0x0  }
0x12: {  	s1 =	sld [smem:$0x3F9B];
	s0 =	simm.s32 @p0 $0x1  }
0x13: {  	[smem:$0x3FB6] =	sst s0;
	s0 =	simm.s32 @!p1 $0x0  }
0x14: {  	s2 =	sld [smem:$0x3F9A];
	s0 =	simm.s32 @p1 $0x1  }
0x15: {  	[smem:$0x3FB7] =	sst s0;
	s0 =	simm.s32 @!p2 $0x0  }
0x16: {  	s3 =	sld [smem:$0x3FDB];
	s0 =	simm.s32 @p2 $0x1  }
0x17: {  	s4 =	simm.s32 $0x1BF5;
	[smem:$0x3FB9] =	sst s0  }
0x18: {  	s0 =	sld [smem:$0x3F9C];
	_ =	swait.ge [sflag:s4], $0x0  }
0x19: {  	s7 =	sld [smem:$0x3F9D]  }
0x1a: {  	s8 =	sadd.s32 $0xFFFFE003, lr  }
0x1b: {  	s9 =	sadd.s32 $0xFFFFFEF7, lr;
	s5 =	simm.s32 $0xFFFFFFFF;
	p2 =	slt.u32 s8, $0xFFFFF086  }
0x1c: {  	p1 =	slt.u32 s9, $0xF7A;
	s5 =	simm.s32 @!p2 $0x0  }
0x1d: {  	s5 =	simm.s32 @p1 $0x1;
	p0 =	seq.s32 s7, s2  }
0x1e: {  	s7 =	smul.u32 @!p0 $0xF7A, s2;
	p2 =	seq.s32 @!p0 s5, $0x0  }
0x1f: {  	s9 =	smul.u32 $0xF7A, s1;
	s8 =	simm.s32 @!p0 $0x1BF5;
	p2 =	por !p2, p0  }
0x20: {  	[sflag:s8] =	ssyncset.s32 @!p0 $0xFFFFF086;
	s6 =	sadd.s32 @!p0 s3, s7;
	s7 =	simm.s32 @!p0 $0x108  }
0x21: {  	s3 =	sadd.s32 s3, s9;
	s6 =	sadd.s32 @!p0 $0x88, s6;
	s7 =	simm.s32 @p2 $0x1082  }
0x22: {  	[simem:s7], [sflag:s8] =	dma.local @!p0 [hbm:s6], $0xF7A  }
0x23: {  	s9 =	sor.u32 $0xD0000000, s2;
	s6 =	simm.s32 $0x108;
	_ =	swait.ge @!p0 [sflag:s8], $0x0  }
0x24: {  	s3 =	sadd.s32 $0x88, s3;
	s6 =	simm.s32 @!p1 $0x1082;
	[sflag:s4] =	ssyncset.s32 $0xFFFFF086  }
0x25: {  	[simem:s6], [sflag:s4] =	dma.local [hbm:s3], $0xF7A  }
0x26: {  	[smem:$0x3F9D] =	sst s1;
	(tag) =	ssettag s2;
	_ =	strace s9  }
0x27: {  	s1 =	sld [smem:$0x3FAD]  }
0x28: {  	s2 =	sld [smem:$0x3FAE]  }
0x29: {  	s4 =	sld [smem:$0x3FB0]  }
0x2a: {  	p0 =	seq.s32 s5, $0x0;
	s5 =	sld [smem:$0x3FB1]  }
0x2b: {  	s6 =	sld [smem:$0x3FB2]  }
0x2c: {  	s7 =	sld [smem:$0x3FB3]  }
0x2d: {  	s3 =	simm.s32 $0x108;
	s8 =	sld [smem:$0x3FB4]  }
0x2e: {  	s3 =	simm.s32 @!p0 $0x1082;
	s9 =	sld [smem:$0x3FB5]  }
0x2f: {  	lr =	sadd.s32 s0, s3;
	s0 =	sld [smem:$0x3FAC]  }
0x30: {  	s3 =	sld [smem:$0x3FAF]  }
0x31: {  	[smem:$0x3FB8] =	sst s10  }
0x32: {  	s10 =	sld [smem:$0x3FB6];
	_ =	sdelay $0x3  }
0x33: {  	p0 =	seq.s32 s10, $0x1;
	s10 =	sld [smem:$0x3FB8];
	_ =	sdelay $0x3  }
0x34: {  	[smem:$0x3FB8] =	sst s10  }
0x35: {  	s10 =	sld [smem:$0x3FB7];
	_ =	sdelay $0x3  }
0x36: {  	p1 =	seq.s32 s10, $0x1;
	s10 =	sld [smem:$0x3FB8];
	_ =	sdelay $0x3  }
0x37: {  	[smem:$0x3FB8] =	sst s10  }
0x38: {  	s10 =	sld [smem:$0x3FB9]  }
0x39: {  	_ = 	snop;
	(pc) =	sbr.ind lr, $3  }
0x3a: {  	_ = 	snop  }
0x3b: {  	_ = 	snop  }
0x3c: {  	p2 =	seq.s32 s10, $0x1;
	s10 =	sld [smem:$0x3FB8]  }
0x3d: {  	_ =	shalt  }
0x3e: {  	_ =	shalt  }
0x3f: {  	_ =	shalt  }
0x40: {  	_ =	shalt  }
0x41: {  	_ =	shalt  }
0x42: {  	_ =	shalt  }
0x43: {  	_ =	shalt  }
0x44: {  	_ =	shalt  }
0x45: {  	_ =	shalt  }
0x46: {  	_ =	shalt  }
0x47: {  	_ =	shalt  }
0x48: {  	_ =	shalt  }
0x49: {  	_ =	shalt  }
0x4a: {  	_ =	shalt  }
0x4b: {  	_ =	shalt  }
0x4c: {  	_ =	shalt  }
0x4d: {  	_ =	shalt  }
0x4e: {  	_ =	shalt  }
0x4f: {  	_ =	shalt  }
0x50: {  	_ =	shalt  }
0x51: {  	_ =	shalt  }
0x52: {  	_ =	shalt  }
0x53: {  	_ =	shalt  }
0x54: {  	_ =	shalt  }
0x55: {  	_ =	shalt  }
0x56: {  	_ =	shalt  }
0x57: {  	_ =	shalt  }
0x58: {  	_ =	shalt  }
0x59: {  	_ =	shalt  }
0x5a: {  	_ =	shalt  }
0x5b: {  	_ =	shalt  }
0x5c: {  	_ =	shalt  }
0x5d: {  	_ =	shalt  }
0x5e: {  	_ =	shalt  }
0x5f: {  	_ =	shalt  }
0x60: {  	_ =	shalt  }
0x61: {  	_ =	shalt  }
0x62: {  	_ =	shalt  }
0x63: {  	_ =	shalt  }
0x64: {  	_ =	shalt  }
0x65: {  	_ =	shalt  }
0x66: {  	_ =	shalt  }
0x67: {  	_ =	shalt  }
0x68: {  	_ =	shalt  }
0x69: {  	_ =	shalt  }
0x6a: {  	_ =	shalt  }
0x6b: {  	_ =	shalt  }
0x6c: {  	_ =	shalt  }
0x6d: {  	_ =	shalt  }
0x6e: {  	_ =	shalt  }
0x6f: {  	_ =	shalt  }
0x70: {  	_ =	shalt  }
0x71: {  	_ =	shalt  }
0x72: {  	_ =	shalt  }
0x73: {  	_ =	shalt  }
0x74: {  	_ =	shalt  }
0x75: {  	_ =	shalt  }
0x76: {  	_ =	shalt  }
0x77: {  	_ =	shalt  }
0x78: {  	_ =	shalt  }
0x79: {  	_ =	shalt  }
0x7a: {  	_ =	shalt  }
0x7b: {  	_ =	shalt  }
0x7c: {  	_ =	shalt  }
0x7d: {  	_ =	shalt  }
0x7e: {  	_ =	shalt  }
0x7f: {  	_ =	shalt  }
0x80: {  	_ =	shalt  }
0x81: {  	_ =	shalt  }
0x82: {  	_ =	shalt  }
0x83: {  	_ =	shalt  }
0x84: {  	_ =	shalt  }
0x85: {  	_ =	shalt  }
0x86: {  	_ =	shalt  }
0x87: {  	_ =	shalt  }
.Lfunc_end0:
.L_simem_size_0:
called_computation.1_lowered:
.L_overlay_start_0:
0x88: {  	s2 =	sld [smem:$0x3FD9]  }
0x89: {  	s3 =	sld [smem:$0x3FFE];
	_ =	sdelay $0x1  }
0x8a: {  	s1 =	srdreg.scid  }
0x8b: {  	s0 =	sand.u32 $0x1, s1  }
0x8c: {  	s17 =	sshll.u32 s0, $0xA;
	s2 =	sadd.s32 s3, s2  }
0x8d: {  	s2 =	sadd.s32 s2, s17  }
0x8e: {  	[smem:$0x3FC4] =	sst s2  }
0x8f: {  	_ = 	snop  }
0x90: {  	s2 =	sld [smem:$0x3FD0];
	(tm) =	ssettm $0x1  }
0x91: {  	s18 =	sld [smem:$0x3FFB];
	_ =	sdelay $0x3  }
0x92: {  	_ =	strace s18  }
0x93: {  	s3 =	sld [smem:$0x3FFC];
	_ =	sdelay $0x3  }
0x94: {  	_ =	strace s3  }
0x95: {  	s3 =	sld [smem:$0x3FFD];
	_ =	sdelay $0x3  }
0x96: {  	_ =	strace s3  }
0x97: {  	_ =	strace $0x8FFFFFFF  }
0x98: {  	s19 =	sld [smem:$0x3FDB];
	_ =	sdelay $0x1  }
0x99: {  	s4 =	simm.s32 $_scs_section_size  }
0x9a: {  	s5 =	simm.s32 $_size__tile_overlayer_lowered;
	s6 =	simm.s32 $_tile_overlayer_lowered  }
0x9b: {  	s22 =	simm.s32 $0x1BFF;
	s21 =	sshll.u32 s6, $0x1;
	s3 =	sadd.s32 s4, s19  }
0x9c: {  	s7 =	simm.s32 $0x0;
	s20 =	sshll.u32 s5, $0x1;
	s5 =	sadd.s32 s21, s3  }
0x9d: {  	[timem:s7], [sflag:s22] =	dma.local [hbm:s5], s20  }
0x9e: {  	_ =	swait.ge [sflag:s22], s20  }
0x9f: {  	s4 =	ssub.s32 $0x0, s20;
	[sflag:s22] =	ssyncset.done $0x0  }
0xa0: {  	[sflag:s22] =	ssyncadd.s32 s4;
	_ =	sdelay $0x1  }
0xa1: {  	s23 =	simm.s32 $0x1B8B  }
0xa2: {  	_ =	swait.ge [sflag:s23], $0x1  }
0xa3: {  	[sflag:s23] =	ssyncset.done $0x0  }
0xa4: {  	s25 =	simm.s32 $0x1B8E;
	s24 =	sld [smem:$0x3FFE];
	[sflag:s23] =	ssyncadd.s32 $0xFFFFFFFF  }
0xa5: {  	s26 =	simm.s32 $execute0_lowered;
	[smem:$0x3FD2] =	sst s25  }
0xa6: {  	s5 =	sshll.u32 s26, $0x1;
	_ =	strace $0x80000049;
	[dreg:$0x1] =	wrdreg $0xFFFFFFFF  }
0xa7: {  	s28 =	simm.s32 $_size_execute0_lowered;
	s3 =	sadd.s32 s3, s5;
	[dreg:$0x0] =	wrdreg $0x0  }
0xa8: {  	s5 =	sshll.u32 s28, $0x1;
	[dreg:$0x2] =	wrdreg s3  }
0xa9: {  	[dreg:$0x3] =	wrdreg s5  }
0xaa: {  	[dreg:$0x4] =	wrdreg $0xC0  }
0xab: {  	_ =	task [dreg:s7], $0x5FFFF  }
0xac: {  	[dreg:$0x1] =	wrdreg $0xFFFFFFFF  }
0xad: {  	[dreg:$0x0] =	wrdreg $0x60  }
0xae: {  	[dreg:$0x2] =	wrdreg s2  }
0xaf: {  	[dreg:$0x3] =	wrdreg s24  }
0xb0: {  	[dreg:$0x4] =	wrdreg $0x9  }
0xb1: {  	_ =	task.clear_ibuf [dreg:s7], $0x5FFFF;
	_ =	strace $0x90000049  }
0xb2: {  	s29 =	simm.s32 $0x9;
	_ =	strace $0x8000004B  }
0xb3: {  	_ =	swait.ge [sflag:s29], $0x1  }
0xb4: {  	[sflag:s29] =	ssyncadd.s32 $0xFFFFFFFF  }
0xb5: {  	_ =	strace $0x9000004B  }
0xb6: {  	_ =	sfence  }
0xb7: {  	s30 =	sld [smem:$0x0];
	_ =	sdelay $0x2  }
0xb8: {  	s31 =	sshll.u32 s1, $0xD;
	s1 =	sshrl.u32 s1, $0x2  }
0xb9: {  	s3 =	sand.u32 $0x4000, s31;
	s1 =	sadd.s32 s1, s30  }
0xba: {  	s0 =	sor.u32 s3, s0;
	s1 =	sshll.u32 s1, $0x11  }
0xbb: {  	s0 =	sor.u32 s1, s0  }
0xbc: {  	s0 =	sadd.s32 $0x8F2B, s0  }
0xbd: {  	[sflag:s0] =	ssyncadd.remote.s32 $0x1  }
0xbe: {  	_ =	sfence.sel $0xFFFF  }
0xbf: {  	[dreg:$0x0] =	wrdreg $0xFFFFFFFF;
	(pc) =	sbr.abs _section_cstart, $3  }
0xc0: {  	[dreg:$0x1] =	wrdreg $0xFFFFFFFF  }
0xc1: {  	_ =	task.clear_ibuf [dreg:s7], $0x2FFFF;
	_ =	strace $0x9FFFFFFF  }
0xc2: {  	(tm) =	ssettm $0x7FFFFFFF  }
0xc3: {  	_ =	shalt  }
tec
execute0_lowered:
.L_overlay_start_1:
0x0: {  	(tag) =	ssettag $0x1  }
0x1: {  	s0 =	rddreg [dreg:$0x0]  }
0x2: {  	s1 =	rddreg [dreg:$0x1]  }
0x3: {  	s2 =	srdreg.scid;
	s8 =	stileid.u32;
	s11 =	simm.s32 $0x3  }
0x4: {  	s13 =	simm.s32 $0x400;
	s14 =	simm.s32 $0xC00;
	s15 =	simm.s32 $0x1400  }
0x5: {  	s16 =	simm.s32 $0x1C00;
	s17 =	simm.s32 $0x2400;
	s18 =	simm.s32 $0x2C00  }
0x6: {  	s19 =	simm.s32 $0x3400;
	s20 =	simm.s32 $0x3C00;
	s21 =	simm.s32 $0x4400  }
0x7: {  	s22 =	simm.s32 $0x4C00;
	s23 =	simm.s32 $0x5400;
	s24 =	simm.s32 $0x5C00  }
0x8: {  	s28 =	simm.s32 $0x7400;
	s29 =	simm.s32 $0x7C00;
	s30 =	simm.s32 $0x1  }
0x9: {  	s31 =	simm.s32 $0x2;
	s4 =	sand.u32 $0x1, s2;
	s2 =	simm.s32 $0x0  }
0xa: {  	s3 =	sshll.u32 s8, $0x7;
	s8 =	sshll.u32 s8, $0xF;
	s5 =	sshll.u32 s4, $0x6  }
0xb: {  	[smem:$0x7FF] =	sst s2;
	s25 =	ssub.s32 $0x2, s4;
	s10 =	sshll.u32 s4, $0xE  }
0xc: {  	s0 =	sadd.s32 s8, s0;
	s8 =	sadd.s32 $0x2F00, s1;
	s3 =	sor.u32 s5, s3  }
0xd: {  	_ =	strace $0x8000004A;
	s7 =	sshrl.u32 s25, $0x1;
	s6 =	sadd.s32 s3, s1  }
0xe: {  	s3 =	sadd.s32 $0x2C00, s1;
	s9 =	ssub.s32 s25, s7;
	s7 =	sadd.s32 $0x2E00, s1  }
0xf: {  	v2 =	vlaneseq.u32;
	s25 =	simm.s32 $0x6400;
	s26 =	sadd.s32 $0x1C00, s6;
	s5 =	sadd.s32 $0x2400, s6  }
0x10: {  	vm0 =	vmmov $0xffff;
	v1 =	vshrl.u32 v2, $0x3;
	s6 =	sadd.s32 $0x2D00, s1;
	s9 =	smax.u32 s9, $0x1;
	s1 =	sadd.s32 s10, s0  }
0x11: {  	v0 =	vand.u32 $0x7, v2;
	v2 =	vor.u32 $0x8, v2;
	v1 =	vmul.u32 $0x8, v1;
	s0 =	simm.s32 $0x0;
	[dreg:$0x3] =	wrdreg s26;
	s26 =	simm.s32 $0x6C00  }
.LBB2_1:
0x12: {  	s4 =	rddreg [dreg:$0x3]  }
0x13: {  	[tilespmem:s2], [sflag:$0x3] =	stream.linear.gather [hbm4b:s4+s2], $0x200, $0x38;
	[tilespmem:$0x8400] =	vst v63  }
0x14: {  	_ =	swait.ge [sflag:s11], $0x200  }
0x15: {  	[sflag:s11] =	ssyncset.done $0x0  }
0x16: {  	s12 =	simm.s32 $0x200;
	[sflag:s11] =	ssyncadd.s32 $0xFFFFFE00  }
0x17: {  	[tilespmem:s12], [sflag:$0x3] =	stream.linear.gather [hbm4b:s5+s2], $0x200, $0x38;
	[tilespmem:$0x8400] =	vst v63  }
0x18: {  	_ =	swait.ge [sflag:s11], $0x200  }
0x19: {  	[sflag:s11] =	ssyncset.done $0x0  }
0x1a: {  	s10 =	smov.u32 s1;
	s12 =	simm.s32 $0x0;
	[sflag:s11] =	ssyncadd.s32 $0xFFFFFE00  }
.LBB2_2:
0x1b: {  	[tilespmem:s13], [sflag:$0x3] =	stream.linear.gather [hbm4b:s10+s2], $0x8000, $0x38;
	[tilespmem:$0x8400] =	vst v63  }
0x1c: {  	_ =	swait.ge [sflag:s11], $0x8000  }
0x1d: {  	[sflag:s11] =	ssyncset.done $0x0  }
0x1e: {  	s4 =	sshra.s32 s12, $0x2;
	[sflag:s11] =	ssyncadd.s32 $0xFFFF8000  }
0x1f: {  	v3 =	vld [tilespmem:s4+$0x0];
	_ =	sdelay $0x4  }
0x20: {  	v4 =	vshll.u32 v3, $0x3  }
0x21: {  	v3 =	vand.u32 $0x7, v3;
	v4 =	vand.u32 $0xFFFFFFC0, v4  }
0x22: {  	v3 =	vor.u32 v3, v4  }
0x23: {  	v4 =	vperm.xlane v3, v0;
	_ =	sdelay $0x1  }
0x24: {  	v4 =	vadd.s32 v1, v4;
	_ =	sdelay $0x4  }
0x25: {  	[hbm4b:s3+s2] =	stream.indirect_vreg.scatter [tilespmem:s13], [sflag:$0x1], $0x80, v4, vm0, $0xb8;
	[tilespmem:$0x8400] =	vst v63  }
0x26: {  	v3 =	vperm.xlane v3, v2  }
0x27: {  	[hbm4b:s6+s2] =	stream.indirect_vreg.scatter [tilespmem:s14], [sflag:$0x1], $0x80, v4, vm0, $0xb8;
	[tilespmem:$0x8400] =	vst v63  }
0x28: {  	v3 =	vadd.s32 v1, v3  }
0x29: {  	[hbm4b:s7+s2] =	stream.indirect_vreg.scatter [tilespmem:s15], [sflag:$0x1], $0x80, v4, vm0, $0xb8;
	[tilespmem:$0x8400] =	vst v63  }
0x2a: {  	_ = 	snop  }
0x2b: {  	[hbm4b:s8+s2] =	stream.indirect_vreg.scatter [tilespmem:s16], [sflag:$0x1], $0x80, v4, vm0, $0xb8;
	[tilespmem:$0x8400] =	vst v63  }
0x2c: {  	_ = 	snop  }
0x2d: {  	[hbm4b:s3+s2] =	stream.indirect_vreg.scatter [tilespmem:s17], [sflag:$0x1], $0x80, v3, vm0, $0xb8;
	[tilespmem:$0x8400] =	vst v63  }
0x2e: {  	_ = 	snop  }
0x2f: {  	[hbm4b:s6+s2] =	stream.indirect_vreg.scatter [tilespmem:s18], [sflag:$0x1], $0x80, v3, vm0, $0xb8;
	[tilespmem:$0x8400] =	vst v63  }
0x30: {  	_ = 	snop  }
0x31: {  	[hbm4b:s7+s2] =	stream.indirect_vreg.scatter [tilespmem:s19], [sflag:$0x1], $0x80, v3, vm0, $0xb8;
	[tilespmem:$0x8400] =	vst v63  }
0x32: {  	_ = 	snop  }
0x33: {  	[hbm4b:s8+s2] =	stream.indirect_vreg.scatter [tilespmem:s20], [sflag:$0x1], $0x80, v3, vm0, $0xb8;
	[tilespmem:$0x8400] =	vst v63  }
0x34: {  	v3 =	vld [tilespmem:s4+$0x10];
	_ =	sdelay $0x4  }
0x35: {  	v61 =	vshll.u32 v3, $0x3  }
0x36: {  	v3 =	vand.u32 $0x7, v3;
	v4 =	vand.u32 $0xFFFFFFC0, v61  }
0x37: {  	v3 =	vor.u32 v3, v4  }
0x38: {  	v4 =	vperm.xlane v3, v0;
	_ =	sdelay $0x1  }
0x39: {  	v4 =	vadd.s32 v1, v4;
	_ =	sdelay $0x4  }
0x3a: {  	[hbm4b:s3+s2] =	stream.indirect_vreg.scatter [tilespmem:s21], [sflag:$0x1], $0x80, v4, vm0, $0xb8;
	[tilespmem:$0x8400] =	vst v63  }
0x3b: {  	v3 =	vperm.xlane v3, v2  }
0x3c: {  	[hbm4b:s6+s2] =	stream.indirect_vreg.scatter [tilespmem:s22], [sflag:$0x1], $0x80, v4, vm0, $0xb8;
	[tilespmem:$0x8400] =	vst v63  }
0x3d: {  	v3 =	vadd.s32 v1, v3  }
0x3e: {  	[hbm4b:s7+s2] =	stream.indirect_vreg.scatter [tilespmem:s23], [sflag:$0x1], $0x80, v4, vm0, $0xb8;
	[tilespmem:$0x8400] =	vst v63  }
0x3f: {  	_ = 	snop  }
0x40: {  	[hbm4b:s8+s2] =	stream.indirect_vreg.scatter [tilespmem:s24], [sflag:$0x1], $0x80, v4, vm0, $0xb8;
	[tilespmem:$0x8400] =	vst v63  }
0x41: {  	_ = 	snop  }
0x42: {  	[hbm4b:s3+s2] =	stream.indirect_vreg.scatter [tilespmem:s25], [sflag:$0x1], $0x80, v3, vm0, $0xb8;
	[tilespmem:$0x8400] =	vst v63  }
0x43: {  	_ = 	snop  }
0x44: {  	[hbm4b:s6+s2] =	stream.indirect_vreg.scatter [tilespmem:s26], [sflag:$0x1], $0x80, v3, vm0, $0xb8;
	[tilespmem:$0x8400] =	vst v63  }
0x45: {  	_ = 	snop  }
0x46: {  	[hbm4b:s7+s2] =	stream.indirect_vreg.scatter [tilespmem:s28], [sflag:$0x1], $0x80, v3, vm0, $0xb8;
	[tilespmem:$0x8400] =	vst v63  }
0x47: {  	_ = 	snop  }
0x48: {  	[hbm4b:s8+s2] =	stream.indirect_vreg.scatter [tilespmem:s29], [sflag:$0x1], $0x80, v3, vm0, $0xb8;
	[tilespmem:$0x8400] =	vst v63  }
0x49: {  	v3 =	vld [tilespmem:s4+$0x200];
	_ =	sdelay $0x4  }
0x4a: {  	v62 =	vshll.u32 v3, $0x3  }
0x4b: {  	v3 =	vand.u32 $0x7, v3;
	v4 =	vand.u32 $0xFFFFFFC0, v62  }
0x4c: {  	v3 =	vor.u32 v3, v4  }
0x4d: {  	v4 =	vperm.xlane v3, v0;
	_ =	sdelay $0x1  }
0x4e: {  	v4 =	vadd.s32 v1, v4;
	_ =	sdelay $0x4  }
0x4f: {  	[hbm4b:s3+s2] =	stream.indirect_vreg.scatter [tilespmem:s13], [sflag:$0x2], $0x80, v4, vm0, $0xb8;
	[tilespmem:$0x8400] =	vst v63  }
0x50: {  	v3 =	vperm.xlane v3, v2  }
0x51: {  	[hbm4b:s6+s2] =	stream.indirect_vreg.scatter [tilespmem:s14], [sflag:$0x2], $0x80, v4, vm0, $0xb8;
	[tilespmem:$0x8400] =	vst v63  }
0x52: {  	v3 =	vadd.s32 v1, v3  }
0x53: {  	[hbm4b:s7+s2] =	stream.indirect_vreg.scatter [tilespmem:s15], [sflag:$0x2], $0x80, v4, vm0, $0xb8;
	[tilespmem:$0x8400] =	vst v63  }
0x54: {  	_ = 	snop  }
0x55: {  	[hbm4b:s8+s2] =	stream.indirect_vreg.scatter [tilespmem:s16], [sflag:$0x2], $0x80, v4, vm0, $0xb8;
	[tilespmem:$0x8400] =	vst v63  }
0x56: {  	_ = 	snop  }
0x57: {  	[hbm4b:s3+s2] =	stream.indirect_vreg.scatter [tilespmem:s17], [sflag:$0x2], $0x80, v3, vm0, $0xb8;
	[tilespmem:$0x8400] =	vst v63  }
0x58: {  	_ = 	snop  }
0x59: {  	[hbm4b:s6+s2] =	stream.indirect_vreg.scatter [tilespmem:s18], [sflag:$0x2], $0x80, v3, vm0, $0xb8;
	[tilespmem:$0x8400] =	vst v63  }
0x5a: {  	_ = 	snop  }
0x5b: {  	[hbm4b:s7+s2] =	stream.indirect_vreg.scatter [tilespmem:s19], [sflag:$0x2], $0x80, v3, vm0, $0xb8;
	[tilespmem:$0x8400] =	vst v63  }
0x5c: {  	_ = 	snop  }
0x5d: {  	[hbm4b:s8+s2] =	stream.indirect_vreg.scatter [tilespmem:s20], [sflag:$0x2], $0x80, v3, vm0, $0xb8;
	[tilespmem:$0x8400] =	vst v63  }
0x5e: {  	v3 =	vld [tilespmem:s4+$0x210];
	_ =	sdelay $0x4  }
0x5f: {  	v63 =	vshll.u32 v3, $0x3  }
0x60: {  	v3 =	vand.u32 $0x7, v3;
	v4 =	vand.u32 $0xFFFFFFC0, v63  }
0x61: {  	v3 =	vor.u32 v3, v4  }
0x62: {  	v4 =	vperm.xlane v3, v0;
	_ =	sdelay $0x1  }
0x63: {  	v4 =	vadd.s32 v1, v4;
	_ =	sdelay $0x4  }
0x64: {  	[hbm4b:s3+s2] =	stream.indirect_vreg.scatter [tilespmem:s21], [sflag:$0x2], $0x80, v4, vm0, $0xb8;
	[tilespmem:$0x8400] =	vst v63  }
0x65: {  	v3 =	vperm.xlane v3, v2  }
0x66: {  	[hbm4b:s6+s2] =	stream.indirect_vreg.scatter [tilespmem:s22], [sflag:$0x2], $0x80, v4, vm0, $0xb8;
	[tilespmem:$0x8400] =	vst v63  }
0x67: {  	v3 =	vadd.s32 v1, v3  }
0x68: {  	[hbm4b:s7+s2] =	stream.indirect_vreg.scatter [tilespmem:s23], [sflag:$0x2], $0x80, v4, vm0, $0xb8;
	[tilespmem:$0x8400] =	vst v63  }
0x69: {  	_ = 	snop  }
0x6a: {  	[hbm4b:s8+s2] =	stream.indirect_vreg.scatter [tilespmem:s24], [sflag:$0x2], $0x80, v4, vm0, $0xb8;
	[tilespmem:$0x8400] =	vst v63  }
0x6b: {  	_ = 	snop  }
0x6c: {  	[hbm4b:s3+s2] =	stream.indirect_vreg.scatter [tilespmem:s25], [sflag:$0x2], $0x80, v3, vm0, $0xb8;
	[tilespmem:$0x8400] =	vst v63  }
0x6d: {  	_ = 	snop  }
0x6e: {  	[hbm4b:s6+s2] =	stream.indirect_vreg.scatter [tilespmem:s26], [sflag:$0x2], $0x80, v3, vm0, $0xb8;
	[tilespmem:$0x8400] =	vst v63  }
0x6f: {  	_ = 	snop  }
0x70: {  	[hbm4b:s7+s2] =	stream.indirect_vreg.scatter [tilespmem:s28], [sflag:$0x2], $0x80, v3, vm0, $0xb8;
	[tilespmem:$0x8400] =	vst v63  }
0x71: {  	_ = 	snop  }
0x72: {  	[hbm4b:s8+s2] =	stream.indirect_vreg.scatter [tilespmem:s29], [sflag:$0x2], $0x80, v3, vm0, $0xb8;
	[tilespmem:$0x8400] =	vst v63  }
0x73: {  	p0 =	sne.s32 s12, $0x600;
	_ =	swait.ge [sflag:s30], $0x8000  }
.Ltmp0:
0x74: {  	[sflag:s30] =	ssyncset.done $0x0;
	(pc) =	sbr.rel @p0 .LBB2_2-.Ltmp0, $4  }
0x75: {  	[sflag:s30] =	ssyncadd.s32 $0xFFFF8000  }
0x76: {  	_ =	swait.ge [sflag:s31], $0x8000  }
0x77: {  	[sflag:s31] =	ssyncset.done $0x0  }
0x78: {  	s10 =	sadd.s32 $0x1000, s10;
	s12 =	sadd.s32 $0x200, s12;
	[sflag:s31] =	ssyncadd.s32 $0xFFFF8000  }
0x79: {  	s0 =	sadd.s32 $0x1, s0  }
0x7a: {  	p0 =	sne.s32 s0, s9  }
.Ltmp1:
0x7b: {  	_ = 	snop;
	(pc) =	sbr.rel @p0 .LBB2_1-.Ltmp1, $1  }
0x7c: {  	_ =	sdelay $0x3  }
0x7d: {  	_ =	sfence.sel $0x180000  }
0x7e: {  	[bflag:$0x0] =	sbarrier.arrive $0xFFFF  }
0x7f: {  	_ =	strace $0x9000004A  }
0x80: {  	s0 =	stileid.u32;
	[bflag:$0x2] =	sbarrier.arrive $0xFFFF  }
0x81: {  	p0 =	sne.s32 s0, $0x0;
	s0 =	rddreg [dreg:$0x2]  }
0x82: {  	s0 =	sadd.s32 @!p0 $0x100000, s0  }
0x83: {  	[sflag:s0] =	ssyncadd.tile.s32 @!p0 $0x1;
	_ =	shalt  }
.Lfunc_end2:
_tile_overlayer_lowered:
.L_overlay_start_2:
0x84: {  	(tag) =	ssettag $0x2  }
0x85: {  	s0 =	rddreg [dreg:$0x0];
	s2 =	stileid.u32  }
0x86: {  	s1 =	rddreg [dreg:$0x1];
	p0 =	sne.s32 s2, $0x0  }
0x87: {  	s3 =	rddreg [dreg:$0x2];
	[bflag:$0x3] =	sbarrier.arrive $0xFFFF;
	s2 =	simm.s32 @!p0 $0x1C03  }
0x88: {  	[timem:s3], [sflag:s2] =	dma.local @!p0 [hbm:s0], s1  }
0x89: {  	s0 =	simm.s32 @!p0 $0x3  }
0x8a: {  	_ =	swait.ge @!p0 [sflag:s0], s1  }
0x8b: {  	s1 =	ssub.s32 @!p0 $0x0, s1;
	[sflag:s0] =	ssyncset.done @!p0 $0x0  }
0x8c: {  	[sflag:s0] =	ssyncadd.s32 @!p0 s1  }
0x8d: {  	[bflag:$0x3] =	sbarrier.arrive $0xFFFF  }
0x8e: {  	_ =	shalt  }

// kernel: kernel.13.cloned.1.call-start
scs
__scs_entry_jumppad:
0x0: {  	(pc) =	sbr.rel $0x88, $3  }
0x1: {  	(tag) =	ssettag $0x0;
	lr =	simm.s32 $0x1  }
0x2: {  	[smem:$0x3F9D] =	sst lr;
	_ =	strace $0xD0000000  }
0x3: {  	_ = 	snop  }
0x4: {  	_ = 	snop  }
0x5: {  	_ = 	snop  }
0x6: {  	_ = 	snop  }
0x7: {  	_ = 	snop  }
__scs_overlays_trampoline_lowered:
0x8: {  	[smem:$0x3FAC] =	sst s0  }
0x9: {  	[smem:$0x3FAD] =	sst s1  }
0xa: {  	[smem:$0x3FAE] =	sst s2  }
0xb: {  	[smem:$0x3FAF] =	sst s3  }
0xc: {  	[smem:$0x3FB0] =	sst s4  }
0xd: {  	[smem:$0x3FB1] =	sst s5  }
0xe: {  	[smem:$0x3FB2] =	sst s6  }
0xf: {  	[smem:$0x3FB3] =	sst s7  }
0x10: {  	[smem:$0x3FB4] =	sst s8  }
0x11: {  	[smem:$0x3FB5] =	sst s9;
	s0 =	simm.s32 @!p0 $0x0  }
0x12: {  	s1 =	sld [smem:$0x3F9B];
	s0 =	simm.s32 @p0 $0x1  }
0x13: {  	[smem:$0x3FB6] =	sst s0;
	s0 =	simm.s32 @!p1 $0x0  }
0x14: {  	s2 =	sld [smem:$0x3F9A];
	s0 =	simm.s32 @p1 $0x1  }
0x15: {  	[smem:$0x3FB7] =	sst s0;
	s0 =	simm.s32 @!p2 $0x0  }
0x16: {  	s3 =	sld [smem:$0x3FDB];
	s0 =	simm.s32 @p2 $0x1  }
0x17: {  	s4 =	simm.s32 $0x1BF5;
	[smem:$0x3FB9] =	sst s0  }
0x18: {  	s0 =	sld [smem:$0x3F9C];
	_ =	swait.ge [sflag:s4], $0x0  }
0x19: {  	s7 =	sld [smem:$0x3F9D]  }
0x1a: {  	s8 =	sadd.s32 $0xFFFFE003, lr  }
0x1b: {  	s9 =	sadd.s32 $0xFFFFFEF7, lr;
	s5 =	simm.s32 $0xFFFFFFFF;
	p2 =	slt.u32 s8, $0xFFFFF086  }
0x1c: {  	p1 =	slt.u32 s9, $0xF7A;
	s5 =	simm.s32 @!p2 $0x0  }
0x1d: {  	s5 =	simm.s32 @p1 $0x1;
	p0 =	seq.s32 s7, s2  }
0x1e: {  	s7 =	smul.u32 @!p0 $0xF7A, s2;
	p2 =	seq.s32 @!p0 s5, $0x0  }
0x1f: {  	s9 =	smul.u32 $0xF7A, s1;
	s8 =	simm.s32 @!p0 $0x1BF5;
	p2 =	por !p2, p0  }
0x20: {  	[sflag:s8] =	ssyncset.s32 @!p0 $0xFFFFF086;
	s6 =	sadd.s32 @!p0 s3, s7;
	s7 =	simm.s32 @!p0 $0x108  }
0x21: {  	s3 =	sadd.s32 s3, s9;
	s6 =	sadd.s32 @!p0 $0x88, s6;
	s7 =	simm.s32 @p2 $0x1082  }
0x22: {  	[simem:s7], [sflag:s8] =	dma.local @!p0 [hbm:s6], $0xF7A  }
0x23: {  	s9 =	sor.u32 $0xD0000000, s2;
	s6 =	simm.s32 $0x108;
	_ =	swait.ge @!p0 [sflag:s8], $0x0  }
0x24: {  	s3 =	sadd.s32 $0x88, s3;
	s6 =	simm.s32 @!p1 $0x1082;
	[sflag:s4] =	ssyncset.s32 $0xFFFFF086  }
0x25: {  	[simem:s6], [sflag:s4] =	dma.local [hbm:s3], $0xF7A  }
0x26: {  	[smem:$0x3F9D] =	sst s1;
	(tag) =	ssettag s2;
	_ =	strace s9  }
0x27: {  	s1 =	sld [smem:$0x3FAD]  }
0x28: {  	s2 =	sld [smem:$0x3FAE]  }
0x29: {  	s4 =	sld [smem:$0x3FB0]  }
0x2a: {  	p0 =	seq.s32 s5, $0x0;
	s5 =	sld [smem:$0x3FB1]  }
0x2b: {  	s6 =	sld [smem:$0x3FB2]  }
0x2c: {  	s7 =	sld [smem:$0x3FB3]  }
0x2d: {  	s3 =	simm.s32 $0x108;
	s8 =	sld [smem:$0x3FB4]  }
0x2e: {  	s3 =	simm.s32 @!p0 $0x1082;
	s9 =	sld [smem:$0x3FB5]  }
0x2f: {  	lr =	sadd.s32 s0, s3;
	s0 =	sld [smem:$0x3FAC]  }
0x30: {  	s3 =	sld [smem:$0x3FAF]  }
0x31: {  	[smem:$0x3FB8] =	sst s10  }
0x32: {  	s10 =	sld [smem:$0x3FB6];
	_ =	sdelay $0x3  }
0x33: {  	p0 =	seq.s32 s10, $0x1;
	s10 =	sld [smem:$0x3FB8];
	_ =	sdelay $0x3  }
0x34: {  	[smem:$0x3FB8] =	sst s10  }
0x35: {  	s10 =	sld [smem:$0x3FB7];
	_ =	sdelay $0x3  }
0x36: {  	p1 =	seq.s32 s10, $0x1;
	s10 =	sld [smem:$0x3FB8];
	_ =	sdelay $0x3  }
0x37: {  	[smem:$0x3FB8] =	sst s10  }
0x38: {  	s10 =	sld [smem:$0x3FB9]  }
0x39: {  	_ = 	snop;
	(pc) =	sbr.ind lr, $3  }
0x3a: {  	_ = 	snop  }
0x3b: {  	_ = 	snop  }
0x3c: {  	p2 =	seq.s32 s10, $0x1;
	s10 =	sld [smem:$0x3FB8]  }
0x3d: {  	_ =	shalt  }
0x3e: {  	_ =	shalt  }
0x3f: {  	_ =	shalt  }
0x40: {  	_ =	shalt  }
0x41: {  	_ =	shalt  }
0x42: {  	_ =	shalt  }
0x43: {  	_ =	shalt  }
0x44: {  	_ =	shalt  }
0x45: {  	_ =	shalt  }
0x46: {  	_ =	shalt  }
0x47: {  	_ =	shalt  }
0x48: {  	_ =	shalt  }
0x49: {  	_ =	shalt  }
0x4a: {  	_ =	shalt  }
0x4b: {  	_ =	shalt  }
0x4c: {  	_ =	shalt  }
0x4d: {  	_ =	shalt  }
0x4e: {  	_ =	shalt  }
0x4f: {  	_ =	shalt  }
0x50: {  	_ =	shalt  }
0x51: {  	_ =	shalt  }
0x52: {  	_ =	shalt  }
0x53: {  	_ =	shalt  }
0x54: {  	_ =	shalt  }
0x55: {  	_ =	shalt  }
0x56: {  	_ =	shalt  }
0x57: {  	_ =	shalt  }
0x58: {  	_ =	shalt  }
0x59: {  	_ =	shalt  }
0x5a: {  	_ =	shalt  }
0x5b: {  	_ =	shalt  }
0x5c: {  	_ =	shalt  }
0x5d: {  	_ =	shalt  }
0x5e: {  	_ =	shalt  }
0x5f: {  	_ =	shalt  }
0x60: {  	_ =	shalt  }
0x61: {  	_ =	shalt  }
0x62: {  	_ =	shalt  }
0x63: {  	_ =	shalt  }
0x64: {  	_ =	shalt  }
0x65: {  	_ =	shalt  }
0x66: {  	_ =	shalt  }
0x67: {  	_ =	shalt  }
0x68: {  	_ =	shalt  }
0x69: {  	_ =	shalt  }
0x6a: {  	_ =	shalt  }
0x6b: {  	_ =	shalt  }
0x6c: {  	_ =	shalt  }
0x6d: {  	_ =	shalt  }
0x6e: {  	_ =	shalt  }
0x6f: {  	_ =	shalt  }
0x70: {  	_ =	shalt  }
0x71: {  	_ =	shalt  }
0x72: {  	_ =	shalt  }
0x73: {  	_ =	shalt  }
0x74: {  	_ =	shalt  }
0x75: {  	_ =	shalt  }
0x76: {  	_ =	shalt  }
0x77: {  	_ =	shalt  }
0x78: {  	_ =	shalt  }
0x79: {  	_ =	shalt  }
0x7a: {  	_ =	shalt  }
0x7b: {  	_ =	shalt  }
0x7c: {  	_ =	shalt  }
0x7d: {  	_ =	shalt  }
0x7e: {  	_ =	shalt  }
0x7f: {  	_ =	shalt  }
0x80: {  	_ =	shalt  }
0x81: {  	_ =	shalt  }
0x82: {  	_ =	shalt  }
0x83: {  	_ =	shalt  }
0x84: {  	_ =	shalt  }
0x85: {  	_ =	shalt  }
0x86: {  	_ =	shalt  }
0x87: {  	_ =	shalt  }
.Lfunc_end0:
.L_simem_size_0:
called_computation.2_lowered:
.L_overlay_start_0:
0x88: {  	s2 =	sld [smem:$0x3FD9]  }
0x89: {  	s3 =	sld [smem:$0x3FFE];
	_ =	sdelay $0x1  }
0x8a: {  	s1 =	srdreg.scid  }
0x8b: {  	s0 =	sand.u32 $0x1, s1  }
0x8c: {  	s17 =	sshll.u32 s0, $0xA;
	s2 =	sadd.s32 s3, s2  }
0x8d: {  	s2 =	sadd.s32 s2, s17  }
0x8e: {  	[smem:$0x3FC4] =	sst s2  }
0x8f: {  	_ = 	snop  }
0x90: {  	s2 =	sld [smem:$0x3FD0];
	(tm) =	ssettm $0x1  }
0x91: {  	s18 =	sld [smem:$0x3FFB];
	_ =	sdelay $0x3  }
0x92: {  	_ =	strace s18  }
0x93: {  	s3 =	sld [smem:$0x3FFC];
	_ =	sdelay $0x3  }
0x94: {  	_ =	strace s3  }
0x95: {  	s3 =	sld [smem:$0x3FFD];
	_ =	sdelay $0x3  }
0x96: {  	_ =	strace s3  }
0x97: {  	_ =	strace $0x8FFFFFFF  }
0x98: {  	s19 =	sld [smem:$0x3FDB];
	_ =	sdelay $0x1  }
0x99: {  	s4 =	simm.s32 $_scs_section_size  }
0x9a: {  	s5 =	simm.s32 $_size__tile_overlayer_lowered;
	s6 =	simm.s32 $_tile_overlayer_lowered  }
0x9b: {  	s22 =	simm.s32 $0x1BFF;
	s21 =	sshll.u32 s6, $0x1;
	s3 =	sadd.s32 s4, s19  }
0x9c: {  	s7 =	simm.s32 $0x0;
	s20 =	sshll.u32 s5, $0x1;
	s5 =	sadd.s32 s21, s3  }
0x9d: {  	[timem:s7], [sflag:s22] =	dma.local [hbm:s5], s20  }
0x9e: {  	_ =	swait.ge [sflag:s22], s20  }
0x9f: {  	s4 =	ssub.s32 $0x0, s20;
	[sflag:s22] =	ssyncset.done $0x0  }
0xa0: {  	[sflag:s22] =	ssyncadd.s32 s4;
	_ =	sdelay $0x1  }
0xa1: {  	s23 =	simm.s32 $0x1B8B  }
0xa2: {  	_ =	swait.ge [sflag:s23], $0x1  }
0xa3: {  	[sflag:s23] =	ssyncset.done $0x0  }
0xa4: {  	s25 =	simm.s32 $0x1B8E;
	s24 =	sld [smem:$0x3FFE];
	[sflag:s23] =	ssyncadd.s32 $0xFFFFFFFF  }
0xa5: {  	s26 =	simm.s32 $execute0_lowered;
	[smem:$0x3FD2] =	sst s25  }
0xa6: {  	s5 =	sshll.u32 s26, $0x1;
	_ =	strace $0x8000004C;
	[dreg:$0x1] =	wrdreg $0xFFFFFFFF  }
0xa7: {  	s28 =	simm.s32 $_size_execute0_lowered;
	s3 =	sadd.s32 s3, s5;
	[dreg:$0x0] =	wrdreg $0x0  }
0xa8: {  	s5 =	sshll.u32 s28, $0x1;
	[dreg:$0x2] =	wrdreg s3  }
0xa9: {  	[dreg:$0x3] =	wrdreg s5  }
0xaa: {  	[dreg:$0x4] =	wrdreg $0xC0  }
0xab: {  	_ =	task [dreg:s7], $0x5FFFF  }
0xac: {  	[dreg:$0x1] =	wrdreg $0xFFFFFFFF  }
0xad: {  	[dreg:$0x0] =	wrdreg $0x60  }
0xae: {  	[dreg:$0x2] =	wrdreg s24  }
0xaf: {  	[dreg:$0x3] =	wrdreg s2  }
0xb0: {  	[dreg:$0x4] =	wrdreg $0x9  }
0xb1: {  	_ =	task.clear_ibuf [dreg:s7], $0x5FFFF;
	_ =	strace $0x9000004C  }
0xb2: {  	s29 =	simm.s32 $0x9;
	_ =	strace $0x8000004E  }
0xb3: {  	_ =	swait.ge [sflag:s29], $0x1  }
0xb4: {  	[sflag:s29] =	ssyncadd.s32 $0xFFFFFFFF  }
0xb5: {  	_ =	strace $0x9000004E  }
0xb6: {  	_ =	sfence  }
0xb7: {  	s30 =	sld [smem:$0x0];
	_ =	sdelay $0x2  }
0xb8: {  	s31 =	sshll.u32 s1, $0xD;
	s1 =	sshrl.u32 s1, $0x2  }
0xb9: {  	s3 =	sand.u32 $0x4000, s31;
	s1 =	sadd.s32 s1, s30  }
0xba: {  	s0 =	sor.u32 s3, s0;
	s1 =	sshll.u32 s1, $0x11  }
0xbb: {  	s0 =	sor.u32 s1, s0  }
0xbc: {  	s0 =	sadd.s32 $0x8F2B, s0  }
0xbd: {  	[sflag:s0] =	ssyncadd.remote.s32 $0x1  }
0xbe: {  	_ =	sfence.sel $0xFFFF  }
0xbf: {  	[dreg:$0x0] =	wrdreg $0xFFFFFFFF;
	(pc) =	sbr.abs _section_cstart, $3  }
0xc0: {  	[dreg:$0x1] =	wrdreg $0xFFFFFFFF  }
0xc1: {  	_ =	task.clear_ibuf [dreg:s7], $0x2FFFF;
	_ =	strace $0x9FFFFFFF  }
0xc2: {  	(tm) =	ssettm $0x7FFFFFFF  }
0xc3: {  	_ =	shalt  }
tec
execute0_lowered:
.L_overlay_start_1:
0x0: {  	(tag) =	ssettag $0x1  }
0x1: {  	s0 =	srdreg.scid  }
0x2: {  	s1 =	rddreg [dreg:$0x0];
	s2 =	stileid.u32  }
0x3: {  	s3 =	simm.s32 $0x0;
	s14 =	simm.s32 $0x3;
	s18 =	simm.s32 $0xC200  }
0x4: {  	s19 =	simm.s32 $0xCA00;
	s20 =	simm.s32 $0xD200;
	s21 =	simm.s32 $0xDA00  }
0x5: {  	s22 =	simm.s32 $0xE200;
	s23 =	simm.s32 $0xEA00;
	s24 =	simm.s32 $0xF200  }
0x6: {  	s25 =	simm.s32 $0xFA00;
	s26 =	simm.s32 $0x1;
	s0 =	sand.u32 $0x1, s0  }
0x7: {  	s2 =	sshll.u32 s2, $0x8;
	s4 =	sshll.u32 s0, $0x7;
	s0 =	ssub.s32 $0x2, s0  }
0x8: {  	s28 =	simm.s32 $0x2;
	s4 =	sor.u32 s4, s2;
	s6 =	sshrl.u32 s0, $0x1  }
0x9: {  	s29 =	simm.s32 $0x10200;
	s2 =	sshrl.u32 s4, $0x3;
	s0 =	ssub.s32 s0, s6  }
0xa: {  	[smem:$0x7FF] =	sst s3;
	s2 =	sadd.s32 s2, s1;
	s0 =	smax.u32 s0, $0x1  }
0xb: {  	_ =	strace $0x8000004D;
	s7 =	sadd.s32 $0x1400, s2;
	[dreg:$0x7] =	wrdreg s0  }
0xc: {  	s5 =	sadd.s32 $0x122C00, s1;
	s30 =	sadd.s32 $0x1600, s2;
	[dreg:$0x3] =	wrdreg s7  }
0xd: {  	v2 =	vlaneseq.u32;
	s10 =	sadd.s32 $0x122D00, s1;
	s31 =	sadd.s32 $0x1A00, s2;
	[dreg:$0x4] =	wrdreg s30  }
0xe: {  	vm0 =	vmmov $0xffff;
	s11 =	sadd.s32 $0x122E00, s1;
	v1 =	vshrl.u32 v2, $0x3;
	s2 =	sadd.s32 $0x1800, s2;
	[dreg:$0x5] =	wrdreg s31  }
0xf: {  	s12 =	sadd.s32 $0x122F00, s1;
	v0 =	vand.u32 $0x7, v2;
	v2 =	vor.u32 $0x8, v2;
	v1 =	vmul.u32 $0x8, v1;
	s1 =	simm.s32 $0x0;
	[dreg:$0x6] =	wrdreg s2  }
.LBB2_1:
0x10: {  	[dreg:$0x8] =	wrdreg s1  }
0x11: {  	s0 =	rddreg [dreg:$0x3]  }
0x12: {  	[tilespmem:s3], [sflag:$0x3] =	stream.linear.gather [hbm4b:s0+s3], $0x80, $0x38;
	[tilespmem:$0x18200] =	vst v63  }
0x13: {  	_ =	swait.ge [sflag:s14], $0x80  }
0x14: {  	[sflag:s14] =	ssyncset.done $0x0  }
0x15: {  	s13 =	simm.s32 $0x80;
	s9 =	rddreg [dreg:$0x4];
	[sflag:s14] =	ssyncadd.s32 $0xFFFFFF80  }
0x16: {  	[tilespmem:s13], [sflag:$0x3] =	stream.linear.gather [hbm4b:s9+s3], $0x80, $0x38;
	[tilespmem:$0x18200] =	vst v63  }
0x17: {  	_ =	swait.ge [sflag:s14], $0x80  }
0x18: {  	[sflag:s14] =	ssyncset.done $0x0  }
0x19: {  	s16 =	simm.s32 $0x100;
	s15 =	rddreg [dreg:$0x5];
	[sflag:s14] =	ssyncadd.s32 $0xFFFFFF80  }
0x1a: {  	[tilespmem:s16], [sflag:$0x3] =	stream.linear.gather [hbm4b:s15+s3], $0x80, $0x38;
	[tilespmem:$0x18200] =	vst v63  }
0x1b: {  	_ =	swait.ge [sflag:s14], $0x80  }
0x1c: {  	[sflag:s14] =	ssyncset.done $0x0  }
0x1d: {  	s31 =	simm.s32 $0x180;
	s17 =	rddreg [dreg:$0x6];
	[sflag:s14] =	ssyncadd.s32 $0xFFFFFF80  }
0x1e: {  	[tilespmem:s31], [sflag:$0x3] =	stream.linear.gather [hbm4b:s17+s3], $0x80, $0x38;
	[tilespmem:$0x18200] =	vst v63  }
0x1f: {  	_ =	swait.ge [sflag:s14], $0x80  }
0x20: {  	[sflag:s14] =	ssyncset.done $0x0  }
0x21: {  	s30 =	simm.s32 $0x0;
	[sflag:s14] =	ssyncadd.s32 $0xFFFFFF80  }
.LBB2_2:
0x22: {  	s31 =	sshll.u32 s30, $0x5  }
0x23: {  	v3 =	vld [tilespmem:s31+$0x0];
	_ =	sdelay $0x4  }
0x24: {  	v4 =	vshll.u32 v3, $0x3  }
0x25: {  	v3 =	vand.u32 $0x7, v3;
	v4 =	vand.u32 $0xFFFFFFC0, v4  }
0x26: {  	v3 =	vor.u32 v3, v4  }
0x27: {  	v4 =	vperm.xlane v3, v0;
	_ =	sdelay $0x1  }
0x28: {  	v4 =	vadd.s32 v1, v4;
	_ =	sdelay $0x3  }
0x29: {  	s1 =	simm.s32 $0x0;
	s0 =	simm.s32 $0x200  }
0x2a: {  	[tilespmem:s0], [sflag:$0x1] =	stream.indirect_vreg.gather [hbm4b:s5+s1], $0x80, v4, vm0, $0xb8;
	[tilespmem:$0x18200] =	vst v63  }
0x2b: {  	s9 =	simm.s32 $0xA00;
	v3 =	vperm.xlane v3, v2  }
0x2c: {  	[tilespmem:s9], [sflag:$0x1] =	stream.indirect_vreg.gather [hbm4b:s10+s1], $0x80, v4, vm0, $0xb8;
	[tilespmem:$0x18200] =	vst v63  }
0x2d: {  	s13 =	simm.s32 $0x1200;
	v3 =	vadd.s32 v1, v3  }
0x2e: {  	[tilespmem:s13], [sflag:$0x1] =	stream.indirect_vreg.gather [hbm4b:s11+s1], $0x80, v4, vm0, $0xb8;
	[tilespmem:$0x18200] =	vst v63  }
0x2f: {  	s15 =	simm.s32 $0x1A00  }
0x30: {  	[tilespmem:s15], [sflag:$0x1] =	stream.indirect_vreg.gather [hbm4b:s12+s1], $0x80, v4, vm0, $0xb8;
	[tilespmem:$0x18200] =	vst v63  }
0x31: {  	s16 =	simm.s32 $0x2200  }
0x32: {  	[tilespmem:s16], [sflag:$0x1] =	stream.indirect_vreg.gather [hbm4b:s5+s1], $0x80, v3, vm0, $0xb8;
	[tilespmem:$0x18200] =	vst v63  }
0x33: {  	s17 =	simm.s32 $0x2A00  }
0x34: {  	[tilespmem:s17], [sflag:$0x1] =	stream.indirect_vreg.gather [hbm4b:s10+s1], $0x80, v3, vm0, $0xb8;
	[tilespmem:$0x18200] =	vst v63  }
0x35: {  	s2 =	simm.s32 $0x3200  }
0x36: {  	[tilespmem:s2], [sflag:$0x1] =	stream.indirect_vreg.gather [hbm4b:s11+s1], $0x80, v3, vm0, $0xb8;
	[tilespmem:$0x18200] =	vst v63  }
0x37: {  	s6 =	simm.s32 $0x3A00  }
0x38: {  	[tilespmem:s6], [sflag:$0x1] =	stream.indirect_vreg.gather [hbm4b:s12+s1], $0x80, v3, vm0, $0xb8;
	[tilespmem:$0x18200] =	vst v63  }
0x39: {  	v3 =	vld [tilespmem:s31+$0x10];
	_ =	sdelay $0x4  }
0x3a: {  	v61 =	vshll.u32 v3, $0x3  }
0x3b: {  	v3 =	vand.u32 $0x7, v3;
	v4 =	vand.u32 $0xFFFFFFC0, v61  }
0x3c: {  	v3 =	vor.u32 v3, v4  }
0x3d: {  	v4 =	vperm.xlane v3, v0;
	_ =	sdelay $0x1  }
0x3e: {  	v4 =	vadd.s32 v1, v4;
	_ =	sdelay $0x3  }
0x3f: {  	s7 =	simm.s32 $0x4200  }
0x40: {  	[tilespmem:s7], [sflag:$0x1] =	stream.indirect_vreg.gather [hbm4b:s5+s1], $0x80, v4, vm0, $0xb8;
	[tilespmem:$0x18200] =	vst v63  }
0x41: {  	s8 =	simm.s32 $0x4A00;
	v3 =	vperm.xlane v3, v2  }
0x42: {  	[tilespmem:s8], [sflag:$0x1] =	stream.indirect_vreg.gather [hbm4b:s10+s1], $0x80, v4, vm0, $0xb8;
	[tilespmem:$0x18200] =	vst v63  }
0x43: {  	s9 =	simm.s32 $0x5200;
	v3 =	vadd.s32 v1, v3  }
0x44: {  	[tilespmem:s9], [sflag:$0x1] =	stream.indirect_vreg.gather [hbm4b:s11+s1], $0x80, v4, vm0, $0xb8;
	[tilespmem:$0x18200] =	vst v63  }
0x45: {  	s13 =	simm.s32 $0x5A00  }
0x46: {  	[tilespmem:s13], [sflag:$0x1] =	stream.indirect_vreg.gather [hbm4b:s12+s1], $0x80, v4, vm0, $0xb8;
	[tilespmem:$0x18200] =	vst v63  }
0x47: {  	s15 =	simm.s32 $0x6200  }
0x48: {  	[tilespmem:s15], [sflag:$0x1] =	stream.indirect_vreg.gather [hbm4b:s5+s1], $0x80, v3, vm0, $0xb8;
	[tilespmem:$0x18200] =	vst v63  }
0x49: {  	s16 =	simm.s32 $0x6A00  }
0x4a: {  	[tilespmem:s16], [sflag:$0x1] =	stream.indirect_vreg.gather [hbm4b:s10+s1], $0x80, v3, vm0, $0xb8;
	[tilespmem:$0x18200] =	vst v63  }
0x4b: {  	s17 =	simm.s32 $0x7200  }
0x4c: {  	[tilespmem:s17], [sflag:$0x1] =	stream.indirect_vreg.gather [hbm4b:s11+s1], $0x80, v3, vm0, $0xb8;
	[tilespmem:$0x18200] =	vst v63  }
0x4d: {  	s2 =	simm.s32 $0x7A00  }
0x4e: {  	[tilespmem:s2], [sflag:$0x1] =	stream.indirect_vreg.gather [hbm4b:s12+s1], $0x80, v3, vm0, $0xb8;
	[tilespmem:$0x18200] =	vst v63  }
0x4f: {  	v3 =	vld [tilespmem:s31+$0x80];
	_ =	sdelay $0x4  }
0x50: {  	v62 =	vshll.u32 v3, $0x3  }
0x51: {  	v3 =	vand.u32 $0x7, v3;
	v4 =	vand.u32 $0xFFFFFFC0, v62  }
0x52: {  	v3 =	vor.u32 v3, v4  }
0x53: {  	v4 =	vperm.xlane v3, v0;
	_ =	sdelay $0x1  }
0x54: {  	v4 =	vadd.s32 v1, v4;
	_ =	sdelay $0x3  }
0x55: {  	s6 =	simm.s32 $0x8200  }
0x56: {  	[tilespmem:s6], [sflag:$0x2] =	stream.indirect_vreg.gather [hbm4b:s5+s1], $0x80, v4, vm0, $0xb8;
	[tilespmem:$0x18200] =	vst v63  }
0x57: {  	s7 =	simm.s32 $0x8A00;
	v3 =	vperm.xlane v3, v2  }
0x58: {  	[tilespmem:s7], [sflag:$0x2] =	stream.indirect_vreg.gather [hbm4b:s10+s1], $0x80, v4, vm0, $0xb8;
	[tilespmem:$0x18200] =	vst v63  }
0x59: {  	s8 =	simm.s32 $0x9200;
	v3 =	vadd.s32 v1, v3  }
0x5a: {  	[tilespmem:s8], [sflag:$0x2] =	stream.indirect_vreg.gather [hbm4b:s11+s1], $0x80, v4, vm0, $0xb8;
	[tilespmem:$0x18200] =	vst v63  }
0x5b: {  	s9 =	simm.s32 $0x9A00  }
0x5c: {  	[tilespmem:s9], [sflag:$0x2] =	stream.indirect_vreg.gather [hbm4b:s12+s1], $0x80, v4, vm0, $0xb8;
	[tilespmem:$0x18200] =	vst v63  }
0x5d: {  	s13 =	simm.s32 $0xA200  }
0x5e: {  	[tilespmem:s13], [sflag:$0x2] =	stream.indirect_vreg.gather [hbm4b:s5+s1], $0x80, v3, vm0, $0xb8;
	[tilespmem:$0x18200] =	vst v63  }
0x5f: {  	s15 =	simm.s32 $0xAA00  }
0x60: {  	[tilespmem:s15], [sflag:$0x2] =	stream.indirect_vreg.gather [hbm4b:s10+s1], $0x80, v3, vm0, $0xb8;
	[tilespmem:$0x18200] =	vst v63  }
0x61: {  	s16 =	simm.s32 $0xB200  }
0x62: {  	[tilespmem:s16], [sflag:$0x2] =	stream.indirect_vreg.gather [hbm4b:s11+s1], $0x80, v3, vm0, $0xb8;
	[tilespmem:$0x18200] =	vst v63  }
0x63: {  	s17 =	simm.s32 $0xBA00  }
0x64: {  	[tilespmem:s17], [sflag:$0x2] =	stream.indirect_vreg.gather [hbm4b:s12+s1], $0x80, v3, vm0, $0xb8;
	[tilespmem:$0x18200] =	vst v63  }
0x65: {  	v3 =	vld [tilespmem:s31+$0x90];
	_ =	sdelay $0x4  }
0x66: {  	v63 =	vshll.u32 v3, $0x3  }
0x67: {  	v3 =	vand.u32 $0x7, v3;
	v4 =	vand.u32 $0xFFFFFFC0, v63  }
0x68: {  	v3 =	vor.u32 v3, v4  }
0x69: {  	v4 =	vperm.xlane v3, v0;
	_ =	sdelay $0x1  }
0x6a: {  	v4 =	vadd.s32 v1, v4;
	_ =	sdelay $0x4  }
0x6b: {  	[tilespmem:s18], [sflag:$0x2] =	stream.indirect_vreg.gather [hbm4b:s5+s1], $0x80, v4, vm0, $0xb8;
	[tilespmem:$0x18200] =	vst v63  }
0x6c: {  	v3 =	vperm.xlane v3, v2  }
0x6d: {  	[tilespmem:s19], [sflag:$0x2] =	stream.indirect_vreg.gather [hbm4b:s10+s1], $0x80, v4, vm0, $0xb8;
	[tilespmem:$0x18200] =	vst v63  }
0x6e: {  	v3 =	vadd.s32 v1, v3  }
0x6f: {  	[tilespmem:s20], [sflag:$0x2] =	stream.indirect_vreg.gather [hbm4b:s11+s1], $0x80, v4, vm0, $0xb8;
	[tilespmem:$0x18200] =	vst v63  }
0x70: {  	_ = 	snop  }
0x71: {  	[tilespmem:s21], [sflag:$0x2] =	stream.indirect_vreg.gather [hbm4b:s12+s1], $0x80, v4, vm0, $0xb8;
	[tilespmem:$0x18200] =	vst v63  }
0x72: {  	_ = 	snop  }
0x73: {  	[tilespmem:s22], [sflag:$0x2] =	stream.indirect_vreg.gather [hbm4b:s5+s1], $0x80, v3, vm0, $0xb8;
	[tilespmem:$0x18200] =	vst v63  }
0x74: {  	_ = 	snop  }
0x75: {  	[tilespmem:s23], [sflag:$0x2] =	stream.indirect_vreg.gather [hbm4b:s10+s1], $0x80, v3, vm0, $0xb8;
	[tilespmem:$0x18200] =	vst v63  }
0x76: {  	_ = 	snop  }
0x77: {  	[tilespmem:s24], [sflag:$0x2] =	stream.indirect_vreg.gather [hbm4b:s11+s1], $0x80, v3, vm0, $0xb8;
	[tilespmem:$0x18200] =	vst v63  }
0x78: {  	_ = 	snop  }
0x79: {  	[tilespmem:s25], [sflag:$0x2] =	stream.indirect_vreg.gather [hbm4b:s12+s1], $0x80, v3, vm0, $0xb8;
	[tilespmem:$0x18200] =	vst v63  }
0x7a: {  	_ =	swait.ge [sflag:s26], $0x8000  }
0x7b: {  	[sflag:s26] =	ssyncset.done $0x0  }
0x7c: {  	[sflag:s26] =	ssyncadd.s32 $0xFFFF8000  }
0x7d: {  	_ =	swait.ge [sflag:s28], $0x8000  }
0x7e: {  	[sflag:s28] =	ssyncset.done $0x0  }
0x7f: {  	s0 =	simm.s32 $0x0;
	s15 =	simm.s32 $0x0;
	[sflag:s28] =	ssyncadd.s32 $0xFFFF8000  }
.LBB2_3:
0x80: {  	s17 =	sand.u32 $0x10, s1  }
0x81: {  	s6 =	sand.u32 $0x3, s15;
	s8 =	sshll.u32 s1, $0xA;
	s7 =	sor.u32 s31, s17  }
0x82: {  	s13 =	sshll.u32 s6, $0x8;
	s16 =	sand.u32 $0x6000, s8;
	v3 =	vld [tilespmem:s7+$0x100]  }
0x83: {  	v4 =	vld [tilespmem:s7+$0x180];
	s8 =	sor.u32 s16, s13  }
0x84: {  	v5 =	vld [tilespmem:s8+$0x670]  }
0x85: {  	v6 =	vld [tilespmem:s8+$0x8670]  }
0x86: {  	s2 =	sand.u32 $0xE, s1;
	v7 =	vld [tilespmem:s8+$0x200]  }
0x87: {  	v9 =	vmov s2;
	v8 =	vld [tilespmem:s8+$0x8200]  }
0x88: {  	v10 =	vld [tilespmem:s8+$0x210];
	v3 =	vperm.xlane v3, v9;
	v4 =	vperm.xlane v4, v9  }
0x89: {  	v9 =	vld [tilespmem:s8+$0x8210]  }
0x8a: {  	v11 =	vld [tilespmem:s8+$0x220];
	v5 =	vmul.f32 v5, v3;
	v6 =	vmul.f32 v6, v4  }
0x8b: {  	v12 =	vld [tilespmem:s8+$0x8220]  }
0x8c: {  	v13 =	vld [tilespmem:s8+$0x230];
	v7 =	vmul.f32 v7, v3;
	v8 =	vmul.f32 v8, v4;
	v5 =	vadd.f32 v6, v5  }
0x8d: {  	v6 =	vld [tilespmem:s8+$0x8230]  }
0x8e: {  	v14 =	vld [tilespmem:s8+$0x240];
	v7 =	vadd.f32 v8, v7;
	v8 =	vmul.f32 v9, v4;
	[tilespmem:s8+$0x10670] =	vst v5;
	v5 =	vmul.f32 v10, v3  }
0x8f: {  	v9 =	vld [tilespmem:s8+$0x8240]  }
0x90: {  	[tilespmem:s8+$0x10200] =	vst v7;
	v7 =	vld [tilespmem:s8+$0x250];
	v10 =	vmul.f32 v12, v4;
	v5 =	vadd.f32 v8, v5;
	v8 =	vmul.f32 v11, v3  }
0x91: {  	v11 =	vld [tilespmem:s8+$0x8250]  }
0x92: {  	v12 =	vld [tilespmem:s8+$0x8260];
	v6 =	vmul.f32 v6, v4;
	[tilespmem:s8+$0x10210] =	vst v5;
	v5 =	vadd.f32 v10, v8;
	v10 =	vmul.f32 v13, v3  }
0x93: {  	v8 =	vld [tilespmem:s8+$0x260]  }
0x94: {  	v9 =	vmul.f32 v9, v4;
	v13 =	vld [tilespmem:s8+$0x8270];
	[tilespmem:s8+$0x10220] =	vst v5;
	v5 =	vadd.f32 v6, v10;
	v10 =	vmul.f32 v14, v3  }
0x95: {  	v6 =	vld [tilespmem:s8+$0x270]  }
0x96: {  	v7 =	vmul.f32 v7, v3;
	[tilespmem:s8+$0x10230] =	vst v5;
	v5 =	vadd.f32 v9, v10;
	v9 =	vld [tilespmem:s8+$0x600];
	v10 =	vmul.f32 v11, v4  }
0x97: {  	v11 =	vld [tilespmem:s8+$0x8600]  }
0x98: {  	v8 =	vmul.f32 v8, v3;
	[tilespmem:s8+$0x10240] =	vst v5;
	v5 =	vadd.f32 v10, v7;
	v7 =	vld [tilespmem:s8+$0x610];
	v10 =	vmul.f32 v12, v4  }
0x99: {  	v12 =	vld [tilespmem:s8+$0x8610]  }
0x9a: {  	v6 =	vmul.f32 v6, v3;
	[tilespmem:s8+$0x10250] =	vst v5;
	v5 =	vadd.f32 v10, v8;
	v8 =	vld [tilespmem:s8+$0x620];
	v10 =	vmul.f32 v13, v4  }
0x9b: {  	v13 =	vld [tilespmem:s8+$0x8620]  }
0x9c: {  	v14 =	vld [tilespmem:s8+$0x8630];
	[tilespmem:s8+$0x10260] =	vst v5;
	v5 =	vadd.f32 v10, v6;
	v6 =	vmul.f32 v9, v3;
	v9 =	vmul.f32 v11, v4  }
0x9d: {  	v10 =	vld [tilespmem:s8+$0x630]  }
0x9e: {  	v7 =	vmul.f32 v7, v3;
	v11 =	vmul.f32 v12, v4;
	v9 =	vadd.f32 v9, v6;
	v6 =	vld [tilespmem:s8+$0x640]  }
0x9f: {  	[tilespmem:s8+$0x10270] =	vst v5;
	v5 =	vld [tilespmem:s8+$0x8640]  }
0xa0: {  	s9 =	sand.u32 $0x7, s0;
	v12 =	vmul.f32 v13, v4;
	[tilespmem:s8+$0x10600] =	vst v9;
	v9 =	vadd.f32 v11, v7;
	v7 =	vld [tilespmem:s8+$0x650];
	v11 =	vmul.f32 v8, v3  }
0xa1: {  	s6 =	sshll.u32 s9, $0x7;
	v8 =	vld [tilespmem:s8+$0x8650]  }
0xa2: {  	s9 =	simm.s32 $0x0;
	s6 =	sadd.s32 $0x80, s6;
	s13 =	sadd.s32 $0x800, s13;
	v10 =	vmul.f32 v10, v3;
	[tilespmem:s8+$0x10610] =	vst v9;
	v11 =	vadd.f32 v12, v11;
	v12 =	vmul.f32 v14, v4;
	v9 =	vld [tilespmem:s8+$0x660]  }
.LBB2_4:
0xa3: {  	s2 =	sor.u32 s16, s13;
	v6 =	vmul.f32 v6, v3;
	v13 =	vld [tilespmem:s8+$0x8660]  }
0xa4: {  	s9 =	sadd.s32 $0x10, s9;
	v14 =	vld [tilespmem:s2+$0x670];
	[tilespmem:s8+$0x10620] =	vst v11;
	v10 =	vadd.f32 v12, v10;
	v5 =	vmul.f32 v5, v4  }
0xa5: {  	p0 =	slt.u32 s9, $0x30;
	v11 =	vld [tilespmem:s2+$0x8670];
	v7 =	vmul.f32 v7, v3  }
0xa6: {  	v12 =	vld [tilespmem:s2+$0x200];
	[tilespmem:s8+$0x10630] =	vst v10;
	v5 =	vadd.f32 v5, v6;
	v6 =	vmul.f32 v8, v4  }
0xa7: {  	v8 =	vld [tilespmem:s2+$0x8200];
	v9 =	vmul.f32 v9, v3  }
0xa8: {  	v10 =	vld [tilespmem:s2+$0x210];
	[tilespmem:s8+$0x10640] =	vst v5;
	v5 =	vadd.f32 v6, v7;
	v6 =	vmul.f32 v13, v4  }
0xa9: {  	v7 =	vld [tilespmem:s2+$0x8210]  }
0xaa: {  	v14 =	vmul.f32 v14, v3;
	v13 =	vld [tilespmem:s2+$0x220];
	v11 =	vmul.f32 v11, v4;
	[tilespmem:s8+$0x10650] =	vst v5;
	v5 =	vadd.f32 v6, v9  }
0xab: {  	v6 =	vmul.f32 v12, v3;
	v9 =	vld [tilespmem:s2+$0x8220]  }
0xac: {  	v8 =	vmul.f32 v8, v4;
	v12 =	vld [tilespmem:s2+$0x230];
	v11 =	vadd.f32 v11, v14;
	[tilespmem:s8+$0x10660] =	vst v5;
	s8 =	smov.u32 s2  }
0xad: {  	v5 =	vmul.f32 v10, v3;
	v10 =	vld [tilespmem:s8+$0x8230]  }
0xae: {  	v6 =	vadd.f32 v8, v6;
	v7 =	vmul.f32 v7, v4;
	v8 =	vld [tilespmem:s8+$0x240];
	[tilespmem:s8+$0x10670] =	vst v11  }
0xaf: {  	v11 =	vmul.f32 v13, v3;
	v13 =	vld [tilespmem:s8+$0x8240]  }
0xb0: {  	[tilespmem:s8+$0x10200] =	vst v6;
	v5 =	vadd.f32 v7, v5;
	v6 =	vmul.f32 v9, v4;
	v7 =	vld [tilespmem:s8+$0x250]  }
0xb1: {  	v9 =	vmul.f32 v12, v3;
	v12 =	vld [tilespmem:s8+$0x8250]  }
0xb2: {  	[tilespmem:s8+$0x10210] =	vst v5;
	v5 =	vadd.f32 v6, v11;
	v6 =	vmul.f32 v10, v4;
	v10 =	vld [tilespmem:s8+$0x260]  }
0xb3: {  	v8 =	vmul.f32 v8, v3;
	v11 =	vld [tilespmem:s8+$0x8260]  }
0xb4: {  	[tilespmem:s8+$0x10220] =	vst v5;
	v5 =	vadd.f32 v6, v9;
	v6 =	vmul.f32 v13, v4;
	v9 =	vld [tilespmem:s8+$0x270]  }
0xb5: {  	v7 =	vmul.f32 v7, v3;
	v13 =	vld [tilespmem:s8+$0x8270]  }
0xb6: {  	[tilespmem:s8+$0x10230] =	vst v5;
	v5 =	vadd.f32 v6, v8;
	v6 =	vmul.f32 v12, v4;
	v8 =	vld [tilespmem:s8+$0x600]  }
0xb7: {  	v10 =	vmul.f32 v10, v3;
	v12 =	vld [tilespmem:s8+$0x8600]  }
0xb8: {  	[tilespmem:s8+$0x10240] =	vst v5;
	v5 =	vadd.f32 v6, v7;
	v6 =	vmul.f32 v11, v4;
	v7 =	vld [tilespmem:s8+$0x610]  }
0xb9: {  	v9 =	vmul.f32 v9, v3;
	v11 =	vld [tilespmem:s8+$0x8610]  }
0xba: {  	[tilespmem:s8+$0x10250] =	vst v5;
	v5 =	vadd.f32 v6, v10;
	v6 =	vmul.f32 v13, v4;
	v10 =	vld [tilespmem:s8+$0x620]  }
0xbb: {  	v8 =	vmul.f32 v8, v3;
	v13 =	vld [tilespmem:s8+$0x8620]  }
0xbc: {  	[tilespmem:s8+$0x10260] =	vst v5;
	v5 =	vadd.f32 v6, v9;
	v6 =	vmul.f32 v12, v4;
	v9 =	vld [tilespmem:s8+$0x630]  }
0xbd: {  	v7 =	vmul.f32 v7, v3;
	v12 =	vld [tilespmem:s8+$0x8630]  }
.Ltmp0:
0xbe: {  	[tilespmem:s8+$0x10270] =	vst v5;
	v8 =	vadd.f32 v6, v8;
	v11 =	vmul.f32 v11, v4;
	v6 =	vld [tilespmem:s8+$0x640];
	(pc) =	sbr.rel @p0 .LBB2_4-.Ltmp0, $4  }
0xbf: {  	v14 =	vmul.f32 v10, v3;
	v5 =	vld [tilespmem:s8+$0x8640]  }
0xc0: {  	[tilespmem:s8+$0x10600] =	vst v8;
	v11 =	vadd.f32 v11, v7;
	v13 =	vmul.f32 v13, v4;
	v7 =	vld [tilespmem:s8+$0x650]  }
0xc1: {  	v10 =	vmul.f32 v9, v3;
	v8 =	vld [tilespmem:s8+$0x8650]  }
0xc2: {  	s13 =	sadd.s32 $0x800, s13;
	[tilespmem:s8+$0x10610] =	vst v11;
	v11 =	vadd.f32 v13, v14;
	v12 =	vmul.f32 v12, v4;
	v9 =	vld [tilespmem:s8+$0x660]  }
0xc3: {  	v13 =	vld [tilespmem:s8+$0x8660];
	_ =	sdelay $0x2  }
0xc4: {  	v6 =	vmul.f32 v6, v3;
	v5 =	vmul.f32 v5, v4  }
0xc5: {  	v10 =	vadd.f32 v12, v10;
	v7 =	vmul.f32 v7, v3;
	v8 =	vmul.f32 v8, v4  }
0xc6: {  	[tilespmem:s8+$0x10620] =	vst v11;
	v5 =	vadd.f32 v5, v6;
	v3 =	vmul.f32 v9, v3;
	v4 =	vmul.f32 v13, v4  }
0xc7: {  	[tilespmem:s8+$0x10630] =	vst v10;
	v6 =	vadd.f32 v8, v7  }
0xc8: {  	[tilespmem:s8+$0x10640] =	vst v5;
	v3 =	vadd.f32 v4, v3  }
0xc9: {  	[tilespmem:s8+$0x10650] =	vst v6  }
0xca: {  	[tilespmem:s8+$0x10660] =	vst v3  }
0xcb: {  	s2 =	sor.u32 $0x1, s1;
	v3 =	vld [tilespmem:s7+$0x100]  }
0xcc: {  	s2 =	ssub.s32 s2, s17;
	v4 =	vld [tilespmem:s7+$0x180];
	s7 =	sor.u32 s16, s6  }
0xcd: {  	v6 =	vmov s2;
	v5 =	vld [tilespmem:s7+$0x670]  }
0xce: {  	v6 =	vand.u32 $0xF, v6;
	v7 =	vld [tilespmem:s7+$0x8670]  }
0xcf: {  	v6 =	vbroadcast v6, $0x0;
	v8 =	vld [tilespmem:s7+$0x200]  }
0xd0: {  	v9 =	vld [tilespmem:s7+$0x8200]  }
0xd1: {  	v10 =	vld [tilespmem:s7+$0x210];
	v3 =	vperm.xlane v3, v6;
	v4 =	vperm.xlane v4, v6  }
0xd2: {  	v6 =	vld [tilespmem:s7+$0x8210]  }
0xd3: {  	v11 =	vld [tilespmem:s7+$0x220];
	v5 =	vmul.f32 v5, v3;
	v7 =	vmul.f32 v7, v4  }
0xd4: {  	v12 =	vld [tilespmem:s7+$0x8220]  }
0xd5: {  	v13 =	vld [tilespmem:s7+$0x230];
	v8 =	vmul.f32 v8, v3;
	v9 =	vmul.f32 v9, v4;
	v5 =	vadd.f32 v7, v5  }
0xd6: {  	v7 =	vld [tilespmem:s7+$0x8230]  }
0xd7: {  	v14 =	vld [tilespmem:s7+$0x240];
	v8 =	vadd.f32 v9, v8;
	v6 =	vmul.f32 v6, v4;
	[tilespmem:s7+$0x10670] =	vst v5;
	v5 =	vmul.f32 v10, v3  }
0xd8: {  	v9 =	vld [tilespmem:s7+$0x8240]  }
0xd9: {  	[tilespmem:s7+$0x10200] =	vst v8;
	v8 =	vmul.f32 v11, v3;
	v10 =	vmul.f32 v12, v4;
	v11 =	vld [tilespmem:s7+$0x8250];
	v5 =	vadd.f32 v6, v5  }
0xda: {  	v6 =	vld [tilespmem:s7+$0x250]  }
0xdb: {  	v12 =	vld [tilespmem:s7+$0x8260];
	v7 =	vmul.f32 v7, v4;
	[tilespmem:s7+$0x10210] =	vst v5;
	v5 =	vadd.f32 v10, v8;
	v10 =	vmul.f32 v13, v3  }
0xdc: {  	v8 =	vld [tilespmem:s7+$0x260]  }
0xdd: {  	v9 =	vmul.f32 v9, v4;
	v13 =	vld [tilespmem:s7+$0x8270];
	[tilespmem:s7+$0x10220] =	vst v5;
	v5 =	vadd.f32 v7, v10;
	v10 =	vmul.f32 v14, v3  }
0xde: {  	v7 =	vld [tilespmem:s7+$0x270]  }
0xdf: {  	v6 =	vmul.f32 v6, v3;
	[tilespmem:s7+$0x10230] =	vst v5;
	v5 =	vadd.f32 v9, v10;
	v9 =	vld [tilespmem:s7+$0x600];
	v10 =	vmul.f32 v11, v4  }
0xe0: {  	v11 =	vld [tilespmem:s7+$0x8600]  }
0xe1: {  	[tilespmem:s7+$0x10240] =	vst v5;
	v5 =	vadd.f32 v10, v6;
	v10 =	vld [tilespmem:s7+$0x610];
	v6 =	vmul.f32 v8, v3;
	v8 =	vmul.f32 v12, v4  }
0xe2: {  	v12 =	vld [tilespmem:s7+$0x8610]  }
0xe3: {  	[tilespmem:s7+$0x10250] =	vst v5;
	v5 =	vadd.f32 v8, v6;
	v8 =	vld [tilespmem:s7+$0x620];
	v6 =	vmul.f32 v7, v3;
	v7 =	vmul.f32 v13, v4  }
0xe4: {  	v13 =	vld [tilespmem:s7+$0x8620]  }
0xe5: {  	v14 =	vld [tilespmem:s7+$0x630];
	[tilespmem:s7+$0x10260] =	vst v5;
	v5 =	vadd.f32 v7, v6;
	v6 =	vmul.f32 v9, v3;
	v7 =	vmul.f32 v11, v4  }
0xe6: {  	v9 =	vld [tilespmem:s7+$0x8630]  }
0xe7: {  	v10 =	vmul.f32 v10, v3;
	v11 =	vmul.f32 v12, v4;
	v7 =	vadd.f32 v7, v6;
	v6 =	vld [tilespmem:s7+$0x640]  }
0xe8: {  	[tilespmem:s7+$0x10270] =	vst v5;
	v5 =	vld [tilespmem:s7+$0x8640]  }
0xe9: {  	v10 =	vadd.f32 v11, v10;
	v11 =	vmul.f32 v8, v3;
	v12 =	vmul.f32 v13, v4;
	[tilespmem:s7+$0x10600] =	vst v7;
	v7 =	vld [tilespmem:s7+$0x650]  }
0xea: {  	v8 =	vld [tilespmem:s7+$0x8650]  }
0xeb: {  	s8 =	simm.s32 $0x0;
	s6 =	sadd.s32 $0x800, s6;
	[tilespmem:s7+$0x10610] =	vst v10;
	v10 =	vmul.f32 v14, v3;
	v11 =	vadd.f32 v12, v11;
	v12 =	vmul.f32 v9, v4;
	v9 =	vld [tilespmem:s7+$0x660]  }
.LBB2_6:
0xec: {  	s2 =	sor.u32 s16, s6;
	v6 =	vmul.f32 v6, v3;
	v13 =	vld [tilespmem:s7+$0x8660]  }
0xed: {  	s8 =	sadd.s32 $0x10, s8;
	v14 =	vld [tilespmem:s2+$0x670];
	[tilespmem:s7+$0x10620] =	vst v11;
	v10 =	vadd.f32 v12, v10;
	v5 =	vmul.f32 v5, v4  }
0xee: {  	p0 =	slt.u32 s8, $0x30;
	v11 =	vld [tilespmem:s2+$0x8670];
	v7 =	vmul.f32 v7, v3  }
0xef: {  	v12 =	vld [tilespmem:s2+$0x200];
	[tilespmem:s7+$0x10630] =	vst v10;
	v5 =	vadd.f32 v5, v6;
	v6 =	vmul.f32 v8, v4  }
0xf0: {  	v8 =	vld [tilespmem:s2+$0x8200];
	v9 =	vmul.f32 v9, v3  }
0xf1: {  	v10 =	vld [tilespmem:s2+$0x210];
	[tilespmem:s7+$0x10640] =	vst v5;
	v5 =	vadd.f32 v6, v7;
	v6 =	vmul.f32 v13, v4  }
0xf2: {  	v7 =	vld [tilespmem:s2+$0x8210]  }
0xf3: {  	v14 =	vmul.f32 v14, v3;
	v13 =	vld [tilespmem:s2+$0x220];
	v11 =	vmul.f32 v11, v4;
	[tilespmem:s7+$0x10650] =	vst v5;
	v5 =	vadd.f32 v6, v9  }
0xf4: {  	v6 =	vmul.f32 v12, v3;
	v9 =	vld [tilespmem:s2+$0x8220]  }
0xf5: {  	v8 =	vmul.f32 v8, v4;
	v12 =	vld [tilespmem:s2+$0x230];
	v11 =	vadd.f32 v11, v14;
	[tilespmem:s7+$0x10660] =	vst v5;
	s7 =	smov.u32 s2  }
0xf6: {  	v5 =	vmul.f32 v10, v3;
	v10 =	vld [tilespmem:s7+$0x8230]  }
0xf7: {  	v6 =	vadd.f32 v8, v6;
	v7 =	vmul.f32 v7, v4;
	v8 =	vld [tilespmem:s7+$0x240];
	[tilespmem:s7+$0x10670] =	vst v11  }
0xf8: {  	v11 =	vmul.f32 v13, v3;
	v13 =	vld [tilespmem:s7+$0x8240]  }
0xf9: {  	[tilespmem:s7+$0x10200] =	vst v6;
	v5 =	vadd.f32 v7, v5;
	v6 =	vmul.f32 v9, v4;
	v7 =	vld [tilespmem:s7+$0x250]  }
0xfa: {  	v9 =	vmul.f32 v12, v3;
	v12 =	vld [tilespmem:s7+$0x8250]  }
0xfb: {  	[tilespmem:s7+$0x10210] =	vst v5;
	v5 =	vadd.f32 v6, v11;
	v6 =	vmul.f32 v10, v4;
	v10 =	vld [tilespmem:s7+$0x260]  }
0xfc: {  	v8 =	vmul.f32 v8, v3;
	v11 =	vld [tilespmem:s7+$0x8260]  }
0xfd: {  	[tilespmem:s7+$0x10220] =	vst v5;
	v5 =	vadd.f32 v6, v9;
	v6 =	vmul.f32 v13, v4;
	v9 =	vld [tilespmem:s7+$0x270]  }
0xfe: {  	v7 =	vmul.f32 v7, v3;
	v13 =	vld [tilespmem:s7+$0x8270]  }
0xff: {  	[tilespmem:s7+$0x10230] =	vst v5;
	v5 =	vadd.f32 v6, v8;
	v6 =	vmul.f32 v12, v4;
	v8 =	vld [tilespmem:s7+$0x600]  }
0x100: {  	v10 =	vmul.f32 v10, v3;
	v12 =	vld [tilespmem:s7+$0x8600]  }
0x101: {  	[tilespmem:s7+$0x10240] =	vst v5;
	v5 =	vadd.f32 v6, v7;
	v6 =	vmul.f32 v11, v4;
	v7 =	vld [tilespmem:s7+$0x610]  }
0x102: {  	v9 =	vmul.f32 v9, v3;
	v11 =	vld [tilespmem:s7+$0x8610]  }
0x103: {  	[tilespmem:s7+$0x10250] =	vst v5;
	v5 =	vadd.f32 v6, v10;
	v6 =	vmul.f32 v13, v4;
	v10 =	vld [tilespmem:s7+$0x620]  }
0x104: {  	v8 =	vmul.f32 v8, v3;
	v13 =	vld [tilespmem:s7+$0x8620]  }
0x105: {  	[tilespmem:s7+$0x10260] =	vst v5;
	v5 =	vadd.f32 v6, v9;
	v6 =	vmul.f32 v12, v4;
	v9 =	vld [tilespmem:s7+$0x630]  }
0x106: {  	v7 =	vmul.f32 v7, v3;
	v12 =	vld [tilespmem:s7+$0x8630]  }
.Ltmp1:
0x107: {  	[tilespmem:s7+$0x10270] =	vst v5;
	v8 =	vadd.f32 v6, v8;
	v11 =	vmul.f32 v11, v4;
	v6 =	vld [tilespmem:s7+$0x640];
	(pc) =	sbr.rel @p0 .LBB2_6-.Ltmp1, $4  }
0x108: {  	v14 =	vmul.f32 v10, v3;
	v5 =	vld [tilespmem:s7+$0x8640]  }
0x109: {  	[tilespmem:s7+$0x10600] =	vst v8;
	v11 =	vadd.f32 v11, v7;
	v13 =	vmul.f32 v13, v4;
	v7 =	vld [tilespmem:s7+$0x650]  }
0x10a: {  	v10 =	vmul.f32 v9, v3;
	v8 =	vld [tilespmem:s7+$0x8650]  }
0x10b: {  	s6 =	sadd.s32 $0x800, s6;
	[tilespmem:s7+$0x10610] =	vst v11;
	v11 =	vadd.f32 v13, v14;
	v12 =	vmul.f32 v12, v4;
	v9 =	vld [tilespmem:s7+$0x660]  }
0x10c: {  	v13 =	vld [tilespmem:s7+$0x8660];
	_ =	sdelay $0x2  }
0x10d: {  	v6 =	vmul.f32 v6, v3;
	v5 =	vmul.f32 v5, v4  }
0x10e: {  	p0 =	slt.u32 s1, $0x1E;
	v10 =	vadd.f32 v12, v10;
	v7 =	vmul.f32 v7, v3;
	v8 =	vmul.f32 v8, v4  }
.Ltmp2:
0x10f: {  	[tilespmem:s7+$0x10620] =	vst v11;
	v5 =	vadd.f32 v5, v6;
	v3 =	vmul.f32 v9, v3;
	v62 =	vmul.f32 v13, v4;
	(pc) =	sbr.rel @p0 .LBB2_3-.Ltmp2, $4  }
0x110: {  	[tilespmem:s7+$0x10630] =	vst v10;
	v63 =	vadd.f32 v8, v7  }
0x111: {  	[tilespmem:s7+$0x10640] =	vst v5;
	v3 =	vadd.f32 v62, v3  }
0x112: {  	[tilespmem:s7+$0x10650] =	vst v63  }
0x113: {  	s1 =	sadd.s32 $0x2, s1;
	s15 =	sadd.s32 $0x1, s15;
	s0 =	sadd.s32 $0x2, s0;
	[tilespmem:s7+$0x10660] =	vst v3  }
0x114: {  	s0 =	sadd.s32 s4, s31;
	s30 =	sadd.s32 $0x1, s30  }
0x115: {  	s1 =	rddreg [dreg:$0x1];
	s0 =	sshll.u32 s0, $0x7;
	p0 =	sne.s32 s30, $0x4  }
.Ltmp3:
0x116: {  	s0 =	sadd.s32 s1, s0;
	(pc) =	sbr.rel @p0 .LBB2_2-.Ltmp3, $4  }
0x117: {  	[hbm4b:s0+s3] =	stream.linear.scatter [tilespmem:s29], [sflag:$0x3], $0x8000, $0x38;
	[tilespmem:$0x18200] =	vst v63  }
0x118: {  	_ =	swait.ge [sflag:s14], $0x8000  }
0x119: {  	[sflag:s14] =	ssyncset.done $0x0  }
0x11a: {  	[sflag:s14] =	ssyncadd.s32 $0xFFFF8000  }
0x11b: {  	s1 =	rddreg [dreg:$0x8]  }
0x11c: {  	s0 =	rddreg [dreg:$0x7];
	s1 =	sadd.s32 $0x1, s1  }
0x11d: {  	p0 =	sne.s32 s1, s0  }
.Ltmp4:
0x11e: {  	_ = 	snop;
	(pc) =	sbr.rel @p0 .LBB2_1-.Ltmp4, $1  }
0x11f: {  	_ =	sdelay $0x3  }
0x120: {  	_ =	sfence.sel $0x180000  }
0x121: {  	[bflag:$0x0] =	sbarrier.arrive $0xFFFF  }
0x122: {  	_ =	strace $0x9000004D  }
0x123: {  	s0 =	stileid.u32;
	[bflag:$0x2] =	sbarrier.arrive $0xFFFF  }
0x124: {  	p0 =	sne.s32 s0, $0x0;
	s0 =	rddreg [dreg:$0x2]  }
0x125: {  	s0 =	sadd.s32 @!p0 $0x100000, s0  }
0x126: {  	[sflag:s0] =	ssyncadd.tile.s32 @!p0 $0x1;
	_ =	shalt  }
.Lfunc_end2:
_tile_overlayer_lowered:
.L_overlay_start_2:
0x127: {  	(tag) =	ssettag $0x2  }
0x128: {  	s0 =	rddreg [dreg:$0x0];
	s2 =	stileid.u32  }
0x129: {  	s1 =	rddreg [dreg:$0x1];
	p0 =	sne.s32 s2, $0x0  }
0x12a: {  	s3 =	rddreg [dreg:$0x2];
	[bflag:$0x3] =	sbarrier.arrive $0xFFFF;
	s2 =	simm.s32 @!p0 $0x1C03  }
0x12b: {  	[timem:s3], [sflag:s2] =	dma.local @!p0 [hbm:s0], s1  }
0x12c: {  	s0 =	simm.s32 @!p0 $0x3  }
0x12d: {  	_ =	swait.ge @!p0 [sflag:s0], s1  }
0x12e: {  	s1 =	ssub.s32 @!p0 $0x0, s1;
	[sflag:s0] =	ssyncset.done @!p0 $0x0  }
0x12f: {  	[sflag:s0] =	ssyncadd.s32 @!p0 s1  }
0x130: {  	[bflag:$0x3] =	sbarrier.arrive $0xFFFF  }
0x131: {  	_ =	shalt  }

// kernel: kernel.7.cloned.1.call-start
scs
__scs_entry_jumppad:
0x0: {  	(pc) =	sbr.rel $0x88, $3  }
0x1: {  	(tag) =	ssettag $0x0;
	lr =	simm.s32 $0x1  }
0x2: {  	[smem:$0x3F9D] =	sst lr;
	_ =	strace $0xD0000000  }
0x3: {  	_ = 	snop  }
0x4: {  	_ = 	snop  }
0x5: {  	_ = 	snop  }
0x6: {  	_ = 	snop  }
0x7: {  	_ = 	snop  }
__scs_overlays_trampoline_lowered:
0x8: {  	[smem:$0x3FAC] =	sst s0  }
0x9: {  	[smem:$0x3FAD] =	sst s1  }
0xa: {  	[smem:$0x3FAE] =	sst s2  }
0xb: {  	[smem:$0x3FAF] =	sst s3  }
0xc: {  	[smem:$0x3FB0] =	sst s4  }
0xd: {  	[smem:$0x3FB1] =	sst s5  }
0xe: {  	[smem:$0x3FB2] =	sst s6  }
0xf: {  	[smem:$0x3FB3] =	sst s7  }
0x10: {  	[smem:$0x3FB4] =	sst s8  }
0x11: {  	[smem:$0x3FB5] =	sst s9;
	s0 =	simm.s32 @!p0 $0x0  }
0x12: {  	s1 =	sld [smem:$0x3F9B];
	s0 =	simm.s32 @p0 $0x1  }
0x13: {  	[smem:$0x3FB6] =	sst s0;
	s0 =	simm.s32 @!p1 $0x0  }
0x14: {  	s2 =	sld [smem:$0x3F9A];
	s0 =	simm.s32 @p1 $0x1  }
0x15: {  	[smem:$0x3FB7] =	sst s0;
	s0 =	simm.s32 @!p2 $0x0  }
0x16: {  	s3 =	sld [smem:$0x3FDB];
	s0 =	simm.s32 @p2 $0x1  }
0x17: {  	s4 =	simm.s32 $0x1BF5;
	[smem:$0x3FB9] =	sst s0  }
0x18: {  	s0 =	sld [smem:$0x3F9C];
	_ =	swait.ge [sflag:s4], $0x0  }
0x19: {  	s7 =	sld [smem:$0x3F9D]  }
0x1a: {  	s8 =	sadd.s32 $0xFFFFE003, lr  }
0x1b: {  	s9 =	sadd.s32 $0xFFFFFEF7, lr;
	s5 =	simm.s32 $0xFFFFFFFF;
	p2 =	slt.u32 s8, $0xFFFFF086  }
0x1c: {  	p1 =	slt.u32 s9, $0xF7A;
	s5 =	simm.s32 @!p2 $0x0  }
0x1d: {  	s5 =	simm.s32 @p1 $0x1;
	p0 =	seq.s32 s7, s2  }
0x1e: {  	s7 =	smul.u32 @!p0 $0xF7A, s2;
	p2 =	seq.s32 @!p0 s5, $0x0  }
0x1f: {  	s9 =	smul.u32 $0xF7A, s1;
	s8 =	simm.s32 @!p0 $0x1BF5;
	p2 =	por !p2, p0  }
0x20: {  	[sflag:s8] =	ssyncset.s32 @!p0 $0xFFFFF086;
	s6 =	sadd.s32 @!p0 s3, s7;
	s7 =	simm.s32 @!p0 $0x108  }
0x21: {  	s3 =	sadd.s32 s3, s9;
	s6 =	sadd.s32 @!p0 $0x88, s6;
	s7 =	simm.s32 @p2 $0x1082  }
0x22: {  	[simem:s7], [sflag:s8] =	dma.local @!p0 [hbm:s6], $0xF7A  }
0x23: {  	s9 =	sor.u32 $0xD0000000, s2;
	s6 =	simm.s32 $0x108;
	_ =	swait.ge @!p0 [sflag:s8], $0x0  }
0x24: {  	s3 =	sadd.s32 $0x88, s3;
	s6 =	simm.s32 @!p1 $0x1082;
	[sflag:s4] =	ssyncset.s32 $0xFFFFF086  }
0x25: {  	[simem:s6], [sflag:s4] =	dma.local [hbm:s3], $0xF7A  }
0x26: {  	[smem:$0x3F9D] =	sst s1;
	(tag) =	ssettag s2;
	_ =	strace s9  }
0x27: {  	s1 =	sld [smem:$0x3FAD]  }
0x28: {  	s2 =	sld [smem:$0x3FAE]  }
0x29: {  	s4 =	sld [smem:$0x3FB0]  }
0x2a: {  	p0 =	seq.s32 s5, $0x0;
	s5 =	sld [smem:$0x3FB1]  }
0x2b: {  	s6 =	sld [smem:$0x3FB2]  }
0x2c: {  	s7 =	sld [smem:$0x3FB3]  }
0x2d: {  	s3 =	simm.s32 $0x108;
	s8 =	sld [smem:$0x3FB4]  }
0x2e: {  	s3 =	simm.s32 @!p0 $0x1082;
	s9 =	sld [smem:$0x3FB5]  }
0x2f: {  	lr =	sadd.s32 s0, s3;
	s0 =	sld [smem:$0x3FAC]  }
0x30: {  	s3 =	sld [smem:$0x3FAF]  }
0x31: {  	[smem:$0x3FB8] =	sst s10  }
0x32: {  	s10 =	sld [smem:$0x3FB6];
	_ =	sdelay $0x3  }
0x33: {  	p0 =	seq.s32 s10, $0x1;
	s10 =	sld [smem:$0x3FB8];
	_ =	sdelay $0x3  }
0x34: {  	[smem:$0x3FB8] =	sst s10  }
0x35: {  	s10 =	sld [smem:$0x3FB7];
	_ =	sdelay $0x3  }
0x36: {  	p1 =	seq.s32 s10, $0x1;
	s10 =	sld [smem:$0x3FB8];
	_ =	sdelay $0x3  }
0x37: {  	[smem:$0x3FB8] =	sst s10  }
0x38: {  	s10 =	sld [smem:$0x3FB9]  }
0x39: {  	_ = 	snop;
	(pc) =	sbr.ind lr, $3  }
0x3a: {  	_ = 	snop  }
0x3b: {  	_ = 	snop  }
0x3c: {  	p2 =	seq.s32 s10, $0x1;
	s10 =	sld [smem:$0x3FB8]  }
0x3d: {  	_ =	shalt  }
0x3e: {  	_ =	shalt  }
0x3f: {  	_ =	shalt  }
0x40: {  	_ =	shalt  }
0x41: {  	_ =	shalt  }
0x42: {  	_ =	shalt  }
0x43: {  	_ =	shalt  }
0x44: {  	_ =	shalt  }
0x45: {  	_ =	shalt  }
0x46: {  	_ =	shalt  }
0x47: {  	_ =	shalt  }
0x48: {  	_ =	shalt  }
0x49: {  	_ =	shalt  }
0x4a: {  	_ =	shalt  }
0x4b: {  	_ =	shalt  }
0x4c: {  	_ =	shalt  }
0x4d: {  	_ =	shalt  }
0x4e: {  	_ =	shalt  }
0x4f: {  	_ =	shalt  }
0x50: {  	_ =	shalt  }
0x51: {  	_ =	shalt  }
0x52: {  	_ =	shalt  }
0x53: {  	_ =	shalt  }
0x54: {  	_ =	shalt  }
0x55: {  	_ =	shalt  }
0x56: {  	_ =	shalt  }
0x57: {  	_ =	shalt  }
0x58: {  	_ =	shalt  }
0x59: {  	_ =	shalt  }
0x5a: {  	_ =	shalt  }
0x5b: {  	_ =	shalt  }
0x5c: {  	_ =	shalt  }
0x5d: {  	_ =	shalt  }
0x5e: {  	_ =	shalt  }
0x5f: {  	_ =	shalt  }
0x60: {  	_ =	shalt  }
0x61: {  	_ =	shalt  }
0x62: {  	_ =	shalt  }
0x63: {  	_ =	shalt  }
0x64: {  	_ =	shalt  }
0x65: {  	_ =	shalt  }
0x66: {  	_ =	shalt  }
0x67: {  	_ =	shalt  }
0x68: {  	_ =	shalt  }
0x69: {  	_ =	shalt  }
0x6a: {  	_ =	shalt  }
0x6b: {  	_ =	shalt  }
0x6c: {  	_ =	shalt  }
0x6d: {  	_ =	shalt  }
0x6e: {  	_ =	shalt  }
0x6f: {  	_ =	shalt  }
0x70: {  	_ =	shalt  }
0x71: {  	_ =	shalt  }
0x72: {  	_ =	shalt  }
0x73: {  	_ =	shalt  }
0x74: {  	_ =	shalt  }
0x75: {  	_ =	shalt  }
0x76: {  	_ =	shalt  }
0x77: {  	_ =	shalt  }
0x78: {  	_ =	shalt  }
0x79: {  	_ =	shalt  }
0x7a: {  	_ =	shalt  }
0x7b: {  	_ =	shalt  }
0x7c: {  	_ =	shalt  }
0x7d: {  	_ =	shalt  }
0x7e: {  	_ =	shalt  }
0x7f: {  	_ =	shalt  }
0x80: {  	_ =	shalt  }
0x81: {  	_ =	shalt  }
0x82: {  	_ =	shalt  }
0x83: {  	_ =	shalt  }
0x84: {  	_ =	shalt  }
0x85: {  	_ =	shalt  }
0x86: {  	_ =	shalt  }
0x87: {  	_ =	shalt  }
.Lfunc_end0:
.L_simem_size_0:
called_computation_lowered:
.L_overlay_start_0:
0x88: {  	s2 =	sld [smem:$0x3FD9]  }
0x89: {  	s3 =	sld [smem:$0x3FFE];
	_ =	sdelay $0x1  }
0x8a: {  	s1 =	srdreg.scid  }
0x8b: {  	s0 =	sand.u32 $0x1, s1  }
0x8c: {  	s16 =	sshll.u32 s0, $0xA;
	s2 =	sadd.s32 s3, s2  }
0x8d: {  	s2 =	sadd.s32 s2, s16  }
0x8e: {  	[smem:$0x3FC4] =	sst s2  }
0x8f: {  	_ = 	snop  }
0x90: {  	(tm) =	ssettm $0x1  }
0x91: {  	s17 =	sld [smem:$0x3FFB];
	_ =	sdelay $0x3  }
0x92: {  	_ =	strace s17  }
0x93: {  	s2 =	sld [smem:$0x3FFC];
	_ =	sdelay $0x3  }
0x94: {  	_ =	strace s2  }
0x95: {  	s2 =	sld [smem:$0x3FFD];
	_ =	sdelay $0x3  }
0x96: {  	_ =	strace s2  }
0x97: {  	_ =	strace $0x8FFFFFFF  }
0x98: {  	s18 =	sld [smem:$0x3FDB];
	_ =	sdelay $0x1  }
0x99: {  	s19 =	simm.s32 $_scs_section_size  }
0x9a: {  	s4 =	simm.s32 $_size__tile_overlayer_lowered;
	s5 =	simm.s32 $_tile_overlayer_lowered  }
0x9b: {  	s22 =	simm.s32 $0x1BFF;
	s21 =	sshll.u32 s5, $0x1;
	s2 =	sadd.s32 s19, s18  }
0x9c: {  	s6 =	simm.s32 $0x0;
	s20 =	sshll.u32 s4, $0x1;
	s4 =	sadd.s32 s21, s2  }
0x9d: {  	[timem:s6], [sflag:s22] =	dma.local [hbm:s4], s20  }
0x9e: {  	_ =	swait.ge [sflag:s22], s20  }
0x9f: {  	s3 =	ssub.s32 $0x0, s20;
	[sflag:s22] =	ssyncset.done $0x0  }
0xa0: {  	[sflag:s22] =	ssyncadd.s32 s3;
	_ =	sdelay $0x1  }
0xa1: {  	s23 =	simm.s32 $0x1B8B  }
0xa2: {  	_ =	swait.ge [sflag:s23], $0x1  }
0xa3: {  	[sflag:s23] =	ssyncset.done $0x0  }
0xa4: {  	s25 =	simm.s32 $0x1B8E;
	s24 =	sld [smem:$0x3FFE];
	[sflag:s23] =	ssyncadd.s32 $0xFFFFFFFF  }
0xa5: {  	s26 =	simm.s32 $execute0_lowered;
	[smem:$0x3FD2] =	sst s25  }
0xa6: {  	s4 =	sshll.u32 s26, $0x1;
	_ =	strace $0x80000046;
	[dreg:$0x1] =	wrdreg $0xFFFFFFFF  }
0xa7: {  	s28 =	simm.s32 $_size_execute0_lowered;
	s2 =	sadd.s32 s2, s4;
	[dreg:$0x0] =	wrdreg $0x0  }
0xa8: {  	s4 =	sshll.u32 s28, $0x1;
	[dreg:$0x2] =	wrdreg s2  }
0xa9: {  	[dreg:$0x3] =	wrdreg s4  }
0xaa: {  	[dreg:$0x4] =	wrdreg $0xC0  }
0xab: {  	_ =	task [dreg:s6], $0x5FFFF  }
0xac: {  	[dreg:$0x1] =	wrdreg $0xFFFFFFFF  }
0xad: {  	[dreg:$0x0] =	wrdreg $0x60  }
0xae: {  	[dreg:$0x2] =	wrdreg s24  }
0xaf: {  	[dreg:$0x3] =	wrdreg $0x9  }
0xb0: {  	_ =	task.clear_ibuf [dreg:s6], $0x4FFFF;
	_ =	strace $0x90000046  }
0xb1: {  	s29 =	simm.s32 $0x9;
	_ =	strace $0x80000048  }
0xb2: {  	_ =	swait.ge [sflag:s29], $0x1  }
0xb3: {  	[sflag:s29] =	ssyncadd.s32 $0xFFFFFFFF  }
0xb4: {  	_ =	strace $0x90000048  }
0xb5: {  	_ =	sfence  }
0xb6: {  	s30 =	sld [smem:$0x0];
	_ =	sdelay $0x2  }
0xb7: {  	s31 =	sshll.u32 s1, $0xD;
	s1 =	sshrl.u32 s1, $0x2  }
0xb8: {  	s3 =	sand.u32 $0x4000, s31;
	s1 =	sadd.s32 s1, s30  }
0xb9: {  	s0 =	sor.u32 s3, s0;
	s1 =	sshll.u32 s1, $0x11  }
0xba: {  	s0 =	sor.u32 s1, s0  }
0xbb: {  	s0 =	sadd.s32 $0x8F2B, s0  }
0xbc: {  	[sflag:s0] =	ssyncadd.remote.s32 $0x1  }
0xbd: {  	_ =	sfence.sel $0xFFFF  }
0xbe: {  	[dreg:$0x0] =	wrdreg $0xFFFFFFFF;
	(pc) =	sbr.abs _section_cstart, $3  }
0xbf: {  	[dreg:$0x1] =	wrdreg $0xFFFFFFFF  }
0xc0: {  	_ =	task.clear_ibuf [dreg:s6], $0x2FFFF;
	_ =	strace $0x9FFFFFFF  }
0xc1: {  	(tm) =	ssettm $0x7FFFFFFF  }
tec
execute0_lowered:
.L_overlay_start_1:
0x0: {  	(tag) =	ssettag $0x1  }
0x1: {  	s1 =	stileid.u32  }
0x2: {  	p0 =	sgt.u32 s1, $0x7  }
.Ltmp0:
0x3: {  	_ = 	snop;
	(pc) =	sbr.rel @p0 .LBB2_13-.Ltmp0, $4  }
0x4: {  	_ = 	snop  }
0x5: {  	s5 =	rddreg [dreg:$0x0];
	s2 =	simm.s32 $0x0  }
0x6: {  	[smem:$0x7FF] =	sst s2  }
0x7: {  	s0 =	rddreg [dreg:$0x1];
	_ =	strace $0x80000047  }
0x8: {  	v0 =	vimm.s32 $0xEDCBA987;
	v1 =	vimm.s32 $0x65432100  }
0x9: {  	v2 =	vimm.s32 $0xDCBA9876;
	v3 =	vimm.s32 $0x54321000;
	v4 =	vimm.s32 $0xBA987654  }
0xa: {  	v5 =	vimm.s32 $0xE40000;
	v6 =	vimm.s32 $0x32100000;
	vm0 =	vmmov $0x3  }
0xb: {  	vm2 =	vcmask $0x3F30;
	vm1 =	vmmov $0xf;
	v0 =	vunpack.c.l.s4.s8 v0  }
0xc: {  	s3 =	srdreg.scid;
	s4 =	sshll.u32 s1, $0x1;
	v1 =	vunpack.c.l.s4.s8 v1;
	v2 =	vunpack.c.l.s4.s8 v2;
	v5 =	vunpack.c.l.s2.s4 v5  }
0xd: {  	s29 =	sshll.u32 s1, $0x6;
	s12 =	sshll.u32 s1, $0xC;
	v3 =	vunpack.c.l.s4.s8 v3;
	s7 =	sand.u32 $0x1, s3;
	v4 =	vunpack.c.l.s4.s8 v4;
	v6 =	vunpack.c.l.s4.s8 v6  }
0xe: {  	s3 =	sadd.s32 $0x1400, s5;
	s10 =	sor.u32 s7, s4;
	s8 =	ssub.s32 $0x2, s7;
	v0 =	vunpack.c.0.s8.s32 v0;
	v2 =	vunpack.c.0.s8.s32 v2;
	v5 =	vunpack.c.l.s4.s8 v5  }
0xf: {  	s11 =	sshll.u32 s7, $0x5;
	s13 =	sshll.u32 s7, $0xB;
	v1 =	vunpack.c.0.s8.s32 v1;
	s6 =	sshll.u32 s10, $0x6;
	v3 =	vunpack.c.0.s8.s32 v3;
	v4 =	vunpack.c.0.s8.s32 v4  }
0x10: {  	s4 =	sshll.u32 s10, $0x5;
	s9 =	sshrl.u32 s8, $0x1;
	s30 =	sor.u32 s11, s29;
	v0 =	vand.u32 $0xF, v0;
	v2 =	vand.u32 $0xF, v2;
	v5 =	vunpack.c.0.s8.s32 v5  }
0x11: {  	s31 =	sor.u32 s13, s12;
	p0 =	seq.s32 s10, $0x0;
	s10 =	simm.s32 $0x1;
	v2 =	vcombine.low v3, v2;
	v3 =	vunpack.c.0.s8.s32 v6;
	v6 =	vimm.s32 $0x7060504  }
0x12: {  	s11 =	simm.s32 $0x2000;
	s12 =	simm.s32 $0x0;
	s6 =	sadd.s32 s6, s5;
	v4 =	vand.u32 $0xF, v4;
	v0 =	vcombine.low v1, v0;
	v6 =	vunpack.c.0.s8.s32 v6  }
0x13: {  	s5 =	sadd.s32 $0x20, s4;
	s8 =	ssub.s32 s8, s9;
	s9 =	sshrl.u32 s31, $0x2;
	v1 =	vimm.s32 $0x0;
	v5 =	vand.u32 $0x3, v5;
	v3 =	vcombine.low v3, v4  }
0x14: {  	s6 =	sadd.s32 $0x1800, s6;
	s7 =	smax.u32 s8, $0x1;
	s8 =	smax.u32 s30, $0x1;
	v4 =	vlaneseq.u32;
	v5 =	vsel vm2, v6, v5;
	vm2 =	vmmov $0xff  }
.LBB2_2:
.Ltmp1:
0x15: {  	s13 =	simm.s32 $0x0;
	(pc) =	sbr.rel @p0 .LBB2_3-.Ltmp1, $4  }
0x16: {  	[tilespmem:s13], [sflag:$0x1] =	stream.linear.gather [hbm4b:s3+s13], $0x2000, $0x38;
	[tilespmem:$0x2200] =	vst v63  }
0x17: {  	_ =	swait.ge [sflag:s10], $0x2000  }
0x18: {  	[sflag:s10] =	ssyncset.done $0x0  }
0x19: {  	[sflag:s10] =	ssyncadd.s32 $0xFFFFE000  }
0x1a: {  	v6 =	vld [tilespmem:s13+$0x0];
	_ =	sdelay $0x4  }
0x1b: {  	vm3 =	veq.s32 v6, $0x6  }
0x1c: {  	vm5 =	veq.s32 v6, $0x0;
	vm6 =	veq.s32 v6, $0x1;
	v7 =	vsel vm3, $0x1, v1  }
0x1d: {  	vm7 =	veq.s32 v6, $0x3;
	vm8 =	veq.s32 v6, $0x4;
	v8 =	vperm.xlane v7, v0  }
0x1e: {  	vm4 =	veq.s32 v6, $0x2;
	vm9 =	veq.s32 v6, $0x7;
	vm3 =	veq.s32 v4, $0x0  }
0x1f: {  	v9 =	vsel vm5, $0x1, v1;
	v10 =	vsel vm9, $0x1, v1;
	v8 =	vsel vm3, $0x0, v8  }
0x20: {  	v12 =	vsel vm8, $0x1, v1;
	v13 =	vperm.xlane v10, v0;
	v7 =	vadd.s32 v7, v8  }
0x21: {  	v14 =	vperm.xlane v9, v0;
	v8 =	vsel vm7, $0x1, v1;
	v11 =	vperm.xlane v7, v2  }
0x22: {  	vm5 =	veq.s32 v6, $0x5;
	v15 =	vperm.xlane v12, v0;
	v6 =	vperm.xlane v8, v0  }
0x23: {  	v13 =	vsel vm3, $0x0, v13;
	v14 =	vsel vm3, $0x0, v14;
	v11 =	vsel vm0, $0x0, v11  }
0x24: {  	v15 =	vsel vm3, $0x0, v15;
	v6 =	vsel vm3, $0x0, v6;
	v7 =	vadd.s32 v11, v7  }
0x25: {  	v10 =	vadd.s32 v10, v13;
	v8 =	vadd.s32 v8, v6;
	v6 =	vperm.xlane v7, v3  }
0x26: {  	v13 =	vsel vm6, $0x1, v1;
	v9 =	vadd.s32 v9, v14;
	v18 =	vperm.xlane v10, v2  }
0x27: {  	v60 =	vperm.xlane v9, v2;
	v11 =	vsel vm5, $0x1, v1;
	v6 =	vsel vm1, $0x0, v6  }
0x28: {  	v14 =	vsel vm0, $0x0, v18;
	v16 =	vperm.xlane v11, v0;
	v6 =	vadd.s32 v6, v7  }
0x29: {  	v10 =	vadd.s32 v14, v10;
	v7 =	vperm.xlane v13, v0;
	v19 =	vperm.xlane v6, v5  }
0x2a: {  	v17 =	vperm.xlane v8, v2;
	v14 =	vperm.xlane v10, v3;
	v16 =	vsel vm3, $0x0, v16  }
0x2b: {  	v59 =	vadd.s32 v19, v6;
	v6 =	vadd.s32 v12, v15;
	v12 =	vsel vm3, $0x0, v7  }
0x2c: {  	v7 =	vadd.s32 v11, v16;
	v11 =	vsel vm0, $0x0, v60;
	v12 =	vadd.s32 v13, v12  }
0x2d: {  	v14 =	vsel vm1, $0x0, v14;
	v11 =	vadd.s32 v11, v9;
	v13 =	vperm.xlane v12, v2  }
0x2e: {  	v14 =	vadd.s32 v14, v10;
	v10 =	vsel vm4, $0x1, v1;
	v15 =	vperm.xlane v11, v3  }
0x2f: {  	p2 =	sne.s32 s8, $0x1;
	v61 =	vperm.xlane v14, v5;
	v9 =	vperm.xlane v7, v2;
	v13 =	vsel vm0, $0x0, v13  }
.Ltmp2:
0x30: {  	(v2sf) =	vpush v59, $0xF;
	v15 =	vsel vm1, $0x0, v15;
	v62 =	vadd.s32 v13, v12;
	(pc) =	sbr.rel @!p2 .LBB2_5-.Ltmp2, $4  }
0x31: {  	v11 =	vadd.s32 v15, v11;
	v13 =	vadd.s32 v61, v14;
	v12 =	vperm.xlane v62, v3  }
0x32: {  	v15 =	vsel vm0, $0x0, v17;
	v14 =	vperm.xlane v11, v5;
	(v2sf) =	vpush v13, $0xF  }
0x33: {  	v13 =	vperm.xlane v10, v0;
	v63 =	vsel vm1, $0x0, v12;
	v12 =	vadd.s32 v15, v8  }
0x34: {  	s14 =	sadd.s32 $0xFFFFFFFF, s8;
	s19 =	sadd.s32 $0x10, s13;
	p1 =	por $0x0, $0x0;
	v11 =	vadd.s32 v14, v11;
	v14 =	vperm.xlane v6, v2;
	v8 =	vadd.s32 v63, v62  }
0x35: {  	v16 =	vperm.xlane v12, v3  }
0x36: {  	v9 =	vsel vm0, $0x0, v9;
	v13 =	vsel vm3, $0x0, v13;
	v55 =	vperm.xlane v8, v5  }
0x37: {  	v15 =	vld [tilespmem:s19+$0x0];
	(v2sf) =	vpush v11, $0xF;
	v14 =	vsel vm0, $0x0, v14;
	v7 =	vadd.s32 v9, v7  }
0x38: {  	v10 =	vadd.s32 v10, v13;
	v9 =	vsel vm1, $0x0, v16;
	v6 =	vadd.s32 v14, v6  }
0x39: {  	v14 =	vperm.xlane v7, v3;
	v18 =	vperm.xlane v10, v2;
	v8 =	vadd.s32 v55, v8  }
0x3a: {  	v9 =	vadd.s32 v9, v12;
	v12 =	vperm.xlane v6, v3;
	(v2sf) =	vpush v8, $0xF  }
0x3b: {  	v14 =	vsel vm1, $0x0, v14;
	v21 =	vperm.xlane v9, v5;
	v18 =	vsel vm0, $0x0, v18  }
0x3c: {  	vm6 =	veq.s32 v15, $0x0;
	vm5 =	veq.s32 v15, $0x1;
	v7 =	vadd.s32 v14, v7  }
0x3d: {  	vm7 =	veq.s32 v15, $0x3;
	vm8 =	veq.s32 v15, $0x4;
	vm4 =	veq.s32 v15, $0x2  }
0x3e: {  	vm9 =	veq.s32 v15, $0x6;
	vm10 =	veq.s32 v15, $0x7;
	v12 =	vsel vm1, $0x0, v12  }
0x3f: {  	vm15 =	veq.s32 v15, $0x5;
	v10 =	vadd.s32 v18, v10;
	v11 =	vsel vm6, $0x1, v1  }
0x40: {  	v13 =	vsel vm7, $0x1, v1;
	v14 =	vsel vm9, $0x1, v1;
	v17 =	vsel vm10, $0x1, v1  }
0x41: {  	v19 =	vsel vm8, $0x1, v1;
	v9 =	vadd.s32 v21, v9;
	v12 =	vadd.s32 v12, v6  }
0x42: {  	v8 =	vsel vm15, $0x1, v1;
	v20 =	vperm.xlane v14, v0;
	v15 =	vperm.xlane v17, v0  }
0x43: {  	v61 =	vsel vm5, $0x1, v1;
	v22 =	vperm.xlane v11, v0;
	v56 =	vperm.xlane v13, v0  }
0x44: {  	v23 =	vperm.xlane v19, v0;
	(v2sf) =	vpush v9, $0xF;
	v9 =	vperm.xlane v7, v5  }
0x45: {  	v58 =	vperm.xlane v12, v5;
	v20 =	vsel vm3, $0x0, v20;
	v57 =	vsel vm3, $0x0, v56  }
0x46: {  	v23 =	vsel vm3, $0x0, v23;
	v7 =	vadd.s32 v9, v7;
	v9 =	vsel vm3, $0x0, v22  }
0x47: {  	v12 =	vadd.s32 v58, v12;
	v14 =	vadd.s32 v14, v20;
	v16 =	vadd.s32 v13, v57  }
0x48: {  	v13 =	vperm.xlane v8, v0;
	v11 =	vadd.s32 v11, v9;
	v20 =	vperm.xlane v14, v2  }
0x49: {  	(v2sf) =	vpush v7, $0xF;
	v60 =	vperm.xlane v16, v2;
	v62 =	vperm.xlane v11, v2  }
0x4a: {  	(v2sf) =	vpush v12, $0xF;
	v13 =	vsel vm3, $0x0, v13;
	v6 =	vsel vm0, $0x0, v20  }
0x4b: {  	v6 =	vadd.s32 v6, v14;
	v14 =	vsel vm3, $0x0, v15;
	v15 =	vperm.xlane v10, v3  }
0x4c: {  	v7 =	vadd.s32 v8, v13;
	v59 =	vperm.xlane v6, v3;
	v14 =	vadd.s32 v17, v14  }
0x4d: {  	v63 =	vsel vm0, $0x0, v60;
	v15 =	vsel vm1, $0x0, v15;
	v24 =	vperm.xlane v14, v2  }
0x4e: {  	v20 =	vsel vm1, $0x0, v59;
	v10 =	vadd.s32 v15, v10;
	v15 =	vperm.xlane v61, v0  }
0x4f: {  	v6 =	vadd.s32 v20, v6;
	v8 =	vperm.xlane v10, v5;
	v13 =	vsel vm0, $0x0, v24  }
0x50: {  	v9 =	vperm.xlane v7, v2;
	v20 =	vperm.xlane v6, v5;
	v13 =	vadd.s32 v13, v14  }
0x51: {  	v8 =	vadd.s32 v8, v10;
	v10 =	vsel vm3, $0x0, v15;
	v14 =	vperm.xlane v13, v3  }
0x52: {  	v15 =	vsel vm0, $0x0, v62;
	v20 =	vadd.s32 v20, v6;
	v17 =	vadd.s32 v61, v10  }
0x53: {  	v11 =	vadd.s32 v15, v11;
	v10 =	vperm.xlane v17, v2;
	v12 =	vsel vm1, $0x0, v14  }
0x54: {  	(v2sf) =	vpush v8, $0xF;
	v14 =	vperm.xlane v11, v3;
	v12 =	vadd.s32 v12, v13  }
0x55: {  	p2 =	sne.s32 s14, $0x1;
	s22 =	sadd.s32 $0xFFFFFFFF, s14;
	s15 =	spop (v2sf);
	v6 =	vadd.s32 v19, v23;
	v8 =	vsel vm0, $0x0, v10;
	v13 =	vperm.xlane v12, v5  }
.Ltmp3:
0x56: {  	s23 =	sadd.s32 $0x10, s19;
	s16 =	spop (v2sf);
	(v2sf) =	vpush v20, $0xF;
	v14 =	vsel vm1, $0x0, v14;
	v8 =	vadd.s32 v8, v17;
	(pc) =	sbr.rel @!p2 .LBB2_7-.Ltmp3, $4  }
0x57: {  	p1 =	por $0x1, $0x1;
	s19 =	simm.s32 $0x0;
	s17 =	spop (v2sf);
	v11 =	vadd.s32 v14, v11;
	v14 =	vperm.xlane v8, v3;
	v12 =	vadd.s32 v13, v12  }
0x58: {  	s20 =	simm.s32 $0x0;
	s21 =	simm.s32 $0x0;
	s18 =	spop (v2sf);
	v10 =	vsel vm4, $0x1, v1;
	v15 =	vperm.xlane v11, v5;
	(v2sf) =	vpush v12, $0xF  }
0x59: {  	s14 =	sadd.s32 s13, s15;
	s15 =	sadd.s32 s13, s16;
	s31 =	spop (v2sf);
	v13 =	vperm.xlane v10, v0;
	v12 =	vadd.s32 v63, v16;
	v14 =	vsel vm1, $0x0, v14  }
0x5a: {  	s16 =	sadd.s32 s13, s17;
	s17 =	sadd.s32 s13, s18;
	s18 =	sadd.s32 s13, s31;
	v11 =	vadd.s32 v15, v11;
	v8 =	vadd.s32 v14, v8;
	v14 =	vperm.xlane v6, v2  }
.LBB2_8:
0x5b: {  	v15 =	vld [tilespmem:s23+$0x0];
	p2 =	sne.s32 s22, $0x1;
	s22 =	sadd.s32 $0xFFFFFFFF, s22;
	v16 =	vperm.xlane v12, v3;
	v9 =	vsel vm0, $0x0, v9  }
0x5c: {  	v13 =	vsel vm3, $0x0, v13;
	v14 =	vsel vm0, $0x0, v14;
	v7 =	vadd.s32 v9, v7;
	s24 =	spop (v2sf)  }
0x5d: {  	v9 =	vsel vm1, $0x0, v16;
	v6 =	vadd.s32 v14, v6;
	v14 =	vperm.xlane v7, v3;
	s19 =	sadd.s32 s19, s24  }
0x5e: {  	v10 =	vadd.s32 v10, v13;
	v9 =	vadd.s32 v9, v12;
	v12 =	vperm.xlane v6, v3  }
0x5f: {  	v16 =	vperm.xlane v8, v5;
	v14 =	vsel vm1, $0x0, v14;
	(v2sf) =	vpush v11, $0xF  }
0x60: {  	vm3 =	veq.s32 v15, $0x0;
	vm5 =	veq.s32 v15, $0x1;
	v7 =	vadd.s32 v14, v7  }
0x61: {  	v18 =	vperm.xlane v10, v2;
	vm6 =	veq.s32 v15, $0x3;
	vm7 =	veq.s32 v15, $0x4;
	s24 =	spop (v2sf)  }
0x62: {  	vm4 =	veq.s32 v15, $0x2;
	vm8 =	veq.s32 v15, $0x6;
	vm9 =	veq.s32 v15, $0x7;
	s20 =	sadd.s32 s20, s24  }
0x63: {  	v12 =	vsel vm1, $0x0, v12;
	v11 =	vsel vm3, $0x1, v1;
	v13 =	vsel vm6, $0x1, v1;
	s24 =	spop (v2sf)  }
0x64: {  	vm3 =	veq.s32 v4, $0x0;
	v14 =	vsel vm8, $0x1, v1;
	v17 =	vsel vm9, $0x1, v1;
	s21 =	sadd.s32 s21, s24  }
0x65: {  	v21 =	vperm.xlane v9, v5;
	v19 =	vsel vm7, $0x1, v1;
	v20 =	vperm.xlane v14, v0;
	s24 =	spop (v2sf)  }
0x66: {  	v18 =	vsel vm0, $0x0, v18;
	vm6 =	veq.s32 v15, $0x5;
	v15 =	vperm.xlane v17, v0;
	s14 =	sadd.s32 s14, s24  }
0x67: {  	v10 =	vadd.s32 v18, v10;
	v22 =	vperm.xlane v11, v0;
	v20 =	vsel vm3, $0x0, v20;
	s24 =	spop (v2sf)  }
0x68: {  	v18 =	vperm.xlane v13, v0;
	v23 =	vperm.xlane v19, v0;
	v14 =	vadd.s32 v14, v20;
	s15 =	sadd.s32 s15, s24  }
0x69: {  	v8 =	vadd.s32 v16, v8;
	v9 =	vadd.s32 v21, v9;
	v20 =	vperm.xlane v14, v2  }
0x6a: {  	v12 =	vadd.s32 v12, v6;
	v16 =	vsel vm3, $0x0, v18;
	(v2sf) =	vpush v8, $0xF  }
0x6b: {  	v18 =	vperm.xlane v12, v5;
	v6 =	vsel vm0, $0x0, v20;
	v8 =	vsel vm6, $0x1, v1  }
0x6c: {  	v6 =	vadd.s32 v6, v14;
	v14 =	vsel vm3, $0x0, v15;
	v15 =	vperm.xlane v10, v3  }
0x6d: {  	v16 =	vadd.s32 v13, v16;
	v20 =	vperm.xlane v6, v3;
	v13 =	vperm.xlane v8, v0  }
0x6e: {  	v21 =	vperm.xlane v16, v2;
	v14 =	vadd.s32 v17, v14;
	v15 =	vsel vm1, $0x0, v15;
	s24 =	spop (v2sf)  }
0x6f: {  	v17 =	vsel vm5, $0x1, v1;
	v20 =	vsel vm1, $0x0, v20;
	s16 =	sadd.s32 s16, s24;
	(v2sf) =	vpush v9, $0xF  }
0x70: {  	v10 =	vadd.s32 v15, v10;
	v6 =	vadd.s32 v20, v6;
	v9 =	vperm.xlane v7, v5  }
0x71: {  	v15 =	vperm.xlane v17, v0;
	v13 =	vsel vm3, $0x0, v13;
	v20 =	vperm.xlane v6, v5  }
0x72: {  	v23 =	vsel vm3, $0x0, v23;
	v24 =	vperm.xlane v14, v2;
	v7 =	vadd.s32 v9, v7  }
0x73: {  	v20 =	vadd.s32 v20, v6;
	v9 =	vsel vm3, $0x0, v22;
	(v2sf) =	vpush v7, $0xF  }
0x74: {  	v6 =	vadd.s32 v19, v23;
	v7 =	vadd.s32 v8, v13;
	v8 =	vperm.xlane v10, v5  }
0x75: {  	v11 =	vadd.s32 v11, v9;
	v13 =	vsel vm0, $0x0, v24;
	v9 =	vperm.xlane v7, v2  }
0x76: {  	v19 =	vperm.xlane v11, v2;
	v13 =	vadd.s32 v13, v14;
	v8 =	vadd.s32 v8, v10  }
0x77: {  	v12 =	vadd.s32 v18, v12;
	v10 =	vsel vm3, $0x0, v15;
	v14 =	vperm.xlane v13, v3  }
0x78: {  	v15 =	vsel vm0, $0x0, v19;
	v17 =	vadd.s32 v17, v10;
	(v2sf) =	vpush v12, $0xF  }
0x79: {  	v11 =	vadd.s32 v15, v11;
	v10 =	vperm.xlane v17, v2;
	v12 =	vsel vm1, $0x0, v14;
	s24 =	spop (v2sf)  }
0x7a: {  	v14 =	vperm.xlane v11, v3;
	v12 =	vadd.s32 v12, v13;
	s17 =	sadd.s32 s17, s24;
	(v2sf) =	vpush v8, $0xF  }
0x7b: {  	v8 =	vsel vm0, $0x0, v10;
	v10 =	vsel vm4, $0x1, v1;
	v13 =	vperm.xlane v12, v5  }
.Ltmp4:
0x7c: {  	v14 =	vsel vm1, $0x0, v14;
	v8 =	vadd.s32 v8, v17;
	(v2sf) =	vpush v20, $0xF;
	(pc) =	sbr.rel @p2 .LBB2_8-.Ltmp4, $4  }
0x7d: {  	v11 =	vadd.s32 v14, v11;
	v14 =	vperm.xlane v8, v3;
	v12 =	vadd.s32 v13, v12  }
0x7e: {  	v17 =	vsel vm0, $0x0, v21;
	v15 =	vperm.xlane v11, v5;
	(v2sf) =	vpush v12, $0xF;
	s24 =	spop (v2sf)  }
0x7f: {  	v13 =	vperm.xlane v10, v0;
	v14 =	vsel vm1, $0x0, v14;
	v12 =	vadd.s32 v17, v16;
	s18 =	sadd.s32 s18, s24  }
0x80: {  	s23 =	sadd.s32 $0x10, s23;
	v11 =	vadd.s32 v15, v11;
	v8 =	vadd.s32 v14, v8;
	v14 =	vperm.xlane v6, v2  }
.LBB2_9:
0x81: {  	v15 =	vperm.xlane v12, v3;
	v13 =	vsel vm3, $0x0, v13  }
0x82: {  	v9 =	vsel vm0, $0x0, v9;
	v58 =	vperm.xlane v8, v5;
	v10 =	vadd.s32 v10, v13  }
0x83: {  	(v2sf) =	vpush v11, $0xF;
	v14 =	vsel vm0, $0x0, v14;
	v13 =	vperm.xlane v10, v2  }
0x84: {  	v7 =	vadd.s32 v9, v7;
	v55 =	vsel vm1, $0x0, v15;
	v6 =	vadd.s32 v14, v6  }
0x85: {  	v56 =	vperm.xlane v7, v3;
	v8 =	vadd.s32 v58, v8;
	v13 =	vsel vm0, $0x0, v13  }
0x86: {  	v9 =	vadd.s32 v55, v12;
	v57 =	vperm.xlane v6, v3;
	v10 =	vadd.s32 v13, v10  }
0x87: {  	(v2sf) =	vpush v8, $0xF;
	v14 =	vsel vm1, $0x0, v56;
	v60 =	vperm.xlane v10, v3  }
0x88: {  	v59 =	vperm.xlane v9, v5;
	v7 =	vadd.s32 v14, v7;
	v12 =	vsel vm1, $0x0, v57  }
0x89: {  	v6 =	vadd.s32 v12, v6;
	v61 =	vperm.xlane v7, v5;
	v11 =	vsel vm1, $0x0, v60  }
0x8a: {  	v9 =	vadd.s32 v59, v9;
	v62 =	vperm.xlane v6, v5;
	v10 =	vadd.s32 v11, v10  }
0x8b: {  	(v2sf) =	vpush v9, $0xF;
	v7 =	vadd.s32 v61, v7;
	v63 =	vperm.xlane v10, v5  }
0x8c: {  	(v2sf) =	vpush v7, $0xF;
	v6 =	vadd.s32 v62, v6  }
0x8d: {  	(v2sf) =	vpush v6, $0xF;
	v7 =	vadd.s32 v63, v10  }
0x8e: {  	(v2sf) =	vpush v7, $0xF;
	_ =	sdelay $0x4  }
0x8f: {  	s22 =	spop @p1 (v2sf)  }
0x90: {  	s23 =	spop @p1 (v2sf)  }
0x91: {  	s24 =	spop @p1 (v2sf)  }
0x92: {  	s19 =	sadd.s32 @p1 s19, s22;
	s25 =	spop (v2sf)  }
0x93: {  	s20 =	sadd.s32 @p1 s20, s23;
	s23 =	sadd.s32 @p1 s21, s24;
	s26 =	spop (v2sf)  }
0x94: {  	s13 =	smov.u32 @p1 s23;
	s14 =	sadd.s32 s14, s25;
	s28 =	spop (v2sf)  }
0x95: {  	s25 =	sadd.s32 s15, s26;
	s26 =	simm.s32 $0x0;
	s29 =	spop (v2sf)  }
.Ltmp5:
0x96: {  	s26 =	smov.u32 @p1 s19;
	s24 =	spop (v2sf);
	(pc) =	sbr.rel .LBB2_10-.Ltmp5, $4  }
0x97: {  	s22 =	sadd.s32 s17, s29;
	s29 =	simm.s32 $0x0;
	s15 =	spop (v2sf)  }
0x98: {  	s21 =	sadd.s32 s16, s28;
	s29 =	smov.u32 @p1 s20;
	s30 =	spop (v2sf)  }
0x99: {  	s17 =	sadd.s32 s18, s24;
	s15 =	sadd.s32 s26, s15;
	s31 =	spop (v2sf)  }
0x9a: {  	s18 =	sadd.s32 s29, s30;
	s16 =	sadd.s32 s13, s31;
	s13 =	smov.u32 s25  }
.LBB2_3:
0x9b: {  	s14 =	simm.s32 $0x0  }
0x9c: {  	s15 =	simm.s32 $0x0;
	s18 =	simm.s32 $0x0;
	s17 =	simm.s32 $0x0  }
0x9d: {  	s16 =	simm.s32 $0x0;
	s22 =	simm.s32 $0x0;
	s21 =	simm.s32 $0x0  }
.LBB2_10:
0x9e: {  	v6 =	vld [tilespmem:s9+$0x0];
	_ =	sdelay $0x2  }
0x9f: {  	v7 =	vmov s21  }
0xa0: {  	v7 =	vadd.s32 $0xFFFFFFFF, v7  }
0xa1: {  	vm3 =	veq.s32 v4, $0x0;
	v7 =	vbroadcast v7, $0x0;
	vm7 =	veq.s32 v6, $0x5  }
0xa2: {  	vm5 =	veq.s32 v6, $0x6;
	vm4 =	veq.s32 v6, $0x7;
	vm8 =	veq.s32 v6, $0x2  }
0xa3: {  	vm6 =	veq.s32 v6, $0x4;
	vm11 =	veq.s32 v6, $0x0;
	vm9 =	veq.s32 v6, $0x1  }
0xa4: {  	vm10 =	veq.s32 v6, $0x3;
	v8 =	vsel vm4, $0x1, v1;
	v9 =	vsel vm6, $0x1, v1  }
0xa5: {  	v10 =	vsel vm8, $0x1, v1;
	v12 =	vsel vm7, $0x1, v1;
	v13 =	vsel vm5, $0x1, v1  }
0xa6: {  	v14 =	vsel vm11, $0x1, v1;
	v11 =	vperm.xlane v9, v0;
	v15 =	vperm.xlane v12, v0  }
0xa7: {  	v24 =	vsel vm9, $0x1, v1;
	v16 =	vperm.xlane v8, v0;
	v17 =	vperm.xlane v14, v0  }
0xa8: {  	v21 =	vsel vm10, $0x1, v1;
	v18 =	vperm.xlane v10, v0;
	v20 =	vperm.xlane v24, v0  }
0xa9: {  	v27 =	vperm.xlane v13, v0;
	v32 =	vperm.xlane v21, v0;
	v11 =	vsel vm3, $0x0, v11  }
0xaa: {  	v17 =	vsel vm3, $0x0, v17;
	v15 =	vsel vm3, $0x0, v15;
	v26 =	vsel vm3, $0x0, v18  }
0xab: {  	v34 =	vsel vm3, $0x0, v20;
	v9 =	vadd.s32 v9, v11;
	v11 =	vsel vm3, $0x0, v16  }
0xac: {  	v10 =	vadd.s32 v10, v26;
	v12 =	vadd.s32 v12, v15;
	v37 =	vadd.s32 v24, v34  }
0xad: {  	v19 =	vperm.xlane v9, v2;
	v8 =	vadd.s32 v8, v11;
	v11 =	vadd.s32 v14, v17  }
0xae: {  	v30 =	vperm.xlane v10, v2;
	v14 =	vsel vm3, $0x0, v27;
	v33 =	vperm.xlane v12, v2  }
0xaf: {  	v16 =	vperm.xlane v37, v2;
	v17 =	vsel vm3, $0x0, v32;
	v28 =	vperm.xlane v11, v2  }
0xb0: {  	v6 =	vperm.xlane v8, v2;
	v13 =	vadd.s32 v13, v14;
	v17 =	vadd.s32 v21, v17  }
0xb1: {  	v25 =	vsel vm0, $0x0, v19;
	v22 =	vperm.xlane v13, v2;
	v14 =	vsel vm0, $0x0, v33  }
0xb2: {  	v16 =	vsel vm0, $0x0, v16;
	v42 =	vperm.xlane v17, v2;
	v9 =	vadd.s32 v25, v9  }
0xb3: {  	v31 =	vsel vm0, $0x0, v28;
	v6 =	vsel vm0, $0x0, v6;
	v12 =	vadd.s32 v14, v12  }
0xb4: {  	v29 =	vperm.xlane v9, v3;
	v11 =	vadd.s32 v31, v11;
	v6 =	vadd.s32 v6, v8  }
0xb5: {  	v8 =	vsel vm0, $0x0, v30;
	v35 =	vsel vm0, $0x0, v22;
	v36 =	vperm.xlane v11, v3  }
0xb6: {  	v14 =	vsel vm0, $0x0, v42;
	v52 =	vperm.xlane v12, v3;
	v13 =	vadd.s32 v35, v13  }
0xb7: {  	v8 =	vadd.s32 v8, v10;
	v10 =	vperm.xlane v6, v3;
	v38 =	vsel vm1, $0x0, v36  }
0xb8: {  	v14 =	vadd.s32 v14, v17;
	v39 =	vperm.xlane v13, v3;
	v11 =	vadd.s32 v38, v11  }
0xb9: {  	v41 =	vperm.xlane v8, v3;
	v55 =	vsel vm1, $0x0, v52;
	v40 =	vperm.xlane v11, v5  }
0xba: {  	v49 =	vperm.xlane v14, v3;
	v10 =	vsel vm1, $0x0, v10;
	v12 =	vadd.s32 v55, v12  }
0xbb: {  	v15 =	vsel vm1, $0x0, v39;
	v10 =	vadd.s32 v10, v6;
	v6 =	vsel vm2, $0x0, v40  }
0xbc: {  	v43 =	vsel vm1, $0x0, v41;
	v6 =	vadd.s32 v6, v11;
	v11 =	vadd.s32 v16, v37  }
0xbd: {  	v51 =	vsel vm1, $0x0, v49;
	v19 =	vperm.xlane v12, v5;
	v46 =	vperm.xlane v11, v3  }
0xbe: {  	v13 =	vadd.s32 v15, v13;
	v45 =	vperm.xlane v10, v5;
	v8 =	vadd.s32 v43, v8  }
0xbf: {  	v14 =	vadd.s32 v51, v14;
	v44 =	vperm.xlane v13, v5;
	v48 =	vsel vm1, $0x0, v46  }
0xc0: {  	v53 =	vperm.xlane v8, v5;
	v7 =	vadd.s32 v6, v7;
	v11 =	vadd.s32 v48, v11  }
0xc1: {  	v54 =	vperm.xlane v14, v5;
	vm12 =	vlt.s32 v7, $0x400;
	v50 =	vperm.xlane v11, v5  }
0xc2: {  	v59 =	vsel vm2, $0x0, v19;
	v47 =	vsel vm2, $0x0, v45;
	vm11 =	vmand vm11, vm12  }
0xc3: {  	(v2sf) =	vpush v6, $0xF;
	v6 =	vnsel vm11, $0x2000, v7;
	v7 =	vsel vm2, $0x0, v50  }
0xc4: {  	v12 =	vadd.s32 v59, v12;
	v16 =	vsel vm2, $0x0, v44;
	v7 =	vadd.s32 v7, v11  }
0xc5: {  	v15 =	vsel vm2, $0x0, v54;
	v56 =	vadd.s32 s22, v7;
	(v2sf) =	vpush v7, $0xF  }
0xc6: {  	v10 =	vadd.s32 v47, v10;
	v14 =	vadd.s32 v15, v14;
	v7 =	vadd.s32 $0xFFFFFFFF, v56  }
0xc7: {  	v13 =	vadd.s32 v16, v13;
	v11 =	vsel vm2, $0x0, v53;
	vm13 =	vlt.s32 v7, $0x400  }
0xc8: {  	v7 =	vadd.s32 v11, v8;
	v8 =	vsel vm1, $0x0, v29;
	v11 =	vadd.s32 $0x3FF, v56  }
0xc9: {  	vm9 =	vmand vm9, vm13;
	v57 =	vadd.s32 s16, v7;
	(v2sf) =	vpush v7, $0xF  }
0xca: {  	v7 =	vadd.s32 s17, v14;
	v8 =	vadd.s32 v8, v9;
	v11 =	vsel vm9, v11, v6  }
0xcb: {  	v58 =	vadd.s32 $0x7FF, v57;
	v6 =	vadd.s32 $0xFFFFFFFF, v57;
	(v2sf) =	vpush v12, $0xF  }
0xcc: {  	v9 =	vperm.xlane v8, v5;
	v12 =	vadd.s32 s15, v12;
	v60 =	vadd.s32 $0xBFF, v7  }
0xcd: {  	vm14 =	vlt.s32 v6, $0x400;
	v6 =	vadd.s32 $0xFFFFFFFF, v7;
	v7 =	vadd.s32 $0x13FF, v12  }
0xce: {  	(v2sf) =	vpush v13, $0xF;
	vm15 =	vlt.s32 v6, $0x400;
	v6 =	vadd.s32 s14, v13  }
0xcf: {  	s20 =	sadd.s32 $0x1, s4;
	vm8 =	vmand vm8, vm14;
	v9 =	vsel vm2, $0x0, v9;
	vm10 =	vmand vm10, vm15  }
0xd0: {  	p1 =	slt.u32 s20, s5;
	v61 =	vadd.s32 $0xFFFFFFFF, v6;
	v11 =	vsel vm8, v58, v11;
	v62 =	vadd.s32 v9, v8  }
.Ltmp6:
0xd1: {  	v9 =	vadd.s32 $0xFFFFFFFF, v12;
	v8 =	vsel vm10, v60, v11;
	v11 =	vadd.s32 s18, v62;
	(pc) =	sbr.rel @!p1 .LBB2_12-.Ltmp6, $4  }
0xd2: {  	s23 =	spop (v2sf);
	(v2sf) =	vpush v14, $0xF;
	vm8 =	vlt.s32 v9, $0x400;
	v63 =	vadd.s32 $0xFFFFFFFF, v11  }
0xd3: {  	v9 =	vadd.s32 $0xFFF, v11;
	vm7 =	vmand vm7, vm8;
	vm8 =	vlt.s32 v63, $0x400  }
0xd4: {  	s19 =	simm.s32 $0x2000;
	s24 =	simm.s32 $0x2000;
	vm6 =	vmand vm6, vm8;
	vm8 =	vlt.s32 v61, $0x400;
	s31 =	spop (v2sf);
	(v2sf) =	vpush v10, $0xF  }
0xd5: {  	s21 =	sadd.s32 s21, s23;
	s23 =	sadd.s32 $0x10, s9;
	vm5 =	vmand vm5, vm8;
	v10 =	vadd.s32 s13, v10;
	s22 =	sadd.s32 s22, s31;
	(v2sf) =	vpush v62, $0xF  }
.LBB2_11:
0xd6: {  	s20 =	sadd.s32 $0x1, s20;
	v8 =	vsel vm6, v9, v8;
	v6 =	vadd.s32 $0x17FF, v6;
	v9 =	vadd.s32 $0xFFFFFFFF, v10;
	s24 =	sadd.s32 $0x10, s24  }
0xd7: {  	p1 =	slt.u32 s20, s5;
	v7 =	vsel vm7, v7, v8;
	vm6 =	vlt.s32 v9, $0x400;
	v8 =	vadd.s32 $0x1BFF, v10  }
0xd8: {  	v6 =	vsel vm5, v6, v7;
	vm4 =	vmand vm4, vm6;
	s25 =	spop (v2sf)  }
0xd9: {  	v6 =	vsel vm4, v8, v6  }
0xda: {  	v7 =	vmov s21;
	[tilespmem:s19+$0x0] =	vst v6;
	s26 =	spop (v2sf);
	s19 =	smov.u32 s24  }
0xdb: {  	v7 =	vadd.s32 $0xFFFFFFFF, v7;
	v8 =	vld [tilespmem:s23+$0x0];
	s15 =	sadd.s32 s15, s26;
	_ =	sdelay $0x2  }
0xdc: {  	s26 =	spop (v2sf)  }
0xdd: {  	s14 =	sadd.s32 s14, s26  }
0xde: {  	s16 =	sadd.s32 s16, s25;
	vm7 =	veq.s32 v8, $0x5;
	vm5 =	veq.s32 v8, $0x6;
	vm4 =	veq.s32 v8, $0x7  }
0xdf: {  	vm8 =	veq.s32 v8, $0x2;
	vm6 =	veq.s32 v8, $0x4;
	v6 =	vsel vm4, $0x1, v1  }
0xe0: {  	vm11 =	veq.s32 v8, $0x0;
	v9 =	vsel vm8, $0x1, v1;
	v10 =	vsel vm6, $0x1, v1;
	s25 =	spop (v2sf)  }
0xe1: {  	v12 =	vsel vm7, $0x1, v1;
	v13 =	vsel vm5, $0x1, v1;
	v11 =	vperm.xlane v10, v0;
	s17 =	sadd.s32 s17, s25;
	s25 =	spop (v2sf)  }
0xe2: {  	v14 =	vsel vm11, $0x1, v1;
	v15 =	vperm.xlane v12, v0;
	v16 =	vperm.xlane v6, v0;
	s13 =	sadd.s32 s13, s25;
	s25 =	spop (v2sf)  }
0xe3: {  	vm9 =	veq.s32 v8, $0x1;
	v17 =	vperm.xlane v14, v0;
	v11 =	vsel vm3, $0x0, v11;
	s18 =	sadd.s32 s18, s25  }
0xe4: {  	v18 =	vperm.xlane v9, v0;
	v10 =	vadd.s32 v10, v11;
	v11 =	vsel vm3, $0x0, v16  }
0xe5: {  	v16 =	vsel vm3, $0x0, v17;
	v17 =	vsel vm9, $0x1, v1;
	v19 =	vperm.xlane v10, v2  }
0xe6: {  	v15 =	vsel vm3, $0x0, v15;
	v20 =	vperm.xlane v17, v0;
	v11 =	vadd.s32 v6, v11  }
0xe7: {  	v14 =	vadd.s32 v14, v16;
	v6 =	vsel vm3, $0x0, v18;
	v16 =	vsel vm0, $0x0, v19  }
0xe8: {  	v9 =	vadd.s32 v9, v6;
	v6 =	vadd.s32 v16, v10;
	v10 =	vperm.xlane v13, v0  }
0xe9: {  	v16 =	vperm.xlane v14, v2;
	v18 =	vperm.xlane v6, v3  }
0xea: {  	vm10 =	veq.s32 v8, $0x3;
	v8 =	vperm.xlane v11, v2;
	v19 =	vperm.xlane v9, v2  }
0xeb: {  	v21 =	vsel vm10, $0x1, v1;
	v12 =	vadd.s32 v12, v15;
	v10 =	vsel vm3, $0x0, v10  }
0xec: {  	v15 =	vsel vm0, $0x0, v16;
	v16 =	vperm.xlane v21, v0;
	v10 =	vadd.s32 v13, v10  }
0xed: {  	v8 =	vsel vm0, $0x0, v8;
	v13 =	vperm.xlane v12, v2;
	v22 =	vperm.xlane v10, v2  }
0xee: {  	v8 =	vadd.s32 v8, v11;
	v14 =	vadd.s32 v15, v14;
	v15 =	vsel vm3, $0x0, v20  }
0xef: {  	v11 =	vsel vm0, $0x0, v19;
	v13 =	vsel vm0, $0x0, v13;
	v19 =	vsel vm0, $0x0, v22  }
0xf0: {  	v20 =	vperm.xlane v14, v3;
	v12 =	vadd.s32 v13, v12;
	v10 =	vadd.s32 v19, v10  }
0xf1: {  	v9 =	vadd.s32 v11, v9;
	v11 =	vperm.xlane v8, v3;
	v13 =	vadd.s32 v17, v15  }
0xf2: {  	v16 =	vsel vm3, $0x0, v16;
	v15 =	vsel vm1, $0x0, v20;
	v17 =	vperm.xlane v13, v2  }
0xf3: {  	v7 =	vbroadcast v7, $0x0;
	v14 =	vadd.s32 v15, v14;
	v15 =	vperm.xlane v10, v3  }
0xf4: {  	v11 =	vsel vm1, $0x0, v11;
	v20 =	vperm.xlane v9, v3;
	v19 =	vperm.xlane v14, v5  }
0xf5: {  	v11 =	vadd.s32 v11, v8;
	v17 =	vsel vm0, $0x0, v17;
	v15 =	vsel vm1, $0x0, v15  }
0xf6: {  	v16 =	vadd.s32 v21, v16;
	v8 =	vsel vm2, $0x0, v19;
	v10 =	vadd.s32 v15, v10  }
0xf7: {  	v13 =	vadd.s32 v17, v13;
	v8 =	vadd.s32 v8, v14;
	v14 =	vperm.xlane v16, v2  }
0xf8: {  	v19 =	vperm.xlane v11, v5;
	v15 =	vsel vm1, $0x0, v20;
	v17 =	vperm.xlane v10, v5  }
0xf9: {  	v20 =	vperm.xlane v13, v3;
	v7 =	vadd.s32 v8, v7;
	v14 =	vsel vm0, $0x0, v14  }
0xfa: {  	vm12 =	vlt.s32 v7, $0x400;
	v14 =	vadd.s32 v14, v16;
	v16 =	vsel vm2, $0x0, v19  }
0xfb: {  	v19 =	vsel vm1, $0x0, v20;
	v17 =	vsel vm2, $0x0, v17;
	v20 =	vperm.xlane v14, v3  }
0xfc: {  	v9 =	vadd.s32 v15, v9;
	vm11 =	vmand vm11, vm12;
	v13 =	vadd.s32 v19, v13  }
0xfd: {  	v15 =	vperm.xlane v13, v5;
	v19 =	vsel vm1, $0x0, v20;
	v20 =	vperm.xlane v12, v3  }
0xfe: {  	v21 =	vperm.xlane v9, v5;
	v14 =	vadd.s32 v19, v14;
	(v2sf) =	vpush v8, $0xF  }
0xff: {  	v7 =	vnsel vm11, $0x2000, v7;
	v8 =	vsel vm2, $0x0, v15;
	v15 =	vperm.xlane v14, v5  }
0x100: {  	v19 =	vsel vm1, $0x0, v20;
	v8 =	vadd.s32 v8, v13;
	v13 =	vsel vm2, $0x0, v21  }
0x101: {  	v12 =	vadd.s32 v19, v12;
	v20 =	vadd.s32 s22, v8;
	(v2sf) =	vpush v8, $0xF  }
0x102: {  	v19 =	vperm.xlane v12, v5;
	v15 =	vsel vm2, $0x0, v15;
	v8 =	vadd.s32 $0xFFFFFFFF, v20  }
0x103: {  	vm11 =	vlt.s32 v8, $0x400;
	v8 =	vadd.s32 v13, v9;
	v9 =	vsel vm1, $0x0, v18  }
0x104: {  	v13 =	vadd.s32 $0x3FF, v20;
	vm9 =	vmand vm9, vm11;
	v18 =	vadd.s32 s16, v8  }
0x105: {  	v14 =	vadd.s32 v15, v14;
	v13 =	vsel vm9, v13, v7;
	v20 =	vadd.s32 $0x7FF, v18  }
0x106: {  	v15 =	vsel vm2, $0x0, v19;
	v7 =	vadd.s32 $0xFFFFFFFF, v18;
	(v2sf) =	vpush v8, $0xF  }
0x107: {  	vm9 =	vlt.s32 v7, $0x400;
	v7 =	vadd.s32 s17, v14;
	v8 =	vadd.s32 v15, v12  }
0x108: {  	v10 =	vadd.s32 v17, v10;
	v12 =	vadd.s32 $0xFFFFFFFF, v7;
	(v2sf) =	vpush v8, $0xF  }
0x109: {  	v9 =	vadd.s32 v9, v6;
	v6 =	vadd.s32 s14, v10;
	vm11 =	vlt.s32 v12, $0x400  }
0x10a: {  	v12 =	vperm.xlane v9, v5;
	vm10 =	vmand vm10, vm11;
	v8 =	vadd.s32 s15, v8  }
0x10b: {  	v17 =	vadd.s32 $0xFFFFFFFF, v6;
	v15 =	vadd.s32 $0xBFF, v7;
	v7 =	vadd.s32 $0x13FF, v8  }
0x10c: {  	vm8 =	vmand vm8, vm9;
	v12 =	vsel vm2, $0x0, v12;
	(v2sf) =	vpush v10, $0xF  }
0x10d: {  	v12 =	vadd.s32 v12, v9;
	v9 =	vadd.s32 $0xFFFFFFFF, v8;
	v10 =	vsel vm8, v20, v13;
	s25 =	spop (v2sf)  }
.Ltmp7:
0x10e: {  	vm8 =	vlt.s32 v9, $0x400;
	v8 =	vsel vm10, v15, v10;
	v10 =	vadd.s32 s18, v12;
	s21 =	sadd.s32 s21, s25;
	(pc) =	sbr.rel @p1 .LBB2_11-.Ltmp7, $4  }
0x10f: {  	vm7 =	vmand vm7, vm8;
	v13 =	vadd.s32 $0xFFFFFFFF, v10;
	v9 =	vadd.s32 $0xFFF, v10  }
0x110: {  	v10 =	vadd.s32 v16, v11;
	vm8 =	vlt.s32 v13, $0x400;
	s25 =	spop (v2sf);
	(v2sf) =	vpush v14, $0xF  }
0x111: {  	vm6 =	vmand vm6, vm8;
	vm8 =	vlt.s32 v17, $0x400;
	s22 =	sadd.s32 s22, s25;
	(v2sf) =	vpush v10, $0xF  }
0x112: {  	s23 =	sadd.s32 $0x10, s23;
	vm5 =	vmand vm5, vm8;
	v10 =	vadd.s32 s13, v10;
	(v2sf) =	vpush v12, $0xF  }
.LBB2_12:
0x113: {  	_ =	sdelay $0x4  }
0x114: {  	v8 =	vsel vm6, v9, v8;
	v62 =	vadd.s32 $0xFFFFFFFF, v10  }
0x115: {  	v6 =	vadd.s32 $0x17FF, v6;
	v7 =	vsel vm7, v7, v8;
	vm3 =	vlt.s32 v62, $0x400  }
0x116: {  	v63 =	vadd.s32 $0x1BFF, v10;
	v6 =	vsel vm5, v6, v7;
	vm3 =	vmand vm4, vm3  }
0x117: {  	s13 =	spop (v2sf);
	v6 =	vsel vm3, v63, v6  }
0x118: {  	s13 =	spop (v2sf);
	[tilespmem:s19+$0x0] =	vst v6  }
0x119: {  	[hbm4b:s6+s2] =	stream.linear.scatter [tilespmem:s11], [sflag:$0x1], $0x200, $0x38;
	[tilespmem:$0x2200] =	vst v63  }
0x11a: {  	s12 =	sadd.s32 $0x1, s12;
	s13 =	spop (v2sf)  }
0x11b: {  	p1 =	sne.s32 s12, s7;
	s13 =	spop (v2sf)  }
.Ltmp8:
0x11c: {  	s13 =	spop (v2sf);
	(pc) =	sbr.rel @p1 .LBB2_2-.Ltmp8, $4  }
.Ltmp9:
0x11d: {  	s13 =	spop (v2sf);
	(pc) =	sbr.rel @!p1 .LBB2_13-.Ltmp9, $4  }
0x11e: {  	_ =	swait.ge [sflag:s10], $0x200  }
0x11f: {  	[sflag:s10] =	ssyncset.done $0x0  }
0x120: {  	[sflag:s10] =	ssyncadd.s32 $0xFFFFFE00  }
0x121: {  	_ = 	snop  }
.LBB2_5:
.Ltmp10:
0x122: {  	(pc) =	sbr.rel .LBB2_9-.Ltmp10, $4  }
0x123: {  	_ = 	snop  }
0x124: {  	s19 =	simm.s32 $0x0;
	s20 =	simm.s32 $0x0  }
0x125: {  	s21 =	simm.s32 $0x0;
	s14 =	simm.s32 $0x0;
	s15 =	simm.s32 $0x0  }
0x126: {  	s16 =	simm.s32 $0x0;
	s17 =	simm.s32 $0x0;
	s18 =	simm.s32 $0x0  }
.LBB2_7:
.Ltmp11:
0x127: {  	(pc) =	sbr.rel .LBB2_9-.Ltmp11, $2  }
0x128: {  	_ =	sdelay $0x2  }
0x129: {  	s19 =	simm.s32 $0x0;
	s20 =	simm.s32 $0x0;
	s21 =	simm.s32 $0x0  }
.LBB2_13:
0x12a: {  	_ =	sfence.sel $0x180000  }
0x12b: {  	[bflag:$0x0] =	sbarrier.arrive $0xFFFF  }
0x12c: {  	p0 =	sne.s32 s1, $0x0;
	_ =	strace $0x90000047  }
0x12d: {  	s0 =	sadd.s32 @!p0 $0x100000, s0;
	[bflag:$0x2] =	sbarrier.arrive $0xFFFF  }
0x12e: {  	[sflag:s0] =	ssyncadd.tile.s32 @!p0 $0x1;
	_ =	shalt  }
.Lfunc_end2:
_tile_overlayer_lowered:
.L_overlay_start_2:
0x12f: {  	(tag) =	ssettag $0x2  }
0x130: {  	s0 =	rddreg [dreg:$0x0];
	s2 =	stileid.u32  }
0x131: {  	s1 =	rddreg [dreg:$0x1];
	p0 =	sne.s32 s2, $0x0  }
0x132: {  	s3 =	rddreg [dreg:$0x2];
	[bflag:$0x3] =	sbarrier.arrive $0xFFFF;
	s2 =	simm.s32 @!p0 $0x1C01  }
0x133: {  	[timem:s3], [sflag:s2] =	dma.local @!p0 [hbm:s0], s1  }
0x134: {  	s0 =	simm.s32 @!p0 $0x1  }
0x135: {  	_ =	swait.ge @!p0 [sflag:s0], s1  }
0x136: {  	s1 =	ssub.s32 @!p0 $0x0, s1;
	[sflag:s0] =	ssyncset.done @!p0 $0x0  }
0x137: {  	[sflag:s0] =	ssyncadd.s32 @!p0 s1  }
0x138: {  	[bflag:$0x3] =	sbarrier.arrive $0xFFFF  }
0x139: {  	_ =	shalt  }

</sc_bundles>
